<compile_context>
chip_gen: v7x
topology: tpu7x:2x2x1
jax: 0.10.2.dev20260603
libtpu: 0.0.44.dev20260713+nightly
codegen_flags: <defaults>
</compile_context>

<pallas_src>
import functools

import jax
import jax.numpy as jnp
from jax import lax
from jax.experimental import pallas as pl
from jax.experimental.pallas import tpu as pltpu
from jax.experimental.pallas import tpu_sc as plsc

_NC = 2
_NS = 16
_NW = _NC * _NS
_L = 16

_LN2 = 0.6931471805599453
_LOGC = (-1.7306316977196963, 2.7922552255841686, -1.4424810126031888,
         0.4358618497761762, -0.05486285286208111)

_SC_CHUNK_ROWS = 16384
_SC_CHUNKS = 1
_TC_R = 3584


def _vf(v):
    return jnp.full((_L,), v, jnp.float32)


def _sc_partials(pred_flat, tgt, aux, row0, rows_per_worker, chunk_rows):
    nch = rows_per_worker // chunk_rows
    niter = chunk_rows // _L
    mesh = plsc.VectorSubcoreMesh(core_axis_name="c", subcore_axis_name="s")

    @functools.partial(
        pl.kernel,
        out_type=jax.ShapeDtypeStruct((_NW * _L,), jnp.float32),
        mesh=mesh,
        scratch_types=[
            pltpu.VMEM((2 * chunk_rows,), jnp.float32),
            pltpu.VMEM((2 * chunk_rows,), jnp.float32),
            pltpu.VMEM((chunk_rows,), jnp.int32),
            pltpu.VMEM((chunk_rows,), jnp.int32),
            pltpu.VMEM((2 * _L,), jnp.float32),
            pltpu.VMEM((_L,), jnp.float32),
            pltpu.SemaphoreType.DMA,
            pltpu.SemaphoreType.DMA,
            pltpu.SemaphoreType.DMA,
            pltpu.SemaphoreType.DMA,
        ],
        compiler_params=pltpu.CompilerParams(needs_layout_passes=False),
    )
    def k(pred_hbm, tgt_hbm, aux_hbm, out_hbm,
          pb0, pb1, tb0, tb1, auxv, accv, sp0, sp1, st0, st1):
        wid = lax.axis_index("s") * _NC + lax.axis_index("c")
        pbase = pl.multiple_of(2 * row0 + wid * (2 * rows_per_worker), 8)
        tbase = pl.multiple_of(row0 + wid * rows_per_worker, 8)

        pltpu.sync_copy(aux_hbm, auxv)
        a0 = auxv[pl.ds(0, _L)]
        ad = auxv[pl.ds(_L, _L)] - a0

        pbufs = (pb0, pb1)
        tbufs = (tb0, tb1)
        psems = (sp0, sp1)
        tsems = (st0, st1)
        copies = [None, None]

        def start(g, b):
            cp = pltpu.async_copy(
                pred_hbm.at[pl.ds(pbase + g * (2 * chunk_rows), 2 * chunk_rows)],
                pbufs[b], psems[b])
            ct = pltpu.async_copy(
                tgt_hbm.at[pl.ds(tbase + g * chunk_rows, chunk_rows)],
                tbufs[b], tsems[b])
            copies[b] = (cp, ct)

        start(0, 0)
        if nch > 1:
            start(1, 1)

        acc = jnp.zeros((_L,), jnp.float32)

        c4 = _vf(_LOGC[4])
        c3 = _vf(_LOGC[3])
        c2 = _vf(_LOGC[2])
        c1 = _vf(_LOGC[1])
        c0 = _vf(_LOGC[0] - 127.0 * _LN2)
        one = _vf(1.0)
        clamp = _vf(80.0)
        ln2 = _vf(_LN2)
        mant_mask = jnp.full((_L,), 0x007FFFFF, jnp.int32)
        one_bits = jnp.full((_L,), 0x3F800000, jnp.int32)
        shift23 = jnp.full((_L,), 23, jnp.int32)
        shift31 = jnp.full((_L,), 31, jnp.int32)

        for g in range(nch):
            b = g & 1
            cp, ct = copies[b]
            cp.wait()
            ct.wait()
            pbuf = pbufs[b]
            tbuf = tbufs[b]

            def body(j, acc, pbuf=pbuf, tbuf=tbuf):
                off0 = (j // 8) * 256 + (j % 8) * _L
                x0 = pbuf[pl.ds(off0, _L)]
                x1 = pbuf[pl.ds(off0 + 128, _L)]
                tv = tbuf[pl.ds(j * _L, _L)]
                d10 = x1 - x0
                sbits = lax.shift_left(tv, shift31)
                nz = plsc.bitcast(
                    jnp.bitwise_xor(plsc.bitcast(d10, jnp.int32), sbits),
                    jnp.float32)
                nz = jnp.minimum(nz, clamp)
                u = jnp.exp(nz)
                w = u + one
                r = one / w
                q = u * r
                sq = q * q
                bits = plsc.bitcast(w, jnp.int32)
                e = lax.shift_right_logical(bits, shift23)
                mbits = jnp.bitwise_or(jnp.bitwise_and(bits, mant_mask),
                                       one_bits)
                mm = plsc.bitcast(mbits, jnp.float32)
                pol = c4
                pol = pol * mm + c3
                pol = pol * mm + c2
                pol = pol * mm + c1
                pol = pol * mm + c0
                logw = e.astype(jnp.float32) * ln2 + pol
                tf = tv.astype(jnp.float32)
                at = a0 + tf * ad
                acc = acc + at * (sq * logw)
                return acc

            acc = lax.fori_loop(0, niter, body, acc, unroll=8)
            if g + 2 < nch:
                start(g + 2, b)

        accv[...] = acc
        pltpu.sync_copy(accv, out_hbm.at[pl.ds(pl.multiple_of(wid * _L, 8), _L)])

    return k(pred_flat, tgt, aux)


def _tc_partials(pred128, tgt128, aux_tc, nblk_tc):
    r = _TC_R
    steps = nblk_tc // (2 * r)

    def _half(a0, ad, pref, tref):
        ii = lax.broadcasted_iota(jnp.int32, (64, 128), 0)
        jj = lax.broadcasted_iota(jnp.int32, (64, 128), 1)
        dmat = (jnp.where(jj == 2 * ii + 1, 1.0, 0.0)
                - jnp.where(jj == 2 * ii, 1.0, 0.0)).astype(jnp.bfloat16)
        parts = []
        for c in range(r // 64):
            pb = pref[pl.ds(c * 128, 128), :]
            tv = tref[pl.ds(c * 64, 64), :]
            d10 = jnp.dot(dmat, pb.astype(jnp.bfloat16),
                          preferred_element_type=jnp.float32)
            tf = tv.astype(jnp.float32)
            nz = d10 * (1.0 - 2.0 * tf)
            nz = jnp.minimum(nz, 80.0)
            u = jnp.exp(nz)
            w = 1.0 + u
            q = u / w
            logw = jnp.log(w)
            at = a0 + tf * ad
            parts.append(at * (q * q * logw))
        total = parts[0]
        for p_ in parts[1:]:
            total = total + p_
        return total

    def body(aref, pref_a, tref_a, pref_b, tref_b, oref):
        av = aref[...]
        a0 = av[0]
        ad = av[_L] - a0
        total = _half(a0, ad, pref_a, tref_a) + _half(a0, ad, pref_b, tref_b)

        @pl.when(pl.program_id(0) == 0)
        def _init():
            oref[...] = jnp.zeros_like(oref)

        oref[...] += jnp.sum(total, axis=(0, 1), keepdims=True)

    return pl.pallas_call(
        body,
        grid=(steps,),
        in_specs=[
            pl.BlockSpec((2 * _L,), lambda g: (0,)),
            pl.BlockSpec((2 * r, 128), lambda g: (g, 0)),
            pl.BlockSpec((r, 128), lambda g: (g, 0)),
            pl.BlockSpec((2 * r, 128), lambda g: (g + steps, 0)),
            pl.BlockSpec((r, 128), lambda g: (g + steps, 0)),
        ],
        out_specs=pl.BlockSpec((1, 1), lambda g: (0, 0)),
        out_shape=jax.ShapeDtypeStruct((1, 1), jnp.float32),
    )(aux_tc, pred128, tgt128, pred128, tgt128)


def kernel(predictions, targets, alpha):
    b, c = predictions.shape
    assert c == 2 and b % 128 == 0
    sc_rows = _NW * _SC_CHUNK_ROWS * _SC_CHUNKS
    tc_rows = b - sc_rows
    assert tc_rows % (128 * 2 * _TC_R) == 0
    rows_per_worker = sc_rows // _NW

    aux = jnp.repeat(alpha[:, 0], _L)

    pred3 = predictions.reshape(-1, 128, 2).transpose(0, 2, 1)
    pred_flat = pred3.reshape(-1)
    pred128 = pred3.reshape(-1, 128)
    tgt128 = targets.reshape(-1, 128)

    part_tc = _tc_partials(pred128, tgt128, aux, tc_rows // 128)
    part_sc = _sc_partials(pred_flat, targets, aux, tc_rows,
                           rows_per_worker, _SC_CHUNK_ROWS)
    return part_tc[0, 0] + jnp.sum(part_sc)

# --- scband reference (transcript-rebuilt; emitter-appended) ---
"""Pipeline reference for scband-focal-loss-13494787244094 (READ-ONLY COPY).

The authoritative reference and input builder live on the scoring server;
editing this copy changes nothing except your own understanding.
"""

import jax, jax.numpy as jnp
import numpy as np

B = 4194304
C = 2
GAMMA = 2.0

def setup_inputs(seed: int = 0) -> dict:
    key = jax.random.key(seed)
    k1, k2 = jax.random.split(key)
    predictions = jax.random.normal(k1, (B, C), dtype=jnp.float32)
    targets = jax.random.randint(k2, (B,), 0, C, dtype=jnp.int32)
    alpha = jnp.ones((C, 1), dtype=jnp.float32)  # buffer from __init__ (alpha=None -> torch.ones(2,1))
    return {"predictions": predictions, "targets": targets, "alpha": alpha}

def reference(predictions, targets, alpha):
    batch_size, num_classes = predictions.shape
    probs = jax.nn.softmax(predictions, axis=1)
    # class_mask.scatter_(1, target_ids, 1.0)  -> scatter-overwrite one-hot mask
    class_mask = jnp.zeros((batch_size, num_classes), dtype=predictions.dtype)
    class_mask = class_mask.at[jnp.arange(batch_size), targets].set(1.0)
    # alpha_weights = alpha[target_ids.view(-1)]  -> gather rows of alpha, shape (B, 1)
    alpha_weights = jnp.take(alpha, targets, axis=0)
    class_probs = (probs * class_mask).sum(axis=1).reshape(-1, 1)
    log_probs = jnp.log(class_probs)
    focal_term = jnp.power(1.0 - class_probs, GAMMA)
    batch_loss = -alpha_weights * focal_term * log_probs
    return batch_loss.sum()

if __name__ == "__main__":
    import jax
    _d = setup_inputs()
    print(jax.jit(kernel)(*tuple(_d.values())))

</pallas_src>

<mosaic_0001>
#map = affine_map<(d0, d1) -> (0)>
module attributes {stable_mosaic.version = 14 : i64} {
  func.func @k(%arg0: i32, %arg1: i32, %arg2: memref<8388608xf32, #tpu.memory_space<hbm>>, %arg3: memref<4194304xi32, #tpu.memory_space<hbm>>, %arg4: memref<32xf32, #tpu.memory_space<hbm>>, %arg5: memref<512xf32, #tpu.memory_space<hbm>>, %arg6: memref<32768xf32, #tpu.memory_space<vmem>>, %arg7: memref<32768xf32, #tpu.memory_space<vmem>>, %arg8: memref<16384xi32, #tpu.memory_space<vmem>>, %arg9: memref<16384xi32, #tpu.memory_space<vmem>>, %arg10: memref<32xf32, #tpu.memory_space<vmem>>, %arg11: memref<16xf32, #tpu.memory_space<vmem>>, %arg12: memref<!tpu.dma_semaphore, #tpu.memory_space<semaphore_mem>>, %arg13: memref<!tpu.dma_semaphore, #tpu.memory_space<semaphore_mem>>, %arg14: memref<!tpu.dma_semaphore, #tpu.memory_space<semaphore_mem>>, %arg15: memref<!tpu.dma_semaphore, #tpu.memory_space<semaphore_mem>>) attributes {dimension_semantics = [#tpu.dimension_semantics<core_parallel>, #tpu.dimension_semantics<subcore_parallel>], iteration_bounds = array<i64: 2, 16>, scalar_prefetch = 0 : i64, scratch_operands = 10 : i64, tpu.core_type = #tpu.core_type<sc_vector_subcore>, window_params = [{transform_indices = #map}, {transform_indices = #map}, {transform_indices = #map}, {transform_indices = #map}]} {
    %mul3A = arith.constant 2 : i32
    %mul3A_0 = arith.muli %arg1, %mul3A : i32
    %add3A = arith.addi %mul3A_0, %arg0 : i32
    %mul3A_1 = arith.constant 32768 : i32
    %mul3A_2 = arith.muli %add3A, %mul3A_1 : i32
    %add3A_3 = arith.constant 7340032 : i32
    %add3A_4 = arith.addi %add3A_3, %mul3A_2 : i32
    %multiple_of3A = tpu.assume_multiple %add3A_4, 8 : i32
    %mul3A_5 = arith.constant 16384 : i32
    %mul3A_6 = arith.muli %add3A, %mul3A_5 : i32
    %add3A_7 = arith.constant 3670016 : i32
    %add3A_8 = arith.addi %add3A_7, %mul3A_6 : i32
    %multiple_of3A_9 = tpu.assume_multiple %add3A_8, 8 : i32
    "tpu.region"() ({
      %run_scoped3A = tpu.sem_alloc : memref<!tpu.dma_semaphore, #tpu.memory_space<semaphore_mem>>
      tpu.enqueue_dma source(%arg4 : memref<32xf32, #tpu.memory_space<hbm>>) target(%arg10 : memref<32xf32, #tpu.memory_space<vmem>>) target_semaphore(%run_scoped3A : memref<!tpu.dma_semaphore, #tpu.memory_space<semaphore_mem>>)
      tpu.wait_dma2 semaphore(%run_scoped3A : memref<!tpu.dma_semaphore, #tpu.memory_space<semaphore_mem>>) src(%arg4 : memref<32xf32, #tpu.memory_space<hbm>>) dst(%arg10 : memref<32xf32, #tpu.memory_space<vmem>>)
      tpu.yield
    }) : () -> ()
    %get3A = arith.constant 0 : index
    %get3A_10 = tpu.vector_load %arg10[%get3A] {strides = array<i32>} : memref<32xf32, #tpu.memory_space<vmem>>, vector<16xf32>,
    %get3A_11 = arith.constant 16 : index
    %get3A_12 = tpu.vector_load %arg10[%get3A_11] {strides = array<i32>} : memref<32xf32, #tpu.memory_space<vmem>>, vector<16xf32>,
    %sub3A = arith.subf %get3A_12, %get3A_10 : vector<16xf32>
    %add3A_13 = arith.constant 0 : i32
    %add3A_14 = arith.addi %multiple_of3A, %add3A_13 : i32
    %dma_start3A = tpu.memref_slice %arg2[%add3A_14] : memref<8388608xf32, #tpu.memory_space<hbm>> -> memref<32768xf32, #tpu.memory_space<hbm>>
    %dma_start3A_15 = tpu.memref_slice %arg2[%add3A_14] : memref<8388608xf32, #tpu.memory_space<hbm>> -> memref<32768xf32, #tpu.memory_space<hbm>>
    tpu.enqueue_dma source(%dma_start3A_15 : memref<32768xf32, #tpu.memory_space<hbm>>) target(%arg6 : memref<32768xf32, #tpu.memory_space<vmem>>) target_semaphore(%arg12 : memref<!tpu.dma_semaphore, #tpu.memory_space<semaphore_mem>>)
    %add3A_16 = arith.constant 0 : i32
    %add3A_17 = arith.addi %multiple_of3A_9, %add3A_16 : i32
    %dma_start3A_18 = tpu.memref_slice %arg3[%add3A_17] : memref<4194304xi32, #tpu.memory_space<hbm>> -> memref<16384xi32, #tpu.memory_space<hbm>>
    %dma_start3A_19 = tpu.memref_slice %arg3[%add3A_17] : memref<4194304xi32, #tpu.memory_space<hbm>> -> memref<16384xi32, #tpu.memory_space<hbm>>
    tpu.enqueue_dma source(%dma_start3A_19 : memref<16384xi32, #tpu.memory_space<hbm>>) target(%arg8 : memref<16384xi32, #tpu.memory_space<vmem>>) target_semaphore(%arg14 : memref<!tpu.dma_semaphore, #tpu.memory_space<semaphore_mem>>)
    %broadcast_in_dim3A = arith.constant 0.000000e+00 : f32
    %broadcast_in_dim3A_20 = vector.broadcast %broadcast_in_dim3A : f32 to vector<16xf32>
    %broadcast_in_dim3A_21 = arith.constant -0.0548628531 : f32
    %broadcast_in_dim3A_22 = vector.broadcast %broadcast_in_dim3A_21 : f32 to vector<16xf32>
    %broadcast_in_dim3A_23 = arith.constant 0.435861856 : f32
    %broadcast_in_dim3A_24 = vector.broadcast %broadcast_in_dim3A_23 : f32 to vector<16xf32>
    %broadcast_in_dim3A_25 = arith.constant -1.44248104 : f32
    %broadcast_in_dim3A_26 = vector.broadcast %broadcast_in_dim3A_25 : f32 to vector<16xf32>
    %broadcast_in_dim3A_27 = arith.constant 2.79225516 : f32
    %broadcast_in_dim3A_28 = vector.broadcast %broadcast_in_dim3A_27 : f32 to vector<16xf32>
    %broadcast_in_dim3A_29 = arith.constant -89.7603226 : f32
    %broadcast_in_dim3A_30 = vector.broadcast %broadcast_in_dim3A_29 : f32 to vector<16xf32>
    %broadcast_in_dim3A_31 = arith.constant 1.000000e+00 : f32
    %broadcast_in_dim3A_32 = vector.broadcast %broadcast_in_dim3A_31 : f32 to vector<16xf32>
    %broadcast_in_dim3A_33 = arith.constant 8.000000e+01 : f32
    %broadcast_in_dim3A_34 = vector.broadcast %broadcast_in_dim3A_33 : f32 to vector<16xf32>
    %broadcast_in_dim3A_35 = arith.constant 0.693147182 : f32
    %broadcast_in_dim3A_36 = vector.broadcast %broadcast_in_dim3A_35 : f32 to vector<16xf32>
    %broadcast_in_dim3A_37 = arith.constant 8388607 : i32
    %broadcast_in_dim3A_38 = vector.broadcast %broadcast_in_dim3A_37 : i32 to vector<16xi32>
    %broadcast_in_dim3A_39 = arith.constant 1065353216 : i32
    %broadcast_in_dim3A_40 = vector.broadcast %broadcast_in_dim3A_39 : i32 to vector<16xi32>
    %broadcast_in_dim3A_41 = arith.constant 23 : i32
    %broadcast_in_dim3A_42 = vector.broadcast %broadcast_in_dim3A_41 : i32 to vector<16xi32>
    %broadcast_in_dim3A_43 = arith.constant 31 : i32
    %broadcast_in_dim3A_44 = vector.broadcast %broadcast_in_dim3A_43 : i32 to vector<16xi32>
    %dma_wait3A = tpu.memref_slice %arg2[%add3A_14] : memref<8388608xf32, #tpu.memory_space<hbm>> -> memref<32768xf32, #tpu.memory_space<hbm>>
    %dma_wait3A_45 = tpu.memref_slice %arg2[%add3A_14] : memref<8388608xf32, #tpu.memory_space<hbm>> -> memref<32768xf32, #tpu.memory_space<hbm>>
    tpu.wait_dma2 semaphore(%arg12 : memref<!tpu.dma_semaphore, #tpu.memory_space<semaphore_mem>>) src(%dma_wait3A_45 : memref<32768xf32, #tpu.memory_space<hbm>>) dst(%arg6 : memref<32768xf32, #tpu.memory_space<vmem>>)
    %dma_wait3A_46 = tpu.memref_slice %arg3[%add3A_17] : memref<4194304xi32, #tpu.memory_space<hbm>> -> memref<16384xi32, #tpu.memory_space<hbm>>
    %dma_wait3A_47 = tpu.memref_slice %arg3[%add3A_17] : memref<4194304xi32, #tpu.memory_space<hbm>> -> memref<16384xi32, #tpu.memory_space<hbm>>
    tpu.wait_dma2 semaphore(%arg14 : memref<!tpu.dma_semaphore, #tpu.memory_space<semaphore_mem>>) src(%dma_wait3A_47 : memref<16384xi32, #tpu.memory_space<hbm>>) dst(%arg8 : memref<16384xi32, #tpu.memory_space<vmem>>)
    %scan3A = arith.constant 0 : i32
    %scan3A_48 = arith.constant 1024 : i32
    %scan3A_49 = arith.addi %scan3A, %scan3A_48 : i32
    %scan3A_50 = arith.constant 8 : i32
    %scan3A_51 = scf.for %scan3A_57 = %scan3A to %scan3A_49 step %scan3A_50 iter_args(%scan3A_58 = %broadcast_in_dim3A_20) -> (vector<16xf32>)  : i32 {
      %jit3A = arith.constant 8 : i32
      %div3A = arith.divsi %scan3A_57, %jit3A : i32
      %sign3A = arith.constant 0 : i32
      %sign3A_59 = arith.cmpi sgt, %scan3A_57, %sign3A : i32
      %sign3A_60 = arith.extui %sign3A_59 : i1 to i32
      %sign3A_61 = arith.constant 0 : i32
      %sign3A_62 = arith.cmpi slt, %scan3A_57, %sign3A_61 : i32
      %sign3A_63 = arith.extui %sign3A_62 : i1 to i32
      %sign3A_64 = arith.subi %sign3A_60, %sign3A_63 : i32
      %sign3A_65 = arith.constant 0 : i32
      %sign3A_66 = arith.cmpi sgt, %jit3A, %sign3A_65 : i32
      %sign3A_67 = arith.extui %sign3A_66 : i1 to i32
      %sign3A_68 = arith.constant 0 : i32
      %sign3A_69 = arith.cmpi slt, %jit3A, %sign3A_68 : i32
      %sign3A_70 = arith.extui %sign3A_69 : i1 to i32
      %sign3A_71 = arith.subi %sign3A_67, %sign3A_70 : i32
      %ne3A = arith.cmpi ne, %sign3A_64, %sign3A_71 : i32
      %rem3A = arith.remsi %scan3A_57, %jit3A : i32
      %ne3A_72 = arith.constant 0 : i32
      %ne3A_73 = arith.cmpi ne, %rem3A, %ne3A_72 : i32
      %and3A = arith.andi %ne3A, %ne3A_73 : i1
      %sub3A_74 = arith.constant 1 : i32
      %sub3A_75 = arith.subi %div3A, %sub3A_74 : i32
      %select_n3A = arith.select %and3A, %sub3A_75, %div3A : i32
      %mul3A_76 = arith.constant 256 : i32
      %mul3A_77 = arith.muli %select_n3A, %mul3A_76 : i32
      %jit3A_78 = arith.constant 8 : i32
      %eq3A = arith.constant 0 : i32
      %eq3A_79 = arith.cmpi eq, %jit3A_78, %eq3A : i32
      %jit3A_80 = arith.constant 1 : i32
      %select_n3A_81 = arith.select %eq3A_79, %jit3A_80, %jit3A_78 : i32
      %rem3A_82 = arith.remsi %scan3A_57, %select_n3A_81 : i32
      %ne3A_83 = arith.constant 0 : i32
      %ne3A_84 = arith.cmpi ne, %rem3A_82, %ne3A_83 : i32
      %lt3A = arith.constant 0 : i32
      %lt3A_85 = arith.cmpi slt, %rem3A_82, %lt3A : i32
      %lt3A_86 = arith.constant 0 : i32
      %lt3A_87 = arith.cmpi slt, %select_n3A_81, %lt3A_86 : i32
      %ne3A_88 = arith.xori %lt3A_85, %lt3A_87 : i1
      %and3A_89 = arith.andi %ne3A_88, %ne3A_84 : i1
      %add3A_90 = arith.addi %rem3A_82, %select_n3A_81 : i32
      %select_n3A_91 = arith.select %and3A_89, %add3A_90, %rem3A_82 : i32
      %mul3A_92 = arith.constant 16 : i32
      %mul3A_93 = arith.muli %select_n3A_91, %mul3A_92 : i32
      %add3A_94 = arith.addi %mul3A_77, %mul3A_93 : i32
      %get3A_95 = arith.index_cast %add3A_94 : i32 to index
      %get3A_96 = tpu.vector_load %arg6[%get3A_95] {strides = array<i32>} : memref<32768xf32, #tpu.memory_space<vmem>>, vector<16xf32>,
      %add3A_97 = arith.constant 128 : i32
      %add3A_98 = arith.addi %add3A_94, %add3A_97 : i32
      %get3A_99 = arith.index_cast %add3A_98 : i32 to index
      %get3A_100 = tpu.vector_load %arg6[%get3A_99] {strides = array<i32>} : memref<32768xf32, #tpu.memory_space<vmem>>, vector<16xf32>,
      %mul3A_101 = arith.constant 16 : i32
      %mul3A_102 = arith.muli %scan3A_57, %mul3A_101 : i32
      %get3A_103 = arith.index_cast %mul3A_102 : i32 to index
      %get3A_104 = tpu.vector_load %arg8[%get3A_103] {strides = array<i32>} : memref<16384xi32, #tpu.memory_space<vmem>>, vector<16xi32>,
      %sub3A_105 = arith.subf %get3A_100, %get3A_96 : vector<16xf32>
      %shift_left3A = arith.shli %get3A_104, %broadcast_in_dim3A_44 : vector<16xi32>
      %bitcast3A = vector.bitcast %sub3A_105 : vector<16xf32> to vector<16xi32>
      %xor3A = arith.xori %bitcast3A, %shift_left3A : vector<16xi32>
      %bitcast3A_106 = vector.bitcast %xor3A : vector<16xi32> to vector<16xf32>
      %min3A = arith.minimumf %bitcast3A_106, %broadcast_in_dim3A_34 : vector<16xf32>
      %exp3A = math.exp %min3A : vector<16xf32>
      %add3A_107 = arith.addf %exp3A, %broadcast_in_dim3A_32 : vector<16xf32>
      %div3A_108 = arith.divf %broadcast_in_dim3A_32, %add3A_107 : vector<16xf32>
      %mul3A_109 = arith.mulf %exp3A, %div3A_108 : vector<16xf32>
      %mul3A_110 = arith.mulf %mul3A_109, %mul3A_109 : vector<16xf32>
      %bitcast3A_111 = vector.bitcast %add3A_107 : vector<16xf32> to vector<16xi32>
      %shift_right_logical3A = arith.shrui %bitcast3A_111, %broadcast_in_dim3A_42 : vector<16xi32>
      %and3A_112 = arith.andi %bitcast3A_111, %broadcast_in_dim3A_38 : vector<16xi32>
      %or3A = arith.ori %and3A_112, %broadcast_in_dim3A_40 : vector<16xi32>
      %bitcast3A_113 = vector.bitcast %or3A : vector<16xi32> to vector<16xf32>
      %mul3A_114 = arith.mulf %broadcast_in_dim3A_22, %bitcast3A_113 : vector<16xf32>
      %add3A_115 = arith.addf %mul3A_114, %broadcast_in_dim3A_24 : vector<16xf32>
      %mul3A_116 = arith.mulf %add3A_115, %bitcast3A_113 : vector<16xf32>
      %add3A_117 = arith.addf %mul3A_116, %broadcast_in_dim3A_26 : vector<16xf32>
      %mul3A_118 = arith.mulf %add3A_117, %bitcast3A_113 : vector<16xf32>
      %add3A_119 = arith.addf %mul3A_118, %broadcast_in_dim3A_28 : vector<16xf32>
      %mul3A_120 = arith.mulf %add3A_119, %bitcast3A_113 : vector<16xf32>
      %add3A_121 = arith.addf %mul3A_120, %broadcast_in_dim3A_30 : vector<16xf32>
      %convert_element_type3A = arith.sitofp %shift_right_logical3A : vector<16xi32> to vector<16xf32>
      %mul3A_122 = arith.mulf %convert_element_type3A, %broadcast_in_dim3A_36 : vector<16xf32>
      %add3A_123 = arith.addf %mul3A_122, %add3A_121 : vector<16xf32>
      %convert_element_type3A_124 = arith.sitofp %get3A_104 : vector<16xi32> to vector<16xf32>
      %mul3A_125 = arith.mulf %convert_element_type3A_124, %sub3A : vector<16xf32>
      %add3A_126 = arith.addf %get3A_10, %mul3A_125 : vector<16xf32>
      %mul3A_127 = arith.mulf %mul3A_110, %add3A_123 : vector<16xf32>
      %mul3A_128 = arith.mulf %add3A_126, %mul3A_127 : vector<16xf32>
      %add3A_129 = arith.addf %scan3A_58, %mul3A_128 : vector<16xf32>
      %scan3A_130 = arith.constant 1 : i32
      %scan3A_131 = arith.addi %scan3A_57, %scan3A_130 : i32
      %jit3A_132 = arith.constant 8 : i32
      %div3A_133 = arith.divsi %scan3A_131, %jit3A_132 : i32
      %sign3A_134 = arith.constant 0 : i32
      %sign3A_135 = arith.cmpi sgt, %scan3A_131, %sign3A_134 : i32
      %sign3A_136 = arith.extui %sign3A_135 : i1 to i32
      %sign3A_137 = arith.constant 0 : i32
      %sign3A_138 = arith.cmpi slt, %scan3A_131, %sign3A_137 : i32
      %sign3A_139 = arith.extui %sign3A_138 : i1 to i32
      %sign3A_140 = arith.subi %sign3A_136, %sign3A_139 : i32
      %sign3A_141 = arith.constant 0 : i32
      %sign3A_142 = arith.cmpi sgt, %jit3A_132, %sign3A_141 : i32
      %sign3A_143 = arith.extui %sign3A_142 : i1 to i32
      %sign3A_144 = arith.constant 0 : i32
      %sign3A_145 = arith.cmpi slt, %jit3A_132, %sign3A_144 : i32
      %sign3A_146 = arith.extui %sign3A_145 : i1 to i32
      %sign3A_147 = arith.subi %sign3A_143, %sign3A_146 : i32
      %ne3A_148 = arith.cmpi ne, %sign3A_140, %sign3A_147 : i32
      %rem3A_149 = arith.remsi %scan3A_131, %jit3A_132 : i32
      %ne3A_150 = arith.constant 0 : i32
      %ne3A_151 = arith.cmpi ne, %rem3A_149, %ne3A_150 : i32
      %and3A_152 = arith.andi %ne3A_148, %ne3A_151 : i1
      %sub3A_153 = arith.constant 1 : i32
      %sub3A_154 = arith.subi %div3A_133, %sub3A_153 : i32
      %select_n3A_155 = arith.select %and3A_152, %sub3A_154, %div3A_133 : i32
      %mul3A_156 = arith.constant 256 : i32
      %mul3A_157 = arith.muli %select_n3A_155, %mul3A_156 : i32
      %jit3A_158 = arith.constant 8 : i32
      %eq3A_159 = arith.constant 0 : i32
      %eq3A_160 = arith.cmpi eq, %jit3A_158, %eq3A_159 : i32
      %jit3A_161 = arith.constant 1 : i32
      %select_n3A_162 = arith.select %eq3A_160, %jit3A_161, %jit3A_158 : i32
      %rem3A_163 = arith.remsi %scan3A_131, %select_n3A_162 : i32
      %ne3A_164 = arith.constant 0 : i32
      %ne3A_165 = arith.cmpi ne, %rem3A_163, %ne3A_164 : i32
      %lt3A_166 = arith.constant 0 : i32
      %lt3A_167 = arith.cmpi slt, %rem3A_163, %lt3A_166 : i32
      %lt3A_168 = arith.constant 0 : i32
      %lt3A_169 = arith.cmpi slt, %select_n3A_162, %lt3A_168 : i32
      %ne3A_170 = arith.xori %lt3A_167, %lt3A_169 : i1
      %and3A_171 = arith.andi %ne3A_170, %ne3A_165 : i1
      %add3A_172 = arith.addi %rem3A_163, %select_n3A_162 : i32
      %select_n3A_173 = arith.select %and3A_171, %add3A_172, %rem3A_163 : i32
      %mul3A_174 = arith.constant 16 : i32
      %mul3A_175 = arith.muli %select_n3A_173, %mul3A_174 : i32
      %add3A_176 = arith.addi %mul3A_157, %mul3A_175 : i32
      %get3A_177 = arith.index_cast %add3A_176 : i32 to index
      %get3A_178 = tpu.vector_load %arg6[%get3A_177] {strides = array<i32>} : memref<32768xf32, #tpu.memory_space<vmem>>, vector<16xf32>,
      %add3A_179 = arith.constant 128 : i32
      %add3A_180 = arith.addi %add3A_176, %add3A_179 : i32
      %get3A_181 = arith.index_cast %add3A_180 : i32 to index
      %get3A_182 = tpu.vector_load %arg6[%get3A_181] {strides = array<i32>} : memref<32768xf32, #tpu.memory_space<vmem>>, vector<16xf32>,
      %mul3A_183 = arith.constant 16 : i32
      %mul3A_184 = arith.muli %scan3A_131, %mul3A_183 : i32
      %get3A_185 = arith.index_cast %mul3A_184 : i32 to index
      %get3A_186 = tpu.vector_load %arg8[%get3A_185] {strides = array<i32>} : memref<16384xi32, #tpu.memory_space<vmem>>, vector<16xi32>,
      %sub3A_187 = arith.subf %get3A_182, %get3A_178 : vector<16xf32>
      %shift_left3A_188 = arith.shli %get3A_186, %broadcast_in_dim3A_44 : vector<16xi32>
      %bitcast3A_189 = vector.bitcast %sub3A_187 : vector<16xf32> to vector<16xi32>
      %xor3A_190 = arith.xori %bitcast3A_189, %shift_left3A_188 : vector<16xi32>
      %bitcast3A_191 = vector.bitcast %xor3A_190 : vector<16xi32> to vector<16xf32>
      %min3A_192 = arith.minimumf %bitcast3A_191, %broadcast_in_dim3A_34 : vector<16xf32>
      %exp3A_193 = math.exp %min3A_192 : vector<16xf32>
      %add3A_194 = arith.addf %exp3A_193, %broadcast_in_dim3A_32 : vector<16xf32>
      %div3A_195 = arith.divf %broadcast_in_dim3A_32, %add3A_194 : vector<16xf32>
      %mul3A_196 = arith.mulf %exp3A_193, %div3A_195 : vector<16xf32>
      %mul3A_197 = arith.mulf %mul3A_196, %mul3A_196 : vector<16xf32>
      %bitcast3A_198 = vector.bitcast %add3A_194 : vector<16xf32> to vector<16xi32>
      %shift_right_logical3A_199 = arith.shrui %bitcast3A_198, %broadcast_in_dim3A_42 : vector<16xi32>
      %and3A_200 = arith.andi %bitcast3A_198, %broadcast_in_dim3A_38 : vector<16xi32>
      %or3A_201 = arith.ori %and3A_200, %broadcast_in_dim3A_40 : vector<16xi32>
      %bitcast3A_202 = vector.bitcast %or3A_201 : vector<16xi32> to vector<16xf32>
      %mul3A_203 = arith.mulf %broadcast_in_dim3A_22, %bitcast3A_202 : vector<16xf32>
      %add3A_204 = arith.addf %mul3A_203, %broadcast_in_dim3A_24 : vector<16xf32>
      %mul3A_205 = arith.mulf %add3A_204, %bitcast3A_202 : vector<16xf32>
      %add3A_206 = arith.addf %mul3A_205, %broadcast_in_dim3A_26 : vector<16xf32>
      %mul3A_207 = arith.mulf %add3A_206, %bitcast3A_202 : vector<16xf32>
      %add3A_208 = arith.addf %mul3A_207, %broadcast_in_dim3A_28 : vector<16xf32>
      %mul3A_209 = arith.mulf %add3A_208, %bitcast3A_202 : vector<16xf32>
      %add3A_210 = arith.addf %mul3A_209, %broadcast_in_dim3A_30 : vector<16xf32>
      %convert_element_type3A_211 = arith.sitofp %shift_right_logical3A_199 : vector<16xi32> to vector<16xf32>
      %mul3A_212 = arith.mulf %convert_element_type3A_211, %broadcast_in_dim3A_36 : vector<16xf32>
      %add3A_213 = arith.addf %mul3A_212, %add3A_210 : vector<16xf32>
      %convert_element_type3A_214 = arith.sitofp %get3A_186 : vector<16xi32> to vector<16xf32>
      %mul3A_215 = arith.mulf %convert_element_type3A_214, %sub3A : vector<16xf32>
      %add3A_216 = arith.addf %get3A_10, %mul3A_215 : vector<16xf32>
      %mul3A_217 = arith.mulf %mul3A_197, %add3A_213 : vector<16xf32>
      %mul3A_218 = arith.mulf %add3A_216, %mul3A_217 : vector<16xf32>
      %add3A_219 = arith.addf %add3A_129, %mul3A_218 : vector<16xf32>
      %scan3A_220 = arith.constant 2 : i32
      %scan3A_221 = arith.addi %scan3A_57, %scan3A_220 : i32
      %jit3A_222 = arith.constant 8 : i32
      %div3A_223 = arith.divsi %scan3A_221, %jit3A_222 : i32
      %sign3A_224 = arith.constant 0 : i32
      %sign3A_225 = arith.cmpi sgt, %scan3A_221, %sign3A_224 : i32
      %sign3A_226 = arith.extui %sign3A_225 : i1 to i32
      %sign3A_227 = arith.constant 0 : i32
      %sign3A_228 = arith.cmpi slt, %scan3A_221, %sign3A_227 : i32
      %sign3A_229 = arith.extui %sign3A_228 : i1 to i32
      %sign3A_230 = arith.subi %sign3A_226, %sign3A_229 : i32
      %sign3A_231 = arith.constant 0 : i32
      %sign3A_232 = arith.cmpi sgt, %jit3A_222, %sign3A_231 : i32
      %sign3A_233 = arith.extui %sign3A_232 : i1 to i32
      %sign3A_234 = arith.constant 0 : i32
      %sign3A_235 = arith.cmpi slt, %jit3A_222, %sign3A_234 : i32
      %sign3A_236 = arith.extui %sign3A_235 : i1 to i32
      %sign3A_237 = arith.subi %sign3A_233, %sign3A_236 : i32
      %ne3A_238 = arith.cmpi ne, %sign3A_230, %sign3A_237 : i32
      %rem3A_239 = arith.remsi %scan3A_221, %jit3A_222 : i32
      %ne3A_240 = arith.constant 0 : i32
      %ne3A_241 = arith.cmpi ne, %rem3A_239, %ne3A_240 : i32
      %and3A_242 = arith.andi %ne3A_238, %ne3A_241 : i1
      %sub3A_243 = arith.constant 1 : i32
      %sub3A_244 = arith.subi %div3A_223, %sub3A_243 : i32
      %select_n3A_245 = arith.select %and3A_242, %sub3A_244, %div3A_223 : i32
      %mul3A_246 = arith.constant 256 : i32
      %mul3A_247 = arith.muli %select_n3A_245, %mul3A_246 : i32
      %jit3A_248 = arith.constant 8 : i32
      %eq3A_249 = arith.constant 0 : i32
      %eq3A_250 = arith.cmpi eq, %jit3A_248, %eq3A_249 : i32
      %jit3A_251 = arith.constant 1 : i32
      %select_n3A_252 = arith.select %eq3A_250, %jit3A_251, %jit3A_248 : i32
      %rem3A_253 = arith.remsi %scan3A_221, %select_n3A_252 : i32
      %ne3A_254 = arith.constant 0 : i32
      %ne3A_255 = arith.cmpi ne, %rem3A_253, %ne3A_254 : i32
      %lt3A_256 = arith.constant 0 : i32
      %lt3A_257 = arith.cmpi slt, %rem3A_253, %lt3A_256 : i32
      %lt3A_258 = arith.constant 0 : i32
      %lt3A_259 = arith.cmpi slt, %select_n3A_252, %lt3A_258 : i32
      %ne3A_260 = arith.xori %lt3A_257, %lt3A_259 : i1
      %and3A_261 = arith.andi %ne3A_260, %ne3A_255 : i1
      %add3A_262 = arith.addi %rem3A_253, %select_n3A_252 : i32
      %select_n3A_263 = arith.select %and3A_261, %add3A_262, %rem3A_253 : i32
      %mul3A_264 = arith.constant 16 : i32
      %mul3A_265 = arith.muli %select_n3A_263, %mul3A_264 : i32
      %add3A_266 = arith.addi %mul3A_247, %mul3A_265 : i32
      %get3A_267 = arith.index_cast %add3A_266 : i32 to index
      %get3A_268 = tpu.vector_load %arg6[%get3A_267] {strides = array<i32>} : memref<32768xf32, #tpu.memory_space<vmem>>, vector<16xf32>,
      %add3A_269 = arith.constant 128 : i32
      %add3A_270 = arith.addi %add3A_266, %add3A_269 : i32
      %get3A_271 = arith.index_cast %add3A_270 : i32 to index
      %get3A_272 = tpu.vector_load %arg6[%get3A_271] {strides = array<i32>} : memref<32768xf32, #tpu.memory_space<vmem>>, vector<16xf32>,
      %mul3A_273 = arith.constant 16 : i32
      %mul3A_274 = arith.muli %scan3A_221, %mul3A_273 : i32
      %get3A_275 = arith.index_cast %mul3A_274 : i32 to index
      %get3A_276 = tpu.vector_load %arg8[%get3A_275] {strides = array<i32>} : memref<16384xi32, #tpu.memory_space<vmem>>, vector<16xi32>,
      %sub3A_277 = arith.subf %get3A_272, %get3A_268 : vector<16xf32>
      %shift_left3A_278 = arith.shli %get3A_276, %broadcast_in_dim3A_44 : vector<16xi32>
      %bitcast3A_279 = vector.bitcast %sub3A_277 : vector<16xf32> to vector<16xi32>
      %xor3A_280 = arith.xori %bitcast3A_279, %shift_left3A_278 : vector<16xi32>
      %bitcast3A_281 = vector.bitcast %xor3A_280 : vector<16xi32> to vector<16xf32>
      %min3A_282 = arith.minimumf %bitcast3A_281, %broadcast_in_dim3A_34 : vector<16xf32>
      %exp3A_283 = math.exp %min3A_282 : vector<16xf32>
      %add3A_284 = arith.addf %exp3A_283, %broadcast_in_dim3A_32 : vector<16xf32>
      %div3A_285 = arith.divf %broadcast_in_dim3A_32, %add3A_284 : vector<16xf32>
      %mul3A_286 = arith.mulf %exp3A_283, %div3A_285 : vector<16xf32>
      %mul3A_287 = arith.mulf %mul3A_286, %mul3A_286 : vector<16xf32>
      %bitcast3A_288 = vector.bitcast %add3A_284 : vector<16xf32> to vector<16xi32>
      %shift_right_logical3A_289 = arith.shrui %bitcast3A_288, %broadcast_in_dim3A_42 : vector<16xi32>
      %and3A_290 = arith.andi %bitcast3A_288, %broadcast_in_dim3A_38 : vector<16xi32>
      %or3A_291 = arith.ori %and3A_290, %broadcast_in_dim3A_40 : vector<16xi32>
      %bitcast3A_292 = vector.bitcast %or3A_291 : vector<16xi32> to vector<16xf32>
      %mul3A_293 = arith.mulf %broadcast_in_dim3A_22, %bitcast3A_292 : vector<16xf32>
      %add3A_294 = arith.addf %mul3A_293, %broadcast_in_dim3A_24 : vector<16xf32>
      %mul3A_295 = arith.mulf %add3A_294, %bitcast3A_292 : vector<16xf32>
      %add3A_296 = arith.addf %mul3A_295, %broadcast_in_dim3A_26 : vector<16xf32>
      %mul3A_297 = arith.mulf %add3A_296, %bitcast3A_292 : vector<16xf32>
      %add3A_298 = arith.addf %mul3A_297, %broadcast_in_dim3A_28 : vector<16xf32>
      %mul3A_299 = arith.mulf %add3A_298, %bitcast3A_292 : vector<16xf32>
      %add3A_300 = arith.addf %mul3A_299, %broadcast_in_dim3A_30 : vector<16xf32>
      %convert_element_type3A_301 = arith.sitofp %shift_right_logical3A_289 : vector<16xi32> to vector<16xf32>
      %mul3A_302 = arith.mulf %convert_element_type3A_301, %broadcast_in_dim3A_36 : vector<16xf32>
      %add3A_303 = arith.addf %mul3A_302, %add3A_300 : vector<16xf32>
      %convert_element_type3A_304 = arith.sitofp %get3A_276 : vector<16xi32> to vector<16xf32>
      %mul3A_305 = arith.mulf %convert_element_type3A_304, %sub3A : vector<16xf32>
      %add3A_306 = arith.addf %get3A_10, %mul3A_305 : vector<16xf32>
      %mul3A_307 = arith.mulf %mul3A_287, %add3A_303 : vector<16xf32>
      %mul3A_308 = arith.mulf %add3A_306, %mul3A_307 : vector<16xf32>
      %add3A_309 = arith.addf %add3A_219, %mul3A_308 : vector<16xf32>
      %scan3A_310 = arith.constant 3 : i32
      %scan3A_311 = arith.addi %scan3A_57, %scan3A_310 : i32
      %jit3A_312 = arith.constant 8 : i32
      %div3A_313 = arith.divsi %scan3A_311, %jit3A_312 : i32
      %sign3A_314 = arith.constant 0 : i32
      %sign3A_315 = arith.cmpi sgt, %scan3A_311, %sign3A_314 : i32
      %sign3A_316 = arith.extui %sign3A_315 : i1 to i32
      %sign3A_317 = arith.constant 0 : i32
      %sign3A_318 = arith.cmpi slt, %scan3A_311, %sign3A_317 : i32
      %sign3A_319 = arith.extui %sign3A_318 : i1 to i32
      %sign3A_320 = arith.subi %sign3A_316, %sign3A_319 : i32
      %sign3A_321 = arith.constant 0 : i32
      %sign3A_322 = arith.cmpi sgt, %jit3A_312, %sign3A_321 : i32
      %sign3A_323 = arith.extui %sign3A_322 : i1 to i32
      %sign3A_324 = arith.constant 0 : i32
      %sign3A_325 = arith.cmpi slt, %jit3A_312, %sign3A_324 : i32
      %sign3A_326 = arith.extui %sign3A_325 : i1 to i32
      %sign3A_327 = arith.subi %sign3A_323, %sign3A_326 : i32
      %ne3A_328 = arith.cmpi ne, %sign3A_320, %sign3A_327 : i32
      %rem3A_329 = arith.remsi %scan3A_311, %jit3A_312 : i32
      %ne3A_330 = arith.constant 0 : i32
      %ne3A_331 = arith.cmpi ne, %rem3A_329, %ne3A_330 : i32
      %and3A_332 = arith.andi %ne3A_328, %ne3A_331 : i1
      %sub3A_333 = arith.constant 1 : i32
      %sub3A_334 = arith.subi %div3A_313, %sub3A_333 : i32
      %select_n3A_335 = arith.select %and3A_332, %sub3A_334, %div3A_313 : i32
      %mul3A_336 = arith.constant 256 : i32
      %mul3A_337 = arith.muli %select_n3A_335, %mul3A_336 : i32
      %jit3A_338 = arith.constant 8 : i32
      %eq3A_339 = arith.constant 0 : i32
      %eq3A_340 = arith.cmpi eq, %jit3A_338, %eq3A_339 : i32
      %jit3A_341 = arith.constant 1 : i32
      %select_n3A_342 = arith.select %eq3A_340, %jit3A_341, %jit3A_338 : i32
      %rem3A_343 = arith.remsi %scan3A_311, %select_n3A_342 : i32
      %ne3A_344 = arith.constant 0 : i32
      %ne3A_345 = arith.cmpi ne, %rem3A_343, %ne3A_344 : i32
      %lt3A_346 = arith.constant 0 : i32
      %lt3A_347 = arith.cmpi slt, %rem3A_343, %lt3A_346 : i32
      %lt3A_348 = arith.constant 0 : i32
      %lt3A_349 = arith.cmpi slt, %select_n3A_342, %lt3A_348 : i32
      %ne3A_350 = arith.xori %lt3A_347, %lt3A_349 : i1
      %and3A_351 = arith.andi %ne3A_350, %ne3A_345 : i1
      %add3A_352 = arith.addi %rem3A_343, %select_n3A_342 : i32
      %select_n3A_353 = arith.select %and3A_351, %add3A_352, %rem3A_343 : i32
      %mul3A_354 = arith.constant 16 : i32
      %mul3A_355 = arith.muli %select_n3A_353, %mul3A_354 : i32
      %add3A_356 = arith.addi %mul3A_337, %mul3A_355 : i32
      %get3A_357 = arith.index_cast %add3A_356 : i32 to index
      %get3A_358 = tpu.vector_load %arg6[%get3A_357] {strides = array<i32>} : memref<32768xf32, #tpu.memory_space<vmem>>, vector<16xf32>,
      %add3A_359 = arith.constant 128 : i32
      %add3A_360 = arith.addi %add3A_356, %add3A_359 : i32
      %get3A_361 = arith.index_cast %add3A_360 : i32 to index
      %get3A_362 = tpu.vector_load %arg6[%get3A_361] {strides = array<i32>} : memref<32768xf32, #tpu.memory_space<vmem>>, vector<16xf32>,
      %mul3A_363 = arith.constant 16 : i32
      %mul3A_364 = arith.muli %scan3A_311, %mul3A_363 : i32
      %get3A_365 = arith.index_cast %mul3A_364 : i32 to index
      %get3A_366 = tpu.vector_load %arg8[%get3A_365] {strides = array<i32>} : memref<16384xi32, #tpu.memory_space<vmem>>, vector<16xi32>,
      %sub3A_367 = arith.subf %get3A_362, %get3A_358 : vector<16xf32>
      %shift_left3A_368 = arith.shli %get3A_366, %broadcast_in_dim3A_44 : vector<16xi32>
      %bitcast3A_369 = vector.bitcast %sub3A_367 : vector<16xf32> to vector<16xi32>
      %xor3A_370 = arith.xori %bitcast3A_369, %shift_left3A_368 : vector<16xi32>
      %bitcast3A_371 = vector.bitcast %xor3A_370 : vector<16xi32> to vector<16xf32>
      %min3A_372 = arith.minimumf %bitcast3A_371, %broadcast_in_dim3A_34 : vector<16xf32>
      %exp3A_373 = math.exp %min3A_372 : vector<16xf32>
      %add3A_374 = arith.addf %exp3A_373, %broadcast_in_dim3A_32 : vector<16xf32>
      %div3A_375 = arith.divf %broadcast_in_dim3A_32, %add3A_374 : vector<16xf32>
      %mul3A_376 = arith.mulf %exp3A_373, %div3A_375 : vector<16xf32>
      %mul3A_377 = arith.mulf %mul3A_376, %mul3A_376 : vector<16xf32>
      %bitcast3A_378 = vector.bitcast %add3A_374 : vector<16xf32> to vector<16xi32>
      %shift_right_logical3A_379 = arith.shrui %bitcast3A_378, %broadcast_in_dim3A_42 : vector<16xi32>
      %and3A_380 = arith.andi %bitcast3A_378, %broadcast_in_dim3A_38 : vector<16xi32>
      %or3A_381 = arith.ori %and3A_380, %broadcast_in_dim3A_40 : vector<16xi32>
      %bitcast3A_382 = vector.bitcast %or3A_381 : vector<16xi32> to vector<16xf32>
      %mul3A_383 = arith.mulf %broadcast_in_dim3A_22, %bitcast3A_382 : vector<16xf32>
      %add3A_384 = arith.addf %mul3A_383, %broadcast_in_dim3A_24 : vector<16xf32>
      %mul3A_385 = arith.mulf %add3A_384, %bitcast3A_382 : vector<16xf32>
      %add3A_386 = arith.addf %mul3A_385, %broadcast_in_dim3A_26 : vector<16xf32>
      %mul3A_387 = arith.mulf %add3A_386, %bitcast3A_382 : vector<16xf32>
      %add3A_388 = arith.addf %mul3A_387, %broadcast_in_dim3A_28 : vector<16xf32>
      %mul3A_389 = arith.mulf %add3A_388, %bitcast3A_382 : vector<16xf32>
      %add3A_390 = arith.addf %mul3A_389, %broadcast_in_dim3A_30 : vector<16xf32>
      %convert_element_type3A_391 = arith.sitofp %shift_right_logical3A_379 : vector<16xi32> to vector<16xf32>
      %mul3A_392 = arith.mulf %convert_element_type3A_391, %broadcast_in_dim3A_36 : vector<16xf32>
      %add3A_393 = arith.addf %mul3A_392, %add3A_390 : vector<16xf32>
      %convert_element_type3A_394 = arith.sitofp %get3A_366 : vector<16xi32> to vector<16xf32>
      %mul3A_395 = arith.mulf %convert_element_type3A_394, %sub3A : vector<16xf32>
      %add3A_396 = arith.addf %get3A_10, %mul3A_395 : vector<16xf32>
      %mul3A_397 = arith.mulf %mul3A_377, %add3A_393 : vector<16xf32>
      %mul3A_398 = arith.mulf %add3A_396, %mul3A_397 : vector<16xf32>
      %add3A_399 = arith.addf %add3A_309, %mul3A_398 : vector<16xf32>
      %scan3A_400 = arith.constant 4 : i32
      %scan3A_401 = arith.addi %scan3A_57, %scan3A_400 : i32
      %jit3A_402 = arith.constant 8 : i32
      %div3A_403 = arith.divsi %scan3A_401, %jit3A_402 : i32
      %sign3A_404 = arith.constant 0 : i32
      %sign3A_405 = arith.cmpi sgt, %scan3A_401, %sign3A_404 : i32
      %sign3A_406 = arith.extui %sign3A_405 : i1 to i32
      %sign3A_407 = arith.constant 0 : i32
      %sign3A_408 = arith.cmpi slt, %scan3A_401, %sign3A_407 : i32
      %sign3A_409 = arith.extui %sign3A_408 : i1 to i32
      %sign3A_410 = arith.subi %sign3A_406, %sign3A_409 : i32
      %sign3A_411 = arith.constant 0 : i32
      %sign3A_412 = arith.cmpi sgt, %jit3A_402, %sign3A_411 : i32
      %sign3A_413 = arith.extui %sign3A_412 : i1 to i32
      %sign3A_414 = arith.constant 0 : i32
      %sign3A_415 = arith.cmpi slt, %jit3A_402, %sign3A_414 : i32
      %sign3A_416 = arith.extui %sign3A_415 : i1 to i32
      %sign3A_417 = arith.subi %sign3A_413, %sign3A_416 : i32
      %ne3A_418 = arith.cmpi ne, %sign3A_410, %sign3A_417 : i32
      %rem3A_419 = arith.remsi %scan3A_401, %jit3A_402 : i32
      %ne3A_420 = arith.constant 0 : i32
      %ne3A_421 = arith.cmpi ne, %rem3A_419, %ne3A_420 : i32
      %and3A_422 = arith.andi %ne3A_418, %ne3A_421 : i1
      %sub3A_423 = arith.constant 1 : i32
      %sub3A_424 = arith.subi %div3A_403, %sub3A_423 : i32
      %select_n3A_425 = arith.select %and3A_422, %sub3A_424, %div3A_403 : i32
      %mul3A_426 = arith.constant 256 : i32
      %mul3A_427 = arith.muli %select_n3A_425, %mul3A_426 : i32
      %jit3A_428 = arith.constant 8 : i32
      %eq3A_429 = arith.constant 0 : i32
      %eq3A_430 = arith.cmpi eq, %jit3A_428, %eq3A_429 : i32
      %jit3A_431 = arith.constant 1 : i32
      %select_n3A_432 = arith.select %eq3A_430, %jit3A_431, %jit3A_428 : i32
      %rem3A_433 = arith.remsi %scan3A_401, %select_n3A_432 : i32
      %ne3A_434 = arith.constant 0 : i32
      %ne3A_435 = arith.cmpi ne, %rem3A_433, %ne3A_434 : i32
      %lt3A_436 = arith.constant 0 : i32
      %lt3A_437 = arith.cmpi slt, %rem3A_433, %lt3A_436 : i32
      %lt3A_438 = arith.constant 0 : i32
      %lt3A_439 = arith.cmpi slt, %select_n3A_432, %lt3A_438 : i32
      %ne3A_440 = arith.xori %lt3A_437, %lt3A_439 : i1
      %and3A_441 = arith.andi %ne3A_440, %ne3A_435 : i1
      %add3A_442 = arith.addi %rem3A_433, %select_n3A_432 : i32
      %select_n3A_443 = arith.select %and3A_441, %add3A_442, %rem3A_433 : i32
      %mul3A_444 = arith.constant 16 : i32
      %mul3A_445 = arith.muli %select_n3A_443, %mul3A_444 : i32
      %add3A_446 = arith.addi %mul3A_427, %mul3A_445 : i32
      %get3A_447 = arith.index_cast %add3A_446 : i32 to index
      %get3A_448 = tpu.vector_load %arg6[%get3A_447] {strides = array<i32>} : memref<32768xf32, #tpu.memory_space<vmem>>, vector<16xf32>,
      %add3A_449 = arith.constant 128 : i32
      %add3A_450 = arith.addi %add3A_446, %add3A_449 : i32
      %get3A_451 = arith.index_cast %add3A_450 : i32 to index
      %get3A_452 = tpu.vector_load %arg6[%get3A_451] {strides = array<i32>} : memref<32768xf32, #tpu.memory_space<vmem>>, vector<16xf32>,
      %mul3A_453 = arith.constant 16 : i32
      %mul3A_454 = arith.muli %scan3A_401, %mul3A_453 : i32
      %get3A_455 = arith.index_cast %mul3A_454 : i32 to index
      %get3A_456 = tpu.vector_load %arg8[%get3A_455] {strides = array<i32>} : memref<16384xi32, #tpu.memory_space<vmem>>, vector<16xi32>,
      %sub3A_457 = arith.subf %get3A_452, %get3A_448 : vector<16xf32>
      %shift_left3A_458 = arith.shli %get3A_456, %broadcast_in_dim3A_44 : vector<16xi32>
      %bitcast3A_459 = vector.bitcast %sub3A_457 : vector<16xf32> to vector<16xi32>
      %xor3A_460 = arith.xori %bitcast3A_459, %shift_left3A_458 : vector<16xi32>
      %bitcast3A_461 = vector.bitcast %xor3A_460 : vector<16xi32> to vector<16xf32>
      %min3A_462 = arith.minimumf %bitcast3A_461, %broadcast_in_dim3A_34 : vector<16xf32>
      %exp3A_463 = math.exp %min3A_462 : vector<16xf32>
      %add3A_464 = arith.addf %exp3A_463, %broadcast_in_dim3A_32 : vector<16xf32>
      %div3A_465 = arith.divf %broadcast_in_dim3A_32, %add3A_464 : vector<16xf32>
      %mul3A_466 = arith.mulf %exp3A_463, %div3A_465 : vector<16xf32>
      %mul3A_467 = arith.mulf %mul3A_466, %mul3A_466 : vector<16xf32>
      %bitcast3A_468 = vector.bitcast %add3A_464 : vector<16xf32> to vector<16xi32>
      %shift_right_logical3A_469 = arith.shrui %bitcast3A_468, %broadcast_in_dim3A_42 : vector<16xi32>
      %and3A_470 = arith.andi %bitcast3A_468, %broadcast_in_dim3A_38 : vector<16xi32>
      %or3A_471 = arith.ori %and3A_470, %broadcast_in_dim3A_40 : vector<16xi32>
      %bitcast3A_472 = vector.bitcast %or3A_471 : vector<16xi32> to vector<16xf32>
      %mul3A_473 = arith.mulf %broadcast_in_dim3A_22, %bitcast3A_472 : vector<16xf32>
      %add3A_474 = arith.addf %mul3A_473, %broadcast_in_dim3A_24 : vector<16xf32>
      %mul3A_475 = arith.mulf %add3A_474, %bitcast3A_472 : vector<16xf32>
      %add3A_476 = arith.addf %mul3A_475, %broadcast_in_dim3A_26 : vector<16xf32>
      %mul3A_477 = arith.mulf %add3A_476, %bitcast3A_472 : vector<16xf32>
      %add3A_478 = arith.addf %mul3A_477, %broadcast_in_dim3A_28 : vector<16xf32>
      %mul3A_479 = arith.mulf %add3A_478, %bitcast3A_472 : vector<16xf32>
      %add3A_480 = arith.addf %mul3A_479, %broadcast_in_dim3A_30 : vector<16xf32>
      %convert_element_type3A_481 = arith.sitofp %shift_right_logical3A_469 : vector<16xi32> to vector<16xf32>
      %mul3A_482 = arith.mulf %convert_element_type3A_481, %broadcast_in_dim3A_36 : vector<16xf32>
      %add3A_483 = arith.addf %mul3A_482, %add3A_480 : vector<16xf32>
      %convert_element_type3A_484 = arith.sitofp %get3A_456 : vector<16xi32> to vector<16xf32>
      %mul3A_485 = arith.mulf %convert_element_type3A_484, %sub3A : vector<16xf32>
      %add3A_486 = arith.addf %get3A_10, %mul3A_485 : vector<16xf32>
      %mul3A_487 = arith.mulf %mul3A_467, %add3A_483 : vector<16xf32>
      %mul3A_488 = arith.mulf %add3A_486, %mul3A_487 : vector<16xf32>
      %add3A_489 = arith.addf %add3A_399, %mul3A_488 : vector<16xf32>
      %scan3A_490 = arith.constant 5 : i32
      %scan3A_491 = arith.addi %scan3A_57, %scan3A_490 : i32
      %jit3A_492 = arith.constant 8 : i32
      %div3A_493 = arith.divsi %scan3A_491, %jit3A_492 : i32
      %sign3A_494 = arith.constant 0 : i32
      %sign3A_495 = arith.cmpi sgt, %scan3A_491, %sign3A_494 : i32
      %sign3A_496 = arith.extui %sign3A_495 : i1 to i32
      %sign3A_497 = arith.constant 0 : i32
      %sign3A_498 = arith.cmpi slt, %scan3A_491, %sign3A_497 : i32
      %sign3A_499 = arith.extui %sign3A_498 : i1 to i32
      %sign3A_500 = arith.subi %sign3A_496, %sign3A_499 : i32
      %sign3A_501 = arith.constant 0 : i32
      %sign3A_502 = arith.cmpi sgt, %jit3A_492, %sign3A_501 : i32
      %sign3A_503 = arith.extui %sign3A_502 : i1 to i32
      %sign3A_504 = arith.constant 0 : i32
      %sign3A_505 = arith.cmpi slt, %jit3A_492, %sign3A_504 : i32
      %sign3A_506 = arith.extui %sign3A_505 : i1 to i32
      %sign3A_507 = arith.subi %sign3A_503, %sign3A_506 : i32
      %ne3A_508 = arith.cmpi ne, %sign3A_500, %sign3A_507 : i32
      %rem3A_509 = arith.remsi %scan3A_491, %jit3A_492 : i32
      %ne3A_510 = arith.constant 0 : i32
      %ne3A_511 = arith.cmpi ne, %rem3A_509, %ne3A_510 : i32
      %and3A_512 = arith.andi %ne3A_508, %ne3A_511 : i1
      %sub3A_513 = arith.constant 1 : i32
      %sub3A_514 = arith.subi %div3A_493, %sub3A_513 : i32
      %select_n3A_515 = arith.select %and3A_512, %sub3A_514, %div3A_493 : i32
      %mul3A_516 = arith.constant 256 : i32
      %mul3A_517 = arith.muli %select_n3A_515, %mul3A_516 : i32
      %jit3A_518 = arith.constant 8 : i32
      %eq3A_519 = arith.constant 0 : i32
      %eq3A_520 = arith.cmpi eq, %jit3A_518, %eq3A_519 : i32
      %jit3A_521 = arith.constant 1 : i32
      %select_n3A_522 = arith.select %eq3A_520, %jit3A_521, %jit3A_518 : i32
      %rem3A_523 = arith.remsi %scan3A_491, %select_n3A_522 : i32
      %ne3A_524 = arith.constant 0 : i32
      %ne3A_525 = arith.cmpi ne, %rem3A_523, %ne3A_524 : i32
      %lt3A_526 = arith.constant 0 : i32
      %lt3A_527 = arith.cmpi slt, %rem3A_523, %lt3A_526 : i32
      %lt3A_528 = arith.constant 0 : i32
      %lt3A_529 = arith.cmpi slt, %select_n3A_522, %lt3A_528 : i32
      %ne3A_530 = arith.xori %lt3A_527, %lt3A_529 : i1
      %and3A_531 = arith.andi %ne3A_530, %ne3A_525 : i1
      %add3A_532 = arith.addi %rem3A_523, %select_n3A_522 : i32
      %select_n3A_533 = arith.select %and3A_531, %add3A_532, %rem3A_523 : i32
      %mul3A_534 = arith.constant 16 : i32
      %mul3A_535 = arith.muli %select_n3A_533, %mul3A_534 : i32
      %add3A_536 = arith.addi %mul3A_517, %mul3A_535 : i32
      %get3A_537 = arith.index_cast %add3A_536 : i32 to index
      %get3A_538 = tpu.vector_load %arg6[%get3A_537] {strides = array<i32>} : memref<32768xf32, #tpu.memory_space<vmem>>, vector<16xf32>,
      %add3A_539 = arith.constant 128 : i32
      %add3A_540 = arith.addi %add3A_536, %add3A_539 : i32
      %get3A_541 = arith.index_cast %add3A_540 : i32 to index
      %get3A_542 = tpu.vector_load %arg6[%get3A_541] {strides = array<i32>} : memref<32768xf32, #tpu.memory_space<vmem>>, vector<16xf32>,
      %mul3A_543 = arith.constant 16 : i32
      %mul3A_544 = arith.muli %scan3A_491, %mul3A_543 : i32
      %get3A_545 = arith.index_cast %mul3A_544 : i32 to index
      %get3A_546 = tpu.vector_load %arg8[%get3A_545] {strides = array<i32>} : memref<16384xi32, #tpu.memory_space<vmem>>, vector<16xi32>,
      %sub3A_547 = arith.subf %get3A_542, %get3A_538 : vector<16xf32>
      %shift_left3A_548 = arith.shli %get3A_546, %broadcast_in_dim3A_44 : vector<16xi32>
      %bitcast3A_549 = vector.bitcast %sub3A_547 : vector<16xf32> to vector<16xi32>
      %xor3A_550 = arith.xori %bitcast3A_549, %shift_left3A_548 : vector<16xi32>
      %bitcast3A_551 = vector.bitcast %xor3A_550 : vector<16xi32> to vector<16xf32>
      %min3A_552 = arith.minimumf %bitcast3A_551, %broadcast_in_dim3A_34 : vector<16xf32>
      %exp3A_553 = math.exp %min3A_552 : vector<16xf32>
      %add3A_554 = arith.addf %exp3A_553, %broadcast_in_dim3A_32 : vector<16xf32>
      %div3A_555 = arith.divf %broadcast_in_dim3A_32, %add3A_554 : vector<16xf32>
      %mul3A_556 = arith.mulf %exp3A_553, %div3A_555 : vector<16xf32>
      %mul3A_557 = arith.mulf %mul3A_556, %mul3A_556 : vector<16xf32>
      %bitcast3A_558 = vector.bitcast %add3A_554 : vector<16xf32> to vector<16xi32>
      %shift_right_logical3A_559 = arith.shrui %bitcast3A_558, %broadcast_in_dim3A_42 : vector<16xi32>
      %and3A_560 = arith.andi %bitcast3A_558, %broadcast_in_dim3A_38 : vector<16xi32>
      %or3A_561 = arith.ori %and3A_560, %broadcast_in_dim3A_40 : vector<16xi32>
      %bitcast3A_562 = vector.bitcast %or3A_561 : vector<16xi32> to vector<16xf32>
      %mul3A_563 = arith.mulf %broadcast_in_dim3A_22, %bitcast3A_562 : vector<16xf32>
      %add3A_564 = arith.addf %mul3A_563, %broadcast_in_dim3A_24 : vector<16xf32>
      %mul3A_565 = arith.mulf %add3A_564, %bitcast3A_562 : vector<16xf32>
      %add3A_566 = arith.addf %mul3A_565, %broadcast_in_dim3A_26 : vector<16xf32>
      %mul3A_567 = arith.mulf %add3A_566, %bitcast3A_562 : vector<16xf32>
      %add3A_568 = arith.addf %mul3A_567, %broadcast_in_dim3A_28 : vector<16xf32>
      %mul3A_569 = arith.mulf %add3A_568, %bitcast3A_562 : vector<16xf32>
      %add3A_570 = arith.addf %mul3A_569, %broadcast_in_dim3A_30 : vector<16xf32>
      %convert_element_type3A_571 = arith.sitofp %shift_right_logical3A_559 : vector<16xi32> to vector<16xf32>
      %mul3A_572 = arith.mulf %convert_element_type3A_571, %broadcast_in_dim3A_36 : vector<16xf32>
      %add3A_573 = arith.addf %mul3A_572, %add3A_570 : vector<16xf32>
      %convert_element_type3A_574 = arith.sitofp %get3A_546 : vector<16xi32> to vector<16xf32>
      %mul3A_575 = arith.mulf %convert_element_type3A_574, %sub3A : vector<16xf32>
      %add3A_576 = arith.addf %get3A_10, %mul3A_575 : vector<16xf32>
      %mul3A_577 = arith.mulf %mul3A_557, %add3A_573 : vector<16xf32>
      %mul3A_578 = arith.mulf %add3A_576, %mul3A_577 : vector<16xf32>
      %add3A_579 = arith.addf %add3A_489, %mul3A_578 : vector<16xf32>
      %scan3A_580 = arith.constant 6 : i32
      %scan3A_581 = arith.addi %scan3A_57, %scan3A_580 : i32
      %jit3A_582 = arith.constant 8 : i32
      %div3A_583 = arith.divsi %scan3A_581, %jit3A_582 : i32
      %sign3A_584 = arith.constant 0 : i32
      %sign3A_585 = arith.cmpi sgt, %scan3A_581, %sign3A_584 : i32
      %sign3A_586 = arith.extui %sign3A_585 : i1 to i32
      %sign3A_587 = arith.constant 0 : i32
      %sign3A_588 = arith.cmpi slt, %scan3A_581, %sign3A_587 : i32
      %sign3A_589 = arith.extui %sign3A_588 : i1 to i32
      %sign3A_590 = arith.subi %sign3A_586, %sign3A_589 : i32
      %sign3A_591 = arith.constant 0 : i32
      %sign3A_592 = arith.cmpi sgt, %jit3A_582, %sign3A_591 : i32
      %sign3A_593 = arith.extui %sign3A_592 : i1 to i32
      %sign3A_594 = arith.constant 0 : i32
      %sign3A_595 = arith.cmpi slt, %jit3A_582, %sign3A_594 : i32
      %sign3A_596 = arith.extui %sign3A_595 : i1 to i32
      %sign3A_597 = arith.subi %sign3A_593, %sign3A_596 : i32
      %ne3A_598 = arith.cmpi ne, %sign3A_590, %sign3A_597 : i32
      %rem3A_599 = arith.remsi %scan3A_581, %jit3A_582 : i32
      %ne3A_600 = arith.constant 0 : i32
      %ne3A_601 = arith.cmpi ne, %rem3A_599, %ne3A_600 : i32
      %and3A_602 = arith.andi %ne3A_598, %ne3A_601 : i1
      %sub3A_603 = arith.constant 1 : i32
      %sub3A_604 = arith.subi %div3A_583, %sub3A_603 : i32
      %select_n3A_605 = arith.select %and3A_602, %sub3A_604, %div3A_583 : i32
      %mul3A_606 = arith.constant 256 : i32
      %mul3A_607 = arith.muli %select_n3A_605, %mul3A_606 : i32
      %jit3A_608 = arith.constant 8 : i32
      %eq3A_609 = arith.constant 0 : i32
      %eq3A_610 = arith.cmpi eq, %jit3A_608, %eq3A_609 : i32
      %jit3A_611 = arith.constant 1 : i32
      %select_n3A_612 = arith.select %eq3A_610, %jit3A_611, %jit3A_608 : i32
      %rem3A_613 = arith.remsi %scan3A_581, %select_n3A_612 : i32
      %ne3A_614 = arith.constant 0 : i32
      %ne3A_615 = arith.cmpi ne, %rem3A_613, %ne3A_614 : i32
      %lt3A_616 = arith.constant 0 : i32
      %lt3A_617 = arith.cmpi slt, %rem3A_613, %lt3A_616 : i32
      %lt3A_618 = arith.constant 0 : i32
      %lt3A_619 = arith.cmpi slt, %select_n3A_612, %lt3A_618 : i32
      %ne3A_620 = arith.xori %lt3A_617, %lt3A_619 : i1
      %and3A_621 = arith.andi %ne3A_620, %ne3A_615 : i1
      %add3A_622 = arith.addi %rem3A_613, %select_n3A_612 : i32
      %select_n3A_623 = arith.select %and3A_621, %add3A_622, %rem3A_613 : i32
      %mul3A_624 = arith.constant 16 : i32
      %mul3A_625 = arith.muli %select_n3A_623, %mul3A_624 : i32
      %add3A_626 = arith.addi %mul3A_607, %mul3A_625 : i32
      %get3A_627 = arith.index_cast %add3A_626 : i32 to index
      %get3A_628 = tpu.vector_load %arg6[%get3A_627] {strides = array<i32>} : memref<32768xf32, #tpu.memory_space<vmem>>, vector<16xf32>,
      %add3A_629 = arith.constant 128 : i32
      %add3A_630 = arith.addi %add3A_626, %add3A_629 : i32
      %get3A_631 = arith.index_cast %add3A_630 : i32 to index
      %get3A_632 = tpu.vector_load %arg6[%get3A_631] {strides = array<i32>} : memref<32768xf32, #tpu.memory_space<vmem>>, vector<16xf32>,
      %mul3A_633 = arith.constant 16 : i32
      %mul3A_634 = arith.muli %scan3A_581, %mul3A_633 : i32
      %get3A_635 = arith.index_cast %mul3A_634 : i32 to index
      %get3A_636 = tpu.vector_load %arg8[%get3A_635] {strides = array<i32>} : memref<16384xi32, #tpu.memory_space<vmem>>, vector<16xi32>,
      %sub3A_637 = arith.subf %get3A_632, %get3A_628 : vector<16xf32>
      %shift_left3A_638 = arith.shli %get3A_636, %broadcast_in_dim3A_44 : vector<16xi32>
      %bitcast3A_639 = vector.bitcast %sub3A_637 : vector<16xf32> to vector<16xi32>
      %xor3A_640 = arith.xori %bitcast3A_639, %shift_left3A_638 : vector<16xi32>
      %bitcast3A_641 = vector.bitcast %xor3A_640 : vector<16xi32> to vector<16xf32>
      %min3A_642 = arith.minimumf %bitcast3A_641, %broadcast_in_dim3A_34 : vector<16xf32>
      %exp3A_643 = math.exp %min3A_642 : vector<16xf32>
      %add3A_644 = arith.addf %exp3A_643, %broadcast_in_dim3A_32 : vector<16xf32>
      %div3A_645 = arith.divf %broadcast_in_dim3A_32, %add3A_644 : vector<16xf32>
      %mul3A_646 = arith.mulf %exp3A_643, %div3A_645 : vector<16xf32>
      %mul3A_647 = arith.mulf %mul3A_646, %mul3A_646 : vector<16xf32>
      %bitcast3A_648 = vector.bitcast %add3A_644 : vector<16xf32> to vector<16xi32>
      %shift_right_logical3A_649 = arith.shrui %bitcast3A_648, %broadcast_in_dim3A_42 : vector<16xi32>
      %and3A_650 = arith.andi %bitcast3A_648, %broadcast_in_dim3A_38 : vector<16xi32>
      %or3A_651 = arith.ori %and3A_650, %broadcast_in_dim3A_40 : vector<16xi32>
      %bitcast3A_652 = vector.bitcast %or3A_651 : vector<16xi32> to vector<16xf32>
      %mul3A_653 = arith.mulf %broadcast_in_dim3A_22, %bitcast3A_652 : vector<16xf32>
      %add3A_654 = arith.addf %mul3A_653, %broadcast_in_dim3A_24 : vector<16xf32>
      %mul3A_655 = arith.mulf %add3A_654, %bitcast3A_652 : vector<16xf32>
      %add3A_656 = arith.addf %mul3A_655, %broadcast_in_dim3A_26 : vector<16xf32>
      %mul3A_657 = arith.mulf %add3A_656, %bitcast3A_652 : vector<16xf32>
      %add3A_658 = arith.addf %mul3A_657, %broadcast_in_dim3A_28 : vector<16xf32>
      %mul3A_659 = arith.mulf %add3A_658, %bitcast3A_652 : vector<16xf32>
      %add3A_660 = arith.addf %mul3A_659, %broadcast_in_dim3A_30 : vector<16xf32>
      %convert_element_type3A_661 = arith.sitofp %shift_right_logical3A_649 : vector<16xi32> to vector<16xf32>
      %mul3A_662 = arith.mulf %convert_element_type3A_661, %broadcast_in_dim3A_36 : vector<16xf32>
      %add3A_663 = arith.addf %mul3A_662, %add3A_660 : vector<16xf32>
      %convert_element_type3A_664 = arith.sitofp %get3A_636 : vector<16xi32> to vector<16xf32>
      %mul3A_665 = arith.mulf %convert_element_type3A_664, %sub3A : vector<16xf32>
      %add3A_666 = arith.addf %get3A_10, %mul3A_665 : vector<16xf32>
      %mul3A_667 = arith.mulf %mul3A_647, %add3A_663 : vector<16xf32>
      %mul3A_668 = arith.mulf %add3A_666, %mul3A_667 : vector<16xf32>
      %add3A_669 = arith.addf %add3A_579, %mul3A_668 : vector<16xf32>
      %scan3A_670 = arith.constant 7 : i32
      %scan3A_671 = arith.addi %scan3A_57, %scan3A_670 : i32
      %jit3A_672 = arith.constant 8 : i32
      %div3A_673 = arith.divsi %scan3A_671, %jit3A_672 : i32
      %sign3A_674 = arith.constant 0 : i32
      %sign3A_675 = arith.cmpi sgt, %scan3A_671, %sign3A_674 : i32
      %sign3A_676 = arith.extui %sign3A_675 : i1 to i32
      %sign3A_677 = arith.constant 0 : i32
      %sign3A_678 = arith.cmpi slt, %scan3A_671, %sign3A_677 : i32
      %sign3A_679 = arith.extui %sign3A_678 : i1 to i32
      %sign3A_680 = arith.subi %sign3A_676, %sign3A_679 : i32
      %sign3A_681 = arith.constant 0 : i32
      %sign3A_682 = arith.cmpi sgt, %jit3A_672, %sign3A_681 : i32
      %sign3A_683 = arith.extui %sign3A_682 : i1 to i32
      %sign3A_684 = arith.constant 0 : i32
      %sign3A_685 = arith.cmpi slt, %jit3A_672, %sign3A_684 : i32
      %sign3A_686 = arith.extui %sign3A_685 : i1 to i32
      %sign3A_687 = arith.subi %sign3A_683, %sign3A_686 : i32
      %ne3A_688 = arith.cmpi ne, %sign3A_680, %sign3A_687 : i32
      %rem3A_689 = arith.remsi %scan3A_671, %jit3A_672 : i32
      %ne3A_690 = arith.constant 0 : i32
      %ne3A_691 = arith.cmpi ne, %rem3A_689, %ne3A_690 : i32
      %and3A_692 = arith.andi %ne3A_688, %ne3A_691 : i1
      %sub3A_693 = arith.constant 1 : i32
      %sub3A_694 = arith.subi %div3A_673, %sub3A_693 : i32
      %select_n3A_695 = arith.select %and3A_692, %sub3A_694, %div3A_673 : i32
      %mul3A_696 = arith.constant 256 : i32
      %mul3A_697 = arith.muli %select_n3A_695, %mul3A_696 : i32
      %jit3A_698 = arith.constant 8 : i32
      %eq3A_699 = arith.constant 0 : i32
      %eq3A_700 = arith.cmpi eq, %jit3A_698, %eq3A_699 : i32
      %jit3A_701 = arith.constant 1 : i32
      %select_n3A_702 = arith.select %eq3A_700, %jit3A_701, %jit3A_698 : i32
      %rem3A_703 = arith.remsi %scan3A_671, %select_n3A_702 : i32
      %ne3A_704 = arith.constant 0 : i32
      %ne3A_705 = arith.cmpi ne, %rem3A_703, %ne3A_704 : i32
      %lt3A_706 = arith.constant 0 : i32
      %lt3A_707 = arith.cmpi slt, %rem3A_703, %lt3A_706 : i32
      %lt3A_708 = arith.constant 0 : i32
      %lt3A_709 = arith.cmpi slt, %select_n3A_702, %lt3A_708 : i32
      %ne3A_710 = arith.xori %lt3A_707, %lt3A_709 : i1
      %and3A_711 = arith.andi %ne3A_710, %ne3A_705 : i1
      %add3A_712 = arith.addi %rem3A_703, %select_n3A_702 : i32
      %select_n3A_713 = arith.select %and3A_711, %add3A_712, %rem3A_703 : i32
      %mul3A_714 = arith.constant 16 : i32
      %mul3A_715 = arith.muli %select_n3A_713, %mul3A_714 : i32
      %add3A_716 = arith.addi %mul3A_697, %mul3A_715 : i32
      %get3A_717 = arith.index_cast %add3A_716 : i32 to index
      %get3A_718 = tpu.vector_load %arg6[%get3A_717] {strides = array<i32>} : memref<32768xf32, #tpu.memory_space<vmem>>, vector<16xf32>,
      %add3A_719 = arith.constant 128 : i32
      %add3A_720 = arith.addi %add3A_716, %add3A_719 : i32
      %get3A_721 = arith.index_cast %add3A_720 : i32 to index
      %get3A_722 = tpu.vector_load %arg6[%get3A_721] {strides = array<i32>} : memref<32768xf32, #tpu.memory_space<vmem>>, vector<16xf32>,
      %mul3A_723 = arith.constant 16 : i32
      %mul3A_724 = arith.muli %scan3A_671, %mul3A_723 : i32
      %get3A_725 = arith.index_cast %mul3A_724 : i32 to index
      %get3A_726 = tpu.vector_load %arg8[%get3A_725] {strides = array<i32>} : memref<16384xi32, #tpu.memory_space<vmem>>, vector<16xi32>,
      %sub3A_727 = arith.subf %get3A_722, %get3A_718 : vector<16xf32>
      %shift_left3A_728 = arith.shli %get3A_726, %broadcast_in_dim3A_44 : vector<16xi32>
      %bitcast3A_729 = vector.bitcast %sub3A_727 : vector<16xf32> to vector<16xi32>
      %xor3A_730 = arith.xori %bitcast3A_729, %shift_left3A_728 : vector<16xi32>
      %bitcast3A_731 = vector.bitcast %xor3A_730 : vector<16xi32> to vector<16xf32>
      %min3A_732 = arith.minimumf %bitcast3A_731, %broadcast_in_dim3A_34 : vector<16xf32>
      %exp3A_733 = math.exp %min3A_732 : vector<16xf32>
      %add3A_734 = arith.addf %exp3A_733, %broadcast_in_dim3A_32 : vector<16xf32>
      %div3A_735 = arith.divf %broadcast_in_dim3A_32, %add3A_734 : vector<16xf32>
      %mul3A_736 = arith.mulf %exp3A_733, %div3A_735 : vector<16xf32>
      %mul3A_737 = arith.mulf %mul3A_736, %mul3A_736 : vector<16xf32>
      %bitcast3A_738 = vector.bitcast %add3A_734 : vector<16xf32> to vector<16xi32>
      %shift_right_logical3A_739 = arith.shrui %bitcast3A_738, %broadcast_in_dim3A_42 : vector<16xi32>
      %and3A_740 = arith.andi %bitcast3A_738, %broadcast_in_dim3A_38 : vector<16xi32>
      %or3A_741 = arith.ori %and3A_740, %broadcast_in_dim3A_40 : vector<16xi32>
      %bitcast3A_742 = vector.bitcast %or3A_741 : vector<16xi32> to vector<16xf32>
      %mul3A_743 = arith.mulf %broadcast_in_dim3A_22, %bitcast3A_742 : vector<16xf32>
      %add3A_744 = arith.addf %mul3A_743, %broadcast_in_dim3A_24 : vector<16xf32>
      %mul3A_745 = arith.mulf %add3A_744, %bitcast3A_742 : vector<16xf32>
      %add3A_746 = arith.addf %mul3A_745, %broadcast_in_dim3A_26 : vector<16xf32>
      %mul3A_747 = arith.mulf %add3A_746, %bitcast3A_742 : vector<16xf32>
      %add3A_748 = arith.addf %mul3A_747, %broadcast_in_dim3A_28 : vector<16xf32>
      %mul3A_749 = arith.mulf %add3A_748, %bitcast3A_742 : vector<16xf32>
      %add3A_750 = arith.addf %mul3A_749, %broadcast_in_dim3A_30 : vector<16xf32>
      %convert_element_type3A_751 = arith.sitofp %shift_right_logical3A_739 : vector<16xi32> to vector<16xf32>
      %mul3A_752 = arith.mulf %convert_element_type3A_751, %broadcast_in_dim3A_36 : vector<16xf32>
      %add3A_753 = arith.addf %mul3A_752, %add3A_750 : vector<16xf32>
      %convert_element_type3A_754 = arith.sitofp %get3A_726 : vector<16xi32> to vector<16xf32>
      %mul3A_755 = arith.mulf %convert_element_type3A_754, %sub3A : vector<16xf32>
      %add3A_756 = arith.addf %get3A_10, %mul3A_755 : vector<16xf32>
      %mul3A_757 = arith.mulf %mul3A_737, %add3A_753 : vector<16xf32>
      %mul3A_758 = arith.mulf %add3A_756, %mul3A_757 : vector<16xf32>
      %add3A_759 = arith.addf %add3A_669, %mul3A_758 : vector<16xf32>
      scf.yield %add3A_759 : vector<16xf32>
    }
    %scan3A_52 = arith.constant 1024 : i32
    %swap3A = arith.constant 0 : index
    %swap3A_53 = tpu.vector_load %arg11[%swap3A] {strides = array<i32>} : memref<16xf32, #tpu.memory_space<vmem>>, vector<16xf32>,
    tpu.vector_store %arg11[%swap3A], %scan3A_51 {strides = array<i32>} : memref<16xf32, #tpu.memory_space<vmem>>, vector<16xf32>,
    %mul3A_54 = arith.constant 16 : i32
    %mul3A_55 = arith.muli %add3A, %mul3A_54 : i32
    %multiple_of3A_56 = tpu.assume_multiple %mul3A_55, 8 : i32
    "tpu.region"() ({
      %run_scoped3A = tpu.sem_alloc : memref<!tpu.dma_semaphore, #tpu.memory_space<semaphore_mem>>
      %dma_start3A_57 = tpu.memref_slice %arg5[%multiple_of3A_56] : memref<512xf32, #tpu.memory_space<hbm>> -> memref<16xf32, #tpu.memory_space<hbm>>
      %dma_start3A_58 = tpu.memref_slice %arg5[%multiple_of3A_56] : memref<512xf32, #tpu.memory_space<hbm>> -> memref<16xf32, #tpu.memory_space<hbm>>
      tpu.enqueue_dma source(%arg11 : memref<16xf32, #tpu.memory_space<vmem>>) target(%dma_start3A_58 : memref<16xf32, #tpu.memory_space<hbm>>) target_semaphore(%run_scoped3A : memref<!tpu.dma_semaphore, #tpu.memory_space<semaphore_mem>>)
      %dma_wait3A_59 = tpu.memref_slice %arg5[%multiple_of3A_56] : memref<512xf32, #tpu.memory_space<hbm>> -> memref<16xf32, #tpu.memory_space<hbm>>
      %dma_wait3A_60 = tpu.memref_slice %arg5[%multiple_of3A_56] : memref<512xf32, #tpu.memory_space<hbm>> -> memref<16xf32, #tpu.memory_space<hbm>>
      tpu.wait_dma2 semaphore(%run_scoped3A : memref<!tpu.dma_semaphore, #tpu.memory_space<semaphore_mem>>) src(%arg11 : memref<16xf32, #tpu.memory_space<vmem>>) dst(%dma_wait3A_60 : memref<16xf32, #tpu.memory_space<hbm>>)
      tpu.yield
    }) : () -> ()
    return
  }
}

module attributes {stable_mosaic.version = 14 : i64} {
  func.func @body(%arg0: i32, %arg1: memref<32xf32, #tpu.memory_space<vmem>>, %arg2: memref<7168x128xf32, #tpu.memory_space<vmem>>, %arg3: memref<3584x128xi32, #tpu.memory_space<vmem>>, %arg4: memref<7168x128xf32, #tpu.memory_space<vmem>>, %arg5: memref<3584x128xi32, #tpu.memory_space<vmem>>, %arg6: memref<1x1xf32, #tpu.memory_space<vmem>>) attributes {dimension_semantics = [#tpu.dimension_semantics<arbitrary>], iteration_bounds = array<i64: 4>, scalar_prefetch = 0 : i64, scratch_operands = 0 : i64, tpu.core_type = #tpu.core_type<tc>, window_params = [{pipeline_mode = #tpu.pipeline_mode<synchronous>, transform_indices = @transform_0, window_bounds = array<i64: 32>}, {transform_indices = @transform_1, window_bounds = array<i64: 7168, 128>}, {transform_indices = @transform_2, window_bounds = array<i64: 3584, 128>}, {transform_indices = @transform_3, window_bounds = array<i64: 7168, 128>}, {transform_indices = @transform_4, window_bounds = array<i64: 3584, 128>}, {pipeline_mode = #tpu.pipeline_mode<synchronous>, transform_indices = @transform_5, window_bounds = array<i64: 1, 1>}]} {
    %get3A = arith.constant 0 : index
    %get3A_0 = vector.load %arg1[%get3A] : memref<32xf32, #tpu.memory_space<vmem>>, vector<32xf32>
    %slice3A = vector.extract_strided_slice %get3A_0 {offsets = [0], sizes = [1], strides = [1]} : vector<32xf32> to vector<1xf32>
    %squeeze3A = vector.extract %slice3A[0] : f32 from vector<1xf32>
    %slice3A_1 = vector.extract_strided_slice %get3A_0 {offsets = [16], sizes = [1], strides = [1]} : vector<32xf32> to vector<1xf32>
    %squeeze3A_2 = vector.extract %slice3A_1[0] : f32 from vector<1xf32>
    %sub3A = arith.subf %squeeze3A_2, %squeeze3A : f32
    %iota3A = tpu.iota {dimensions = array<i32: 0>} : vector<64x128xi32>
    %iota3A_3 = tpu.iota {dimensions = array<i32: 1>} : vector<64x128xi32>
    %mul3A = arith.constant 2 : i32
    %mul3A_4 = vector.broadcast %mul3A : i32 to vector<64x128xi32>
    %mul3A_5 = arith.muli %mul3A_4, %iota3A : vector<64x128xi32>
    %add3A = arith.constant 1 : i32
    %add3A_6 = vector.broadcast %add3A : i32 to vector<64x128xi32>
    %add3A_7 = arith.addi %mul3A_5, %add3A_6 : vector<64x128xi32>
    %eq3A = arith.cmpi eq, %iota3A_3, %add3A_7 : vector<64x128xi32>
    %jit3A = arith.constant 1.000000e+00 : f32
    %jit3A_8 = arith.constant 0.000000e+00 : f32
    %broadcast_in_dim3A = vector.broadcast %jit3A : f32 to vector<64x128xf32>
    %broadcast_in_dim3A_9 = vector.broadcast %jit3A_8 : f32 to vector<64x128xf32>
    %select_n3A = arith.select %eq3A, %broadcast_in_dim3A, %broadcast_in_dim3A_9 : vector<64x128xi1>, vector<64x128xf32>
    %mul3A_10 = arith.constant 2 : i32
    %mul3A_11 = vector.broadcast %mul3A_10 : i32 to vector<64x128xi32>
    %mul3A_12 = arith.muli %mul3A_11, %iota3A : vector<64x128xi32>
    %eq3A_13 = arith.cmpi eq, %iota3A_3, %mul3A_12 : vector<64x128xi32>
    %jit3A_14 = arith.constant 1.000000e+00 : f32
    %jit3A_15 = arith.constant 0.000000e+00 : f32
    %broadcast_in_dim3A_16 = vector.broadcast %jit3A_14 : f32 to vector<64x128xf32>
    %broadcast_in_dim3A_17 = vector.broadcast %jit3A_15 : f32 to vector<64x128xf32>
    %select_n3A_18 = arith.select %eq3A_13, %broadcast_in_dim3A_16, %broadcast_in_dim3A_17 : vector<64x128xi1>, vector<64x128xf32>
    %sub3A_19 = arith.subf %select_n3A, %select_n3A_18 : vector<64x128xf32>
    %convert_element_type3A = arith.truncf %sub3A_19 : vector<64x128xf32> to vector<64x128xbf16>
    %get3A_20 = arith.constant 0 : index
    %get3A_21 = arith.constant 0 : index
    %get3A_22 = vector.load %arg2[%get3A_20, %get3A_21] : memref<7168x128xf32, #tpu.memory_space<vmem>>, vector<128x128xf32>
    %get3A_23 = arith.constant 0 : index
    %get3A_24 = arith.constant 0 : index
    %get3A_25 = vector.load %arg3[%get3A_23, %get3A_24] : memref<3584x128xi32, #tpu.memory_space<vmem>>, vector<64x128xi32>
    %convert_element_type3A_26 = arith.truncf %get3A_22 : vector<128x128xf32> to vector<128x128xbf16>
    %dot_general3A = arith.constant dense<0.000000e+00> : vector<64x128xf32>
    %dot_general3A_27 = tpu.matmul %convert_element_type3A, %convert_element_type3A_26, %dot_general3A {dimension_numbers = #tpu.dot_dimension_numbers<[1], [0], [0], [1], [0, 0, 1, 1], [], []>, transpose_lhs_hint = false} : vector<64x128xbf16>, vector<128x128xbf16>, vector<64x128xf32> -> vector<64x128xf32>
    %convert_element_type3A_28 = arith.sitofp %get3A_25 : vector<64x128xi32> to vector<64x128xf32>
    %mul3A_29 = arith.constant 2.000000e+00 : f32
    %mul3A_30 = vector.broadcast %mul3A_29 : f32 to vector<64x128xf32>
    %mul3A_31 = arith.mulf %mul3A_30, %convert_element_type3A_28 : vector<64x128xf32>
    %sub3A_32 = arith.constant 1.000000e+00 : f32
    %sub3A_33 = vector.broadcast %sub3A_32 : f32 to vector<64x128xf32>
    %sub3A_34 = arith.subf %sub3A_33, %mul3A_31 : vector<64x128xf32>
    %mul3A_35 = arith.mulf %dot_general3A_27, %sub3A_34 : vector<64x128xf32>
    %min3A = arith.constant 8.000000e+01 : f32
    %min3A_36 = vector.broadcast %min3A : f32 to vector<64x128xf32>
    %min3A_37 = arith.minimumf %mul3A_35, %min3A_36 : vector<64x128xf32>
    %exp3A = math.exp %min3A_37 : vector<64x128xf32>
    %add3A_38 = arith.constant 1.000000e+00 : f32
    %add3A_39 = vector.broadcast %add3A_38 : f32 to vector<64x128xf32>
    %add3A_40 = arith.addf %add3A_39, %exp3A : vector<64x128xf32>
    %div3A = arith.divf %exp3A, %add3A_40 : vector<64x128xf32>
    %log3A = math.log %add3A_40 : vector<64x128xf32>
    %mul3A_41 = vector.broadcast %sub3A : f32 to vector<64x128xf32>
    %mul3A_42 = arith.mulf %convert_element_type3A_28, %mul3A_41 : vector<64x128xf32>
    %add3A_43 = vector.broadcast %squeeze3A : f32 to vector<64x128xf32>
    %add3A_44 = arith.addf %add3A_43, %mul3A_42 : vector<64x128xf32>
    %mul3A_45 = arith.mulf %div3A, %div3A : vector<64x128xf32>
    %mul3A_46 = arith.mulf %mul3A_45, %log3A : vector<64x128xf32>
    %mul3A_47 = arith.mulf %add3A_44, %mul3A_46 : vector<64x128xf32>
    %get3A_48 = arith.constant 128 : index
    %get3A_49 = arith.constant 0 : index
    %get3A_50 = vector.load %arg2[%get3A_48, %get3A_49] : memref<7168x128xf32, #tpu.memory_space<vmem>>, vector<128x128xf32>
    %get3A_51 = arith.constant 64 : index
    %get3A_52 = arith.constant 0 : index
    %get3A_53 = vector.load %arg3[%get3A_51, %get3A_52] : memref<3584x128xi32, #tpu.memory_space<vmem>>, vector<64x128xi32>
    %convert_element_type3A_54 = arith.truncf %get3A_50 : vector<128x128xf32> to vector<128x128xbf16>
    %dot_general3A_55 = arith.constant dense<0.000000e+00> : vector<64x128xf32>
    %dot_general3A_56 = tpu.matmul %convert_element_type3A, %convert_element_type3A_54, %dot_general3A_55 {dimension_numbers = #tpu.dot_dimension_numbers<[1], [0], [0], [1], [0, 0, 1, 1], [], []>, transpose_lhs_hint = false} : vector<64x128xbf16>, vector<128x128xbf16>, vector<64x128xf32> -> vector<64x128xf32>
    %convert_element_type3A_57 = arith.sitofp %get3A_53 : vector<64x128xi32> to vector<64x128xf32>
    %mul3A_58 = arith.constant 2.000000e+00 : f32
    %mul3A_59 = vector.broadcast %mul3A_58 : f32 to vector<64x128xf32>
    %mul3A_60 = arith.mulf %mul3A_59, %convert_element_type3A_57 : vector<64x128xf32>
    %sub3A_61 = arith.constant 1.000000e+00 : f32
    %sub3A_62 = vector.broadcast %sub3A_61 : f32 to vector<64x128xf32>
    %sub3A_63 = arith.subf %sub3A_62, %mul3A_60 : vector<64x128xf32>
    %mul3A_64 = arith.mulf %dot_general3A_56, %sub3A_63 : vector<64x128xf32>
    %min3A_65 = arith.constant 8.000000e+01 : f32
    %min3A_66 = vector.broadcast %min3A_65 : f32 to vector<64x128xf32>
    %min3A_67 = arith.minimumf %mul3A_64, %min3A_66 : vector<64x128xf32>
    %exp3A_68 = math.exp %min3A_67 : vector<64x128xf32>
    %add3A_69 = arith.constant 1.000000e+00 : f32
    %add3A_70 = vector.broadcast %add3A_69 : f32 to vector<64x128xf32>
    %add3A_71 = arith.addf %add3A_70, %exp3A_68 : vector<64x128xf32>
    %div3A_72 = arith.divf %exp3A_68, %add3A_71 : vector<64x128xf32>
    %log3A_73 = math.log %add3A_71 : vector<64x128xf32>
    %mul3A_74 = vector.broadcast %sub3A : f32 to vector<64x128xf32>
    %mul3A_75 = arith.mulf %convert_element_type3A_57, %mul3A_74 : vector<64x128xf32>
    %add3A_76 = vector.broadcast %squeeze3A : f32 to vector<64x128xf32>
    %add3A_77 = arith.addf %add3A_76, %mul3A_75 : vector<64x128xf32>
    %mul3A_78 = arith.mulf %div3A_72, %div3A_72 : vector<64x128xf32>
    %mul3A_79 = arith.mulf %mul3A_78, %log3A_73 : vector<64x128xf32>
    %mul3A_80 = arith.mulf %add3A_77, %mul3A_79 : vector<64x128xf32>
    %get3A_81 = arith.constant 256 : index
    %get3A_82 = arith.constant 0 : index
    %get3A_83 = vector.load %arg2[%get3A_81, %get3A_82] : memref<7168x128xf32, #tpu.memory_space<vmem>>, vector<128x128xf32>
    %get3A_84 = arith.constant 128 : index
    %get3A_85 = arith.constant 0 : index
    %get3A_86 = vector.load %arg3[%get3A_84, %get3A_85] : memref<3584x128xi32, #tpu.memory_space<vmem>>, vector<64x128xi32>
    %convert_element_type3A_87 = arith.truncf %get3A_83 : vector<128x128xf32> to vector<128x128xbf16>
    %dot_general3A_88 = arith.constant dense<0.000000e+00> : vector<64x128xf32>
    %dot_general3A_89 = tpu.matmul %convert_element_type3A, %convert_element_type3A_87, %dot_general3A_88 {dimension_numbers = #tpu.dot_dimension_numbers<[1], [0], [0], [1], [0, 0, 1, 1], [], []>, transpose_lhs_hint = false} : vector<64x128xbf16>, vector<128x128xbf16>, vector<64x128xf32> -> vector<64x128xf32>
    %convert_element_type3A_90 = arith.sitofp %get3A_86 : vector<64x128xi32> to vector<64x128xf32>
    %mul3A_91 = arith.constant 2.000000e+00 : f32
    %mul3A_92 = vector.broadcast %mul3A_91 : f32 to vector<64x128xf32>
    %mul3A_93 = arith.mulf %mul3A_92, %convert_element_type3A_90 : vector<64x128xf32>
    %sub3A_94 = arith.constant 1.000000e+00 : f32
    %sub3A_95 = vector.broadcast %sub3A_94 : f32 to vector<64x128xf32>
    %sub3A_96 = arith.subf %sub3A_95, %mul3A_93 : vector<64x128xf32>
    %mul3A_97 = arith.mulf %dot_general3A_89, %sub3A_96 : vector<64x128xf32>
    %min3A_98 = arith.constant 8.000000e+01 : f32
    %min3A_99 = vector.broadcast %min3A_98 : f32 to vector<64x128xf32>
    %min3A_100 = arith.minimumf %mul3A_97, %min3A_99 : vector<64x128xf32>
    %exp3A_101 = math.exp %min3A_100 : vector<64x128xf32>
    %add3A_102 = arith.constant 1.000000e+00 : f32
    %add3A_103 = vector.broadcast %add3A_102 : f32 to vector<64x128xf32>
    %add3A_104 = arith.addf %add3A_103, %exp3A_101 : vector<64x128xf32>
    %div3A_105 = arith.divf %exp3A_101, %add3A_104 : vector<64x128xf32>
    %log3A_106 = math.log %add3A_104 : vector<64x128xf32>
    %mul3A_107 = vector.broadcast %sub3A : f32 to vector<64x128xf32>
    %mul3A_108 = arith.mulf %convert_element_type3A_90, %mul3A_107 : vector<64x128xf32>
    %add3A_109 = vector.broadcast %squeeze3A : f32 to vector<64x128xf32>
    %add3A_110 = arith.addf %add3A_109, %mul3A_108 : vector<64x128xf32>
    %mul3A_111 = arith.mulf %div3A_105, %div3A_105 : vector<64x128xf32>
    %mul3A_112 = arith.mulf %mul3A_111, %log3A_106 : vector<64x128xf32>
    %mul3A_113 = arith.mulf %add3A_110, %mul3A_112 : vector<64x128xf32>
    %get3A_114 = arith.constant 384 : index
    %get3A_115 = arith.constant 0 : index
    %get3A_116 = vector.load %arg2[%get3A_114, %get3A_115] : memref<7168x128xf32, #tpu.memory_space<vmem>>, vector<128x128xf32>
    %get3A_117 = arith.constant 192 : index
    %get3A_118 = arith.constant 0 : index
    %get3A_119 = vector.load %arg3[%get3A_117, %get3A_118] : memref<3584x128xi32, #tpu.memory_space<vmem>>, vector<64x128xi32>
    %convert_element_type3A_120 = arith.truncf %get3A_116 : vector<128x128xf32> to vector<128x128xbf16>
    %dot_general3A_121 = arith.constant dense<0.000000e+00> : vector<64x128xf32>
    %dot_general3A_122 = tpu.matmul %convert_element_type3A, %convert_element_type3A_120, %dot_general3A_121 {dimension_numbers = #tpu.dot_dimension_numbers<[1], [0], [0], [1], [0, 0, 1, 1], [], []>, transpose_lhs_hint = false} : vector<64x128xbf16>, vector<128x128xbf16>, vector<64x128xf32> -> vector<64x128xf32>
    %convert_element_type3A_123 = arith.sitofp %get3A_119 : vector<64x128xi32> to vector<64x128xf32>
    %mul3A_124 = arith.constant 2.000000e+00 : f32
    %mul3A_125 = vector.broadcast %mul3A_124 : f32 to vector<64x128xf32>
    %mul3A_126 = arith.mulf %mul3A_125, %convert_element_type3A_123 : vector<64x128xf32>
    %sub3A_127 = arith.constant 1.000000e+00 : f32
    %sub3A_128 = vector.broadcast %sub3A_127 : f32 to vector<64x128xf32>
    %sub3A_129 = arith.subf %sub3A_128, %mul3A_126 : vector<64x128xf32>
    %mul3A_130 = arith.mulf %dot_general3A_122, %sub3A_129 : vector<64x128xf32>
    %min3A_131 = arith.constant 8.000000e+01 : f32
    %min3A_132 = vector.broadcast %min3A_131 : f32 to vector<64x128xf32>
    %min3A_133 = arith.minimumf %mul3A_130, %min3A_132 : vector<64x128xf32>
    %exp3A_134 = math.exp %min3A_133 : vector<64x128xf32>
    %add3A_135 = arith.constant 1.000000e+00 : f32
    %add3A_136 = vector.broadcast %add3A_135 : f32 to vector<64x128xf32>
    %add3A_137 = arith.addf %add3A_136, %exp3A_134 : vector<64x128xf32>
    %div3A_138 = arith.divf %exp3A_134, %add3A_137 : vector<64x128xf32>
    %log3A_139 = math.log %add3A_137 : vector<64x128xf32>
    %mul3A_140 = vector.broadcast %sub3A : f32 to vector<64x128xf32>
    %mul3A_141 = arith.mulf %convert_element_type3A_123, %mul3A_140 : vector<64x128xf32>
    %add3A_142 = vector.broadcast %squeeze3A : f32 to vector<64x128xf32>
    %add3A_143 = arith.addf %add3A_142, %mul3A_141 : vector<64x128xf32>
    %mul3A_144 = arith.mulf %div3A_138, %div3A_138 : vector<64x128xf32>
    %mul3A_145 = arith.mulf %mul3A_144, %log3A_139 : vector<64x128xf32>
    %mul3A_146 = arith.mulf %add3A_143, %mul3A_145 : vector<64x128xf32>
    %get3A_147 = arith.constant 512 : index
    %get3A_148 = arith.constant 0 : index
    %get3A_149 = vector.load %arg2[%get3A_147, %get3A_148] : memref<7168x128xf32, #tpu.memory_space<vmem>>, vector<128x128xf32>
    %get3A_150 = arith.constant 256 : index
    %get3A_151 = arith.constant 0 : index
    %get3A_152 = vector.load %arg3[%get3A_150, %get3A_151] : memref<3584x128xi32, #tpu.memory_space<vmem>>, vector<64x128xi32>
    %convert_element_type3A_153 = arith.truncf %get3A_149 : vector<128x128xf32> to vector<128x128xbf16>
    %dot_general3A_154 = arith.constant dense<0.000000e+00> : vector<64x128xf32>
    %dot_general3A_155 = tpu.matmul %convert_element_type3A, %convert_element_type3A_153, %dot_general3A_154 {dimension_numbers = #tpu.dot_dimension_numbers<[1], [0], [0], [1], [0, 0, 1, 1], [], []>, transpose_lhs_hint = false} : vector<64x128xbf16>, vector<128x128xbf16>, vector<64x128xf32> -> vector<64x128xf32>
    %convert_element_type3A_156 = arith.sitofp %get3A_152 : vector<64x128xi32> to vector<64x128xf32>
    %mul3A_157 = arith.constant 2.000000e+00 : f32
    %mul3A_158 = vector.broadcast %mul3A_157 : f32 to vector<64x128xf32>
    %mul3A_159 = arith.mulf %mul3A_158, %convert_element_type3A_156 : vector<64x128xf32>
    %sub3A_160 = arith.constant 1.000000e+00 : f32
    %sub3A_161 = vector.broadcast %sub3A_160 : f32 to vector<64x128xf32>
    %sub3A_162 = arith.subf %sub3A_161, %mul3A_159 : vector<64x128xf32>
    %mul3A_163 = arith.mulf %dot_general3A_155, %sub3A_162 : vector<64x128xf32>
    %min3A_164 = arith.constant 8.000000e+01 : f32
    %min3A_165 = vector.broadcast %min3A_164 : f32 to vector<64x128xf32>
    %min3A_166 = arith.minimumf %mul3A_163, %min3A_165 : vector<64x128xf32>
    %exp3A_167 = math.exp %min3A_166 : vector<64x128xf32>
    %add3A_168 = arith.constant 1.000000e+00 : f32
    %add3A_169 = vector.broadcast %add3A_168 : f32 to vector<64x128xf32>
    %add3A_170 = arith.addf %add3A_169, %exp3A_167 : vector<64x128xf32>
    %div3A_171 = arith.divf %exp3A_167, %add3A_170 : vector<64x128xf32>
    %log3A_172 = math.log %add3A_170 : vector<64x128xf32>
    %mul3A_173 = vector.broadcast %sub3A : f32 to vector<64x128xf32>
    %mul3A_174 = arith.mulf %convert_element_type3A_156, %mul3A_173 : vector<64x128xf32>
    %add3A_175 = vector.broadcast %squeeze3A : f32 to vector<64x128xf32>
    %add3A_176 = arith.addf %add3A_175, %mul3A_174 : vector<64x128xf32>
    %mul3A_177 = arith.mulf %div3A_171, %div3A_171 : vector<64x128xf32>
    %mul3A_178 = arith.mulf %mul3A_177, %log3A_172 : vector<64x128xf32>
    %mul3A_179 = arith.mulf %add3A_176, %mul3A_178 : vector<64x128xf32>
    %get3A_180 = arith.constant 640 : index
    %get3A_181 = arith.constant 0 : index
    %get3A_182 = vector.load %arg2[%get3A_180, %get3A_181] : memref<7168x128xf32, #tpu.memory_space<vmem>>, vector<128x128xf32>
    %get3A_183 = arith.constant 320 : index
    %get3A_184 = arith.constant 0 : index
    %get3A_185 = vector.load %arg3[%get3A_183, %get3A_184] : memref<3584x128xi32, #tpu.memory_space<vmem>>, vector<64x128xi32>
    %convert_element_type3A_186 = arith.truncf %get3A_182 : vector<128x128xf32> to vector<128x128xbf16>
    %dot_general3A_187 = arith.constant dense<0.000000e+00> : vector<64x128xf32>
    %dot_general3A_188 = tpu.matmul %convert_element_type3A, %convert_element_type3A_186, %dot_general3A_187 {dimension_numbers = #tpu.dot_dimension_numbers<[1], [0], [0], [1], [0, 0, 1, 1], [], []>, transpose_lhs_hint = false} : vector<64x128xbf16>, vector<128x128xbf16>, vector<64x128xf32> -> vector<64x128xf32>
    %convert_element_type3A_189 = arith.sitofp %get3A_185 : vector<64x128xi32> to vector<64x128xf32>
    %mul3A_190 = arith.constant 2.000000e+00 : f32
    %mul3A_191 = vector.broadcast %mul3A_190 : f32 to vector<64x128xf32>
    %mul3A_192 = arith.mulf %mul3A_191, %convert_element_type3A_189 : vector<64x128xf32>
    %sub3A_193 = arith.constant 1.000000e+00 : f32
    %sub3A_194 = vector.broadcast %sub3A_193 : f32 to vector<64x128xf32>
    %sub3A_195 = arith.subf %sub3A_194, %mul3A_192 : vector<64x128xf32>
    %mul3A_196 = arith.mulf %dot_general3A_188, %sub3A_195 : vector<64x128xf32>
    %min3A_197 = arith.constant 8.000000e+01 : f32
    %min3A_198 = vector.broadcast %min3A_197 : f32 to vector<64x128xf32>
    %min3A_199 = arith.minimumf %mul3A_196, %min3A_198 : vector<64x128xf32>
    %exp3A_200 = math.exp %min3A_199 : vector<64x128xf32>
    %add3A_201 = arith.constant 1.000000e+00 : f32
    %add3A_202 = vector.broadcast %add3A_201 : f32 to vector<64x128xf32>
    %add3A_203 = arith.addf %add3A_202, %exp3A_200 : vector<64x128xf32>
    %div3A_204 = arith.divf %exp3A_200, %add3A_203 : vector<64x128xf32>
    %log3A_205 = math.log %add3A_203 : vector<64x128xf32>
    %mul3A_206 = vector.broadcast %sub3A : f32 to vector<64x128xf32>
    %mul3A_207 = arith.mulf %convert_element_type3A_189, %mul3A_206 : vector<64x128xf32>
    %add3A_208 = vector.broadcast %squeeze3A : f32 to vector<64x128xf32>
    %add3A_209 = arith.addf %add3A_208, %mul3A_207 : vector<64x128xf32>
    %mul3A_210 = arith.mulf %div3A_204, %div3A_204 : vector<64x128xf32>
    %mul3A_211 = arith.mulf %mul3A_210, %log3A_205 : vector<64x128xf32>
    %mul3A_212 = arith.mulf %add3A_209, %mul3A_211 : vector<64x128xf32>
    %get3A_213 = arith.constant 768 : index
    %get3A_214 = arith.constant 0 : index
    %get3A_215 = vector.load %arg2[%get3A_213, %get3A_214] : memref<7168x128xf32, #tpu.memory_space<vmem>>, vector<128x128xf32>
    %get3A_216 = arith.constant 384 : index
    %get3A_217 = arith.constant 0 : index
    %get3A_218 = vector.load %arg3[%get3A_216, %get3A_217] : memref<3584x128xi32, #tpu.memory_space<vmem>>, vector<64x128xi32>
    %convert_element_type3A_219 = arith.truncf %get3A_215 : vector<128x128xf32> to vector<128x128xbf16>
    %dot_general3A_220 = arith.constant dense<0.000000e+00> : vector<64x128xf32>
    %dot_general3A_221 = tpu.matmul %convert_element_type3A, %convert_element_type3A_219, %dot_general3A_220 {dimension_numbers = #tpu.dot_dimension_numbers<[1], [0], [0], [1], [0, 0, 1, 1], [], []>, transpose_lhs_hint = false} : vector<64x128xbf16>, vector<128x128xbf16>, vector<64x128xf32> -> vector<64x128xf32>
    %convert_element_type3A_222 = arith.sitofp %get3A_218 : vector<64x128xi32> to vector<64x128xf32>
    %mul3A_223 = arith.constant 2.000000e+00 : f32
    %mul3A_224 = vector.broadcast %mul3A_223 : f32 to vector<64x128xf32>
    %mul3A_225 = arith.mulf %mul3A_224, %convert_element_type3A_222 : vector<64x128xf32>
    %sub3A_226 = arith.constant 1.000000e+00 : f32
    %sub3A_227 = vector.broadcast %sub3A_226 : f32 to vector<64x128xf32>
    %sub3A_228 = arith.subf %sub3A_227, %mul3A_225 : vector<64x128xf32>
    %mul3A_229 = arith.mulf %dot_general3A_221, %sub3A_228 : vector<64x128xf32>
    %min3A_230 = arith.constant 8.000000e+01 : f32
    %min3A_231 = vector.broadcast %min3A_230 : f32 to vector<64x128xf32>
    %min3A_232 = arith.minimumf %mul3A_229, %min3A_231 : vector<64x128xf32>
    %exp3A_233 = math.exp %min3A_232 : vector<64x128xf32>
    %add3A_234 = arith.constant 1.000000e+00 : f32
    %add3A_235 = vector.broadcast %add3A_234 : f32 to vector<64x128xf32>
    %add3A_236 = arith.addf %add3A_235, %exp3A_233 : vector<64x128xf32>
    %div3A_237 = arith.divf %exp3A_233, %add3A_236 : vector<64x128xf32>
    %log3A_238 = math.log %add3A_236 : vector<64x128xf32>
    %mul3A_239 = vector.broadcast %sub3A : f32 to vector<64x128xf32>
    %mul3A_240 = arith.mulf %convert_element_type3A_222, %mul3A_239 : vector<64x128xf32>
    %add3A_241 = vector.broadcast %squeeze3A : f32 to vector<64x128xf32>
    %add3A_242 = arith.addf %add3A_241, %mul3A_240 : vector<64x128xf32>
    %mul3A_243 = arith.mulf %div3A_237, %div3A_237 : vector<64x128xf32>
    %mul3A_244 = arith.mulf %mul3A_243, %log3A_238 : vector<64x128xf32>
    %mul3A_245 = arith.mulf %add3A_242, %mul3A_244 : vector<64x128xf32>
    %get3A_246 = arith.constant 896 : index
    %get3A_247 = arith.constant 0 : index
    %get3A_248 = vector.load %arg2[%get3A_246, %get3A_247] : memref<7168x128xf32, #tpu.memory_space<vmem>>, vector<128x128xf32>
    %get3A_249 = arith.constant 448 : index
    %get3A_250 = arith.constant 0 : index
    %get3A_251 = vector.load %arg3[%get3A_249, %get3A_250] : memref<3584x128xi32, #tpu.memory_space<vmem>>, vector<64x128xi32>
    %convert_element_type3A_252 = arith.truncf %get3A_248 : vector<128x128xf32> to vector<128x128xbf16>
    %dot_general3A_253 = arith.constant dense<0.000000e+00> : vector<64x128xf32>
    %dot_general3A_254 = tpu.matmul %convert_element_type3A, %convert_element_type3A_252, %dot_general3A_253 {dimension_numbers = #tpu.dot_dimension_numbers<[1], [0], [0], [1], [0, 0, 1, 1], [], []>, transpose_lhs_hint = false} : vector<64x128xbf16>, vector<128x128xbf16>, vector<64x128xf32> -> vector<64x128xf32>
    %convert_element_type3A_255 = arith.sitofp %get3A_251 : vector<64x128xi32> to vector<64x128xf32>
    %mul3A_256 = arith.constant 2.000000e+00 : f32
    %mul3A_257 = vector.broadcast %mul3A_256 : f32 to vector<64x128xf32>
    %mul3A_258 = arith.mulf %mul3A_257, %convert_element_type3A_255 : vector<64x128xf32>
    %sub3A_259 = arith.constant 1.000000e+00 : f32
    %sub3A_260 = vector.broadcast %sub3A_259 : f32 to vector<64x128xf32>
    %sub3A_261 = arith.subf %sub3A_260, %mul3A_258 : vector<64x128xf32>
    %mul3A_262 = arith.mulf %dot_general3A_254, %sub3A_261 : vector<64x128xf32>
    %min3A_263 = arith.constant 8.000000e+01 : f32
    %min3A_264 = vector.broadcast %min3A_263 : f32 to vector<64x128xf32>
    %min3A_265 = arith.minimumf %mul3A_262, %min3A_264 : vector<64x128xf32>
    %exp3A_266 = math.exp %min3A_265 : vector<64x128xf32>
    %add3A_267 = arith.constant 1.000000e+00 : f32
    %add3A_268 = vector.broadcast %add3A_267 : f32 to vector<64x128xf32>
    %add3A_269 = arith.addf %add3A_268, %exp3A_266 : vector<64x128xf32>
    %div3A_270 = arith.divf %exp3A_266, %add3A_269 : vector<64x128xf32>
    %log3A_271 = math.log %add3A_269 : vector<64x128xf32>
    %mul3A_272 = vector.broadcast %sub3A : f32 to vector<64x128xf32>
    %mul3A_273 = arith.mulf %convert_element_type3A_255, %mul3A_272 : vector<64x128xf32>
    %add3A_274 = vector.broadcast %squeeze3A : f32 to vector<64x128xf32>
    %add3A_275 = arith.addf %add3A_274, %mul3A_273 : vector<64x128xf32>
    %mul3A_276 = arith.mulf %div3A_270, %div3A_270 : vector<64x128xf32>
    %mul3A_277 = arith.mulf %mul3A_276, %log3A_271 : vector<64x128xf32>
    %mul3A_278 = arith.mulf %add3A_275, %mul3A_277 : vector<64x128xf32>
    %get3A_279 = arith.constant 1024 : index
    %get3A_280 = arith.constant 0 : index
    %get3A_281 = vector.load %arg2[%get3A_279, %get3A_280] : memref<7168x128xf32, #tpu.memory_space<vmem>>, vector<128x128xf32>
    %get3A_282 = arith.constant 512 : index
    %get3A_283 = arith.constant 0 : index
    %get3A_284 = vector.load %arg3[%get3A_282, %get3A_283] : memref<3584x128xi32, #tpu.memory_space<vmem>>, vector<64x128xi32>
    %convert_element_type3A_285 = arith.truncf %get3A_281 : vector<128x128xf32> to vector<128x128xbf16>
    %dot_general3A_286 = arith.constant dense<0.000000e+00> : vector<64x128xf32>
    %dot_general3A_287 = tpu.matmul %convert_element_type3A, %convert_element_type3A_285, %dot_general3A_286 {dimension_numbers = #tpu.dot_dimension_numbers<[1], [0], [0], [1], [0, 0, 1, 1], [], []>, transpose_lhs_hint = false} : vector<64x128xbf16>, vector<128x128xbf16>, vector<64x128xf32> -> vector<64x128xf32>
    %convert_element_type3A_288 = arith.sitofp %get3A_284 : vector<64x128xi32> to vector<64x128xf32>
    %mul3A_289 = arith.constant 2.000000e+00 : f32
    %mul3A_290 = vector.broadcast %mul3A_289 : f32 to vector<64x128xf32>
    %mul3A_291 = arith.mulf %mul3A_290, %convert_element_type3A_288 : vector<64x128xf32>
    %sub3A_292 = arith.constant 1.000000e+00 : f32
    %sub3A_293 = vector.broadcast %sub3A_292 : f32 to vector<64x128xf32>
    %sub3A_294 = arith.subf %sub3A_293, %mul3A_291 : vector<64x128xf32>
    %mul3A_295 = arith.mulf %dot_general3A_287, %sub3A_294 : vector<64x128xf32>
    %min3A_296 = arith.constant 8.000000e+01 : f32
    %min3A_297 = vector.broadcast %min3A_296 : f32 to vector<64x128xf32>
    %min3A_298 = arith.minimumf %mul3A_295, %min3A_297 : vector<64x128xf32>
    %exp3A_299 = math.exp %min3A_298 : vector<64x128xf32>
    %add3A_300 = arith.constant 1.000000e+00 : f32
    %add3A_301 = vector.broadcast %add3A_300 : f32 to vector<64x128xf32>
    %add3A_302 = arith.addf %add3A_301, %exp3A_299 : vector<64x128xf32>
    %div3A_303 = arith.divf %exp3A_299, %add3A_302 : vector<64x128xf32>
    %log3A_304 = math.log %add3A_302 : vector<64x128xf32>
    %mul3A_305 = vector.broadcast %sub3A : f32 to vector<64x128xf32>
    %mul3A_306 = arith.mulf %convert_element_type3A_288, %mul3A_305 : vector<64x128xf32>
    %add3A_307 = vector.broadcast %squeeze3A : f32 to vector<64x128xf32>
    %add3A_308 = arith.addf %add3A_307, %mul3A_306 : vector<64x128xf32>
    %mul3A_309 = arith.mulf %div3A_303, %div3A_303 : vector<64x128xf32>
    %mul3A_310 = arith.mulf %mul3A_309, %log3A_304 : vector<64x128xf32>
    %mul3A_311 = arith.mulf %add3A_308, %mul3A_310 : vector<64x128xf32>
    %get3A_312 = arith.constant 1152 : index
    %get3A_313 = arith.constant 0 : index
    %get3A_314 = vector.load %arg2[%get3A_312, %get3A_313] : memref<7168x128xf32, #tpu.memory_space<vmem>>, vector<128x128xf32>
    %get3A_315 = arith.constant 576 : index
    %get3A_316 = arith.constant 0 : index
    %get3A_317 = vector.load %arg3[%get3A_315, %get3A_316] : memref<3584x128xi32, #tpu.memory_space<vmem>>, vector<64x128xi32>
    %convert_element_type3A_318 = arith.truncf %get3A_314 : vector<128x128xf32> to vector<128x128xbf16>
    %dot_general3A_319 = arith.constant dense<0.000000e+00> : vector<64x128xf32>
    %dot_general3A_320 = tpu.matmul %convert_element_type3A, %convert_element_type3A_318, %dot_general3A_319 {dimension_numbers = #tpu.dot_dimension_numbers<[1], [0], [0], [1], [0, 0, 1, 1], [], []>, transpose_lhs_hint = false} : vector<64x128xbf16>, vector<128x128xbf16>, vector<64x128xf32> -> vector<64x128xf32>
    %convert_element_type3A_321 = arith.sitofp %get3A_317 : vector<64x128xi32> to vector<64x128xf32>
    %mul3A_322 = arith.constant 2.000000e+00 : f32
    %mul3A_323 = vector.broadcast %mul3A_322 : f32 to vector<64x128xf32>
    %mul3A_324 = arith.mulf %mul3A_323, %convert_element_type3A_321 : vector<64x128xf32>
    %sub3A_325 = arith.constant 1.000000e+00 : f32
    %sub3A_326 = vector.broadcast %sub3A_325 : f32 to vector<64x128xf32>
    %sub3A_327 = arith.subf %sub3A_326, %mul3A_324 : vector<64x128xf32>
    %mul3A_328 = arith.mulf %dot_general3A_320, %sub3A_327 : vector<64x128xf32>
    %min3A_329 = arith.constant 8.000000e+01 : f32
    %min3A_330 = vector.broadcast %min3A_329 : f32 to vector<64x128xf32>
    %min3A_331 = arith.minimumf %mul3A_328, %min3A_330 : vector<64x128xf32>
    %exp3A_332 = math.exp %min3A_331 : vector<64x128xf32>
    %add3A_333 = arith.constant 1.000000e+00 : f32
    %add3A_334 = vector.broadcast %add3A_333 : f32 to vector<64x128xf32>
    %add3A_335 = arith.addf %add3A_334, %exp3A_332 : vector<64x128xf32>
    %div3A_336 = arith.divf %exp3A_332, %add3A_335 : vector<64x128xf32>
    %log3A_337 = math.log %add3A_335 : vector<64x128xf32>
    %mul3A_338 = vector.broadcast %sub3A : f32 to vector<64x128xf32>
    %mul3A_339 = arith.mulf %convert_element_type3A_321, %mul3A_338 : vector<64x128xf32>
    %add3A_340 = vector.broadcast %squeeze3A : f32 to vector<64x128xf32>
    %add3A_341 = arith.addf %add3A_340, %mul3A_339 : vector<64x128xf32>
    %mul3A_342 = arith.mulf %div3A_336, %div3A_336 : vector<64x128xf32>
    %mul3A_343 = arith.mulf %mul3A_342, %log3A_337 : vector<64x128xf32>
    %mul3A_344 = arith.mulf %add3A_341, %mul3A_343 : vector<64x128xf32>
    %get3A_345 = arith.constant 1280 : index
    %get3A_346 = arith.constant 0 : index
    %get3A_347 = vector.load %arg2[%get3A_345, %get3A_346] : memref<7168x128xf32, #tpu.memory_space<vmem>>, vector<128x128xf32>
    %get3A_348 = arith.constant 640 : index
    %get3A_349 = arith.constant 0 : index
    %get3A_350 = vector.load %arg3[%get3A_348, %get3A_349] : memref<3584x128xi32, #tpu.memory_space<vmem>>, vector<64x128xi32>
    %convert_element_type3A_351 = arith.truncf %get3A_347 : vector<128x128xf32> to vector<128x128xbf16>
    %dot_general3A_352 = arith.constant dense<0.000000e+00> : vector<64x128xf32>
    %dot_general3A_353 = tpu.matmul %convert_element_type3A, %convert_element_type3A_351, %dot_general3A_352 {dimension_numbers = #tpu.dot_dimension_numbers<[1], [0], [0], [1], [0, 0, 1, 1], [], []>, transpose_lhs_hint = false} : vector<64x128xbf16>, vector<128x128xbf16>, vector<64x128xf32> -> vector<64x128xf32>
    %convert_element_type3A_354 = arith.sitofp %get3A_350 : vector<64x128xi32> to vector<64x128xf32>
    %mul3A_355 = arith.constant 2.000000e+00 : f32
    %mul3A_356 = vector.broadcast %mul3A_355 : f32 to vector<64x128xf32>
    %mul3A_357 = arith.mulf %mul3A_356, %convert_element_type3A_354 : vector<64x128xf32>
    %sub3A_358 = arith.constant 1.000000e+00 : f32
    %sub3A_359 = vector.broadcast %sub3A_358 : f32 to vector<64x128xf32>
    %sub3A_360 = arith.subf %sub3A_359, %mul3A_357 : vector<64x128xf32>
    %mul3A_361 = arith.mulf %dot_general3A_353, %sub3A_360 : vector<64x128xf32>
    %min3A_362 = arith.constant 8.000000e+01 : f32
    %min3A_363 = vector.broadcast %min3A_362 : f32 to vector<64x128xf32>
    %min3A_364 = arith.minimumf %mul3A_361, %min3A_363 : vector<64x128xf32>
    %exp3A_365 = math.exp %min3A_364 : vector<64x128xf32>
    %add3A_366 = arith.constant 1.000000e+00 : f32
    %add3A_367 = vector.broadcast %add3A_366 : f32 to vector<64x128xf32>
    %add3A_368 = arith.addf %add3A_367, %exp3A_365 : vector<64x128xf32>
    %div3A_369 = arith.divf %exp3A_365, %add3A_368 : vector<64x128xf32>
    %log3A_370 = math.log %add3A_368 : vector<64x128xf32>
    %mul3A_371 = vector.broadcast %sub3A : f32 to vector<64x128xf32>
    %mul3A_372 = arith.mulf %convert_element_type3A_354, %mul3A_371 : vector<64x128xf32>
    %add3A_373 = vector.broadcast %squeeze3A : f32 to vector<64x128xf32>
    %add3A_374 = arith.addf %add3A_373, %mul3A_372 : vector<64x128xf32>
    %mul3A_375 = arith.mulf %div3A_369, %div3A_369 : vector<64x128xf32>
    %mul3A_376 = arith.mulf %mul3A_375, %log3A_370 : vector<64x128xf32>
    %mul3A_377 = arith.mulf %add3A_374, %mul3A_376 : vector<64x128xf32>
    %get3A_378 = arith.constant 1408 : index
    %get3A_379 = arith.constant 0 : index
    %get3A_380 = vector.load %arg2[%get3A_378, %get3A_379] : memref<7168x128xf32, #tpu.memory_space<vmem>>, vector<128x128xf32>
    %get3A_381 = arith.constant 704 : index
    %get3A_382 = arith.constant 0 : index
    %get3A_383 = vector.load %arg3[%get3A_381, %get3A_382] : memref<3584x128xi32, #tpu.memory_space<vmem>>, vector<64x128xi32>
    %convert_element_type3A_384 = arith.truncf %get3A_380 : vector<128x128xf32> to vector<128x128xbf16>
    %dot_general3A_385 = arith.constant dense<0.000000e+00> : vector<64x128xf32>
    %dot_general3A_386 = tpu.matmul %convert_element_type3A, %convert_element_type3A_384, %dot_general3A_385 {dimension_numbers = #tpu.dot_dimension_numbers<[1], [0], [0], [1], [0, 0, 1, 1], [], []>, transpose_lhs_hint = false} : vector<64x128xbf16>, vector<128x128xbf16>, vector<64x128xf32> -> vector<64x128xf32>
    %convert_element_type3A_387 = arith.sitofp %get3A_383 : vector<64x128xi32> to vector<64x128xf32>
    %mul3A_388 = arith.constant 2.000000e+00 : f32
    %mul3A_389 = vector.broadcast %mul3A_388 : f32 to vector<64x128xf32>
    %mul3A_390 = arith.mulf %mul3A_389, %convert_element_type3A_387 : vector<64x128xf32>
    %sub3A_391 = arith.constant 1.000000e+00 : f32
    %sub3A_392 = vector.broadcast %sub3A_391 : f32 to vector<64x128xf32>
    %sub3A_393 = arith.subf %sub3A_392, %mul3A_390 : vector<64x128xf32>
    %mul3A_394 = arith.mulf %dot_general3A_386, %sub3A_393 : vector<64x128xf32>
    %min3A_395 = arith.constant 8.000000e+01 : f32
    %min3A_396 = vector.broadcast %min3A_395 : f32 to vector<64x128xf32>
    %min3A_397 = arith.minimumf %mul3A_394, %min3A_396 : vector<64x128xf32>
    %exp3A_398 = math.exp %min3A_397 : vector<64x128xf32>
    %add3A_399 = arith.constant 1.000000e+00 : f32
    %add3A_400 = vector.broadcast %add3A_399 : f32 to vector<64x128xf32>
    %add3A_401 = arith.addf %add3A_400, %exp3A_398 : vector<64x128xf32>
    %div3A_402 = arith.divf %exp3A_398, %add3A_401 : vector<64x128xf32>
    %log3A_403 = math.log %add3A_401 : vector<64x128xf32>
    %mul3A_404 = vector.broadcast %sub3A : f32 to vector<64x128xf32>
    %mul3A_405 = arith.mulf %convert_element_type3A_387, %mul3A_404 : vector<64x128xf32>
    %add3A_406 = vector.broadcast %squeeze3A : f32 to vector<64x128xf32>
    %add3A_407 = arith.addf %add3A_406, %mul3A_405 : vector<64x128xf32>
    %mul3A_408 = arith.mulf %div3A_402, %div3A_402 : vector<64x128xf32>
    %mul3A_409 = arith.mulf %mul3A_408, %log3A_403 : vector<64x128xf32>
    %mul3A_410 = arith.mulf %add3A_407, %mul3A_409 : vector<64x128xf32>
    %get3A_411 = arith.constant 1536 : index
    %get3A_412 = arith.constant 0 : index
    %get3A_413 = vector.load %arg2[%get3A_411, %get3A_412] : memref<7168x128xf32, #tpu.memory_space<vmem>>, vector<128x128xf32>
    %get3A_414 = arith.constant 768 : index
    %get3A_415 = arith.constant 0 : index
    %get3A_416 = vector.load %arg3[%get3A_414, %get3A_415] : memref<3584x128xi32, #tpu.memory_space<vmem>>, vector<64x128xi32>
    %convert_element_type3A_417 = arith.truncf %get3A_413 : vector<128x128xf32> to vector<128x128xbf16>
    %dot_general3A_418 = arith.constant dense<0.000000e+00> : vector<64x128xf32>
    %dot_general3A_419 = tpu.matmul %convert_element_type3A, %convert_element_type3A_417, %dot_general3A_418 {dimension_numbers = #tpu.dot_dimension_numbers<[1], [0], [0], [1], [0, 0, 1, 1], [], []>, transpose_lhs_hint = false} : vector<64x128xbf16>, vector<128x128xbf16>, vector<64x128xf32> -> vector<64x128xf32>
    %convert_element_type3A_420 = arith.sitofp %get3A_416 : vector<64x128xi32> to vector<64x128xf32>
    %mul3A_421 = arith.constant 2.000000e+00 : f32
    %mul3A_422 = vector.broadcast %mul3A_421 : f32 to vector<64x128xf32>
    %mul3A_423 = arith.mulf %mul3A_422, %convert_element_type3A_420 : vector<64x128xf32>
    %sub3A_424 = arith.constant 1.000000e+00 : f32
    %sub3A_425 = vector.broadcast %sub3A_424 : f32 to vector<64x128xf32>
    %sub3A_426 = arith.subf %sub3A_425, %mul3A_423 : vector<64x128xf32>
    %mul3A_427 = arith.mulf %dot_general3A_419, %sub3A_426 : vector<64x128xf32>
    %min3A_428 = arith.constant 8.000000e+01 : f32
    %min3A_429 = vector.broadcast %min3A_428 : f32 to vector<64x128xf32>
    %min3A_430 = arith.minimumf %mul3A_427, %min3A_429 : vector<64x128xf32>
    %exp3A_431 = math.exp %min3A_430 : vector<64x128xf32>
    %add3A_432 = arith.constant 1.000000e+00 : f32
    %add3A_433 = vector.broadcast %add3A_432 : f32 to vector<64x128xf32>
    %add3A_434 = arith.addf %add3A_433, %exp3A_431 : vector<64x128xf32>
    %div3A_435 = arith.divf %exp3A_431, %add3A_434 : vector<64x128xf32>
    %log3A_436 = math.log %add3A_434 : vector<64x128xf32>
    %mul3A_437 = vector.broadcast %sub3A : f32 to vector<64x128xf32>
    %mul3A_438 = arith.mulf %convert_element_type3A_420, %mul3A_437 : vector<64x128xf32>
    %add3A_439 = vector.broadcast %squeeze3A : f32 to vector<64x128xf32>
    %add3A_440 = arith.addf %add3A_439, %mul3A_438 : vector<64x128xf32>
    %mul3A_441 = arith.mulf %div3A_435, %div3A_435 : vector<64x128xf32>
    %mul3A_442 = arith.mulf %mul3A_441, %log3A_436 : vector<64x128xf32>
    %mul3A_443 = arith.mulf %add3A_440, %mul3A_442 : vector<64x128xf32>
    %get3A_444 = arith.constant 1664 : index
    %get3A_445 = arith.constant 0 : index
    %get3A_446 = vector.load %arg2[%get3A_444, %get3A_445] : memref<7168x128xf32, #tpu.memory_space<vmem>>, vector<128x128xf32>
    %get3A_447 = arith.constant 832 : index
    %get3A_448 = arith.constant 0 : index
    %get3A_449 = vector.load %arg3[%get3A_447, %get3A_448] : memref<3584x128xi32, #tpu.memory_space<vmem>>, vector<64x128xi32>
    %convert_element_type3A_450 = arith.truncf %get3A_446 : vector<128x128xf32> to vector<128x128xbf16>
    %dot_general3A_451 = arith.constant dense<0.000000e+00> : vector<64x128xf32>
    %dot_general3A_452 = tpu.matmul %convert_element_type3A, %convert_element_type3A_450, %dot_general3A_451 {dimension_numbers = #tpu.dot_dimension_numbers<[1], [0], [0], [1], [0, 0, 1, 1], [], []>, transpose_lhs_hint = false} : vector<64x128xbf16>, vector<128x128xbf16>, vector<64x128xf32> -> vector<64x128xf32>
    %convert_element_type3A_453 = arith.sitofp %get3A_449 : vector<64x128xi32> to vector<64x128xf32>
    %mul3A_454 = arith.constant 2.000000e+00 : f32
    %mul3A_455 = vector.broadcast %mul3A_454 : f32 to vector<64x128xf32>
    %mul3A_456 = arith.mulf %mul3A_455, %convert_element_type3A_453 : vector<64x128xf32>
    %sub3A_457 = arith.constant 1.000000e+00 : f32
    %sub3A_458 = vector.broadcast %sub3A_457 : f32 to vector<64x128xf32>
    %sub3A_459 = arith.subf %sub3A_458, %mul3A_456 : vector<64x128xf32>
    %mul3A_460 = arith.mulf %dot_general3A_452, %sub3A_459 : vector<64x128xf32>
    %min3A_461 = arith.constant 8.000000e+01 : f32
    %min3A_462 = vector.broadcast %min3A_461 : f32 to vector<64x128xf32>
    %min3A_463 = arith.minimumf %mul3A_460, %min3A_462 : vector<64x128xf32>
    %exp3A_464 = math.exp %min3A_463 : vector<64x128xf32>
    %add3A_465 = arith.constant 1.000000e+00 : f32
    %add3A_466 = vector.broadcast %add3A_465 : f32 to vector<64x128xf32>
    %add3A_467 = arith.addf %add3A_466, %exp3A_464 : vector<64x128xf32>
    %div3A_468 = arith.divf %exp3A_464, %add3A_467 : vector<64x128xf32>
    %log3A_469 = math.log %add3A_467 : vector<64x128xf32>
    %mul3A_470 = vector.broadcast %sub3A : f32 to vector<64x128xf32>
    %mul3A_471 = arith.mulf %convert_element_type3A_453, %mul3A_470 : vector<64x128xf32>
    %add3A_472 = vector.broadcast %squeeze3A : f32 to vector<64x128xf32>
    %add3A_473 = arith.addf %add3A_472, %mul3A_471 : vector<64x128xf32>
    %mul3A_474 = arith.mulf %div3A_468, %div3A_468 : vector<64x128xf32>
    %mul3A_475 = arith.mulf %mul3A_474, %log3A_469 : vector<64x128xf32>
    %mul3A_476 = arith.mulf %add3A_473, %mul3A_475 : vector<64x128xf32>
    %get3A_477 = arith.constant 1792 : index
    %get3A_478 = arith.constant 0 : index
    %get3A_479 = vector.load %arg2[%get3A_477, %get3A_478] : memref<7168x128xf32, #tpu.memory_space<vmem>>, vector<128x128xf32>
    %get3A_480 = arith.constant 896 : index
    %get3A_481 = arith.constant 0 : index
    %get3A_482 = vector.load %arg3[%get3A_480, %get3A_481] : memref<3584x128xi32, #tpu.memory_space<vmem>>, vector<64x128xi32>
    %convert_element_type3A_483 = arith.truncf %get3A_479 : vector<128x128xf32> to vector<128x128xbf16>
    %dot_general3A_484 = arith.constant dense<0.000000e+00> : vector<64x128xf32>
    %dot_general3A_485 = tpu.matmul %convert_element_type3A, %convert_element_type3A_483, %dot_general3A_484 {dimension_numbers = #tpu.dot_dimension_numbers<[1], [0], [0], [1], [0, 0, 1, 1], [], []>, transpose_lhs_hint = false} : vector<64x128xbf16>, vector<128x128xbf16>, vector<64x128xf32> -> vector<64x128xf32>
    %convert_element_type3A_486 = arith.sitofp %get3A_482 : vector<64x128xi32> to vector<64x128xf32>
    %mul3A_487 = arith.constant 2.000000e+00 : f32
    %mul3A_488 = vector.broadcast %mul3A_487 : f32 to vector<64x128xf32>
    %mul3A_489 = arith.mulf %mul3A_488, %convert_element_type3A_486 : vector<64x128xf32>
    %sub3A_490 = arith.constant 1.000000e+00 : f32
    %sub3A_491 = vector.broadcast %sub3A_490 : f32 to vector<64x128xf32>
    %sub3A_492 = arith.subf %sub3A_491, %mul3A_489 : vector<64x128xf32>
    %mul3A_493 = arith.mulf %dot_general3A_485, %sub3A_492 : vector<64x128xf32>
    %min3A_494 = arith.constant 8.000000e+01 : f32
    %min3A_495 = vector.broadcast %min3A_494 : f32 to vector<64x128xf32>
    %min3A_496 = arith.minimumf %mul3A_493, %min3A_495 : vector<64x128xf32>
    %exp3A_497 = math.exp %min3A_496 : vector<64x128xf32>
    %add3A_498 = arith.constant 1.000000e+00 : f32
    %add3A_499 = vector.broadcast %add3A_498 : f32 to vector<64x128xf32>
    %add3A_500 = arith.addf %add3A_499, %exp3A_497 : vector<64x128xf32>
    %div3A_501 = arith.divf %exp3A_497, %add3A_500 : vector<64x128xf32>
    %log3A_502 = math.log %add3A_500 : vector<64x128xf32>
    %mul3A_503 = vector.broadcast %sub3A : f32 to vector<64x128xf32>
    %mul3A_504 = arith.mulf %convert_element_type3A_486, %mul3A_503 : vector<64x128xf32>
    %add3A_505 = vector.broadcast %squeeze3A : f32 to vector<64x128xf32>
    %add3A_506 = arith.addf %add3A_505, %mul3A_504 : vector<64x128xf32>
    %mul3A_507 = arith.mulf %div3A_501, %div3A_501 : vector<64x128xf32>
    %mul3A_508 = arith.mulf %mul3A_507, %log3A_502 : vector<64x128xf32>
    %mul3A_509 = arith.mulf %add3A_506, %mul3A_508 : vector<64x128xf32>
    %get3A_510 = arith.constant 1920 : index
    %get3A_511 = arith.constant 0 : index
    %get3A_512 = vector.load %arg2[%get3A_510, %get3A_511] : memref<7168x128xf32, #tpu.memory_space<vmem>>, vector<128x128xf32>
    %get3A_513 = arith.constant 960 : index
    %get3A_514 = arith.constant 0 : index
    %get3A_515 = vector.load %arg3[%get3A_513, %get3A_514] : memref<3584x128xi32, #tpu.memory_space<vmem>>, vector<64x128xi32>
    %convert_element_type3A_516 = arith.truncf %get3A_512 : vector<128x128xf32> to vector<128x128xbf16>
    %dot_general3A_517 = arith.constant dense<0.000000e+00> : vector<64x128xf32>
    %dot_general3A_518 = tpu.matmul %convert_element_type3A, %convert_element_type3A_516, %dot_general3A_517 {dimension_numbers = #tpu.dot_dimension_numbers<[1], [0], [0], [1], [0, 0, 1, 1], [], []>, transpose_lhs_hint = false} : vector<64x128xbf16>, vector<128x128xbf16>, vector<64x128xf32> -> vector<64x128xf32>
    %convert_element_type3A_519 = arith.sitofp %get3A_515 : vector<64x128xi32> to vector<64x128xf32>
    %mul3A_520 = arith.constant 2.000000e+00 : f32
    %mul3A_521 = vector.broadcast %mul3A_520 : f32 to vector<64x128xf32>
    %mul3A_522 = arith.mulf %mul3A_521, %convert_element_type3A_519 : vector<64x128xf32>
    %sub3A_523 = arith.constant 1.000000e+00 : f32
    %sub3A_524 = vector.broadcast %sub3A_523 : f32 to vector<64x128xf32>
    %sub3A_525 = arith.subf %sub3A_524, %mul3A_522 : vector<64x128xf32>
    %mul3A_526 = arith.mulf %dot_general3A_518, %sub3A_525 : vector<64x128xf32>
    %min3A_527 = arith.constant 8.000000e+01 : f32
    %min3A_528 = vector.broadcast %min3A_527 : f32 to vector<64x128xf32>
    %min3A_529 = arith.minimumf %mul3A_526, %min3A_528 : vector<64x128xf32>
    %exp3A_530 = math.exp %min3A_529 : vector<64x128xf32>
    %add3A_531 = arith.constant 1.000000e+00 : f32
    %add3A_532 = vector.broadcast %add3A_531 : f32 to vector<64x128xf32>
    %add3A_533 = arith.addf %add3A_532, %exp3A_530 : vector<64x128xf32>
    %div3A_534 = arith.divf %exp3A_530, %add3A_533 : vector<64x128xf32>
    %log3A_535 = math.log %add3A_533 : vector<64x128xf32>
    %mul3A_536 = vector.broadcast %sub3A : f32 to vector<64x128xf32>
    %mul3A_537 = arith.mulf %convert_element_type3A_519, %mul3A_536 : vector<64x128xf32>
    %add3A_538 = vector.broadcast %squeeze3A : f32 to vector<64x128xf32>
    %add3A_539 = arith.addf %add3A_538, %mul3A_537 : vector<64x128xf32>
    %mul3A_540 = arith.mulf %div3A_534, %div3A_534 : vector<64x128xf32>
    %mul3A_541 = arith.mulf %mul3A_540, %log3A_535 : vector<64x128xf32>
    %mul3A_542 = arith.mulf %add3A_539, %mul3A_541 : vector<64x128xf32>
    %get3A_543 = arith.constant 2048 : index
    %get3A_544 = arith.constant 0 : index
    %get3A_545 = vector.load %arg2[%get3A_543, %get3A_544] : memref<7168x128xf32, #tpu.memory_space<vmem>>, vector<128x128xf32>
    %get3A_546 = arith.constant 1024 : index
    %get3A_547 = arith.constant 0 : index
    %get3A_548 = vector.load %arg3[%get3A_546, %get3A_547] : memref<3584x128xi32, #tpu.memory_space<vmem>>, vector<64x128xi32>
    %convert_element_type3A_549 = arith.truncf %get3A_545 : vector<128x128xf32> to vector<128x128xbf16>
    %dot_general3A_550 = arith.constant dense<0.000000e+00> : vector<64x128xf32>
    %dot_general3A_551 = tpu.matmul %convert_element_type3A, %convert_element_type3A_549, %dot_general3A_550 {dimension_numbers = #tpu.dot_dimension_numbers<[1], [0], [0], [1], [0, 0, 1, 1], [], []>, transpose_lhs_hint = false} : vector<64x128xbf16>, vector<128x128xbf16>, vector<64x128xf32> -> vector<64x128xf32>
    %convert_element_type3A_552 = arith.sitofp %get3A_548 : vector<64x128xi32> to vector<64x128xf32>
    %mul3A_553 = arith.constant 2.000000e+00 : f32
    %mul3A_554 = vector.broadcast %mul3A_553 : f32 to vector<64x128xf32>
    %mul3A_555 = arith.mulf %mul3A_554, %convert_element_type3A_552 : vector<64x128xf32>
    %sub3A_556 = arith.constant 1.000000e+00 : f32
    %sub3A_557 = vector.broadcast %sub3A_556 : f32 to vector<64x128xf32>
    %sub3A_558 = arith.subf %sub3A_557, %mul3A_555 : vector<64x128xf32>
    %mul3A_559 = arith.mulf %dot_general3A_551, %sub3A_558 : vector<64x128xf32>
    %min3A_560 = arith.constant 8.000000e+01 : f32
    %min3A_561 = vector.broadcast %min3A_560 : f32 to vector<64x128xf32>
    %min3A_562 = arith.minimumf %mul3A_559, %min3A_561 : vector<64x128xf32>
    %exp3A_563 = math.exp %min3A_562 : vector<64x128xf32>
    %add3A_564 = arith.constant 1.000000e+00 : f32
    %add3A_565 = vector.broadcast %add3A_564 : f32 to vector<64x128xf32>
    %add3A_566 = arith.addf %add3A_565, %exp3A_563 : vector<64x128xf32>
    %div3A_567 = arith.divf %exp3A_563, %add3A_566 : vector<64x128xf32>
    %log3A_568 = math.log %add3A_566 : vector<64x128xf32>
    %mul3A_569 = vector.broadcast %sub3A : f32 to vector<64x128xf32>
    %mul3A_570 = arith.mulf %convert_element_type3A_552, %mul3A_569 : vector<64x128xf32>
    %add3A_571 = vector.broadcast %squeeze3A : f32 to vector<64x128xf32>
    %add3A_572 = arith.addf %add3A_571, %mul3A_570 : vector<64x128xf32>
    %mul3A_573 = arith.mulf %div3A_567, %div3A_567 : vector<64x128xf32>
    %mul3A_574 = arith.mulf %mul3A_573, %log3A_568 : vector<64x128xf32>
    %mul3A_575 = arith.mulf %add3A_572, %mul3A_574 : vector<64x128xf32>
    %get3A_576 = arith.constant 2176 : index
    %get3A_577 = arith.constant 0 : index
    %get3A_578 = vector.load %arg2[%get3A_576, %get3A_577] : memref<7168x128xf32, #tpu.memory_space<vmem>>, vector<128x128xf32>
    %get3A_579 = arith.constant 1088 : index
    %get3A_580 = arith.constant 0 : index
    %get3A_581 = vector.load %arg3[%get3A_579, %get3A_580] : memref<3584x128xi32, #tpu.memory_space<vmem>>, vector<64x128xi32>
    %convert_element_type3A_582 = arith.truncf %get3A_578 : vector<128x128xf32> to vector<128x128xbf16>
    %dot_general3A_583 = arith.constant dense<0.000000e+00> : vector<64x128xf32>
    %dot_general3A_584 = tpu.matmul %convert_element_type3A, %convert_element_type3A_582, %dot_general3A_583 {dimension_numbers = #tpu.dot_dimension_numbers<[1], [0], [0], [1], [0, 0, 1, 1], [], []>, transpose_lhs_hint = false} : vector<64x128xbf16>, vector<128x128xbf16>, vector<64x128xf32> -> vector<64x128xf32>
    %convert_element_type3A_585 = arith.sitofp %get3A_581 : vector<64x128xi32> to vector<64x128xf32>
    %mul3A_586 = arith.constant 2.000000e+00 : f32
    %mul3A_587 = vector.broadcast %mul3A_586 : f32 to vector<64x128xf32>
    %mul3A_588 = arith.mulf %mul3A_587, %convert_element_type3A_585 : vector<64x128xf32>
    %sub3A_589 = arith.constant 1.000000e+00 : f32
    %sub3A_590 = vector.broadcast %sub3A_589 : f32 to vector<64x128xf32>
    %sub3A_591 = arith.subf %sub3A_590, %mul3A_588 : vector<64x128xf32>
    %mul3A_592 = arith.mulf %dot_general3A_584, %sub3A_591 : vector<64x128xf32>
    %min3A_593 = arith.constant 8.000000e+01 : f32
    %min3A_594 = vector.broadcast %min3A_593 : f32 to vector<64x128xf32>
    %min3A_595 = arith.minimumf %mul3A_592, %min3A_594 : vector<64x128xf32>
    %exp3A_596 = math.exp %min3A_595 : vector<64x128xf32>
    %add3A_597 = arith.constant 1.000000e+00 : f32
    %add3A_598 = vector.broadcast %add3A_597 : f32 to vector<64x128xf32>
    %add3A_599 = arith.addf %add3A_598, %exp3A_596 : vector<64x128xf32>
    %div3A_600 = arith.divf %exp3A_596, %add3A_599 : vector<64x128xf32>
    %log3A_601 = math.log %add3A_599 : vector<64x128xf32>
    %mul3A_602 = vector.broadcast %sub3A : f32 to vector<64x128xf32>
    %mul3A_603 = arith.mulf %convert_element_type3A_585, %mul3A_602 : vector<64x128xf32>
    %add3A_604 = vector.broadcast %squeeze3A : f32 to vector<64x128xf32>
    %add3A_605 = arith.addf %add3A_604, %mul3A_603 : vector<64x128xf32>
    %mul3A_606 = arith.mulf %div3A_600, %div3A_600 : vector<64x128xf32>
    %mul3A_607 = arith.mulf %mul3A_606, %log3A_601 : vector<64x128xf32>
    %mul3A_608 = arith.mulf %add3A_605, %mul3A_607 : vector<64x128xf32>
    %get3A_609 = arith.constant 2304 : index
    %get3A_610 = arith.constant 0 : index
    %get3A_611 = vector.load %arg2[%get3A_609, %get3A_610] : memref<7168x128xf32, #tpu.memory_space<vmem>>, vector<128x128xf32>
    %get3A_612 = arith.constant 1152 : index
    %get3A_613 = arith.constant 0 : index
    %get3A_614 = vector.load %arg3[%get3A_612, %get3A_613] : memref<3584x128xi32, #tpu.memory_space<vmem>>, vector<64x128xi32>
    %convert_element_type3A_615 = arith.truncf %get3A_611 : vector<128x128xf32> to vector<128x128xbf16>
    %dot_general3A_616 = arith.constant dense<0.000000e+00> : vector<64x128xf32>
    %dot_general3A_617 = tpu.matmul %convert_element_type3A, %convert_element_type3A_615, %dot_general3A_616 {dimension_numbers = #tpu.dot_dimension_numbers<[1], [0], [0], [1], [0, 0, 1, 1], [], []>, transpose_lhs_hint = false} : vector<64x128xbf16>, vector<128x128xbf16>, vector<64x128xf32> -> vector<64x128xf32>
    %convert_element_type3A_618 = arith.sitofp %get3A_614 : vector<64x128xi32> to vector<64x128xf32>
    %mul3A_619 = arith.constant 2.000000e+00 : f32
    %mul3A_620 = vector.broadcast %mul3A_619 : f32 to vector<64x128xf32>
    %mul3A_621 = arith.mulf %mul3A_620, %convert_element_type3A_618 : vector<64x128xf32>
    %sub3A_622 = arith.constant 1.000000e+00 : f32
    %sub3A_623 = vector.broadcast %sub3A_622 : f32 to vector<64x128xf32>
    %sub3A_624 = arith.subf %sub3A_623, %mul3A_621 : vector<64x128xf32>
    %mul3A_625 = arith.mulf %dot_general3A_617, %sub3A_624 : vector<64x128xf32>
    %min3A_626 = arith.constant 8.000000e+01 : f32
    %min3A_627 = vector.broadcast %min3A_626 : f32 to vector<64x128xf32>
    %min3A_628 = arith.minimumf %mul3A_625, %min3A_627 : vector<64x128xf32>
    %exp3A_629 = math.exp %min3A_628 : vector<64x128xf32>
    %add3A_630 = arith.constant 1.000000e+00 : f32
    %add3A_631 = vector.broadcast %add3A_630 : f32 to vector<64x128xf32>
    %add3A_632 = arith.addf %add3A_631, %exp3A_629 : vector<64x128xf32>
    %div3A_633 = arith.divf %exp3A_629, %add3A_632 : vector<64x128xf32>
    %log3A_634 = math.log %add3A_632 : vector<64x128xf32>
    %mul3A_635 = vector.broadcast %sub3A : f32 to vector<64x128xf32>
    %mul3A_636 = arith.mulf %convert_element_type3A_618, %mul3A_635 : vector<64x128xf32>
    %add3A_637 = vector.broadcast %squeeze3A : f32 to vector<64x128xf32>
    %add3A_638 = arith.addf %add3A_637, %mul3A_636 : vector<64x128xf32>
    %mul3A_639 = arith.mulf %div3A_633, %div3A_633 : vector<64x128xf32>
    %mul3A_640 = arith.mulf %mul3A_639, %log3A_634 : vector<64x128xf32>
    %mul3A_641 = arith.mulf %add3A_638, %mul3A_640 : vector<64x128xf32>
    %get3A_642 = arith.constant 2432 : index
    %get3A_643 = arith.constant 0 : index
    %get3A_644 = vector.load %arg2[%get3A_642, %get3A_643] : memref<7168x128xf32, #tpu.memory_space<vmem>>, vector<128x128xf32>
    %get3A_645 = arith.constant 1216 : index
    %get3A_646 = arith.constant 0 : index
    %get3A_647 = vector.load %arg3[%get3A_645, %get3A_646] : memref<3584x128xi32, #tpu.memory_space<vmem>>, vector<64x128xi32>
    %convert_element_type3A_648 = arith.truncf %get3A_644 : vector<128x128xf32> to vector<128x128xbf16>
    %dot_general3A_649 = arith.constant dense<0.000000e+00> : vector<64x128xf32>
    %dot_general3A_650 = tpu.matmul %convert_element_type3A, %convert_element_type3A_648, %dot_general3A_649 {dimension_numbers = #tpu.dot_dimension_numbers<[1], [0], [0], [1], [0, 0, 1, 1], [], []>, transpose_lhs_hint = false} : vector<64x128xbf16>, vector<128x128xbf16>, vector<64x128xf32> -> vector<64x128xf32>
    %convert_element_type3A_651 = arith.sitofp %get3A_647 : vector<64x128xi32> to vector<64x128xf32>
    %mul3A_652 = arith.constant 2.000000e+00 : f32
    %mul3A_653 = vector.broadcast %mul3A_652 : f32 to vector<64x128xf32>
    %mul3A_654 = arith.mulf %mul3A_653, %convert_element_type3A_651 : vector<64x128xf32>
    %sub3A_655 = arith.constant 1.000000e+00 : f32
    %sub3A_656 = vector.broadcast %sub3A_655 : f32 to vector<64x128xf32>
    %sub3A_657 = arith.subf %sub3A_656, %mul3A_654 : vector<64x128xf32>
    %mul3A_658 = arith.mulf %dot_general3A_650, %sub3A_657 : vector<64x128xf32>
    %min3A_659 = arith.constant 8.000000e+01 : f32
    %min3A_660 = vector.broadcast %min3A_659 : f32 to vector<64x128xf32>
    %min3A_661 = arith.minimumf %mul3A_658, %min3A_660 : vector<64x128xf32>
    %exp3A_662 = math.exp %min3A_661 : vector<64x128xf32>
    %add3A_663 = arith.constant 1.000000e+00 : f32
    %add3A_664 = vector.broadcast %add3A_663 : f32 to vector<64x128xf32>
    %add3A_665 = arith.addf %add3A_664, %exp3A_662 : vector<64x128xf32>
    %div3A_666 = arith.divf %exp3A_662, %add3A_665 : vector<64x128xf32>
    %log3A_667 = math.log %add3A_665 : vector<64x128xf32>
    %mul3A_668 = vector.broadcast %sub3A : f32 to vector<64x128xf32>
    %mul3A_669 = arith.mulf %convert_element_type3A_651, %mul3A_668 : vector<64x128xf32>
    %add3A_670 = vector.broadcast %squeeze3A : f32 to vector<64x128xf32>
    %add3A_671 = arith.addf %add3A_670, %mul3A_669 : vector<64x128xf32>
    %mul3A_672 = arith.mulf %div3A_666, %div3A_666 : vector<64x128xf32>
    %mul3A_673 = arith.mulf %mul3A_672, %log3A_667 : vector<64x128xf32>
    %mul3A_674 = arith.mulf %add3A_671, %mul3A_673 : vector<64x128xf32>
    %get3A_675 = arith.constant 2560 : index
    %get3A_676 = arith.constant 0 : index
    %get3A_677 = vector.load %arg2[%get3A_675, %get3A_676] : memref<7168x128xf32, #tpu.memory_space<vmem>>, vector<128x128xf32>
    %get3A_678 = arith.constant 1280 : index
    %get3A_679 = arith.constant 0 : index
    %get3A_680 = vector.load %arg3[%get3A_678, %get3A_679] : memref<3584x128xi32, #tpu.memory_space<vmem>>, vector<64x128xi32>
    %convert_element_type3A_681 = arith.truncf %get3A_677 : vector<128x128xf32> to vector<128x128xbf16>
    %dot_general3A_682 = arith.constant dense<0.000000e+00> : vector<64x128xf32>
    %dot_general3A_683 = tpu.matmul %convert_element_type3A, %convert_element_type3A_681, %dot_general3A_682 {dimension_numbers = #tpu.dot_dimension_numbers<[1], [0], [0], [1], [0, 0, 1, 1], [], []>, transpose_lhs_hint = false} : vector<64x128xbf16>, vector<128x128xbf16>, vector<64x128xf32> -> vector<64x128xf32>
    %convert_element_type3A_684 = arith.sitofp %get3A_680 : vector<64x128xi32> to vector<64x128xf32>
    %mul3A_685 = arith.constant 2.000000e+00 : f32
    %mul3A_686 = vector.broadcast %mul3A_685 : f32 to vector<64x128xf32>
    %mul3A_687 = arith.mulf %mul3A_686, %convert_element_type3A_684 : vector<64x128xf32>
    %sub3A_688 = arith.constant 1.000000e+00 : f32
    %sub3A_689 = vector.broadcast %sub3A_688 : f32 to vector<64x128xf32>
    %sub3A_690 = arith.subf %sub3A_689, %mul3A_687 : vector<64x128xf32>
    %mul3A_691 = arith.mulf %dot_general3A_683, %sub3A_690 : vector<64x128xf32>
    %min3A_692 = arith.constant 8.000000e+01 : f32
    %min3A_693 = vector.broadcast %min3A_692 : f32 to vector<64x128xf32>
    %min3A_694 = arith.minimumf %mul3A_691, %min3A_693 : vector<64x128xf32>
    %exp3A_695 = math.exp %min3A_694 : vector<64x128xf32>
    %add3A_696 = arith.constant 1.000000e+00 : f32
    %add3A_697 = vector.broadcast %add3A_696 : f32 to vector<64x128xf32>
    %add3A_698 = arith.addf %add3A_697, %exp3A_695 : vector<64x128xf32>
    %div3A_699 = arith.divf %exp3A_695, %add3A_698 : vector<64x128xf32>
    %log3A_700 = math.log %add3A_698 : vector<64x128xf32>
    %mul3A_701 = vector.broadcast %sub3A : f32 to vector<64x128xf32>
    %mul3A_702 = arith.mulf %convert_element_type3A_684, %mul3A_701 : vector<64x128xf32>
    %add3A_703 = vector.broadcast %squeeze3A : f32 to vector<64x128xf32>
    %add3A_704 = arith.addf %add3A_703, %mul3A_702 : vector<64x128xf32>
    %mul3A_705 = arith.mulf %div3A_699, %div3A_699 : vector<64x128xf32>
    %mul3A_706 = arith.mulf %mul3A_705, %log3A_700 : vector<64x128xf32>
    %mul3A_707 = arith.mulf %add3A_704, %mul3A_706 : vector<64x128xf32>
    %get3A_708 = arith.constant 2688 : index
    %get3A_709 = arith.constant 0 : index
    %get3A_710 = vector.load %arg2[%get3A_708, %get3A_709] : memref<7168x128xf32, #tpu.memory_space<vmem>>, vector<128x128xf32>
    %get3A_711 = arith.constant 1344 : index
    %get3A_712 = arith.constant 0 : index
    %get3A_713 = vector.load %arg3[%get3A_711, %get3A_712] : memref<3584x128xi32, #tpu.memory_space<vmem>>, vector<64x128xi32>
    %convert_element_type3A_714 = arith.truncf %get3A_710 : vector<128x128xf32> to vector<128x128xbf16>
    %dot_general3A_715 = arith.constant dense<0.000000e+00> : vector<64x128xf32>
    %dot_general3A_716 = tpu.matmul %convert_element_type3A, %convert_element_type3A_714, %dot_general3A_715 {dimension_numbers = #tpu.dot_dimension_numbers<[1], [0], [0], [1], [0, 0, 1, 1], [], []>, transpose_lhs_hint = false} : vector<64x128xbf16>, vector<128x128xbf16>, vector<64x128xf32> -> vector<64x128xf32>
    %convert_element_type3A_717 = arith.sitofp %get3A_713 : vector<64x128xi32> to vector<64x128xf32>
    %mul3A_718 = arith.constant 2.000000e+00 : f32
    %mul3A_719 = vector.broadcast %mul3A_718 : f32 to vector<64x128xf32>
    %mul3A_720 = arith.mulf %mul3A_719, %convert_element_type3A_717 : vector<64x128xf32>
    %sub3A_721 = arith.constant 1.000000e+00 : f32
    %sub3A_722 = vector.broadcast %sub3A_721 : f32 to vector<64x128xf32>
    %sub3A_723 = arith.subf %sub3A_722, %mul3A_720 : vector<64x128xf32>
    %mul3A_724 = arith.mulf %dot_general3A_716, %sub3A_723 : vector<64x128xf32>
    %min3A_725 = arith.constant 8.000000e+01 : f32
    %min3A_726 = vector.broadcast %min3A_725 : f32 to vector<64x128xf32>
    %min3A_727 = arith.minimumf %mul3A_724, %min3A_726 : vector<64x128xf32>
    %exp3A_728 = math.exp %min3A_727 : vector<64x128xf32>
    %add3A_729 = arith.constant 1.000000e+00 : f32
    %add3A_730 = vector.broadcast %add3A_729 : f32 to vector<64x128xf32>
    %add3A_731 = arith.addf %add3A_730, %exp3A_728 : vector<64x128xf32>
    %div3A_732 = arith.divf %exp3A_728, %add3A_731 : vector<64x128xf32>
    %log3A_733 = math.log %add3A_731 : vector<64x128xf32>
    %mul3A_734 = vector.broadcast %sub3A : f32 to vector<64x128xf32>
    %mul3A_735 = arith.mulf %convert_element_type3A_717, %mul3A_734 : vector<64x128xf32>
    %add3A_736 = vector.broadcast %squeeze3A : f32 to vector<64x128xf32>
    %add3A_737 = arith.addf %add3A_736, %mul3A_735 : vector<64x128xf32>
    %mul3A_738 = arith.mulf %div3A_732, %div3A_732 : vector<64x128xf32>
    %mul3A_739 = arith.mulf %mul3A_738, %log3A_733 : vector<64x128xf32>
    %mul3A_740 = arith.mulf %add3A_737, %mul3A_739 : vector<64x128xf32>
    %get3A_741 = arith.constant 2816 : index
    %get3A_742 = arith.constant 0 : index
    %get3A_743 = vector.load %arg2[%get3A_741, %get3A_742] : memref<7168x128xf32, #tpu.memory_space<vmem>>, vector<128x128xf32>
    %get3A_744 = arith.constant 1408 : index
    %get3A_745 = arith.constant 0 : index
    %get3A_746 = vector.load %arg3[%get3A_744, %get3A_745] : memref<3584x128xi32, #tpu.memory_space<vmem>>, vector<64x128xi32>
    %convert_element_type3A_747 = arith.truncf %get3A_743 : vector<128x128xf32> to vector<128x128xbf16>
    %dot_general3A_748 = arith.constant dense<0.000000e+00> : vector<64x128xf32>
    %dot_general3A_749 = tpu.matmul %convert_element_type3A, %convert_element_type3A_747, %dot_general3A_748 {dimension_numbers = #tpu.dot_dimension_numbers<[1], [0], [0], [1], [0, 0, 1, 1], [], []>, transpose_lhs_hint = false} : vector<64x128xbf16>, vector<128x128xbf16>, vector<64x128xf32> -> vector<64x128xf32>
    %convert_element_type3A_750 = arith.sitofp %get3A_746 : vector<64x128xi32> to vector<64x128xf32>
    %mul3A_751 = arith.constant 2.000000e+00 : f32
    %mul3A_752 = vector.broadcast %mul3A_751 : f32 to vector<64x128xf32>
    %mul3A_753 = arith.mulf %mul3A_752, %convert_element_type3A_750 : vector<64x128xf32>
    %sub3A_754 = arith.constant 1.000000e+00 : f32
    %sub3A_755 = vector.broadcast %sub3A_754 : f32 to vector<64x128xf32>
    %sub3A_756 = arith.subf %sub3A_755, %mul3A_753 : vector<64x128xf32>
    %mul3A_757 = arith.mulf %dot_general3A_749, %sub3A_756 : vector<64x128xf32>
    %min3A_758 = arith.constant 8.000000e+01 : f32
    %min3A_759 = vector.broadcast %min3A_758 : f32 to vector<64x128xf32>
    %min3A_760 = arith.minimumf %mul3A_757, %min3A_759 : vector<64x128xf32>
    %exp3A_761 = math.exp %min3A_760 : vector<64x128xf32>
    %add3A_762 = arith.constant 1.000000e+00 : f32
    %add3A_763 = vector.broadcast %add3A_762 : f32 to vector<64x128xf32>
    %add3A_764 = arith.addf %add3A_763, %exp3A_761 : vector<64x128xf32>
    %div3A_765 = arith.divf %exp3A_761, %add3A_764 : vector<64x128xf32>
    %log3A_766 = math.log %add3A_764 : vector<64x128xf32>
    %mul3A_767 = vector.broadcast %sub3A : f32 to vector<64x128xf32>
    %mul3A_768 = arith.mulf %convert_element_type3A_750, %mul3A_767 : vector<64x128xf32>
    %add3A_769 = vector.broadcast %squeeze3A : f32 to vector<64x128xf32>
    %add3A_770 = arith.addf %add3A_769, %mul3A_768 : vector<64x128xf32>
    %mul3A_771 = arith.mulf %div3A_765, %div3A_765 : vector<64x128xf32>
    %mul3A_772 = arith.mulf %mul3A_771, %log3A_766 : vector<64x128xf32>
    %mul3A_773 = arith.mulf %add3A_770, %mul3A_772 : vector<64x128xf32>
    %get3A_774 = arith.constant 2944 : index
    %get3A_775 = arith.constant 0 : index
    %get3A_776 = vector.load %arg2[%get3A_774, %get3A_775] : memref<7168x128xf32, #tpu.memory_space<vmem>>, vector<128x128xf32>
    %get3A_777 = arith.constant 1472 : index
    %get3A_778 = arith.constant 0 : index
    %get3A_779 = vector.load %arg3[%get3A_777, %get3A_778] : memref<3584x128xi32, #tpu.memory_space<vmem>>, vector<64x128xi32>
    %convert_element_type3A_780 = arith.truncf %get3A_776 : vector<128x128xf32> to vector<128x128xbf16>
    %dot_general3A_781 = arith.constant dense<0.000000e+00> : vector<64x128xf32>
    %dot_general3A_782 = tpu.matmul %convert_element_type3A, %convert_element_type3A_780, %dot_general3A_781 {dimension_numbers = #tpu.dot_dimension_numbers<[1], [0], [0], [1], [0, 0, 1, 1], [], []>, transpose_lhs_hint = false} : vector<64x128xbf16>, vector<128x128xbf16>, vector<64x128xf32> -> vector<64x128xf32>
    %convert_element_type3A_783 = arith.sitofp %get3A_779 : vector<64x128xi32> to vector<64x128xf32>
    %mul3A_784 = arith.constant 2.000000e+00 : f32
    %mul3A_785 = vector.broadcast %mul3A_784 : f32 to vector<64x128xf32>
    %mul3A_786 = arith.mulf %mul3A_785, %convert_element_type3A_783 : vector<64x128xf32>
    %sub3A_787 = arith.constant 1.000000e+00 : f32
    %sub3A_788 = vector.broadcast %sub3A_787 : f32 to vector<64x128xf32>
    %sub3A_789 = arith.subf %sub3A_788, %mul3A_786 : vector<64x128xf32>
    %mul3A_790 = arith.mulf %dot_general3A_782, %sub3A_789 : vector<64x128xf32>
    %min3A_791 = arith.constant 8.000000e+01 : f32
    %min3A_792 = vector.broadcast %min3A_791 : f32 to vector<64x128xf32>
    %min3A_793 = arith.minimumf %mul3A_790, %min3A_792 : vector<64x128xf32>
    %exp3A_794 = math.exp %min3A_793 : vector<64x128xf32>
    %add3A_795 = arith.constant 1.000000e+00 : f32
    %add3A_796 = vector.broadcast %add3A_795 : f32 to vector<64x128xf32>
    %add3A_797 = arith.addf %add3A_796, %exp3A_794 : vector<64x128xf32>
    %div3A_798 = arith.divf %exp3A_794, %add3A_797 : vector<64x128xf32>
    %log3A_799 = math.log %add3A_797 : vector<64x128xf32>
    %mul3A_800 = vector.broadcast %sub3A : f32 to vector<64x128xf32>
    %mul3A_801 = arith.mulf %convert_element_type3A_783, %mul3A_800 : vector<64x128xf32>
    %add3A_802 = vector.broadcast %squeeze3A : f32 to vector<64x128xf32>
    %add3A_803 = arith.addf %add3A_802, %mul3A_801 : vector<64x128xf32>
    %mul3A_804 = arith.mulf %div3A_798, %div3A_798 : vector<64x128xf32>
    %mul3A_805 = arith.mulf %mul3A_804, %log3A_799 : vector<64x128xf32>
    %mul3A_806 = arith.mulf %add3A_803, %mul3A_805 : vector<64x128xf32>
    %get3A_807 = arith.constant 3072 : index
    %get3A_808 = arith.constant 0 : index
    %get3A_809 = vector.load %arg2[%get3A_807, %get3A_808] : memref<7168x128xf32, #tpu.memory_space<vmem>>, vector<128x128xf32>
    %get3A_810 = arith.constant 1536 : index
    %get3A_811 = arith.constant 0 : index
    %get3A_812 = vector.load %arg3[%get3A_810, %get3A_811] : memref<3584x128xi32, #tpu.memory_space<vmem>>, vector<64x128xi32>
    %convert_element_type3A_813 = arith.truncf %get3A_809 : vector<128x128xf32> to vector<128x128xbf16>
    %dot_general3A_814 = arith.constant dense<0.000000e+00> : vector<64x128xf32>
    %dot_general3A_815 = tpu.matmul %convert_element_type3A, %convert_element_type3A_813, %dot_general3A_814 {dimension_numbers = #tpu.dot_dimension_numbers<[1], [0], [0], [1], [0, 0, 1, 1], [], []>, transpose_lhs_hint = false} : vector<64x128xbf16>, vector<128x128xbf16>, vector<64x128xf32> -> vector<64x128xf32>
    %convert_element_type3A_816 = arith.sitofp %get3A_812 : vector<64x128xi32> to vector<64x128xf32>
    %mul3A_817 = arith.constant 2.000000e+00 : f32
    %mul3A_818 = vector.broadcast %mul3A_817 : f32 to vector<64x128xf32>
    %mul3A_819 = arith.mulf %mul3A_818, %convert_element_type3A_816 : vector<64x128xf32>
    %sub3A_820 = arith.constant 1.000000e+00 : f32
    %sub3A_821 = vector.broadcast %sub3A_820 : f32 to vector<64x128xf32>
    %sub3A_822 = arith.subf %sub3A_821, %mul3A_819 : vector<64x128xf32>
    %mul3A_823 = arith.mulf %dot_general3A_815, %sub3A_822 : vector<64x128xf32>
    %min3A_824 = arith.constant 8.000000e+01 : f32
    %min3A_825 = vector.broadcast %min3A_824 : f32 to vector<64x128xf32>
    %min3A_826 = arith.minimumf %mul3A_823, %min3A_825 : vector<64x128xf32>
    %exp3A_827 = math.exp %min3A_826 : vector<64x128xf32>
    %add3A_828 = arith.constant 1.000000e+00 : f32
    %add3A_829 = vector.broadcast %add3A_828 : f32 to vector<64x128xf32>
    %add3A_830 = arith.addf %add3A_829, %exp3A_827 : vector<64x128xf32>
    %div3A_831 = arith.divf %exp3A_827, %add3A_830 : vector<64x128xf32>
    %log3A_832 = math.log %add3A_830 : vector<64x128xf32>
    %mul3A_833 = vector.broadcast %sub3A : f32 to vector<64x128xf32>
    %mul3A_834 = arith.mulf %convert_element_type3A_816, %mul3A_833 : vector<64x128xf32>
    %add3A_835 = vector.broadcast %squeeze3A : f32 to vector<64x128xf32>
    %add3A_836 = arith.addf %add3A_835, %mul3A_834 : vector<64x128xf32>
    %mul3A_837 = arith.mulf %div3A_831, %div3A_831 : vector<64x128xf32>
    %mul3A_838 = arith.mulf %mul3A_837, %log3A_832 : vector<64x128xf32>
    %mul3A_839 = arith.mulf %add3A_836, %mul3A_838 : vector<64x128xf32>
    %get3A_840 = arith.constant 3200 : index
    %get3A_841 = arith.constant 0 : index
    %get3A_842 = vector.load %arg2[%get3A_840, %get3A_841] : memref<7168x128xf32, #tpu.memory_space<vmem>>, vector<128x128xf32>
    %get3A_843 = arith.constant 1600 : index
    %get3A_844 = arith.constant 0 : index
    %get3A_845 = vector.load %arg3[%get3A_843, %get3A_844] : memref<3584x128xi32, #tpu.memory_space<vmem>>, vector<64x128xi32>
    %convert_element_type3A_846 = arith.truncf %get3A_842 : vector<128x128xf32> to vector<128x128xbf16>
    %dot_general3A_847 = arith.constant dense<0.000000e+00> : vector<64x128xf32>
    %dot_general3A_848 = tpu.matmul %convert_element_type3A, %convert_element_type3A_846, %dot_general3A_847 {dimension_numbers = #tpu.dot_dimension_numbers<[1], [0], [0], [1], [0, 0, 1, 1], [], []>, transpose_lhs_hint = false} : vector<64x128xbf16>, vector<128x128xbf16>, vector<64x128xf32> -> vector<64x128xf32>
    %convert_element_type3A_849 = arith.sitofp %get3A_845 : vector<64x128xi32> to vector<64x128xf32>
    %mul3A_850 = arith.constant 2.000000e+00 : f32
    %mul3A_851 = vector.broadcast %mul3A_850 : f32 to vector<64x128xf32>
    %mul3A_852 = arith.mulf %mul3A_851, %convert_element_type3A_849 : vector<64x128xf32>
    %sub3A_853 = arith.constant 1.000000e+00 : f32
    %sub3A_854 = vector.broadcast %sub3A_853 : f32 to vector<64x128xf32>
    %sub3A_855 = arith.subf %sub3A_854, %mul3A_852 : vector<64x128xf32>
    %mul3A_856 = arith.mulf %dot_general3A_848, %sub3A_855 : vector<64x128xf32>
    %min3A_857 = arith.constant 8.000000e+01 : f32
    %min3A_858 = vector.broadcast %min3A_857 : f32 to vector<64x128xf32>
    %min3A_859 = arith.minimumf %mul3A_856, %min3A_858 : vector<64x128xf32>
    %exp3A_860 = math.exp %min3A_859 : vector<64x128xf32>
    %add3A_861 = arith.constant 1.000000e+00 : f32
    %add3A_862 = vector.broadcast %add3A_861 : f32 to vector<64x128xf32>
    %add3A_863 = arith.addf %add3A_862, %exp3A_860 : vector<64x128xf32>
    %div3A_864 = arith.divf %exp3A_860, %add3A_863 : vector<64x128xf32>
    %log3A_865 = math.log %add3A_863 : vector<64x128xf32>
    %mul3A_866 = vector.broadcast %sub3A : f32 to vector<64x128xf32>
    %mul3A_867 = arith.mulf %convert_element_type3A_849, %mul3A_866 : vector<64x128xf32>
    %add3A_868 = vector.broadcast %squeeze3A : f32 to vector<64x128xf32>
    %add3A_869 = arith.addf %add3A_868, %mul3A_867 : vector<64x128xf32>
    %mul3A_870 = arith.mulf %div3A_864, %div3A_864 : vector<64x128xf32>
    %mul3A_871 = arith.mulf %mul3A_870, %log3A_865 : vector<64x128xf32>
    %mul3A_872 = arith.mulf %add3A_869, %mul3A_871 : vector<64x128xf32>
    %get3A_873 = arith.constant 3328 : index
    %get3A_874 = arith.constant 0 : index
    %get3A_875 = vector.load %arg2[%get3A_873, %get3A_874] : memref<7168x128xf32, #tpu.memory_space<vmem>>, vector<128x128xf32>
    %get3A_876 = arith.constant 1664 : index
    %get3A_877 = arith.constant 0 : index
    %get3A_878 = vector.load %arg3[%get3A_876, %get3A_877] : memref<3584x128xi32, #tpu.memory_space<vmem>>, vector<64x128xi32>
    %convert_element_type3A_879 = arith.truncf %get3A_875 : vector<128x128xf32> to vector<128x128xbf16>
    %dot_general3A_880 = arith.constant dense<0.000000e+00> : vector<64x128xf32>
    %dot_general3A_881 = tpu.matmul %convert_element_type3A, %convert_element_type3A_879, %dot_general3A_880 {dimension_numbers = #tpu.dot_dimension_numbers<[1], [0], [0], [1], [0, 0, 1, 1], [], []>, transpose_lhs_hint = false} : vector<64x128xbf16>, vector<128x128xbf16>, vector<64x128xf32> -> vector<64x128xf32>
    %convert_element_type3A_882 = arith.sitofp %get3A_878 : vector<64x128xi32> to vector<64x128xf32>
    %mul3A_883 = arith.constant 2.000000e+00 : f32
    %mul3A_884 = vector.broadcast %mul3A_883 : f32 to vector<64x128xf32>
    %mul3A_885 = arith.mulf %mul3A_884, %convert_element_type3A_882 : vector<64x128xf32>
    %sub3A_886 = arith.constant 1.000000e+00 : f32
    %sub3A_887 = vector.broadcast %sub3A_886 : f32 to vector<64x128xf32>
    %sub3A_888 = arith.subf %sub3A_887, %mul3A_885 : vector<64x128xf32>
    %mul3A_889 = arith.mulf %dot_general3A_881, %sub3A_888 : vector<64x128xf32>
    %min3A_890 = arith.constant 8.000000e+01 : f32
    %min3A_891 = vector.broadcast %min3A_890 : f32 to vector<64x128xf32>
    %min3A_892 = arith.minimumf %mul3A_889, %min3A_891 : vector<64x128xf32>
    %exp3A_893 = math.exp %min3A_892 : vector<64x128xf32>
    %add3A_894 = arith.constant 1.000000e+00 : f32
    %add3A_895 = vector.broadcast %add3A_894 : f32 to vector<64x128xf32>
    %add3A_896 = arith.addf %add3A_895, %exp3A_893 : vector<64x128xf32>
    %div3A_897 = arith.divf %exp3A_893, %add3A_896 : vector<64x128xf32>
    %log3A_898 = math.log %add3A_896 : vector<64x128xf32>
    %mul3A_899 = vector.broadcast %sub3A : f32 to vector<64x128xf32>
    %mul3A_900 = arith.mulf %convert_element_type3A_882, %mul3A_899 : vector<64x128xf32>
    %add3A_901 = vector.broadcast %squeeze3A : f32 to vector<64x128xf32>
    %add3A_902 = arith.addf %add3A_901, %mul3A_900 : vector<64x128xf32>
    %mul3A_903 = arith.mulf %div3A_897, %div3A_897 : vector<64x128xf32>
    %mul3A_904 = arith.mulf %mul3A_903, %log3A_898 : vector<64x128xf32>
    %mul3A_905 = arith.mulf %add3A_902, %mul3A_904 : vector<64x128xf32>
    %get3A_906 = arith.constant 3456 : index
    %get3A_907 = arith.constant 0 : index
    %get3A_908 = vector.load %arg2[%get3A_906, %get3A_907] : memref<7168x128xf32, #tpu.memory_space<vmem>>, vector<128x128xf32>
    %get3A_909 = arith.constant 1728 : index
    %get3A_910 = arith.constant 0 : index
    %get3A_911 = vector.load %arg3[%get3A_909, %get3A_910] : memref<3584x128xi32, #tpu.memory_space<vmem>>, vector<64x128xi32>
    %convert_element_type3A_912 = arith.truncf %get3A_908 : vector<128x128xf32> to vector<128x128xbf16>
    %dot_general3A_913 = arith.constant dense<0.000000e+00> : vector<64x128xf32>
    %dot_general3A_914 = tpu.matmul %convert_element_type3A, %convert_element_type3A_912, %dot_general3A_913 {dimension_numbers = #tpu.dot_dimension_numbers<[1], [0], [0], [1], [0, 0, 1, 1], [], []>, transpose_lhs_hint = false} : vector<64x128xbf16>, vector<128x128xbf16>, vector<64x128xf32> -> vector<64x128xf32>
    %convert_element_type3A_915 = arith.sitofp %get3A_911 : vector<64x128xi32> to vector<64x128xf32>
    %mul3A_916 = arith.constant 2.000000e+00 : f32
    %mul3A_917 = vector.broadcast %mul3A_916 : f32 to vector<64x128xf32>
    %mul3A_918 = arith.mulf %mul3A_917, %convert_element_type3A_915 : vector<64x128xf32>
    %sub3A_919 = arith.constant 1.000000e+00 : f32
    %sub3A_920 = vector.broadcast %sub3A_919 : f32 to vector<64x128xf32>
    %sub3A_921 = arith.subf %sub3A_920, %mul3A_918 : vector<64x128xf32>
    %mul3A_922 = arith.mulf %dot_general3A_914, %sub3A_921 : vector<64x128xf32>
    %min3A_923 = arith.constant 8.000000e+01 : f32
    %min3A_924 = vector.broadcast %min3A_923 : f32 to vector<64x128xf32>
    %min3A_925 = arith.minimumf %mul3A_922, %min3A_924 : vector<64x128xf32>
    %exp3A_926 = math.exp %min3A_925 : vector<64x128xf32>
    %add3A_927 = arith.constant 1.000000e+00 : f32
    %add3A_928 = vector.broadcast %add3A_927 : f32 to vector<64x128xf32>
    %add3A_929 = arith.addf %add3A_928, %exp3A_926 : vector<64x128xf32>
    %div3A_930 = arith.divf %exp3A_926, %add3A_929 : vector<64x128xf32>
    %log3A_931 = math.log %add3A_929 : vector<64x128xf32>
    %mul3A_932 = vector.broadcast %sub3A : f32 to vector<64x128xf32>
    %mul3A_933 = arith.mulf %convert_element_type3A_915, %mul3A_932 : vector<64x128xf32>
    %add3A_934 = vector.broadcast %squeeze3A : f32 to vector<64x128xf32>
    %add3A_935 = arith.addf %add3A_934, %mul3A_933 : vector<64x128xf32>
    %mul3A_936 = arith.mulf %div3A_930, %div3A_930 : vector<64x128xf32>
    %mul3A_937 = arith.mulf %mul3A_936, %log3A_931 : vector<64x128xf32>
    %mul3A_938 = arith.mulf %add3A_935, %mul3A_937 : vector<64x128xf32>
    %get3A_939 = arith.constant 3584 : index
    %get3A_940 = arith.constant 0 : index
    %get3A_941 = vector.load %arg2[%get3A_939, %get3A_940] : memref<7168x128xf32, #tpu.memory_space<vmem>>, vector<128x128xf32>
    %get3A_942 = arith.constant 1792 : index
    %get3A_943 = arith.constant 0 : index
    %get3A_944 = vector.load %arg3[%get3A_942, %get3A_943] : memref<3584x128xi32, #tpu.memory_space<vmem>>, vector<64x128xi32>
    %convert_element_type3A_945 = arith.truncf %get3A_941 : vector<128x128xf32> to vector<128x128xbf16>
    %dot_general3A_946 = arith.constant dense<0.000000e+00> : vector<64x128xf32>
    %dot_general3A_947 = tpu.matmul %convert_element_type3A, %convert_element_type3A_945, %dot_general3A_946 {dimension_numbers = #tpu.dot_dimension_numbers<[1], [0], [0], [1], [0, 0, 1, 1], [], []>, transpose_lhs_hint = false} : vector<64x128xbf16>, vector<128x128xbf16>, vector<64x128xf32> -> vector<64x128xf32>
    %convert_element_type3A_948 = arith.sitofp %get3A_944 : vector<64x128xi32> to vector<64x128xf32>
    %mul3A_949 = arith.constant 2.000000e+00 : f32
    %mul3A_950 = vector.broadcast %mul3A_949 : f32 to vector<64x128xf32>
    %mul3A_951 = arith.mulf %mul3A_950, %convert_element_type3A_948 : vector<64x128xf32>
    %sub3A_952 = arith.constant 1.000000e+00 : f32
    %sub3A_953 = vector.broadcast %sub3A_952 : f32 to vector<64x128xf32>
    %sub3A_954 = arith.subf %sub3A_953, %mul3A_951 : vector<64x128xf32>
    %mul3A_955 = arith.mulf %dot_general3A_947, %sub3A_954 : vector<64x128xf32>
    %min3A_956 = arith.constant 8.000000e+01 : f32
    %min3A_957 = vector.broadcast %min3A_956 : f32 to vector<64x128xf32>
    %min3A_958 = arith.minimumf %mul3A_955, %min3A_957 : vector<64x128xf32>
    %exp3A_959 = math.exp %min3A_958 : vector<64x128xf32>
    %add3A_960 = arith.constant 1.000000e+00 : f32
    %add3A_961 = vector.broadcast %add3A_960 : f32 to vector<64x128xf32>
    %add3A_962 = arith.addf %add3A_961, %exp3A_959 : vector<64x128xf32>
    %div3A_963 = arith.divf %exp3A_959, %add3A_962 : vector<64x128xf32>
    %log3A_964 = math.log %add3A_962 : vector<64x128xf32>
    %mul3A_965 = vector.broadcast %sub3A : f32 to vector<64x128xf32>
    %mul3A_966 = arith.mulf %convert_element_type3A_948, %mul3A_965 : vector<64x128xf32>
    %add3A_967 = vector.broadcast %squeeze3A : f32 to vector<64x128xf32>
    %add3A_968 = arith.addf %add3A_967, %mul3A_966 : vector<64x128xf32>
    %mul3A_969 = arith.mulf %div3A_963, %div3A_963 : vector<64x128xf32>
    %mul3A_970 = arith.mulf %mul3A_969, %log3A_964 : vector<64x128xf32>
    %mul3A_971 = arith.mulf %add3A_968, %mul3A_970 : vector<64x128xf32>
    %get3A_972 = arith.constant 3712 : index
    %get3A_973 = arith.constant 0 : index
    %get3A_974 = vector.load %arg2[%get3A_972, %get3A_973] : memref<7168x128xf32, #tpu.memory_space<vmem>>, vector<128x128xf32>
    %get3A_975 = arith.constant 1856 : index
    %get3A_976 = arith.constant 0 : index
    %get3A_977 = vector.load %arg3[%get3A_975, %get3A_976] : memref<3584x128xi32, #tpu.memory_space<vmem>>, vector<64x128xi32>
    %convert_element_type3A_978 = arith.truncf %get3A_974 : vector<128x128xf32> to vector<128x128xbf16>
    %dot_general3A_979 = arith.constant dense<0.000000e+00> : vector<64x128xf32>
    %dot_general3A_980 = tpu.matmul %convert_element_type3A, %convert_element_type3A_978, %dot_general3A_979 {dimension_numbers = #tpu.dot_dimension_numbers<[1], [0], [0], [1], [0, 0, 1, 1], [], []>, transpose_lhs_hint = false} : vector<64x128xbf16>, vector<128x128xbf16>, vector<64x128xf32> -> vector<64x128xf32>
    %convert_element_type3A_981 = arith.sitofp %get3A_977 : vector<64x128xi32> to vector<64x128xf32>
    %mul3A_982 = arith.constant 2.000000e+00 : f32
    %mul3A_983 = vector.broadcast %mul3A_982 : f32 to vector<64x128xf32>
    %mul3A_984 = arith.mulf %mul3A_983, %convert_element_type3A_981 : vector<64x128xf32>
    %sub3A_985 = arith.constant 1.000000e+00 : f32
    %sub3A_986 = vector.broadcast %sub3A_985 : f32 to vector<64x128xf32>
    %sub3A_987 = arith.subf %sub3A_986, %mul3A_984 : vector<64x128xf32>
    %mul3A_988 = arith.mulf %dot_general3A_980, %sub3A_987 : vector<64x128xf32>
    %min3A_989 = arith.constant 8.000000e+01 : f32
    %min3A_990 = vector.broadcast %min3A_989 : f32 to vector<64x128xf32>
    %min3A_991 = arith.minimumf %mul3A_988, %min3A_990 : vector<64x128xf32>
    %exp3A_992 = math.exp %min3A_991 : vector<64x128xf32>
    %add3A_993 = arith.constant 1.000000e+00 : f32
    %add3A_994 = vector.broadcast %add3A_993 : f32 to vector<64x128xf32>
    %add3A_995 = arith.addf %add3A_994, %exp3A_992 : vector<64x128xf32>
    %div3A_996 = arith.divf %exp3A_992, %add3A_995 : vector<64x128xf32>
    %log3A_997 = math.log %add3A_995 : vector<64x128xf32>
    %mul3A_998 = vector.broadcast %sub3A : f32 to vector<64x128xf32>
    %mul3A_999 = arith.mulf %convert_element_type3A_981, %mul3A_998 : vector<64x128xf32>
    %add3A_1000 = vector.broadcast %squeeze3A : f32 to vector<64x128xf32>
    %add3A_1001 = arith.addf %add3A_1000, %mul3A_999 : vector<64x128xf32>
    %mul3A_1002 = arith.mulf %div3A_996, %div3A_996 : vector<64x128xf32>
    %mul3A_1003 = arith.mulf %mul3A_1002, %log3A_997 : vector<64x128xf32>
    %mul3A_1004 = arith.mulf %add3A_1001, %mul3A_1003 : vector<64x128xf32>
    %get3A_1005 = arith.constant 3840 : index
    %get3A_1006 = arith.constant 0 : index
    %get3A_1007 = vector.load %arg2[%get3A_1005, %get3A_1006] : memref<7168x128xf32, #tpu.memory_space<vmem>>, vector<128x128xf32>
    %get3A_1008 = arith.constant 1920 : index
    %get3A_1009 = arith.constant 0 : index
    %get3A_1010 = vector.load %arg3[%get3A_1008, %get3A_1009] : memref<3584x128xi32, #tpu.memory_space<vmem>>, vector<64x128xi32>
    %convert_element_type3A_1011 = arith.truncf %get3A_1007 : vector<128x128xf32> to vector<128x128xbf16>
    %dot_general3A_1012 = arith.constant dense<0.000000e+00> : vector<64x128xf32>
    %dot_general3A_1013 = tpu.matmul %convert_element_type3A, %convert_element_type3A_1011, %dot_general3A_1012 {dimension_numbers = #tpu.dot_dimension_numbers<[1], [0], [0], [1], [0, 0, 1, 1], [], []>, transpose_lhs_hint = false} : vector<64x128xbf16>, vector<128x128xbf16>, vector<64x128xf32> -> vector<64x128xf32>
    %convert_element_type3A_1014 = arith.sitofp %get3A_1010 : vector<64x128xi32> to vector<64x128xf32>
    %mul3A_1015 = arith.constant 2.000000e+00 : f32
    %mul3A_1016 = vector.broadcast %mul3A_1015 : f32 to vector<64x128xf32>
    %mul3A_1017 = arith.mulf %mul3A_1016, %convert_element_type3A_1014 : vector<64x128xf32>
    %sub3A_1018 = arith.constant 1.000000e+00 : f32
    %sub3A_1019 = vector.broadcast %sub3A_1018 : f32 to vector<64x128xf32>
    %sub3A_1020 = arith.subf %sub3A_1019, %mul3A_1017 : vector<64x128xf32>
    %mul3A_1021 = arith.mulf %dot_general3A_1013, %sub3A_1020 : vector<64x128xf32>
    %min3A_1022 = arith.constant 8.000000e+01 : f32
    %min3A_1023 = vector.broadcast %min3A_1022 : f32 to vector<64x128xf32>
    %min3A_1024 = arith.minimumf %mul3A_1021, %min3A_1023 : vector<64x128xf32>
    %exp3A_1025 = math.exp %min3A_1024 : vector<64x128xf32>
    %add3A_1026 = arith.constant 1.000000e+00 : f32
    %add3A_1027 = vector.broadcast %add3A_1026 : f32 to vector<64x128xf32>
    %add3A_1028 = arith.addf %add3A_1027, %exp3A_1025 : vector<64x128xf32>
    %div3A_1029 = arith.divf %exp3A_1025, %add3A_1028 : vector<64x128xf32>
    %log3A_1030 = math.log %add3A_1028 : vector<64x128xf32>
    %mul3A_1031 = vector.broadcast %sub3A : f32 to vector<64x128xf32>
    %mul3A_1032 = arith.mulf %convert_element_type3A_1014, %mul3A_1031 : vector<64x128xf32>
    %add3A_1033 = vector.broadcast %squeeze3A : f32 to vector<64x128xf32>
    %add3A_1034 = arith.addf %add3A_1033, %mul3A_1032 : vector<64x128xf32>
    %mul3A_1035 = arith.mulf %div3A_1029, %div3A_1029 : vector<64x128xf32>
    %mul3A_1036 = arith.mulf %mul3A_1035, %log3A_1030 : vector<64x128xf32>
    %mul3A_1037 = arith.mulf %add3A_1034, %mul3A_1036 : vector<64x128xf32>
    %get3A_1038 = arith.constant 3968 : index
    %get3A_1039 = arith.constant 0 : index
    %get3A_1040 = vector.load %arg2[%get3A_1038, %get3A_1039] : memref<7168x128xf32, #tpu.memory_space<vmem>>, vector<128x128xf32>
    %get3A_1041 = arith.constant 1984 : index
    %get3A_1042 = arith.constant 0 : index
    %get3A_1043 = vector.load %arg3[%get3A_1041, %get3A_1042] : memref<3584x128xi32, #tpu.memory_space<vmem>>, vector<64x128xi32>
    %convert_element_type3A_1044 = arith.truncf %get3A_1040 : vector<128x128xf32> to vector<128x128xbf16>
    %dot_general3A_1045 = arith.constant dense<0.000000e+00> : vector<64x128xf32>
    %dot_general3A_1046 = tpu.matmul %convert_element_type3A, %convert_element_type3A_1044, %dot_general3A_1045 {dimension_numbers = #tpu.dot_dimension_numbers<[1], [0], [0], [1], [0, 0, 1, 1], [], []>, transpose_lhs_hint = false} : vector<64x128xbf16>, vector<128x128xbf16>, vector<64x128xf32> -> vector<64x128xf32>
    %convert_element_type3A_1047 = arith.sitofp %get3A_1043 : vector<64x128xi32> to vector<64x128xf32>
    %mul3A_1048 = arith.constant 2.000000e+00 : f32
    %mul3A_1049 = vector.broadcast %mul3A_1048 : f32 to vector<64x128xf32>
    %mul3A_1050 = arith.mulf %mul3A_1049, %convert_element_type3A_1047 : vector<64x128xf32>
    %sub3A_1051 = arith.constant 1.000000e+00 : f32
    %sub3A_1052 = vector.broadcast %sub3A_1051 : f32 to vector<64x128xf32>
    %sub3A_1053 = arith.subf %sub3A_1052, %mul3A_1050 : vector<64x128xf32>
    %mul3A_1054 = arith.mulf %dot_general3A_1046, %sub3A_1053 : vector<64x128xf32>
    %min3A_1055 = arith.constant 8.000000e+01 : f32
    %min3A_1056 = vector.broadcast %min3A_1055 : f32 to vector<64x128xf32>
    %min3A_1057 = arith.minimumf %mul3A_1054, %min3A_1056 : vector<64x128xf32>
    %exp3A_1058 = math.exp %min3A_1057 : vector<64x128xf32>
    %add3A_1059 = arith.constant 1.000000e+00 : f32
    %add3A_1060 = vector.broadcast %add3A_1059 : f32 to vector<64x128xf32>
    %add3A_1061 = arith.addf %add3A_1060, %exp3A_1058 : vector<64x128xf32>
    %div3A_1062 = arith.divf %exp3A_1058, %add3A_1061 : vector<64x128xf32>
    %log3A_1063 = math.log %add3A_1061 : vector<64x128xf32>
    %mul3A_1064 = vector.broadcast %sub3A : f32 to vector<64x128xf32>
    %mul3A_1065 = arith.mulf %convert_element_type3A_1047, %mul3A_1064 : vector<64x128xf32>
    %add3A_1066 = vector.broadcast %squeeze3A : f32 to vector<64x128xf32>
    %add3A_1067 = arith.addf %add3A_1066, %mul3A_1065 : vector<64x128xf32>
    %mul3A_1068 = arith.mulf %div3A_1062, %div3A_1062 : vector<64x128xf32>
    %mul3A_1069 = arith.mulf %mul3A_1068, %log3A_1063 : vector<64x128xf32>
    %mul3A_1070 = arith.mulf %add3A_1067, %mul3A_1069 : vector<64x128xf32>
    %get3A_1071 = arith.constant 4096 : index
    %get3A_1072 = arith.constant 0 : index
    %get3A_1073 = vector.load %arg2[%get3A_1071, %get3A_1072] : memref<7168x128xf32, #tpu.memory_space<vmem>>, vector<128x128xf32>
    %get3A_1074 = arith.constant 2048 : index
    %get3A_1075 = arith.constant 0 : index
    %get3A_1076 = vector.load %arg3[%get3A_1074, %get3A_1075] : memref<3584x128xi32, #tpu.memory_space<vmem>>, vector<64x128xi32>
    %convert_element_type3A_1077 = arith.truncf %get3A_1073 : vector<128x128xf32> to vector<128x128xbf16>
    %dot_general3A_1078 = arith.constant dense<0.000000e+00> : vector<64x128xf32>
    %dot_general3A_1079 = tpu.matmul %convert_element_type3A, %convert_element_type3A_1077, %dot_general3A_1078 {dimension_numbers = #tpu.dot_dimension_numbers<[1], [0], [0], [1], [0, 0, 1, 1], [], []>, transpose_lhs_hint = false} : vector<64x128xbf16>, vector<128x128xbf16>, vector<64x128xf32> -> vector<64x128xf32>
    %convert_element_type3A_1080 = arith.sitofp %get3A_1076 : vector<64x128xi32> to vector<64x128xf32>
    %mul3A_1081 = arith.constant 2.000000e+00 : f32
    %mul3A_1082 = vector.broadcast %mul3A_1081 : f32 to vector<64x128xf32>
    %mul3A_1083 = arith.mulf %mul3A_1082, %convert_element_type3A_1080 : vector<64x128xf32>
    %sub3A_1084 = arith.constant 1.000000e+00 : f32
    %sub3A_1085 = vector.broadcast %sub3A_1084 : f32 to vector<64x128xf32>
    %sub3A_1086 = arith.subf %sub3A_1085, %mul3A_1083 : vector<64x128xf32>
    %mul3A_1087 = arith.mulf %dot_general3A_1079, %sub3A_1086 : vector<64x128xf32>
    %min3A_1088 = arith.constant 8.000000e+01 : f32
    %min3A_1089 = vector.broadcast %min3A_1088 : f32 to vector<64x128xf32>
    %min3A_1090 = arith.minimumf %mul3A_1087, %min3A_1089 : vector<64x128xf32>
    %exp3A_1091 = math.exp %min3A_1090 : vector<64x128xf32>
    %add3A_1092 = arith.constant 1.000000e+00 : f32
    %add3A_1093 = vector.broadcast %add3A_1092 : f32 to vector<64x128xf32>
    %add3A_1094 = arith.addf %add3A_1093, %exp3A_1091 : vector<64x128xf32>
    %div3A_1095 = arith.divf %exp3A_1091, %add3A_1094 : vector<64x128xf32>
    %log3A_1096 = math.log %add3A_1094 : vector<64x128xf32>
    %mul3A_1097 = vector.broadcast %sub3A : f32 to vector<64x128xf32>
    %mul3A_1098 = arith.mulf %convert_element_type3A_1080, %mul3A_1097 : vector<64x128xf32>
    %add3A_1099 = vector.broadcast %squeeze3A : f32 to vector<64x128xf32>
    %add3A_1100 = arith.addf %add3A_1099, %mul3A_1098 : vector<64x128xf32>
    %mul3A_1101 = arith.mulf %div3A_1095, %div3A_1095 : vector<64x128xf32>
    %mul3A_1102 = arith.mulf %mul3A_1101, %log3A_1096 : vector<64x128xf32>
    %mul3A_1103 = arith.mulf %add3A_1100, %mul3A_1102 : vector<64x128xf32>
    %get3A_1104 = arith.constant 4224 : index
    %get3A_1105 = arith.constant 0 : index
    %get3A_1106 = vector.load %arg2[%get3A_1104, %get3A_1105] : memref<7168x128xf32, #tpu.memory_space<vmem>>, vector<128x128xf32>
    %get3A_1107 = arith.constant 2112 : index
    %get3A_1108 = arith.constant 0 : index
    %get3A_1109 = vector.load %arg3[%get3A_1107, %get3A_1108] : memref<3584x128xi32, #tpu.memory_space<vmem>>, vector<64x128xi32>
    %convert_element_type3A_1110 = arith.truncf %get3A_1106 : vector<128x128xf32> to vector<128x128xbf16>
    %dot_general3A_1111 = arith.constant dense<0.000000e+00> : vector<64x128xf32>
    %dot_general3A_1112 = tpu.matmul %convert_element_type3A, %convert_element_type3A_1110, %dot_general3A_1111 {dimension_numbers = #tpu.dot_dimension_numbers<[1], [0], [0], [1], [0, 0, 1, 1], [], []>, transpose_lhs_hint = false} : vector<64x128xbf16>, vector<128x128xbf16>, vector<64x128xf32> -> vector<64x128xf32>
    %convert_element_type3A_1113 = arith.sitofp %get3A_1109 : vector<64x128xi32> to vector<64x128xf32>
    %mul3A_1114 = arith.constant 2.000000e+00 : f32
    %mul3A_1115 = vector.broadcast %mul3A_1114 : f32 to vector<64x128xf32>
    %mul3A_1116 = arith.mulf %mul3A_1115, %convert_element_type3A_1113 : vector<64x128xf32>
    %sub3A_1117 = arith.constant 1.000000e+00 : f32
    %sub3A_1118 = vector.broadcast %sub3A_1117 : f32 to vector<64x128xf32>
    %sub3A_1119 = arith.subf %sub3A_1118, %mul3A_1116 : vector<64x128xf32>
    %mul3A_1120 = arith.mulf %dot_general3A_1112, %sub3A_1119 : vector<64x128xf32>
    %min3A_1121 = arith.constant 8.000000e+01 : f32
    %min3A_1122 = vector.broadcast %min3A_1121 : f32 to vector<64x128xf32>
    %min3A_1123 = arith.minimumf %mul3A_1120, %min3A_1122 : vector<64x128xf32>
    %exp3A_1124 = math.exp %min3A_1123 : vector<64x128xf32>
    %add3A_1125 = arith.constant 1.000000e+00 : f32
    %add3A_1126 = vector.broadcast %add3A_1125 : f32 to vector<64x128xf32>
    %add3A_1127 = arith.addf %add3A_1126, %exp3A_1124 : vector<64x128xf32>
    %div3A_1128 = arith.divf %exp3A_1124, %add3A_1127 : vector<64x128xf32>
    %log3A_1129 = math.log %add3A_1127 : vector<64x128xf32>
    %mul3A_1130 = vector.broadcast %sub3A : f32 to vector<64x128xf32>
    %mul3A_1131 = arith.mulf %convert_element_type3A_1113, %mul3A_1130 : vector<64x128xf32>
    %add3A_1132 = vector.broadcast %squeeze3A : f32 to vector<64x128xf32>
    %add3A_1133 = arith.addf %add3A_1132, %mul3A_1131 : vector<64x128xf32>
    %mul3A_1134 = arith.mulf %div3A_1128, %div3A_1128 : vector<64x128xf32>
    %mul3A_1135 = arith.mulf %mul3A_1134, %log3A_1129 : vector<64x128xf32>
    %mul3A_1136 = arith.mulf %add3A_1133, %mul3A_1135 : vector<64x128xf32>
    %get3A_1137 = arith.constant 4352 : index
    %get3A_1138 = arith.constant 0 : index
    %get3A_1139 = vector.load %arg2[%get3A_1137, %get3A_1138] : memref<7168x128xf32, #tpu.memory_space<vmem>>, vector<128x128xf32>
    %get3A_1140 = arith.constant 2176 : index
    %get3A_1141 = arith.constant 0 : index
    %get3A_1142 = vector.load %arg3[%get3A_1140, %get3A_1141] : memref<3584x128xi32, #tpu.memory_space<vmem>>, vector<64x128xi32>
    %convert_element_type3A_1143 = arith.truncf %get3A_1139 : vector<128x128xf32> to vector<128x128xbf16>
    %dot_general3A_1144 = arith.constant dense<0.000000e+00> : vector<64x128xf32>
    %dot_general3A_1145 = tpu.matmul %convert_element_type3A, %convert_element_type3A_1143, %dot_general3A_1144 {dimension_numbers = #tpu.dot_dimension_numbers<[1], [0], [0], [1], [0, 0, 1, 1], [], []>, transpose_lhs_hint = false} : vector<64x128xbf16>, vector<128x128xbf16>, vector<64x128xf32> -> vector<64x128xf32>
    %convert_element_type3A_1146 = arith.sitofp %get3A_1142 : vector<64x128xi32> to vector<64x128xf32>
    %mul3A_1147 = arith.constant 2.000000e+00 : f32
    %mul3A_1148 = vector.broadcast %mul3A_1147 : f32 to vector<64x128xf32>
    %mul3A_1149 = arith.mulf %mul3A_1148, %convert_element_type3A_1146 : vector<64x128xf32>
    %sub3A_1150 = arith.constant 1.000000e+00 : f32
    %sub3A_1151 = vector.broadcast %sub3A_1150 : f32 to vector<64x128xf32>
    %sub3A_1152 = arith.subf %sub3A_1151, %mul3A_1149 : vector<64x128xf32>
    %mul3A_1153 = arith.mulf %dot_general3A_1145, %sub3A_1152 : vector<64x128xf32>
    %min3A_1154 = arith.constant 8.000000e+01 : f32
    %min3A_1155 = vector.broadcast %min3A_1154 : f32 to vector<64x128xf32>
    %min3A_1156 = arith.minimumf %mul3A_1153, %min3A_1155 : vector<64x128xf32>
    %exp3A_1157 = math.exp %min3A_1156 : vector<64x128xf32>
    %add3A_1158 = arith.constant 1.000000e+00 : f32
    %add3A_1159 = vector.broadcast %add3A_1158 : f32 to vector<64x128xf32>
    %add3A_1160 = arith.addf %add3A_1159, %exp3A_1157 : vector<64x128xf32>
    %div3A_1161 = arith.divf %exp3A_1157, %add3A_1160 : vector<64x128xf32>
    %log3A_1162 = math.log %add3A_1160 : vector<64x128xf32>
    %mul3A_1163 = vector.broadcast %sub3A : f32 to vector<64x128xf32>
    %mul3A_1164 = arith.mulf %convert_element_type3A_1146, %mul3A_1163 : vector<64x128xf32>
    %add3A_1165 = vector.broadcast %squeeze3A : f32 to vector<64x128xf32>
    %add3A_1166 = arith.addf %add3A_1165, %mul3A_1164 : vector<64x128xf32>
    %mul3A_1167 = arith.mulf %div3A_1161, %div3A_1161 : vector<64x128xf32>
    %mul3A_1168 = arith.mulf %mul3A_1167, %log3A_1162 : vector<64x128xf32>
    %mul3A_1169 = arith.mulf %add3A_1166, %mul3A_1168 : vector<64x128xf32>
    %get3A_1170 = arith.constant 4480 : index
    %get3A_1171 = arith.constant 0 : index
    %get3A_1172 = vector.load %arg2[%get3A_1170, %get3A_1171] : memref<7168x128xf32, #tpu.memory_space<vmem>>, vector<128x128xf32>
    %get3A_1173 = arith.constant 2240 : index
    %get3A_1174 = arith.constant 0 : index
    %get3A_1175 = vector.load %arg3[%get3A_1173, %get3A_1174] : memref<3584x128xi32, #tpu.memory_space<vmem>>, vector<64x128xi32>
    %convert_element_type3A_1176 = arith.truncf %get3A_1172 : vector<128x128xf32> to vector<128x128xbf16>
    %dot_general3A_1177 = arith.constant dense<0.000000e+00> : vector<64x128xf32>
    %dot_general3A_1178 = tpu.matmul %convert_element_type3A, %convert_element_type3A_1176, %dot_general3A_1177 {dimension_numbers = #tpu.dot_dimension_numbers<[1], [0], [0], [1], [0, 0, 1, 1], [], []>, transpose_lhs_hint = false} : vector<64x128xbf16>, vector<128x128xbf16>, vector<64x128xf32> -> vector<64x128xf32>
    %convert_element_type3A_1179 = arith.sitofp %get3A_1175 : vector<64x128xi32> to vector<64x128xf32>
    %mul3A_1180 = arith.constant 2.000000e+00 : f32
    %mul3A_1181 = vector.broadcast %mul3A_1180 : f32 to vector<64x128xf32>
    %mul3A_1182 = arith.mulf %mul3A_1181, %convert_element_type3A_1179 : vector<64x128xf32>
    %sub3A_1183 = arith.constant 1.000000e+00 : f32
    %sub3A_1184 = vector.broadcast %sub3A_1183 : f32 to vector<64x128xf32>
    %sub3A_1185 = arith.subf %sub3A_1184, %mul3A_1182 : vector<64x128xf32>
    %mul3A_1186 = arith.mulf %dot_general3A_1178, %sub3A_1185 : vector<64x128xf32>
    %min3A_1187 = arith.constant 8.000000e+01 : f32
    %min3A_1188 = vector.broadcast %min3A_1187 : f32 to vector<64x128xf32>
    %min3A_1189 = arith.minimumf %mul3A_1186, %min3A_1188 : vector<64x128xf32>
    %exp3A_1190 = math.exp %min3A_1189 : vector<64x128xf32>
    %add3A_1191 = arith.constant 1.000000e+00 : f32
    %add3A_1192 = vector.broadcast %add3A_1191 : f32 to vector<64x128xf32>
    %add3A_1193 = arith.addf %add3A_1192, %exp3A_1190 : vector<64x128xf32>
    %div3A_1194 = arith.divf %exp3A_1190, %add3A_1193 : vector<64x128xf32>
    %log3A_1195 = math.log %add3A_1193 : vector<64x128xf32>
    %mul3A_1196 = vector.broadcast %sub3A : f32 to vector<64x128xf32>
    %mul3A_1197 = arith.mulf %convert_element_type3A_1179, %mul3A_1196 : vector<64x128xf32>
    %add3A_1198 = vector.broadcast %squeeze3A : f32 to vector<64x128xf32>
    %add3A_1199 = arith.addf %add3A_1198, %mul3A_1197 : vector<64x128xf32>
    %mul3A_1200 = arith.mulf %div3A_1194, %div3A_1194 : vector<64x128xf32>
    %mul3A_1201 = arith.mulf %mul3A_1200, %log3A_1195 : vector<64x128xf32>
    %mul3A_1202 = arith.mulf %add3A_1199, %mul3A_1201 : vector<64x128xf32>
    %get3A_1203 = arith.constant 4608 : index
    %get3A_1204 = arith.constant 0 : index
    %get3A_1205 = vector.load %arg2[%get3A_1203, %get3A_1204] : memref<7168x128xf32, #tpu.memory_space<vmem>>, vector<128x128xf32>
    %get3A_1206 = arith.constant 2304 : index
    %get3A_1207 = arith.constant 0 : index
    %get3A_1208 = vector.load %arg3[%get3A_1206, %get3A_1207] : memref<3584x128xi32, #tpu.memory_space<vmem>>, vector<64x128xi32>
    %convert_element_type3A_1209 = arith.truncf %get3A_1205 : vector<128x128xf32> to vector<128x128xbf16>
    %dot_general3A_1210 = arith.constant dense<0.000000e+00> : vector<64x128xf32>
    %dot_general3A_1211 = tpu.matmul %convert_element_type3A, %convert_element_type3A_1209, %dot_general3A_1210 {dimension_numbers = #tpu.dot_dimension_numbers<[1], [0], [0], [1], [0, 0, 1, 1], [], []>, transpose_lhs_hint = false} : vector<64x128xbf16>, vector<128x128xbf16>, vector<64x128xf32> -> vector<64x128xf32>
    %convert_element_type3A_1212 = arith.sitofp %get3A_1208 : vector<64x128xi32> to vector<64x128xf32>
    %mul3A_1213 = arith.constant 2.000000e+00 : f32
    %mul3A_1214 = vector.broadcast %mul3A_1213 : f32 to vector<64x128xf32>
    %mul3A_1215 = arith.mulf %mul3A_1214, %convert_element_type3A_1212 : vector<64x128xf32>
    %sub3A_1216 = arith.constant 1.000000e+00 : f32
    %sub3A_1217 = vector.broadcast %sub3A_1216 : f32 to vector<64x128xf32>
    %sub3A_1218 = arith.subf %sub3A_1217, %mul3A_1215 : vector<64x128xf32>
    %mul3A_1219 = arith.mulf %dot_general3A_1211, %sub3A_1218 : vector<64x128xf32>
    %min3A_1220 = arith.constant 8.000000e+01 : f32
    %min3A_1221 = vector.broadcast %min3A_1220 : f32 to vector<64x128xf32>
    %min3A_1222 = arith.minimumf %mul3A_1219, %min3A_1221 : vector<64x128xf32>
    %exp3A_1223 = math.exp %min3A_1222 : vector<64x128xf32>
    %add3A_1224 = arith.constant 1.000000e+00 : f32
    %add3A_1225 = vector.broadcast %add3A_1224 : f32 to vector<64x128xf32>
    %add3A_1226 = arith.addf %add3A_1225, %exp3A_1223 : vector<64x128xf32>
    %div3A_1227 = arith.divf %exp3A_1223, %add3A_1226 : vector<64x128xf32>
    %log3A_1228 = math.log %add3A_1226 : vector<64x128xf32>
    %mul3A_1229 = vector.broadcast %sub3A : f32 to vector<64x128xf32>
    %mul3A_1230 = arith.mulf %convert_element_type3A_1212, %mul3A_1229 : vector<64x128xf32>
    %add3A_1231 = vector.broadcast %squeeze3A : f32 to vector<64x128xf32>
    %add3A_1232 = arith.addf %add3A_1231, %mul3A_1230 : vector<64x128xf32>
    %mul3A_1233 = arith.mulf %div3A_1227, %div3A_1227 : vector<64x128xf32>
    %mul3A_1234 = arith.mulf %mul3A_1233, %log3A_1228 : vector<64x128xf32>
    %mul3A_1235 = arith.mulf %add3A_1232, %mul3A_1234 : vector<64x128xf32>
    %get3A_1236 = arith.constant 4736 : index
    %get3A_1237 = arith.constant 0 : index
    %get3A_1238 = vector.load %arg2[%get3A_1236, %get3A_1237] : memref<7168x128xf32, #tpu.memory_space<vmem>>, vector<128x128xf32>
    %get3A_1239 = arith.constant 2368 : index
    %get3A_1240 = arith.constant 0 : index
    %get3A_1241 = vector.load %arg3[%get3A_1239, %get3A_1240] : memref<3584x128xi32, #tpu.memory_space<vmem>>, vector<64x128xi32>
    %convert_element_type3A_1242 = arith.truncf %get3A_1238 : vector<128x128xf32> to vector<128x128xbf16>
    %dot_general3A_1243 = arith.constant dense<0.000000e+00> : vector<64x128xf32>
    %dot_general3A_1244 = tpu.matmul %convert_element_type3A, %convert_element_type3A_1242, %dot_general3A_1243 {dimension_numbers = #tpu.dot_dimension_numbers<[1], [0], [0], [1], [0, 0, 1, 1], [], []>, transpose_lhs_hint = false} : vector<64x128xbf16>, vector<128x128xbf16>, vector<64x128xf32> -> vector<64x128xf32>
    %convert_element_type3A_1245 = arith.sitofp %get3A_1241 : vector<64x128xi32> to vector<64x128xf32>
    %mul3A_1246 = arith.constant 2.000000e+00 : f32
    %mul3A_1247 = vector.broadcast %mul3A_1246 : f32 to vector<64x128xf32>
    %mul3A_1248 = arith.mulf %mul3A_1247, %convert_element_type3A_1245 : vector<64x128xf32>
    %sub3A_1249 = arith.constant 1.000000e+00 : f32
    %sub3A_1250 = vector.broadcast %sub3A_1249 : f32 to vector<64x128xf32>
    %sub3A_1251 = arith.subf %sub3A_1250, %mul3A_1248 : vector<64x128xf32>
    %mul3A_1252 = arith.mulf %dot_general3A_1244, %sub3A_1251 : vector<64x128xf32>
    %min3A_1253 = arith.constant 8.000000e+01 : f32
    %min3A_1254 = vector.broadcast %min3A_1253 : f32 to vector<64x128xf32>
    %min3A_1255 = arith.minimumf %mul3A_1252, %min3A_1254 : vector<64x128xf32>
    %exp3A_1256 = math.exp %min3A_1255 : vector<64x128xf32>
    %add3A_1257 = arith.constant 1.000000e+00 : f32
    %add3A_1258 = vector.broadcast %add3A_1257 : f32 to vector<64x128xf32>
    %add3A_1259 = arith.addf %add3A_1258, %exp3A_1256 : vector<64x128xf32>
    %div3A_1260 = arith.divf %exp3A_1256, %add3A_1259 : vector<64x128xf32>
    %log3A_1261 = math.log %add3A_1259 : vector<64x128xf32>
    %mul3A_1262 = vector.broadcast %sub3A : f32 to vector<64x128xf32>
    %mul3A_1263 = arith.mulf %convert_element_type3A_1245, %mul3A_1262 : vector<64x128xf32>
    %add3A_1264 = vector.broadcast %squeeze3A : f32 to vector<64x128xf32>
    %add3A_1265 = arith.addf %add3A_1264, %mul3A_1263 : vector<64x128xf32>
    %mul3A_1266 = arith.mulf %div3A_1260, %div3A_1260 : vector<64x128xf32>
    %mul3A_1267 = arith.mulf %mul3A_1266, %log3A_1261 : vector<64x128xf32>
    %mul3A_1268 = arith.mulf %add3A_1265, %mul3A_1267 : vector<64x128xf32>
    %get3A_1269 = arith.constant 4864 : index
    %get3A_1270 = arith.constant 0 : index
    %get3A_1271 = vector.load %arg2[%get3A_1269, %get3A_1270] : memref<7168x128xf32, #tpu.memory_space<vmem>>, vector<128x128xf32>
    %get3A_1272 = arith.constant 2432 : index
    %get3A_1273 = arith.constant 0 : index
    %get3A_1274 = vector.load %arg3[%get3A_1272, %get3A_1273] : memref<3584x128xi32, #tpu.memory_space<vmem>>, vector<64x128xi32>
    %convert_element_type3A_1275 = arith.truncf %get3A_1271 : vector<128x128xf32> to vector<128x128xbf16>
    %dot_general3A_1276 = arith.constant dense<0.000000e+00> : vector<64x128xf32>
    %dot_general3A_1277 = tpu.matmul %convert_element_type3A, %convert_element_type3A_1275, %dot_general3A_1276 {dimension_numbers = #tpu.dot_dimension_numbers<[1], [0], [0], [1], [0, 0, 1, 1], [], []>, transpose_lhs_hint = false} : vector<64x128xbf16>, vector<128x128xbf16>, vector<64x128xf32> -> vector<64x128xf32>
    %convert_element_type3A_1278 = arith.sitofp %get3A_1274 : vector<64x128xi32> to vector<64x128xf32>
    %mul3A_1279 = arith.constant 2.000000e+00 : f32
    %mul3A_1280 = vector.broadcast %mul3A_1279 : f32 to vector<64x128xf32>
    %mul3A_1281 = arith.mulf %mul3A_1280, %convert_element_type3A_1278 : vector<64x128xf32>
    %sub3A_1282 = arith.constant 1.000000e+00 : f32
    %sub3A_1283 = vector.broadcast %sub3A_1282 : f32 to vector<64x128xf32>
    %sub3A_1284 = arith.subf %sub3A_1283, %mul3A_1281 : vector<64x128xf32>
    %mul3A_1285 = arith.mulf %dot_general3A_1277, %sub3A_1284 : vector<64x128xf32>
    %min3A_1286 = arith.constant 8.000000e+01 : f32
    %min3A_1287 = vector.broadcast %min3A_1286 : f32 to vector<64x128xf32>
    %min3A_1288 = arith.minimumf %mul3A_1285, %min3A_1287 : vector<64x128xf32>
    %exp3A_1289 = math.exp %min3A_1288 : vector<64x128xf32>
    %add3A_1290 = arith.constant 1.000000e+00 : f32
    %add3A_1291 = vector.broadcast %add3A_1290 : f32 to vector<64x128xf32>
    %add3A_1292 = arith.addf %add3A_1291, %exp3A_1289 : vector<64x128xf32>
    %div3A_1293 = arith.divf %exp3A_1289, %add3A_1292 : vector<64x128xf32>
    %log3A_1294 = math.log %add3A_1292 : vector<64x128xf32>
    %mul3A_1295 = vector.broadcast %sub3A : f32 to vector<64x128xf32>
    %mul3A_1296 = arith.mulf %convert_element_type3A_1278, %mul3A_1295 : vector<64x128xf32>
    %add3A_1297 = vector.broadcast %squeeze3A : f32 to vector<64x128xf32>
    %add3A_1298 = arith.addf %add3A_1297, %mul3A_1296 : vector<64x128xf32>
    %mul3A_1299 = arith.mulf %div3A_1293, %div3A_1293 : vector<64x128xf32>
    %mul3A_1300 = arith.mulf %mul3A_1299, %log3A_1294 : vector<64x128xf32>
    %mul3A_1301 = arith.mulf %add3A_1298, %mul3A_1300 : vector<64x128xf32>
    %get3A_1302 = arith.constant 4992 : index
    %get3A_1303 = arith.constant 0 : index
    %get3A_1304 = vector.load %arg2[%get3A_1302, %get3A_1303] : memref<7168x128xf32, #tpu.memory_space<vmem>>, vector<128x128xf32>
    %get3A_1305 = arith.constant 2496 : index
    %get3A_1306 = arith.constant 0 : index
    %get3A_1307 = vector.load %arg3[%get3A_1305, %get3A_1306] : memref<3584x128xi32, #tpu.memory_space<vmem>>, vector<64x128xi32>
    %convert_element_type3A_1308 = arith.truncf %get3A_1304 : vector<128x128xf32> to vector<128x128xbf16>
    %dot_general3A_1309 = arith.constant dense<0.000000e+00> : vector<64x128xf32>
    %dot_general3A_1310 = tpu.matmul %convert_element_type3A, %convert_element_type3A_1308, %dot_general3A_1309 {dimension_numbers = #tpu.dot_dimension_numbers<[1], [0], [0], [1], [0, 0, 1, 1], [], []>, transpose_lhs_hint = false} : vector<64x128xbf16>, vector<128x128xbf16>, vector<64x128xf32> -> vector<64x128xf32>
    %convert_element_type3A_1311 = arith.sitofp %get3A_1307 : vector<64x128xi32> to vector<64x128xf32>
    %mul3A_1312 = arith.constant 2.000000e+00 : f32
    %mul3A_1313 = vector.broadcast %mul3A_1312 : f32 to vector<64x128xf32>
    %mul3A_1314 = arith.mulf %mul3A_1313, %convert_element_type3A_1311 : vector<64x128xf32>
    %sub3A_1315 = arith.constant 1.000000e+00 : f32
    %sub3A_1316 = vector.broadcast %sub3A_1315 : f32 to vector<64x128xf32>
    %sub3A_1317 = arith.subf %sub3A_1316, %mul3A_1314 : vector<64x128xf32>
    %mul3A_1318 = arith.mulf %dot_general3A_1310, %sub3A_1317 : vector<64x128xf32>
    %min3A_1319 = arith.constant 8.000000e+01 : f32
    %min3A_1320 = vector.broadcast %min3A_1319 : f32 to vector<64x128xf32>
    %min3A_1321 = arith.minimumf %mul3A_1318, %min3A_1320 : vector<64x128xf32>
    %exp3A_1322 = math.exp %min3A_1321 : vector<64x128xf32>
    %add3A_1323 = arith.constant 1.000000e+00 : f32
    %add3A_1324 = vector.broadcast %add3A_1323 : f32 to vector<64x128xf32>
    %add3A_1325 = arith.addf %add3A_1324, %exp3A_1322 : vector<64x128xf32>
    %div3A_1326 = arith.divf %exp3A_1322, %add3A_1325 : vector<64x128xf32>
    %log3A_1327 = math.log %add3A_1325 : vector<64x128xf32>
    %mul3A_1328 = vector.broadcast %sub3A : f32 to vector<64x128xf32>
    %mul3A_1329 = arith.mulf %convert_element_type3A_1311, %mul3A_1328 : vector<64x128xf32>
    %add3A_1330 = vector.broadcast %squeeze3A : f32 to vector<64x128xf32>
    %add3A_1331 = arith.addf %add3A_1330, %mul3A_1329 : vector<64x128xf32>
    %mul3A_1332 = arith.mulf %div3A_1326, %div3A_1326 : vector<64x128xf32>
    %mul3A_1333 = arith.mulf %mul3A_1332, %log3A_1327 : vector<64x128xf32>
    %mul3A_1334 = arith.mulf %add3A_1331, %mul3A_1333 : vector<64x128xf32>
    %get3A_1335 = arith.constant 5120 : index
    %get3A_1336 = arith.constant 0 : index
    %get3A_1337 = vector.load %arg2[%get3A_1335, %get3A_1336] : memref<7168x128xf32, #tpu.memory_space<vmem>>, vector<128x128xf32>
    %get3A_1338 = arith.constant 2560 : index
    %get3A_1339 = arith.constant 0 : index
    %get3A_1340 = vector.load %arg3[%get3A_1338, %get3A_1339] : memref<3584x128xi32, #tpu.memory_space<vmem>>, vector<64x128xi32>
    %convert_element_type3A_1341 = arith.truncf %get3A_1337 : vector<128x128xf32> to vector<128x128xbf16>
    %dot_general3A_1342 = arith.constant dense<0.000000e+00> : vector<64x128xf32>
    %dot_general3A_1343 = tpu.matmul %convert_element_type3A, %convert_element_type3A_1341, %dot_general3A_1342 {dimension_numbers = #tpu.dot_dimension_numbers<[1], [0], [0], [1], [0, 0, 1, 1], [], []>, transpose_lhs_hint = false} : vector<64x128xbf16>, vector<128x128xbf16>, vector<64x128xf32> -> vector<64x128xf32>
    %convert_element_type3A_1344 = arith.sitofp %get3A_1340 : vector<64x128xi32> to vector<64x128xf32>
    %mul3A_1345 = arith.constant 2.000000e+00 : f32
    %mul3A_1346 = vector.broadcast %mul3A_1345 : f32 to vector<64x128xf32>
    %mul3A_1347 = arith.mulf %mul3A_1346, %convert_element_type3A_1344 : vector<64x128xf32>
    %sub3A_1348 = arith.constant 1.000000e+00 : f32
    %sub3A_1349 = vector.broadcast %sub3A_1348 : f32 to vector<64x128xf32>
    %sub3A_1350 = arith.subf %sub3A_1349, %mul3A_1347 : vector<64x128xf32>
    %mul3A_1351 = arith.mulf %dot_general3A_1343, %sub3A_1350 : vector<64x128xf32>
    %min3A_1352 = arith.constant 8.000000e+01 : f32
    %min3A_1353 = vector.broadcast %min3A_1352 : f32 to vector<64x128xf32>
    %min3A_1354 = arith.minimumf %mul3A_1351, %min3A_1353 : vector<64x128xf32>
    %exp3A_1355 = math.exp %min3A_1354 : vector<64x128xf32>
    %add3A_1356 = arith.constant 1.000000e+00 : f32
    %add3A_1357 = vector.broadcast %add3A_1356 : f32 to vector<64x128xf32>
    %add3A_1358 = arith.addf %add3A_1357, %exp3A_1355 : vector<64x128xf32>
    %div3A_1359 = arith.divf %exp3A_1355, %add3A_1358 : vector<64x128xf32>
    %log3A_1360 = math.log %add3A_1358 : vector<64x128xf32>
    %mul3A_1361 = vector.broadcast %sub3A : f32 to vector<64x128xf32>
    %mul3A_1362 = arith.mulf %convert_element_type3A_1344, %mul3A_1361 : vector<64x128xf32>
    %add3A_1363 = vector.broadcast %squeeze3A : f32 to vector<64x128xf32>
    %add3A_1364 = arith.addf %add3A_1363, %mul3A_1362 : vector<64x128xf32>
    %mul3A_1365 = arith.mulf %div3A_1359, %div3A_1359 : vector<64x128xf32>
    %mul3A_1366 = arith.mulf %mul3A_1365, %log3A_1360 : vector<64x128xf32>
    %mul3A_1367 = arith.mulf %add3A_1364, %mul3A_1366 : vector<64x128xf32>
    %get3A_1368 = arith.constant 5248 : index
    %get3A_1369 = arith.constant 0 : index
    %get3A_1370 = vector.load %arg2[%get3A_1368, %get3A_1369] : memref<7168x128xf32, #tpu.memory_space<vmem>>, vector<128x128xf32>
    %get3A_1371 = arith.constant 2624 : index
    %get3A_1372 = arith.constant 0 : index
    %get3A_1373 = vector.load %arg3[%get3A_1371, %get3A_1372] : memref<3584x128xi32, #tpu.memory_space<vmem>>, vector<64x128xi32>
    %convert_element_type3A_1374 = arith.truncf %get3A_1370 : vector<128x128xf32> to vector<128x128xbf16>
    %dot_general3A_1375 = arith.constant dense<0.000000e+00> : vector<64x128xf32>
    %dot_general3A_1376 = tpu.matmul %convert_element_type3A, %convert_element_type3A_1374, %dot_general3A_1375 {dimension_numbers = #tpu.dot_dimension_numbers<[1], [0], [0], [1], [0, 0, 1, 1], [], []>, transpose_lhs_hint = false} : vector<64x128xbf16>, vector<128x128xbf16>, vector<64x128xf32> -> vector<64x128xf32>
    %convert_element_type3A_1377 = arith.sitofp %get3A_1373 : vector<64x128xi32> to vector<64x128xf32>
    %mul3A_1378 = arith.constant 2.000000e+00 : f32
    %mul3A_1379 = vector.broadcast %mul3A_1378 : f32 to vector<64x128xf32>
    %mul3A_1380 = arith.mulf %mul3A_1379, %convert_element_type3A_1377 : vector<64x128xf32>
    %sub3A_1381 = arith.constant 1.000000e+00 : f32
    %sub3A_1382 = vector.broadcast %sub3A_1381 : f32 to vector<64x128xf32>
    %sub3A_1383 = arith.subf %sub3A_1382, %mul3A_1380 : vector<64x128xf32>
    %mul3A_1384 = arith.mulf %dot_general3A_1376, %sub3A_1383 : vector<64x128xf32>
    %min3A_1385 = arith.constant 8.000000e+01 : f32
    %min3A_1386 = vector.broadcast %min3A_1385 : f32 to vector<64x128xf32>
    %min3A_1387 = arith.minimumf %mul3A_1384, %min3A_1386 : vector<64x128xf32>
    %exp3A_1388 = math.exp %min3A_1387 : vector<64x128xf32>
    %add3A_1389 = arith.constant 1.000000e+00 : f32
    %add3A_1390 = vector.broadcast %add3A_1389 : f32 to vector<64x128xf32>
    %add3A_1391 = arith.addf %add3A_1390, %exp3A_1388 : vector<64x128xf32>
    %div3A_1392 = arith.divf %exp3A_1388, %add3A_1391 : vector<64x128xf32>
    %log3A_1393 = math.log %add3A_1391 : vector<64x128xf32>
    %mul3A_1394 = vector.broadcast %sub3A : f32 to vector<64x128xf32>
    %mul3A_1395 = arith.mulf %convert_element_type3A_1377, %mul3A_1394 : vector<64x128xf32>
    %add3A_1396 = vector.broadcast %squeeze3A : f32 to vector<64x128xf32>
    %add3A_1397 = arith.addf %add3A_1396, %mul3A_1395 : vector<64x128xf32>
    %mul3A_1398 = arith.mulf %div3A_1392, %div3A_1392 : vector<64x128xf32>
    %mul3A_1399 = arith.mulf %mul3A_1398, %log3A_1393 : vector<64x128xf32>
    %mul3A_1400 = arith.mulf %add3A_1397, %mul3A_1399 : vector<64x128xf32>
    %get3A_1401 = arith.constant 5376 : index
    %get3A_1402 = arith.constant 0 : index
    %get3A_1403 = vector.load %arg2[%get3A_1401, %get3A_1402] : memref<7168x128xf32, #tpu.memory_space<vmem>>, vector<128x128xf32>
    %get3A_1404 = arith.constant 2688 : index
    %get3A_1405 = arith.constant 0 : index
    %get3A_1406 = vector.load %arg3[%get3A_1404, %get3A_1405] : memref<3584x128xi32, #tpu.memory_space<vmem>>, vector<64x128xi32>
    %convert_element_type3A_1407 = arith.truncf %get3A_1403 : vector<128x128xf32> to vector<128x128xbf16>
    %dot_general3A_1408 = arith.constant dense<0.000000e+00> : vector<64x128xf32>
    %dot_general3A_1409 = tpu.matmul %convert_element_type3A, %convert_element_type3A_1407, %dot_general3A_1408 {dimension_numbers = #tpu.dot_dimension_numbers<[1], [0], [0], [1], [0, 0, 1, 1], [], []>, transpose_lhs_hint = false} : vector<64x128xbf16>, vector<128x128xbf16>, vector<64x128xf32> -> vector<64x128xf32>
    %convert_element_type3A_1410 = arith.sitofp %get3A_1406 : vector<64x128xi32> to vector<64x128xf32>
    %mul3A_1411 = arith.constant 2.000000e+00 : f32
    %mul3A_1412 = vector.broadcast %mul3A_1411 : f32 to vector<64x128xf32>
    %mul3A_1413 = arith.mulf %mul3A_1412, %convert_element_type3A_1410 : vector<64x128xf32>
    %sub3A_1414 = arith.constant 1.000000e+00 : f32
    %sub3A_1415 = vector.broadcast %sub3A_1414 : f32 to vector<64x128xf32>
    %sub3A_1416 = arith.subf %sub3A_1415, %mul3A_1413 : vector<64x128xf32>
    %mul3A_1417 = arith.mulf %dot_general3A_1409, %sub3A_1416 : vector<64x128xf32>
    %min3A_1418 = arith.constant 8.000000e+01 : f32
    %min3A_1419 = vector.broadcast %min3A_1418 : f32 to vector<64x128xf32>
    %min3A_1420 = arith.minimumf %mul3A_1417, %min3A_1419 : vector<64x128xf32>
    %exp3A_1421 = math.exp %min3A_1420 : vector<64x128xf32>
    %add3A_1422 = arith.constant 1.000000e+00 : f32
    %add3A_1423 = vector.broadcast %add3A_1422 : f32 to vector<64x128xf32>
    %add3A_1424 = arith.addf %add3A_1423, %exp3A_1421 : vector<64x128xf32>
    %div3A_1425 = arith.divf %exp3A_1421, %add3A_1424 : vector<64x128xf32>
    %log3A_1426 = math.log %add3A_1424 : vector<64x128xf32>
    %mul3A_1427 = vector.broadcast %sub3A : f32 to vector<64x128xf32>
    %mul3A_1428 = arith.mulf %convert_element_type3A_1410, %mul3A_1427 : vector<64x128xf32>
    %add3A_1429 = vector.broadcast %squeeze3A : f32 to vector<64x128xf32>
    %add3A_1430 = arith.addf %add3A_1429, %mul3A_1428 : vector<64x128xf32>
    %mul3A_1431 = arith.mulf %div3A_1425, %div3A_1425 : vector<64x128xf32>
    %mul3A_1432 = arith.mulf %mul3A_1431, %log3A_1426 : vector<64x128xf32>
    %mul3A_1433 = arith.mulf %add3A_1430, %mul3A_1432 : vector<64x128xf32>
    %get3A_1434 = arith.constant 5504 : index
    %get3A_1435 = arith.constant 0 : index
    %get3A_1436 = vector.load %arg2[%get3A_1434, %get3A_1435] : memref<7168x128xf32, #tpu.memory_space<vmem>>, vector<128x128xf32>
    %get3A_1437 = arith.constant 2752 : index
    %get3A_1438 = arith.constant 0 : index
    %get3A_1439 = vector.load %arg3[%get3A_1437, %get3A_1438] : memref<3584x128xi32, #tpu.memory_space<vmem>>, vector<64x128xi32>
    %convert_element_type3A_1440 = arith.truncf %get3A_1436 : vector<128x128xf32> to vector<128x128xbf16>
    %dot_general3A_1441 = arith.constant dense<0.000000e+00> : vector<64x128xf32>
    %dot_general3A_1442 = tpu.matmul %convert_element_type3A, %convert_element_type3A_1440, %dot_general3A_1441 {dimension_numbers = #tpu.dot_dimension_numbers<[1], [0], [0], [1], [0, 0, 1, 1], [], []>, transpose_lhs_hint = false} : vector<64x128xbf16>, vector<128x128xbf16>, vector<64x128xf32> -> vector<64x128xf32>
    %convert_element_type3A_1443 = arith.sitofp %get3A_1439 : vector<64x128xi32> to vector<64x128xf32>
    %mul3A_1444 = arith.constant 2.000000e+00 : f32
    %mul3A_1445 = vector.broadcast %mul3A_1444 : f32 to vector<64x128xf32>
    %mul3A_1446 = arith.mulf %mul3A_1445, %convert_element_type3A_1443 : vector<64x128xf32>
    %sub3A_1447 = arith.constant 1.000000e+00 : f32
    %sub3A_1448 = vector.broadcast %sub3A_1447 : f32 to vector<64x128xf32>
    %sub3A_1449 = arith.subf %sub3A_1448, %mul3A_1446 : vector<64x128xf32>
    %mul3A_1450 = arith.mulf %dot_general3A_1442, %sub3A_1449 : vector<64x128xf32>
    %min3A_1451 = arith.constant 8.000000e+01 : f32
    %min3A_1452 = vector.broadcast %min3A_1451 : f32 to vector<64x128xf32>
    %min3A_1453 = arith.minimumf %mul3A_1450, %min3A_1452 : vector<64x128xf32>
    %exp3A_1454 = math.exp %min3A_1453 : vector<64x128xf32>
    %add3A_1455 = arith.constant 1.000000e+00 : f32
    %add3A_1456 = vector.broadcast %add3A_1455 : f32 to vector<64x128xf32>
    %add3A_1457 = arith.addf %add3A_1456, %exp3A_1454 : vector<64x128xf32>
    %div3A_1458 = arith.divf %exp3A_1454, %add3A_1457 : vector<64x128xf32>
    %log3A_1459 = math.log %add3A_1457 : vector<64x128xf32>
    %mul3A_1460 = vector.broadcast %sub3A : f32 to vector<64x128xf32>
    %mul3A_1461 = arith.mulf %convert_element_type3A_1443, %mul3A_1460 : vector<64x128xf32>
    %add3A_1462 = vector.broadcast %squeeze3A : f32 to vector<64x128xf32>
    %add3A_1463 = arith.addf %add3A_1462, %mul3A_1461 : vector<64x128xf32>
    %mul3A_1464 = arith.mulf %div3A_1458, %div3A_1458 : vector<64x128xf32>
    %mul3A_1465 = arith.mulf %mul3A_1464, %log3A_1459 : vector<64x128xf32>
    %mul3A_1466 = arith.mulf %add3A_1463, %mul3A_1465 : vector<64x128xf32>
    %get3A_1467 = arith.constant 5632 : index
    %get3A_1468 = arith.constant 0 : index
    %get3A_1469 = vector.load %arg2[%get3A_1467, %get3A_1468] : memref<7168x128xf32, #tpu.memory_space<vmem>>, vector<128x128xf32>
    %get3A_1470 = arith.constant 2816 : index
    %get3A_1471 = arith.constant 0 : index
    %get3A_1472 = vector.load %arg3[%get3A_1470, %get3A_1471] : memref<3584x128xi32, #tpu.memory_space<vmem>>, vector<64x128xi32>
    %convert_element_type3A_1473 = arith.truncf %get3A_1469 : vector<128x128xf32> to vector<128x128xbf16>
    %dot_general3A_1474 = arith.constant dense<0.000000e+00> : vector<64x128xf32>
    %dot_general3A_1475 = tpu.matmul %convert_element_type3A, %convert_element_type3A_1473, %dot_general3A_1474 {dimension_numbers = #tpu.dot_dimension_numbers<[1], [0], [0], [1], [0, 0, 1, 1], [], []>, transpose_lhs_hint = false} : vector<64x128xbf16>, vector<128x128xbf16>, vector<64x128xf32> -> vector<64x128xf32>
    %convert_element_type3A_1476 = arith.sitofp %get3A_1472 : vector<64x128xi32> to vector<64x128xf32>
    %mul3A_1477 = arith.constant 2.000000e+00 : f32
    %mul3A_1478 = vector.broadcast %mul3A_1477 : f32 to vector<64x128xf32>
    %mul3A_1479 = arith.mulf %mul3A_1478, %convert_element_type3A_1476 : vector<64x128xf32>
    %sub3A_1480 = arith.constant 1.000000e+00 : f32
    %sub3A_1481 = vector.broadcast %sub3A_1480 : f32 to vector<64x128xf32>
    %sub3A_1482 = arith.subf %sub3A_1481, %mul3A_1479 : vector<64x128xf32>
    %mul3A_1483 = arith.mulf %dot_general3A_1475, %sub3A_1482 : vector<64x128xf32>
    %min3A_1484 = arith.constant 8.000000e+01 : f32
    %min3A_1485 = vector.broadcast %min3A_1484 : f32 to vector<64x128xf32>
    %min3A_1486 = arith.minimumf %mul3A_1483, %min3A_1485 : vector<64x128xf32>
    %exp3A_1487 = math.exp %min3A_1486 : vector<64x128xf32>
    %add3A_1488 = arith.constant 1.000000e+00 : f32
    %add3A_1489 = vector.broadcast %add3A_1488 : f32 to vector<64x128xf32>
    %add3A_1490 = arith.addf %add3A_1489, %exp3A_1487 : vector<64x128xf32>
    %div3A_1491 = arith.divf %exp3A_1487, %add3A_1490 : vector<64x128xf32>
    %log3A_1492 = math.log %add3A_1490 : vector<64x128xf32>
    %mul3A_1493 = vector.broadcast %sub3A : f32 to vector<64x128xf32>
    %mul3A_1494 = arith.mulf %convert_element_type3A_1476, %mul3A_1493 : vector<64x128xf32>
    %add3A_1495 = vector.broadcast %squeeze3A : f32 to vector<64x128xf32>
    %add3A_1496 = arith.addf %add3A_1495, %mul3A_1494 : vector<64x128xf32>
    %mul3A_1497 = arith.mulf %div3A_1491, %div3A_1491 : vector<64x128xf32>
    %mul3A_1498 = arith.mulf %mul3A_1497, %log3A_1492 : vector<64x128xf32>
    %mul3A_1499 = arith.mulf %add3A_1496, %mul3A_1498 : vector<64x128xf32>
    %get3A_1500 = arith.constant 5760 : index
    %get3A_1501 = arith.constant 0 : index
    %get3A_1502 = vector.load %arg2[%get3A_1500, %get3A_1501] : memref<7168x128xf32, #tpu.memory_space<vmem>>, vector<128x128xf32>
    %get3A_1503 = arith.constant 2880 : index
    %get3A_1504 = arith.constant 0 : index
    %get3A_1505 = vector.load %arg3[%get3A_1503, %get3A_1504] : memref<3584x128xi32, #tpu.memory_space<vmem>>, vector<64x128xi32>
    %convert_element_type3A_1506 = arith.truncf %get3A_1502 : vector<128x128xf32> to vector<128x128xbf16>
    %dot_general3A_1507 = arith.constant dense<0.000000e+00> : vector<64x128xf32>
    %dot_general3A_1508 = tpu.matmul %convert_element_type3A, %convert_element_type3A_1506, %dot_general3A_1507 {dimension_numbers = #tpu.dot_dimension_numbers<[1], [0], [0], [1], [0, 0, 1, 1], [], []>, transpose_lhs_hint = false} : vector<64x128xbf16>, vector<128x128xbf16>, vector<64x128xf32> -> vector<64x128xf32>
    %convert_element_type3A_1509 = arith.sitofp %get3A_1505 : vector<64x128xi32> to vector<64x128xf32>
    %mul3A_1510 = arith.constant 2.000000e+00 : f32
    %mul3A_1511 = vector.broadcast %mul3A_1510 : f32 to vector<64x128xf32>
    %mul3A_1512 = arith.mulf %mul3A_1511, %convert_element_type3A_1509 : vector<64x128xf32>
    %sub3A_1513 = arith.constant 1.000000e+00 : f32
    %sub3A_1514 = vector.broadcast %sub3A_1513 : f32 to vector<64x128xf32>
    %sub3A_1515 = arith.subf %sub3A_1514, %mul3A_1512 : vector<64x128xf32>
    %mul3A_1516 = arith.mulf %dot_general3A_1508, %sub3A_1515 : vector<64x128xf32>
    %min3A_1517 = arith.constant 8.000000e+01 : f32
    %min3A_1518 = vector.broadcast %min3A_1517 : f32 to vector<64x128xf32>
    %min3A_1519 = arith.minimumf %mul3A_1516, %min3A_1518 : vector<64x128xf32>
    %exp3A_1520 = math.exp %min3A_1519 : vector<64x128xf32>
    %add3A_1521 = arith.constant 1.000000e+00 : f32
    %add3A_1522 = vector.broadcast %add3A_1521 : f32 to vector<64x128xf32>
    %add3A_1523 = arith.addf %add3A_1522, %exp3A_1520 : vector<64x128xf32>
    %div3A_1524 = arith.divf %exp3A_1520, %add3A_1523 : vector<64x128xf32>
    %log3A_1525 = math.log %add3A_1523 : vector<64x128xf32>
    %mul3A_1526 = vector.broadcast %sub3A : f32 to vector<64x128xf32>
    %mul3A_1527 = arith.mulf %convert_element_type3A_1509, %mul3A_1526 : vector<64x128xf32>
    %add3A_1528 = vector.broadcast %squeeze3A : f32 to vector<64x128xf32>
    %add3A_1529 = arith.addf %add3A_1528, %mul3A_1527 : vector<64x128xf32>
    %mul3A_1530 = arith.mulf %div3A_1524, %div3A_1524 : vector<64x128xf32>
    %mul3A_1531 = arith.mulf %mul3A_1530, %log3A_1525 : vector<64x128xf32>
    %mul3A_1532 = arith.mulf %add3A_1529, %mul3A_1531 : vector<64x128xf32>
    %get3A_1533 = arith.constant 5888 : index
    %get3A_1534 = arith.constant 0 : index
    %get3A_1535 = vector.load %arg2[%get3A_1533, %get3A_1534] : memref<7168x128xf32, #tpu.memory_space<vmem>>, vector<128x128xf32>
    %get3A_1536 = arith.constant 2944 : index
    %get3A_1537 = arith.constant 0 : index
    %get3A_1538 = vector.load %arg3[%get3A_1536, %get3A_1537] : memref<3584x128xi32, #tpu.memory_space<vmem>>, vector<64x128xi32>
    %convert_element_type3A_1539 = arith.truncf %get3A_1535 : vector<128x128xf32> to vector<128x128xbf16>
    %dot_general3A_1540 = arith.constant dense<0.000000e+00> : vector<64x128xf32>
    %dot_general3A_1541 = tpu.matmul %convert_element_type3A, %convert_element_type3A_1539, %dot_general3A_1540 {dimension_numbers = #tpu.dot_dimension_numbers<[1], [0], [0], [1], [0, 0, 1, 1], [], []>, transpose_lhs_hint = false} : vector<64x128xbf16>, vector<128x128xbf16>, vector<64x128xf32> -> vector<64x128xf32>
    %convert_element_type3A_1542 = arith.sitofp %get3A_1538 : vector<64x128xi32> to vector<64x128xf32>
    %mul3A_1543 = arith.constant 2.000000e+00 : f32
    %mul3A_1544 = vector.broadcast %mul3A_1543 : f32 to vector<64x128xf32>
    %mul3A_1545 = arith.mulf %mul3A_1544, %convert_element_type3A_1542 : vector<64x128xf32>
    %sub3A_1546 = arith.constant 1.000000e+00 : f32
    %sub3A_1547 = vector.broadcast %sub3A_1546 : f32 to vector<64x128xf32>
    %sub3A_1548 = arith.subf %sub3A_1547, %mul3A_1545 : vector<64x128xf32>
    %mul3A_1549 = arith.mulf %dot_general3A_1541, %sub3A_1548 : vector<64x128xf32>
    %min3A_1550 = arith.constant 8.000000e+01 : f32
    %min3A_1551 = vector.broadcast %min3A_1550 : f32 to vector<64x128xf32>
    %min3A_1552 = arith.minimumf %mul3A_1549, %min3A_1551 : vector<64x128xf32>
    %exp3A_1553 = math.exp %min3A_1552 : vector<64x128xf32>
    %add3A_1554 = arith.constant 1.000000e+00 : f32
    %add3A_1555 = vector.broadcast %add3A_1554 : f32 to vector<64x128xf32>
    %add3A_1556 = arith.addf %add3A_1555, %exp3A_1553 : vector<64x128xf32>
    %div3A_1557 = arith.divf %exp3A_1553, %add3A_1556 : vector<64x128xf32>
    %log3A_1558 = math.log %add3A_1556 : vector<64x128xf32>
    %mul3A_1559 = vector.broadcast %sub3A : f32 to vector<64x128xf32>
    %mul3A_1560 = arith.mulf %convert_element_type3A_1542, %mul3A_1559 : vector<64x128xf32>
    %add3A_1561 = vector.broadcast %squeeze3A : f32 to vector<64x128xf32>
    %add3A_1562 = arith.addf %add3A_1561, %mul3A_1560 : vector<64x128xf32>
    %mul3A_1563 = arith.mulf %div3A_1557, %div3A_1557 : vector<64x128xf32>
    %mul3A_1564 = arith.mulf %mul3A_1563, %log3A_1558 : vector<64x128xf32>
    %mul3A_1565 = arith.mulf %add3A_1562, %mul3A_1564 : vector<64x128xf32>
    %get3A_1566 = arith.constant 6016 : index
    %get3A_1567 = arith.constant 0 : index
    %get3A_1568 = vector.load %arg2[%get3A_1566, %get3A_1567] : memref<7168x128xf32, #tpu.memory_space<vmem>>, vector<128x128xf32>
    %get3A_1569 = arith.constant 3008 : index
    %get3A_1570 = arith.constant 0 : index
    %get3A_1571 = vector.load %arg3[%get3A_1569, %get3A_1570] : memref<3584x128xi32, #tpu.memory_space<vmem>>, vector<64x128xi32>
    %convert_element_type3A_1572 = arith.truncf %get3A_1568 : vector<128x128xf32> to vector<128x128xbf16>
    %dot_general3A_1573 = arith.constant dense<0.000000e+00> : vector<64x128xf32>
    %dot_general3A_1574 = tpu.matmul %convert_element_type3A, %convert_element_type3A_1572, %dot_general3A_1573 {dimension_numbers = #tpu.dot_dimension_numbers<[1], [0], [0], [1], [0, 0, 1, 1], [], []>, transpose_lhs_hint = false} : vector<64x128xbf16>, vector<128x128xbf16>, vector<64x128xf32> -> vector<64x128xf32>
    %convert_element_type3A_1575 = arith.sitofp %get3A_1571 : vector<64x128xi32> to vector<64x128xf32>
    %mul3A_1576 = arith.constant 2.000000e+00 : f32
    %mul3A_1577 = vector.broadcast %mul3A_1576 : f32 to vector<64x128xf32>
    %mul3A_1578 = arith.mulf %mul3A_1577, %convert_element_type3A_1575 : vector<64x128xf32>
    %sub3A_1579 = arith.constant 1.000000e+00 : f32
    %sub3A_1580 = vector.broadcast %sub3A_1579 : f32 to vector<64x128xf32>
    %sub3A_1581 = arith.subf %sub3A_1580, %mul3A_1578 : vector<64x128xf32>
    %mul3A_1582 = arith.mulf %dot_general3A_1574, %sub3A_1581 : vector<64x128xf32>
    %min3A_1583 = arith.constant 8.000000e+01 : f32
    %min3A_1584 = vector.broadcast %min3A_1583 : f32 to vector<64x128xf32>
    %min3A_1585 = arith.minimumf %mul3A_1582, %min3A_1584 : vector<64x128xf32>
    %exp3A_1586 = math.exp %min3A_1585 : vector<64x128xf32>
    %add3A_1587 = arith.constant 1.000000e+00 : f32
    %add3A_1588 = vector.broadcast %add3A_1587 : f32 to vector<64x128xf32>
    %add3A_1589 = arith.addf %add3A_1588, %exp3A_1586 : vector<64x128xf32>
    %div3A_1590 = arith.divf %exp3A_1586, %add3A_1589 : vector<64x128xf32>
    %log3A_1591 = math.log %add3A_1589 : vector<64x128xf32>
    %mul3A_1592 = vector.broadcast %sub3A : f32 to vector<64x128xf32>
    %mul3A_1593 = arith.mulf %convert_element_type3A_1575, %mul3A_1592 : vector<64x128xf32>
    %add3A_1594 = vector.broadcast %squeeze3A : f32 to vector<64x128xf32>
    %add3A_1595 = arith.addf %add3A_1594, %mul3A_1593 : vector<64x128xf32>
    %mul3A_1596 = arith.mulf %div3A_1590, %div3A_1590 : vector<64x128xf32>
    %mul3A_1597 = arith.mulf %mul3A_1596, %log3A_1591 : vector<64x128xf32>
    %mul3A_1598 = arith.mulf %add3A_1595, %mul3A_1597 : vector<64x128xf32>
    %get3A_1599 = arith.constant 6144 : index
    %get3A_1600 = arith.constant 0 : index
    %get3A_1601 = vector.load %arg2[%get3A_1599, %get3A_1600] : memref<7168x128xf32, #tpu.memory_space<vmem>>, vector<128x128xf32>
    %get3A_1602 = arith.constant 3072 : index
    %get3A_1603 = arith.constant 0 : index
    %get3A_1604 = vector.load %arg3[%get3A_1602, %get3A_1603] : memref<3584x128xi32, #tpu.memory_space<vmem>>, vector<64x128xi32>
    %convert_element_type3A_1605 = arith.truncf %get3A_1601 : vector<128x128xf32> to vector<128x128xbf16>
    %dot_general3A_1606 = arith.constant dense<0.000000e+00> : vector<64x128xf32>
    %dot_general3A_1607 = tpu.matmul %convert_element_type3A, %convert_element_type3A_1605, %dot_general3A_1606 {dimension_numbers = #tpu.dot_dimension_numbers<[1], [0], [0], [1], [0, 0, 1, 1], [], []>, transpose_lhs_hint = false} : vector<64x128xbf16>, vector<128x128xbf16>, vector<64x128xf32> -> vector<64x128xf32>
    %convert_element_type3A_1608 = arith.sitofp %get3A_1604 : vector<64x128xi32> to vector<64x128xf32>
    %mul3A_1609 = arith.constant 2.000000e+00 : f32
    %mul3A_1610 = vector.broadcast %mul3A_1609 : f32 to vector<64x128xf32>
    %mul3A_1611 = arith.mulf %mul3A_1610, %convert_element_type3A_1608 : vector<64x128xf32>
    %sub3A_1612 = arith.constant 1.000000e+00 : f32
    %sub3A_1613 = vector.broadcast %sub3A_1612 : f32 to vector<64x128xf32>
    %sub3A_1614 = arith.subf %sub3A_1613, %mul3A_1611 : vector<64x128xf32>
    %mul3A_1615 = arith.mulf %dot_general3A_1607, %sub3A_1614 : vector<64x128xf32>
    %min3A_1616 = arith.constant 8.000000e+01 : f32
    %min3A_1617 = vector.broadcast %min3A_1616 : f32 to vector<64x128xf32>
    %min3A_1618 = arith.minimumf %mul3A_1615, %min3A_1617 : vector<64x128xf32>
    %exp3A_1619 = math.exp %min3A_1618 : vector<64x128xf32>
    %add3A_1620 = arith.constant 1.000000e+00 : f32
    %add3A_1621 = vector.broadcast %add3A_1620 : f32 to vector<64x128xf32>
    %add3A_1622 = arith.addf %add3A_1621, %exp3A_1619 : vector<64x128xf32>
    %div3A_1623 = arith.divf %exp3A_1619, %add3A_1622 : vector<64x128xf32>
    %log3A_1624 = math.log %add3A_1622 : vector<64x128xf32>
    %mul3A_1625 = vector.broadcast %sub3A : f32 to vector<64x128xf32>
    %mul3A_1626 = arith.mulf %convert_element_type3A_1608, %mul3A_1625 : vector<64x128xf32>
    %add3A_1627 = vector.broadcast %squeeze3A : f32 to vector<64x128xf32>
    %add3A_1628 = arith.addf %add3A_1627, %mul3A_1626 : vector<64x128xf32>
    %mul3A_1629 = arith.mulf %div3A_1623, %div3A_1623 : vector<64x128xf32>
    %mul3A_1630 = arith.mulf %mul3A_1629, %log3A_1624 : vector<64x128xf32>
    %mul3A_1631 = arith.mulf %add3A_1628, %mul3A_1630 : vector<64x128xf32>
    %get3A_1632 = arith.constant 6272 : index
    %get3A_1633 = arith.constant 0 : index
    %get3A_1634 = vector.load %arg2[%get3A_1632, %get3A_1633] : memref<7168x128xf32, #tpu.memory_space<vmem>>, vector<128x128xf32>
    %get3A_1635 = arith.constant 3136 : index
    %get3A_1636 = arith.constant 0 : index
    %get3A_1637 = vector.load %arg3[%get3A_1635, %get3A_1636] : memref<3584x128xi32, #tpu.memory_space<vmem>>, vector<64x128xi32>
    %convert_element_type3A_1638 = arith.truncf %get3A_1634 : vector<128x128xf32> to vector<128x128xbf16>
    %dot_general3A_1639 = arith.constant dense<0.000000e+00> : vector<64x128xf32>
    %dot_general3A_1640 = tpu.matmul %convert_element_type3A, %convert_element_type3A_1638, %dot_general3A_1639 {dimension_numbers = #tpu.dot_dimension_numbers<[1], [0], [0], [1], [0, 0, 1, 1], [], []>, transpose_lhs_hint = false} : vector<64x128xbf16>, vector<128x128xbf16>, vector<64x128xf32> -> vector<64x128xf32>
    %convert_element_type3A_1641 = arith.sitofp %get3A_1637 : vector<64x128xi32> to vector<64x128xf32>
    %mul3A_1642 = arith.constant 2.000000e+00 : f32
    %mul3A_1643 = vector.broadcast %mul3A_1642 : f32 to vector<64x128xf32>
    %mul3A_1644 = arith.mulf %mul3A_1643, %convert_element_type3A_1641 : vector<64x128xf32>
    %sub3A_1645 = arith.constant 1.000000e+00 : f32
    %sub3A_1646 = vector.broadcast %sub3A_1645 : f32 to vector<64x128xf32>
    %sub3A_1647 = arith.subf %sub3A_1646, %mul3A_1644 : vector<64x128xf32>
    %mul3A_1648 = arith.mulf %dot_general3A_1640, %sub3A_1647 : vector<64x128xf32>
    %min3A_1649 = arith.constant 8.000000e+01 : f32
    %min3A_1650 = vector.broadcast %min3A_1649 : f32 to vector<64x128xf32>
    %min3A_1651 = arith.minimumf %mul3A_1648, %min3A_1650 : vector<64x128xf32>
    %exp3A_1652 = math.exp %min3A_1651 : vector<64x128xf32>
    %add3A_1653 = arith.constant 1.000000e+00 : f32
    %add3A_1654 = vector.broadcast %add3A_1653 : f32 to vector<64x128xf32>
    %add3A_1655 = arith.addf %add3A_1654, %exp3A_1652 : vector<64x128xf32>
    %div3A_1656 = arith.divf %exp3A_1652, %add3A_1655 : vector<64x128xf32>
    %log3A_1657 = math.log %add3A_1655 : vector<64x128xf32>
    %mul3A_1658 = vector.broadcast %sub3A : f32 to vector<64x128xf32>
    %mul3A_1659 = arith.mulf %convert_element_type3A_1641, %mul3A_1658 : vector<64x128xf32>
    %add3A_1660 = vector.broadcast %squeeze3A : f32 to vector<64x128xf32>
    %add3A_1661 = arith.addf %add3A_1660, %mul3A_1659 : vector<64x128xf32>
    %mul3A_1662 = arith.mulf %div3A_1656, %div3A_1656 : vector<64x128xf32>
    %mul3A_1663 = arith.mulf %mul3A_1662, %log3A_1657 : vector<64x128xf32>
    %mul3A_1664 = arith.mulf %add3A_1661, %mul3A_1663 : vector<64x128xf32>
    %get3A_1665 = arith.constant 6400 : index
    %get3A_1666 = arith.constant 0 : index
    %get3A_1667 = vector.load %arg2[%get3A_1665, %get3A_1666] : memref<7168x128xf32, #tpu.memory_space<vmem>>, vector<128x128xf32>
    %get3A_1668 = arith.constant 3200 : index
    %get3A_1669 = arith.constant 0 : index
    %get3A_1670 = vector.load %arg3[%get3A_1668, %get3A_1669] : memref<3584x128xi32, #tpu.memory_space<vmem>>, vector<64x128xi32>
    %convert_element_type3A_1671 = arith.truncf %get3A_1667 : vector<128x128xf32> to vector<128x128xbf16>
    %dot_general3A_1672 = arith.constant dense<0.000000e+00> : vector<64x128xf32>
    %dot_general3A_1673 = tpu.matmul %convert_element_type3A, %convert_element_type3A_1671, %dot_general3A_1672 {dimension_numbers = #tpu.dot_dimension_numbers<[1], [0], [0], [1], [0, 0, 1, 1], [], []>, transpose_lhs_hint = false} : vector<64x128xbf16>, vector<128x128xbf16>, vector<64x128xf32> -> vector<64x128xf32>
    %convert_element_type3A_1674 = arith.sitofp %get3A_1670 : vector<64x128xi32> to vector<64x128xf32>
    %mul3A_1675 = arith.constant 2.000000e+00 : f32
    %mul3A_1676 = vector.broadcast %mul3A_1675 : f32 to vector<64x128xf32>
    %mul3A_1677 = arith.mulf %mul3A_1676, %convert_element_type3A_1674 : vector<64x128xf32>
    %sub3A_1678 = arith.constant 1.000000e+00 : f32
    %sub3A_1679 = vector.broadcast %sub3A_1678 : f32 to vector<64x128xf32>
    %sub3A_1680 = arith.subf %sub3A_1679, %mul3A_1677 : vector<64x128xf32>
    %mul3A_1681 = arith.mulf %dot_general3A_1673, %sub3A_1680 : vector<64x128xf32>
    %min3A_1682 = arith.constant 8.000000e+01 : f32
    %min3A_1683 = vector.broadcast %min3A_1682 : f32 to vector<64x128xf32>
    %min3A_1684 = arith.minimumf %mul3A_1681, %min3A_1683 : vector<64x128xf32>
    %exp3A_1685 = math.exp %min3A_1684 : vector<64x128xf32>
    %add3A_1686 = arith.constant 1.000000e+00 : f32
    %add3A_1687 = vector.broadcast %add3A_1686 : f32 to vector<64x128xf32>
    %add3A_1688 = arith.addf %add3A_1687, %exp3A_1685 : vector<64x128xf32>
    %div3A_1689 = arith.divf %exp3A_1685, %add3A_1688 : vector<64x128xf32>
    %log3A_1690 = math.log %add3A_1688 : vector<64x128xf32>
    %mul3A_1691 = vector.broadcast %sub3A : f32 to vector<64x128xf32>
    %mul3A_1692 = arith.mulf %convert_element_type3A_1674, %mul3A_1691 : vector<64x128xf32>
    %add3A_1693 = vector.broadcast %squeeze3A : f32 to vector<64x128xf32>
    %add3A_1694 = arith.addf %add3A_1693, %mul3A_1692 : vector<64x128xf32>
    %mul3A_1695 = arith.mulf %div3A_1689, %div3A_1689 : vector<64x128xf32>
    %mul3A_1696 = arith.mulf %mul3A_1695, %log3A_1690 : vector<64x128xf32>
    %mul3A_1697 = arith.mulf %add3A_1694, %mul3A_1696 : vector<64x128xf32>
    %get3A_1698 = arith.constant 6528 : index
    %get3A_1699 = arith.constant 0 : index
    %get3A_1700 = vector.load %arg2[%get3A_1698, %get3A_1699] : memref<7168x128xf32, #tpu.memory_space<vmem>>, vector<128x128xf32>
    %get3A_1701 = arith.constant 3264 : index
    %get3A_1702 = arith.constant 0 : index
    %get3A_1703 = vector.load %arg3[%get3A_1701, %get3A_1702] : memref<3584x128xi32, #tpu.memory_space<vmem>>, vector<64x128xi32>
    %convert_element_type3A_1704 = arith.truncf %get3A_1700 : vector<128x128xf32> to vector<128x128xbf16>
    %dot_general3A_1705 = arith.constant dense<0.000000e+00> : vector<64x128xf32>
    %dot_general3A_1706 = tpu.matmul %convert_element_type3A, %convert_element_type3A_1704, %dot_general3A_1705 {dimension_numbers = #tpu.dot_dimension_numbers<[1], [0], [0], [1], [0, 0, 1, 1], [], []>, transpose_lhs_hint = false} : vector<64x128xbf16>, vector<128x128xbf16>, vector<64x128xf32> -> vector<64x128xf32>
    %convert_element_type3A_1707 = arith.sitofp %get3A_1703 : vector<64x128xi32> to vector<64x128xf32>
    %mul3A_1708 = arith.constant 2.000000e+00 : f32
    %mul3A_1709 = vector.broadcast %mul3A_1708 : f32 to vector<64x128xf32>
    %mul3A_1710 = arith.mulf %mul3A_1709, %convert_element_type3A_1707 : vector<64x128xf32>
    %sub3A_1711 = arith.constant 1.000000e+00 : f32
    %sub3A_1712 = vector.broadcast %sub3A_1711 : f32 to vector<64x128xf32>
    %sub3A_1713 = arith.subf %sub3A_1712, %mul3A_1710 : vector<64x128xf32>
    %mul3A_1714 = arith.mulf %dot_general3A_1706, %sub3A_1713 : vector<64x128xf32>
    %min3A_1715 = arith.constant 8.000000e+01 : f32
    %min3A_1716 = vector.broadcast %min3A_1715 : f32 to vector<64x128xf32>
    %min3A_1717 = arith.minimumf %mul3A_1714, %min3A_1716 : vector<64x128xf32>
    %exp3A_1718 = math.exp %min3A_1717 : vector<64x128xf32>
    %add3A_1719 = arith.constant 1.000000e+00 : f32
    %add3A_1720 = vector.broadcast %add3A_1719 : f32 to vector<64x128xf32>
    %add3A_1721 = arith.addf %add3A_1720, %exp3A_1718 : vector<64x128xf32>
    %div3A_1722 = arith.divf %exp3A_1718, %add3A_1721 : vector<64x128xf32>
    %log3A_1723 = math.log %add3A_1721 : vector<64x128xf32>
    %mul3A_1724 = vector.broadcast %sub3A : f32 to vector<64x128xf32>
    %mul3A_1725 = arith.mulf %convert_element_type3A_1707, %mul3A_1724 : vector<64x128xf32>
    %add3A_1726 = vector.broadcast %squeeze3A : f32 to vector<64x128xf32>
    %add3A_1727 = arith.addf %add3A_1726, %mul3A_1725 : vector<64x128xf32>
    %mul3A_1728 = arith.mulf %div3A_1722, %div3A_1722 : vector<64x128xf32>
    %mul3A_1729 = arith.mulf %mul3A_1728, %log3A_1723 : vector<64x128xf32>
    %mul3A_1730 = arith.mulf %add3A_1727, %mul3A_1729 : vector<64x128xf32>
    %get3A_1731 = arith.constant 6656 : index
    %get3A_1732 = arith.constant 0 : index
    %get3A_1733 = vector.load %arg2[%get3A_1731, %get3A_1732] : memref<7168x128xf32, #tpu.memory_space<vmem>>, vector<128x128xf32>
    %get3A_1734 = arith.constant 3328 : index
    %get3A_1735 = arith.constant 0 : index
    %get3A_1736 = vector.load %arg3[%get3A_1734, %get3A_1735] : memref<3584x128xi32, #tpu.memory_space<vmem>>, vector<64x128xi32>
    %convert_element_type3A_1737 = arith.truncf %get3A_1733 : vector<128x128xf32> to vector<128x128xbf16>
    %dot_general3A_1738 = arith.constant dense<0.000000e+00> : vector<64x128xf32>
    %dot_general3A_1739 = tpu.matmul %convert_element_type3A, %convert_element_type3A_1737, %dot_general3A_1738 {dimension_numbers = #tpu.dot_dimension_numbers<[1], [0], [0], [1], [0, 0, 1, 1], [], []>, transpose_lhs_hint = false} : vector<64x128xbf16>, vector<128x128xbf16>, vector<64x128xf32> -> vector<64x128xf32>
    %convert_element_type3A_1740 = arith.sitofp %get3A_1736 : vector<64x128xi32> to vector<64x128xf32>
    %mul3A_1741 = arith.constant 2.000000e+00 : f32
    %mul3A_1742 = vector.broadcast %mul3A_1741 : f32 to vector<64x128xf32>
    %mul3A_1743 = arith.mulf %mul3A_1742, %convert_element_type3A_1740 : vector<64x128xf32>
    %sub3A_1744 = arith.constant 1.000000e+00 : f32
    %sub3A_1745 = vector.broadcast %sub3A_1744 : f32 to vector<64x128xf32>
    %sub3A_1746 = arith.subf %sub3A_1745, %mul3A_1743 : vector<64x128xf32>
    %mul3A_1747 = arith.mulf %dot_general3A_1739, %sub3A_1746 : vector<64x128xf32>
    %min3A_1748 = arith.constant 8.000000e+01 : f32
    %min3A_1749 = vector.broadcast %min3A_1748 : f32 to vector<64x128xf32>
    %min3A_1750 = arith.minimumf %mul3A_1747, %min3A_1749 : vector<64x128xf32>
    %exp3A_1751 = math.exp %min3A_1750 : vector<64x128xf32>
    %add3A_1752 = arith.constant 1.000000e+00 : f32
    %add3A_1753 = vector.broadcast %add3A_1752 : f32 to vector<64x128xf32>
    %add3A_1754 = arith.addf %add3A_1753, %exp3A_1751 : vector<64x128xf32>
    %div3A_1755 = arith.divf %exp3A_1751, %add3A_1754 : vector<64x128xf32>
    %log3A_1756 = math.log %add3A_1754 : vector<64x128xf32>
    %mul3A_1757 = vector.broadcast %sub3A : f32 to vector<64x128xf32>
    %mul3A_1758 = arith.mulf %convert_element_type3A_1740, %mul3A_1757 : vector<64x128xf32>
    %add3A_1759 = vector.broadcast %squeeze3A : f32 to vector<64x128xf32>
    %add3A_1760 = arith.addf %add3A_1759, %mul3A_1758 : vector<64x128xf32>
    %mul3A_1761 = arith.mulf %div3A_1755, %div3A_1755 : vector<64x128xf32>
    %mul3A_1762 = arith.mulf %mul3A_1761, %log3A_1756 : vector<64x128xf32>
    %mul3A_1763 = arith.mulf %add3A_1760, %mul3A_1762 : vector<64x128xf32>
    %get3A_1764 = arith.constant 6784 : index
    %get3A_1765 = arith.constant 0 : index
    %get3A_1766 = vector.load %arg2[%get3A_1764, %get3A_1765] : memref<7168x128xf32, #tpu.memory_space<vmem>>, vector<128x128xf32>
    %get3A_1767 = arith.constant 3392 : index
    %get3A_1768 = arith.constant 0 : index
    %get3A_1769 = vector.load %arg3[%get3A_1767, %get3A_1768] : memref<3584x128xi32, #tpu.memory_space<vmem>>, vector<64x128xi32>
    %convert_element_type3A_1770 = arith.truncf %get3A_1766 : vector<128x128xf32> to vector<128x128xbf16>
    %dot_general3A_1771 = arith.constant dense<0.000000e+00> : vector<64x128xf32>
    %dot_general3A_1772 = tpu.matmul %convert_element_type3A, %convert_element_type3A_1770, %dot_general3A_1771 {dimension_numbers = #tpu.dot_dimension_numbers<[1], [0], [0], [1], [0, 0, 1, 1], [], []>, transpose_lhs_hint = false} : vector<64x128xbf16>, vector<128x128xbf16>, vector<64x128xf32> -> vector<64x128xf32>
    %convert_element_type3A_1773 = arith.sitofp %get3A_1769 : vector<64x128xi32> to vector<64x128xf32>
    %mul3A_1774 = arith.constant 2.000000e+00 : f32
    %mul3A_1775 = vector.broadcast %mul3A_1774 : f32 to vector<64x128xf32>
    %mul3A_1776 = arith.mulf %mul3A_1775, %convert_element_type3A_1773 : vector<64x128xf32>
    %sub3A_1777 = arith.constant 1.000000e+00 : f32
    %sub3A_1778 = vector.broadcast %sub3A_1777 : f32 to vector<64x128xf32>
    %sub3A_1779 = arith.subf %sub3A_1778, %mul3A_1776 : vector<64x128xf32>
    %mul3A_1780 = arith.mulf %dot_general3A_1772, %sub3A_1779 : vector<64x128xf32>
    %min3A_1781 = arith.constant 8.000000e+01 : f32
    %min3A_1782 = vector.broadcast %min3A_1781 : f32 to vector<64x128xf32>
    %min3A_1783 = arith.minimumf %mul3A_1780, %min3A_1782 : vector<64x128xf32>
    %exp3A_1784 = math.exp %min3A_1783 : vector<64x128xf32>
    %add3A_1785 = arith.constant 1.000000e+00 : f32
    %add3A_1786 = vector.broadcast %add3A_1785 : f32 to vector<64x128xf32>
    %add3A_1787 = arith.addf %add3A_1786, %exp3A_1784 : vector<64x128xf32>
    %div3A_1788 = arith.divf %exp3A_1784, %add3A_1787 : vector<64x128xf32>
    %log3A_1789 = math.log %add3A_1787 : vector<64x128xf32>
    %mul3A_1790 = vector.broadcast %sub3A : f32 to vector<64x128xf32>
    %mul3A_1791 = arith.mulf %convert_element_type3A_1773, %mul3A_1790 : vector<64x128xf32>
    %add3A_1792 = vector.broadcast %squeeze3A : f32 to vector<64x128xf32>
    %add3A_1793 = arith.addf %add3A_1792, %mul3A_1791 : vector<64x128xf32>
    %mul3A_1794 = arith.mulf %div3A_1788, %div3A_1788 : vector<64x128xf32>
    %mul3A_1795 = arith.mulf %mul3A_1794, %log3A_1789 : vector<64x128xf32>
    %mul3A_1796 = arith.mulf %add3A_1793, %mul3A_1795 : vector<64x128xf32>
    %get3A_1797 = arith.constant 6912 : index
    %get3A_1798 = arith.constant 0 : index
    %get3A_1799 = vector.load %arg2[%get3A_1797, %get3A_1798] : memref<7168x128xf32, #tpu.memory_space<vmem>>, vector<128x128xf32>
    %get3A_1800 = arith.constant 3456 : index
    %get3A_1801 = arith.constant 0 : index
    %get3A_1802 = vector.load %arg3[%get3A_1800, %get3A_1801] : memref<3584x128xi32, #tpu.memory_space<vmem>>, vector<64x128xi32>
    %convert_element_type3A_1803 = arith.truncf %get3A_1799 : vector<128x128xf32> to vector<128x128xbf16>
    %dot_general3A_1804 = arith.constant dense<0.000000e+00> : vector<64x128xf32>
    %dot_general3A_1805 = tpu.matmul %convert_element_type3A, %convert_element_type3A_1803, %dot_general3A_1804 {dimension_numbers = #tpu.dot_dimension_numbers<[1], [0], [0], [1], [0, 0, 1, 1], [], []>, transpose_lhs_hint = false} : vector<64x128xbf16>, vector<128x128xbf16>, vector<64x128xf32> -> vector<64x128xf32>
    %convert_element_type3A_1806 = arith.sitofp %get3A_1802 : vector<64x128xi32> to vector<64x128xf32>
    %mul3A_1807 = arith.constant 2.000000e+00 : f32
    %mul3A_1808 = vector.broadcast %mul3A_1807 : f32 to vector<64x128xf32>
    %mul3A_1809 = arith.mulf %mul3A_1808, %convert_element_type3A_1806 : vector<64x128xf32>
    %sub3A_1810 = arith.constant 1.000000e+00 : f32
    %sub3A_1811 = vector.broadcast %sub3A_1810 : f32 to vector<64x128xf32>
    %sub3A_1812 = arith.subf %sub3A_1811, %mul3A_1809 : vector<64x128xf32>
    %mul3A_1813 = arith.mulf %dot_general3A_1805, %sub3A_1812 : vector<64x128xf32>
    %min3A_1814 = arith.constant 8.000000e+01 : f32
    %min3A_1815 = vector.broadcast %min3A_1814 : f32 to vector<64x128xf32>
    %min3A_1816 = arith.minimumf %mul3A_1813, %min3A_1815 : vector<64x128xf32>
    %exp3A_1817 = math.exp %min3A_1816 : vector<64x128xf32>
    %add3A_1818 = arith.constant 1.000000e+00 : f32
    %add3A_1819 = vector.broadcast %add3A_1818 : f32 to vector<64x128xf32>
    %add3A_1820 = arith.addf %add3A_1819, %exp3A_1817 : vector<64x128xf32>
    %div3A_1821 = arith.divf %exp3A_1817, %add3A_1820 : vector<64x128xf32>
    %log3A_1822 = math.log %add3A_1820 : vector<64x128xf32>
    %mul3A_1823 = vector.broadcast %sub3A : f32 to vector<64x128xf32>
    %mul3A_1824 = arith.mulf %convert_element_type3A_1806, %mul3A_1823 : vector<64x128xf32>
    %add3A_1825 = vector.broadcast %squeeze3A : f32 to vector<64x128xf32>
    %add3A_1826 = arith.addf %add3A_1825, %mul3A_1824 : vector<64x128xf32>
    %mul3A_1827 = arith.mulf %div3A_1821, %div3A_1821 : vector<64x128xf32>
    %mul3A_1828 = arith.mulf %mul3A_1827, %log3A_1822 : vector<64x128xf32>
    %mul3A_1829 = arith.mulf %add3A_1826, %mul3A_1828 : vector<64x128xf32>
    %get3A_1830 = arith.constant 7040 : index
    %get3A_1831 = arith.constant 0 : index
    %get3A_1832 = vector.load %arg2[%get3A_1830, %get3A_1831] : memref<7168x128xf32, #tpu.memory_space<vmem>>, vector<128x128xf32>
    %get3A_1833 = arith.constant 3520 : index
    %get3A_1834 = arith.constant 0 : index
    %get3A_1835 = vector.load %arg3[%get3A_1833, %get3A_1834] : memref<3584x128xi32, #tpu.memory_space<vmem>>, vector<64x128xi32>
    %convert_element_type3A_1836 = arith.truncf %get3A_1832 : vector<128x128xf32> to vector<128x128xbf16>
    %dot_general3A_1837 = arith.constant dense<0.000000e+00> : vector<64x128xf32>
    %dot_general3A_1838 = tpu.matmul %convert_element_type3A, %convert_element_type3A_1836, %dot_general3A_1837 {dimension_numbers = #tpu.dot_dimension_numbers<[1], [0], [0], [1], [0, 0, 1, 1], [], []>, transpose_lhs_hint = false} : vector<64x128xbf16>, vector<128x128xbf16>, vector<64x128xf32> -> vector<64x128xf32>
    %convert_element_type3A_1839 = arith.sitofp %get3A_1835 : vector<64x128xi32> to vector<64x128xf32>
    %mul3A_1840 = arith.constant 2.000000e+00 : f32
    %mul3A_1841 = vector.broadcast %mul3A_1840 : f32 to vector<64x128xf32>
    %mul3A_1842 = arith.mulf %mul3A_1841, %convert_element_type3A_1839 : vector<64x128xf32>
    %sub3A_1843 = arith.constant 1.000000e+00 : f32
    %sub3A_1844 = vector.broadcast %sub3A_1843 : f32 to vector<64x128xf32>
    %sub3A_1845 = arith.subf %sub3A_1844, %mul3A_1842 : vector<64x128xf32>
    %mul3A_1846 = arith.mulf %dot_general3A_1838, %sub3A_1845 : vector<64x128xf32>
    %min3A_1847 = arith.constant 8.000000e+01 : f32
    %min3A_1848 = vector.broadcast %min3A_1847 : f32 to vector<64x128xf32>
    %min3A_1849 = arith.minimumf %mul3A_1846, %min3A_1848 : vector<64x128xf32>
    %exp3A_1850 = math.exp %min3A_1849 : vector<64x128xf32>
    %add3A_1851 = arith.constant 1.000000e+00 : f32
    %add3A_1852 = vector.broadcast %add3A_1851 : f32 to vector<64x128xf32>
    %add3A_1853 = arith.addf %add3A_1852, %exp3A_1850 : vector<64x128xf32>
    %div3A_1854 = arith.divf %exp3A_1850, %add3A_1853 : vector<64x128xf32>
    %log3A_1855 = math.log %add3A_1853 : vector<64x128xf32>
    %mul3A_1856 = vector.broadcast %sub3A : f32 to vector<64x128xf32>
    %mul3A_1857 = arith.mulf %convert_element_type3A_1839, %mul3A_1856 : vector<64x128xf32>
    %add3A_1858 = vector.broadcast %squeeze3A : f32 to vector<64x128xf32>
    %add3A_1859 = arith.addf %add3A_1858, %mul3A_1857 : vector<64x128xf32>
    %mul3A_1860 = arith.mulf %div3A_1854, %div3A_1854 : vector<64x128xf32>
    %mul3A_1861 = arith.mulf %mul3A_1860, %log3A_1855 : vector<64x128xf32>
    %mul3A_1862 = arith.mulf %add3A_1859, %mul3A_1861 : vector<64x128xf32>
    %add3A_1863 = arith.addf %mul3A_47, %mul3A_80 : vector<64x128xf32>
    %add3A_1864 = arith.addf %add3A_1863, %mul3A_113 : vector<64x128xf32>
    %add3A_1865 = arith.addf %add3A_1864, %mul3A_146 : vector<64x128xf32>
    %add3A_1866 = arith.addf %add3A_1865, %mul3A_179 : vector<64x128xf32>
    %add3A_1867 = arith.addf %add3A_1866, %mul3A_212 : vector<64x128xf32>
    %add3A_1868 = arith.addf %add3A_1867, %mul3A_245 : vector<64x128xf32>
    %add3A_1869 = arith.addf %add3A_1868, %mul3A_278 : vector<64x128xf32>
    %add3A_1870 = arith.addf %add3A_1869, %mul3A_311 : vector<64x128xf32>
    %add3A_1871 = arith.addf %add3A_1870, %mul3A_344 : vector<64x128xf32>
    %add3A_1872 = arith.addf %add3A_1871, %mul3A_377 : vector<64x128xf32>
    %add3A_1873 = arith.addf %add3A_1872, %mul3A_410 : vector<64x128xf32>
    %add3A_1874 = arith.addf %add3A_1873, %mul3A_443 : vector<64x128xf32>
    %add3A_1875 = arith.addf %add3A_1874, %mul3A_476 : vector<64x128xf32>
    %add3A_1876 = arith.addf %add3A_1875, %mul3A_509 : vector<64x128xf32>
    %add3A_1877 = arith.addf %add3A_1876, %mul3A_542 : vector<64x128xf32>
    %add3A_1878 = arith.addf %add3A_1877, %mul3A_575 : vector<64x128xf32>
    %add3A_1879 = arith.addf %add3A_1878, %mul3A_608 : vector<64x128xf32>
    %add3A_1880 = arith.addf %add3A_1879, %mul3A_641 : vector<64x128xf32>
    %add3A_1881 = arith.addf %add3A_1880, %mul3A_674 : vector<64x128xf32>
    %add3A_1882 = arith.addf %add3A_1881, %mul3A_707 : vector<64x128xf32>
    %add3A_1883 = arith.addf %add3A_1882, %mul3A_740 : vector<64x128xf32>
    %add3A_1884 = arith.addf %add3A_1883, %mul3A_773 : vector<64x128xf32>
    %add3A_1885 = arith.addf %add3A_1884, %mul3A_806 : vector<64x128xf32>
    %add3A_1886 = arith.addf %add3A_1885, %mul3A_839 : vector<64x128xf32>
    %add3A_1887 = arith.addf %add3A_1886, %mul3A_872 : vector<64x128xf32>
    %add3A_1888 = arith.addf %add3A_1887, %mul3A_905 : vector<64x128xf32>
    %add3A_1889 = arith.addf %add3A_1888, %mul3A_938 : vector<64x128xf32>
    %add3A_1890 = arith.addf %add3A_1889, %mul3A_971 : vector<64x128xf32>
    %add3A_1891 = arith.addf %add3A_1890, %mul3A_1004 : vector<64x128xf32>
    %add3A_1892 = arith.addf %add3A_1891, %mul3A_1037 : vector<64x128xf32>
    %add3A_1893 = arith.addf %add3A_1892, %mul3A_1070 : vector<64x128xf32>
    %add3A_1894 = arith.addf %add3A_1893, %mul3A_1103 : vector<64x128xf32>
    %add3A_1895 = arith.addf %add3A_1894, %mul3A_1136 : vector<64x128xf32>
    %add3A_1896 = arith.addf %add3A_1895, %mul3A_1169 : vector<64x128xf32>
    %add3A_1897 = arith.addf %add3A_1896, %mul3A_1202 : vector<64x128xf32>
    %add3A_1898 = arith.addf %add3A_1897, %mul3A_1235 : vector<64x128xf32>
    %add3A_1899 = arith.addf %add3A_1898, %mul3A_1268 : vector<64x128xf32>
    %add3A_1900 = arith.addf %add3A_1899, %mul3A_1301 : vector<64x128xf32>
    %add3A_1901 = arith.addf %add3A_1900, %mul3A_1334 : vector<64x128xf32>
    %add3A_1902 = arith.addf %add3A_1901, %mul3A_1367 : vector<64x128xf32>
    %add3A_1903 = arith.addf %add3A_1902, %mul3A_1400 : vector<64x128xf32>
    %add3A_1904 = arith.addf %add3A_1903, %mul3A_1433 : vector<64x128xf32>
    %add3A_1905 = arith.addf %add3A_1904, %mul3A_1466 : vector<64x128xf32>
    %add3A_1906 = arith.addf %add3A_1905, %mul3A_1499 : vector<64x128xf32>
    %add3A_1907 = arith.addf %add3A_1906, %mul3A_1532 : vector<64x128xf32>
    %add3A_1908 = arith.addf %add3A_1907, %mul3A_1565 : vector<64x128xf32>
    %add3A_1909 = arith.addf %add3A_1908, %mul3A_1598 : vector<64x128xf32>
    %add3A_1910 = arith.addf %add3A_1909, %mul3A_1631 : vector<64x128xf32>
    %add3A_1911 = arith.addf %add3A_1910, %mul3A_1664 : vector<64x128xf32>
    %add3A_1912 = arith.addf %add3A_1911, %mul3A_1697 : vector<64x128xf32>
    %add3A_1913 = arith.addf %add3A_1912, %mul3A_1730 : vector<64x128xf32>
    %add3A_1914 = arith.addf %add3A_1913, %mul3A_1763 : vector<64x128xf32>
    %add3A_1915 = arith.addf %add3A_1914, %mul3A_1796 : vector<64x128xf32>
    %add3A_1916 = arith.addf %add3A_1915, %mul3A_1829 : vector<64x128xf32>
    %add3A_1917 = arith.addf %add3A_1916, %mul3A_1862 : vector<64x128xf32>
    %iota3A_1918 = tpu.iota {dimensions = array<i32: 0>} : vector<64x128xi32>
    %iota3A_1919 = tpu.iota {dimensions = array<i32: 1>} : vector<64x128xi32>
    %mul3A_1920 = arith.constant 2 : i32
    %mul3A_1921 = vector.broadcast %mul3A_1920 : i32 to vector<64x128xi32>
    %mul3A_1922 = arith.muli %mul3A_1921, %iota3A_1918 : vector<64x128xi32>
    %add3A_1923 = arith.constant 1 : i32
    %add3A_1924 = vector.broadcast %add3A_1923 : i32 to vector<64x128xi32>
    %add3A_1925 = arith.addi %mul3A_1922, %add3A_1924 : vector<64x128xi32>
    %eq3A_1926 = arith.cmpi eq, %iota3A_1919, %add3A_1925 : vector<64x128xi32>
    %jit3A_1927 = arith.constant 1.000000e+00 : f32
    %jit3A_1928 = arith.constant 0.000000e+00 : f32
    %broadcast_in_dim3A_1929 = vector.broadcast %jit3A_1927 : f32 to vector<64x128xf32>
    %broadcast_in_dim3A_1930 = vector.broadcast %jit3A_1928 : f32 to vector<64x128xf32>
    %select_n3A_1931 = arith.select %eq3A_1926, %broadcast_in_dim3A_1929, %broadcast_in_dim3A_1930 : vector<64x128xi1>, vector<64x128xf32>
    %mul3A_1932 = arith.constant 2 : i32
    %mul3A_1933 = vector.broadcast %mul3A_1932 : i32 to vector<64x128xi32>
    %mul3A_1934 = arith.muli %mul3A_1933, %iota3A_1918 : vector<64x128xi32>
    %eq3A_1935 = arith.cmpi eq, %iota3A_1919, %mul3A_1934 : vector<64x128xi32>
    %jit3A_1936 = arith.constant 1.000000e+00 : f32
    %jit3A_1937 = arith.constant 0.000000e+00 : f32
    %broadcast_in_dim3A_1938 = vector.broadcast %jit3A_1936 : f32 to vector<64x128xf32>
    %broadcast_in_dim3A_1939 = vector.broadcast %jit3A_1937 : f32 to vector<64x128xf32>
    %select_n3A_1940 = arith.select %eq3A_1935, %broadcast_in_dim3A_1938, %broadcast_in_dim3A_1939 : vector<64x128xi1>, vector<64x128xf32>
    %sub3A_1941 = arith.subf %select_n3A_1931, %select_n3A_1940 : vector<64x128xf32>
    %convert_element_type3A_1942 = arith.truncf %sub3A_1941 : vector<64x128xf32> to vector<64x128xbf16>
    %get3A_1943 = arith.constant 0 : index
    %get3A_1944 = arith.constant 0 : index
    %get3A_1945 = vector.load %arg4[%get3A_1943, %get3A_1944] : memref<7168x128xf32, #tpu.memory_space<vmem>>, vector<128x128xf32>
    %get3A_1946 = arith.constant 0 : index
    %get3A_1947 = arith.constant 0 : index
    %get3A_1948 = vector.load %arg5[%get3A_1946, %get3A_1947] : memref<3584x128xi32, #tpu.memory_space<vmem>>, vector<64x128xi32>
    %convert_element_type3A_1949 = arith.truncf %get3A_1945 : vector<128x128xf32> to vector<128x128xbf16>
    %dot_general3A_1950 = arith.constant dense<0.000000e+00> : vector<64x128xf32>
    %dot_general3A_1951 = tpu.matmul %convert_element_type3A_1942, %convert_element_type3A_1949, %dot_general3A_1950 {dimension_numbers = #tpu.dot_dimension_numbers<[1], [0], [0], [1], [0, 0, 1, 1], [], []>, transpose_lhs_hint = false} : vector<64x128xbf16>, vector<128x128xbf16>, vector<64x128xf32> -> vector<64x128xf32>
    %convert_element_type3A_1952 = arith.sitofp %get3A_1948 : vector<64x128xi32> to vector<64x128xf32>
    %mul3A_1953 = arith.constant 2.000000e+00 : f32
    %mul3A_1954 = vector.broadcast %mul3A_1953 : f32 to vector<64x128xf32>
    %mul3A_1955 = arith.mulf %mul3A_1954, %convert_element_type3A_1952 : vector<64x128xf32>
    %sub3A_1956 = arith.constant 1.000000e+00 : f32
    %sub3A_1957 = vector.broadcast %sub3A_1956 : f32 to vector<64x128xf32>
    %sub3A_1958 = arith.subf %sub3A_1957, %mul3A_1955 : vector<64x128xf32>
    %mul3A_1959 = arith.mulf %dot_general3A_1951, %sub3A_1958 : vector<64x128xf32>
    %min3A_1960 = arith.constant 8.000000e+01 : f32
    %min3A_1961 = vector.broadcast %min3A_1960 : f32 to vector<64x128xf32>
    %min3A_1962 = arith.minimumf %mul3A_1959, %min3A_1961 : vector<64x128xf32>
    %exp3A_1963 = math.exp %min3A_1962 : vector<64x128xf32>
    %add3A_1964 = arith.constant 1.000000e+00 : f32
    %add3A_1965 = vector.broadcast %add3A_1964 : f32 to vector<64x128xf32>
    %add3A_1966 = arith.addf %add3A_1965, %exp3A_1963 : vector<64x128xf32>
    %div3A_1967 = arith.divf %exp3A_1963, %add3A_1966 : vector<64x128xf32>
    %log3A_1968 = math.log %add3A_1966 : vector<64x128xf32>
    %mul3A_1969 = vector.broadcast %sub3A : f32 to vector<64x128xf32>
    %mul3A_1970 = arith.mulf %convert_element_type3A_1952, %mul3A_1969 : vector<64x128xf32>
    %add3A_1971 = vector.broadcast %squeeze3A : f32 to vector<64x128xf32>
    %add3A_1972 = arith.addf %add3A_1971, %mul3A_1970 : vector<64x128xf32>
    %mul3A_1973 = arith.mulf %div3A_1967, %div3A_1967 : vector<64x128xf32>
    %mul3A_1974 = arith.mulf %mul3A_1973, %log3A_1968 : vector<64x128xf32>
    %mul3A_1975 = arith.mulf %add3A_1972, %mul3A_1974 : vector<64x128xf32>
    %get3A_1976 = arith.constant 128 : index
    %get3A_1977 = arith.constant 0 : index
    %get3A_1978 = vector.load %arg4[%get3A_1976, %get3A_1977] : memref<7168x128xf32, #tpu.memory_space<vmem>>, vector<128x128xf32>
    %get3A_1979 = arith.constant 64 : index
    %get3A_1980 = arith.constant 0 : index
    %get3A_1981 = vector.load %arg5[%get3A_1979, %get3A_1980] : memref<3584x128xi32, #tpu.memory_space<vmem>>, vector<64x128xi32>
    %convert_element_type3A_1982 = arith.truncf %get3A_1978 : vector<128x128xf32> to vector<128x128xbf16>
    %dot_general3A_1983 = arith.constant dense<0.000000e+00> : vector<64x128xf32>
    %dot_general3A_1984 = tpu.matmul %convert_element_type3A_1942, %convert_element_type3A_1982, %dot_general3A_1983 {dimension_numbers = #tpu.dot_dimension_numbers<[1], [0], [0], [1], [0, 0, 1, 1], [], []>, transpose_lhs_hint = false} : vector<64x128xbf16>, vector<128x128xbf16>, vector<64x128xf32> -> vector<64x128xf32>
    %convert_element_type3A_1985 = arith.sitofp %get3A_1981 : vector<64x128xi32> to vector<64x128xf32>
    %mul3A_1986 = arith.constant 2.000000e+00 : f32
    %mul3A_1987 = vector.broadcast %mul3A_1986 : f32 to vector<64x128xf32>
    %mul3A_1988 = arith.mulf %mul3A_1987, %convert_element_type3A_1985 : vector<64x128xf32>
    %sub3A_1989 = arith.constant 1.000000e+00 : f32
    %sub3A_1990 = vector.broadcast %sub3A_1989 : f32 to vector<64x128xf32>
    %sub3A_1991 = arith.subf %sub3A_1990, %mul3A_1988 : vector<64x128xf32>
    %mul3A_1992 = arith.mulf %dot_general3A_1984, %sub3A_1991 : vector<64x128xf32>
    %min3A_1993 = arith.constant 8.000000e+01 : f32
    %min3A_1994 = vector.broadcast %min3A_1993 : f32 to vector<64x128xf32>
    %min3A_1995 = arith.minimumf %mul3A_1992, %min3A_1994 : vector<64x128xf32>
    %exp3A_1996 = math.exp %min3A_1995 : vector<64x128xf32>
    %add3A_1997 = arith.constant 1.000000e+00 : f32
    %add3A_1998 = vector.broadcast %add3A_1997 : f32 to vector<64x128xf32>
    %add3A_1999 = arith.addf %add3A_1998, %exp3A_1996 : vector<64x128xf32>
    %div3A_2000 = arith.divf %exp3A_1996, %add3A_1999 : vector<64x128xf32>
    %log3A_2001 = math.log %add3A_1999 : vector<64x128xf32>
    %mul3A_2002 = vector.broadcast %sub3A : f32 to vector<64x128xf32>
    %mul3A_2003 = arith.mulf %convert_element_type3A_1985, %mul3A_2002 : vector<64x128xf32>
    %add3A_2004 = vector.broadcast %squeeze3A : f32 to vector<64x128xf32>
    %add3A_2005 = arith.addf %add3A_2004, %mul3A_2003 : vector<64x128xf32>
    %mul3A_2006 = arith.mulf %div3A_2000, %div3A_2000 : vector<64x128xf32>
    %mul3A_2007 = arith.mulf %mul3A_2006, %log3A_2001 : vector<64x128xf32>
    %mul3A_2008 = arith.mulf %add3A_2005, %mul3A_2007 : vector<64x128xf32>
    %get3A_2009 = arith.constant 256 : index
    %get3A_2010 = arith.constant 0 : index
    %get3A_2011 = vector.load %arg4[%get3A_2009, %get3A_2010] : memref<7168x128xf32, #tpu.memory_space<vmem>>, vector<128x128xf32>
    %get3A_2012 = arith.constant 128 : index
    %get3A_2013 = arith.constant 0 : index
    %get3A_2014 = vector.load %arg5[%get3A_2012, %get3A_2013] : memref<3584x128xi32, #tpu.memory_space<vmem>>, vector<64x128xi32>
    %convert_element_type3A_2015 = arith.truncf %get3A_2011 : vector<128x128xf32> to vector<128x128xbf16>
    %dot_general3A_2016 = arith.constant dense<0.000000e+00> : vector<64x128xf32>
    %dot_general3A_2017 = tpu.matmul %convert_element_type3A_1942, %convert_element_type3A_2015, %dot_general3A_2016 {dimension_numbers = #tpu.dot_dimension_numbers<[1], [0], [0], [1], [0, 0, 1, 1], [], []>, transpose_lhs_hint = false} : vector<64x128xbf16>, vector<128x128xbf16>, vector<64x128xf32> -> vector<64x128xf32>
    %convert_element_type3A_2018 = arith.sitofp %get3A_2014 : vector<64x128xi32> to vector<64x128xf32>
    %mul3A_2019 = arith.constant 2.000000e+00 : f32
    %mul3A_2020 = vector.broadcast %mul3A_2019 : f32 to vector<64x128xf32>
    %mul3A_2021 = arith.mulf %mul3A_2020, %convert_element_type3A_2018 : vector<64x128xf32>
    %sub3A_2022 = arith.constant 1.000000e+00 : f32
    %sub3A_2023 = vector.broadcast %sub3A_2022 : f32 to vector<64x128xf32>
    %sub3A_2024 = arith.subf %sub3A_2023, %mul3A_2021 : vector<64x128xf32>
    %mul3A_2025 = arith.mulf %dot_general3A_2017, %sub3A_2024 : vector<64x128xf32>
    %min3A_2026 = arith.constant 8.000000e+01 : f32
    %min3A_2027 = vector.broadcast %min3A_2026 : f32 to vector<64x128xf32>
    %min3A_2028 = arith.minimumf %mul3A_2025, %min3A_2027 : vector<64x128xf32>
    %exp3A_2029 = math.exp %min3A_2028 : vector<64x128xf32>
    %add3A_2030 = arith.constant 1.000000e+00 : f32
    %add3A_2031 = vector.broadcast %add3A_2030 : f32 to vector<64x128xf32>
    %add3A_2032 = arith.addf %add3A_2031, %exp3A_2029 : vector<64x128xf32>
    %div3A_2033 = arith.divf %exp3A_2029, %add3A_2032 : vector<64x128xf32>
    %log3A_2034 = math.log %add3A_2032 : vector<64x128xf32>
    %mul3A_2035 = vector.broadcast %sub3A : f32 to vector<64x128xf32>
    %mul3A_2036 = arith.mulf %convert_element_type3A_2018, %mul3A_2035 : vector<64x128xf32>
    %add3A_2037 = vector.broadcast %squeeze3A : f32 to vector<64x128xf32>
    %add3A_2038 = arith.addf %add3A_2037, %mul3A_2036 : vector<64x128xf32>
    %mul3A_2039 = arith.mulf %div3A_2033, %div3A_2033 : vector<64x128xf32>
    %mul3A_2040 = arith.mulf %mul3A_2039, %log3A_2034 : vector<64x128xf32>
    %mul3A_2041 = arith.mulf %add3A_2038, %mul3A_2040 : vector<64x128xf32>
    %get3A_2042 = arith.constant 384 : index
    %get3A_2043 = arith.constant 0 : index
    %get3A_2044 = vector.load %arg4[%get3A_2042, %get3A_2043] : memref<7168x128xf32, #tpu.memory_space<vmem>>, vector<128x128xf32>
    %get3A_2045 = arith.constant 192 : index
    %get3A_2046 = arith.constant 0 : index
    %get3A_2047 = vector.load %arg5[%get3A_2045, %get3A_2046] : memref<3584x128xi32, #tpu.memory_space<vmem>>, vector<64x128xi32>
    %convert_element_type3A_2048 = arith.truncf %get3A_2044 : vector<128x128xf32> to vector<128x128xbf16>
    %dot_general3A_2049 = arith.constant dense<0.000000e+00> : vector<64x128xf32>
    %dot_general3A_2050 = tpu.matmul %convert_element_type3A_1942, %convert_element_type3A_2048, %dot_general3A_2049 {dimension_numbers = #tpu.dot_dimension_numbers<[1], [0], [0], [1], [0, 0, 1, 1], [], []>, transpose_lhs_hint = false} : vector<64x128xbf16>, vector<128x128xbf16>, vector<64x128xf32> -> vector<64x128xf32>
    %convert_element_type3A_2051 = arith.sitofp %get3A_2047 : vector<64x128xi32> to vector<64x128xf32>
    %mul3A_2052 = arith.constant 2.000000e+00 : f32
    %mul3A_2053 = vector.broadcast %mul3A_2052 : f32 to vector<64x128xf32>
    %mul3A_2054 = arith.mulf %mul3A_2053, %convert_element_type3A_2051 : vector<64x128xf32>
    %sub3A_2055 = arith.constant 1.000000e+00 : f32
    %sub3A_2056 = vector.broadcast %sub3A_2055 : f32 to vector<64x128xf32>
    %sub3A_2057 = arith.subf %sub3A_2056, %mul3A_2054 : vector<64x128xf32>
    %mul3A_2058 = arith.mulf %dot_general3A_2050, %sub3A_2057 : vector<64x128xf32>
    %min3A_2059 = arith.constant 8.000000e+01 : f32
    %min3A_2060 = vector.broadcast %min3A_2059 : f32 to vector<64x128xf32>
    %min3A_2061 = arith.minimumf %mul3A_2058, %min3A_2060 : vector<64x128xf32>
    %exp3A_2062 = math.exp %min3A_2061 : vector<64x128xf32>
    %add3A_2063 = arith.constant 1.000000e+00 : f32
    %add3A_2064 = vector.broadcast %add3A_2063 : f32 to vector<64x128xf32>
    %add3A_2065 = arith.addf %add3A_2064, %exp3A_2062 : vector<64x128xf32>
    %div3A_2066 = arith.divf %exp3A_2062, %add3A_2065 : vector<64x128xf32>
    %log3A_2067 = math.log %add3A_2065 : vector<64x128xf32>
    %mul3A_2068 = vector.broadcast %sub3A : f32 to vector<64x128xf32>
    %mul3A_2069 = arith.mulf %convert_element_type3A_2051, %mul3A_2068 : vector<64x128xf32>
    %add3A_2070 = vector.broadcast %squeeze3A : f32 to vector<64x128xf32>
    %add3A_2071 = arith.addf %add3A_2070, %mul3A_2069 : vector<64x128xf32>
    %mul3A_2072 = arith.mulf %div3A_2066, %div3A_2066 : vector<64x128xf32>
    %mul3A_2073 = arith.mulf %mul3A_2072, %log3A_2067 : vector<64x128xf32>
    %mul3A_2074 = arith.mulf %add3A_2071, %mul3A_2073 : vector<64x128xf32>
    %get3A_2075 = arith.constant 512 : index
    %get3A_2076 = arith.constant 0 : index
    %get3A_2077 = vector.load %arg4[%get3A_2075, %get3A_2076] : memref<7168x128xf32, #tpu.memory_space<vmem>>, vector<128x128xf32>
    %get3A_2078 = arith.constant 256 : index
    %get3A_2079 = arith.constant 0 : index
    %get3A_2080 = vector.load %arg5[%get3A_2078, %get3A_2079] : memref<3584x128xi32, #tpu.memory_space<vmem>>, vector<64x128xi32>
    %convert_element_type3A_2081 = arith.truncf %get3A_2077 : vector<128x128xf32> to vector<128x128xbf16>
    %dot_general3A_2082 = arith.constant dense<0.000000e+00> : vector<64x128xf32>
    %dot_general3A_2083 = tpu.matmul %convert_element_type3A_1942, %convert_element_type3A_2081, %dot_general3A_2082 {dimension_numbers = #tpu.dot_dimension_numbers<[1], [0], [0], [1], [0, 0, 1, 1], [], []>, transpose_lhs_hint = false} : vector<64x128xbf16>, vector<128x128xbf16>, vector<64x128xf32> -> vector<64x128xf32>
    %convert_element_type3A_2084 = arith.sitofp %get3A_2080 : vector<64x128xi32> to vector<64x128xf32>
    %mul3A_2085 = arith.constant 2.000000e+00 : f32
    %mul3A_2086 = vector.broadcast %mul3A_2085 : f32 to vector<64x128xf32>
    %mul3A_2087 = arith.mulf %mul3A_2086, %convert_element_type3A_2084 : vector<64x128xf32>
    %sub3A_2088 = arith.constant 1.000000e+00 : f32
    %sub3A_2089 = vector.broadcast %sub3A_2088 : f32 to vector<64x128xf32>
    %sub3A_2090 = arith.subf %sub3A_2089, %mul3A_2087 : vector<64x128xf32>
    %mul3A_2091 = arith.mulf %dot_general3A_2083, %sub3A_2090 : vector<64x128xf32>
    %min3A_2092 = arith.constant 8.000000e+01 : f32
    %min3A_2093 = vector.broadcast %min3A_2092 : f32 to vector<64x128xf32>
    %min3A_2094 = arith.minimumf %mul3A_2091, %min3A_2093 : vector<64x128xf32>
    %exp3A_2095 = math.exp %min3A_2094 : vector<64x128xf32>
    %add3A_2096 = arith.constant 1.000000e+00 : f32
    %add3A_2097 = vector.broadcast %add3A_2096 : f32 to vector<64x128xf32>
    %add3A_2098 = arith.addf %add3A_2097, %exp3A_2095 : vector<64x128xf32>
    %div3A_2099 = arith.divf %exp3A_2095, %add3A_2098 : vector<64x128xf32>
    %log3A_2100 = math.log %add3A_2098 : vector<64x128xf32>
    %mul3A_2101 = vector.broadcast %sub3A : f32 to vector<64x128xf32>
    %mul3A_2102 = arith.mulf %convert_element_type3A_2084, %mul3A_2101 : vector<64x128xf32>
    %add3A_2103 = vector.broadcast %squeeze3A : f32 to vector<64x128xf32>
    %add3A_2104 = arith.addf %add3A_2103, %mul3A_2102 : vector<64x128xf32>
    %mul3A_2105 = arith.mulf %div3A_2099, %div3A_2099 : vector<64x128xf32>
    %mul3A_2106 = arith.mulf %mul3A_2105, %log3A_2100 : vector<64x128xf32>
    %mul3A_2107 = arith.mulf %add3A_2104, %mul3A_2106 : vector<64x128xf32>
    %get3A_2108 = arith.constant 640 : index
    %get3A_2109 = arith.constant 0 : index
    %get3A_2110 = vector.load %arg4[%get3A_2108, %get3A_2109] : memref<7168x128xf32, #tpu.memory_space<vmem>>, vector<128x128xf32>
    %get3A_2111 = arith.constant 320 : index
    %get3A_2112 = arith.constant 0 : index
    %get3A_2113 = vector.load %arg5[%get3A_2111, %get3A_2112] : memref<3584x128xi32, #tpu.memory_space<vmem>>, vector<64x128xi32>
    %convert_element_type3A_2114 = arith.truncf %get3A_2110 : vector<128x128xf32> to vector<128x128xbf16>
    %dot_general3A_2115 = arith.constant dense<0.000000e+00> : vector<64x128xf32>
    %dot_general3A_2116 = tpu.matmul %convert_element_type3A_1942, %convert_element_type3A_2114, %dot_general3A_2115 {dimension_numbers = #tpu.dot_dimension_numbers<[1], [0], [0], [1], [0, 0, 1, 1], [], []>, transpose_lhs_hint = false} : vector<64x128xbf16>, vector<128x128xbf16>, vector<64x128xf32> -> vector<64x128xf32>
    %convert_element_type3A_2117 = arith.sitofp %get3A_2113 : vector<64x128xi32> to vector<64x128xf32>
    %mul3A_2118 = arith.constant 2.000000e+00 : f32
    %mul3A_2119 = vector.broadcast %mul3A_2118 : f32 to vector<64x128xf32>
    %mul3A_2120 = arith.mulf %mul3A_2119, %convert_element_type3A_2117 : vector<64x128xf32>
    %sub3A_2121 = arith.constant 1.000000e+00 : f32
    %sub3A_2122 = vector.broadcast %sub3A_2121 : f32 to vector<64x128xf32>
    %sub3A_2123 = arith.subf %sub3A_2122, %mul3A_2120 : vector<64x128xf32>
    %mul3A_2124 = arith.mulf %dot_general3A_2116, %sub3A_2123 : vector<64x128xf32>
    %min3A_2125 = arith.constant 8.000000e+01 : f32
    %min3A_2126 = vector.broadcast %min3A_2125 : f32 to vector<64x128xf32>
    %min3A_2127 = arith.minimumf %mul3A_2124, %min3A_2126 : vector<64x128xf32>
    %exp3A_2128 = math.exp %min3A_2127 : vector<64x128xf32>
    %add3A_2129 = arith.constant 1.000000e+00 : f32
    %add3A_2130 = vector.broadcast %add3A_2129 : f32 to vector<64x128xf32>
    %add3A_2131 = arith.addf %add3A_2130, %exp3A_2128 : vector<64x128xf32>
    %div3A_2132 = arith.divf %exp3A_2128, %add3A_2131 : vector<64x128xf32>
    %log3A_2133 = math.log %add3A_2131 : vector<64x128xf32>
    %mul3A_2134 = vector.broadcast %sub3A : f32 to vector<64x128xf32>
    %mul3A_2135 = arith.mulf %convert_element_type3A_2117, %mul3A_2134 : vector<64x128xf32>
    %add3A_2136 = vector.broadcast %squeeze3A : f32 to vector<64x128xf32>
    %add3A_2137 = arith.addf %add3A_2136, %mul3A_2135 : vector<64x128xf32>
    %mul3A_2138 = arith.mulf %div3A_2132, %div3A_2132 : vector<64x128xf32>
    %mul3A_2139 = arith.mulf %mul3A_2138, %log3A_2133 : vector<64x128xf32>
    %mul3A_2140 = arith.mulf %add3A_2137, %mul3A_2139 : vector<64x128xf32>
    %get3A_2141 = arith.constant 768 : index
    %get3A_2142 = arith.constant 0 : index
    %get3A_2143 = vector.load %arg4[%get3A_2141, %get3A_2142] : memref<7168x128xf32, #tpu.memory_space<vmem>>, vector<128x128xf32>
    %get3A_2144 = arith.constant 384 : index
    %get3A_2145 = arith.constant 0 : index
    %get3A_2146 = vector.load %arg5[%get3A_2144, %get3A_2145] : memref<3584x128xi32, #tpu.memory_space<vmem>>, vector<64x128xi32>
    %convert_element_type3A_2147 = arith.truncf %get3A_2143 : vector<128x128xf32> to vector<128x128xbf16>
    %dot_general3A_2148 = arith.constant dense<0.000000e+00> : vector<64x128xf32>
    %dot_general3A_2149 = tpu.matmul %convert_element_type3A_1942, %convert_element_type3A_2147, %dot_general3A_2148 {dimension_numbers = #tpu.dot_dimension_numbers<[1], [0], [0], [1], [0, 0, 1, 1], [], []>, transpose_lhs_hint = false} : vector<64x128xbf16>, vector<128x128xbf16>, vector<64x128xf32> -> vector<64x128xf32>
    %convert_element_type3A_2150 = arith.sitofp %get3A_2146 : vector<64x128xi32> to vector<64x128xf32>
    %mul3A_2151 = arith.constant 2.000000e+00 : f32
    %mul3A_2152 = vector.broadcast %mul3A_2151 : f32 to vector<64x128xf32>
    %mul3A_2153 = arith.mulf %mul3A_2152, %convert_element_type3A_2150 : vector<64x128xf32>
    %sub3A_2154 = arith.constant 1.000000e+00 : f32
    %sub3A_2155 = vector.broadcast %sub3A_2154 : f32 to vector<64x128xf32>
    %sub3A_2156 = arith.subf %sub3A_2155, %mul3A_2153 : vector<64x128xf32>
    %mul3A_2157 = arith.mulf %dot_general3A_2149, %sub3A_2156 : vector<64x128xf32>
    %min3A_2158 = arith.constant 8.000000e+01 : f32
    %min3A_2159 = vector.broadcast %min3A_2158 : f32 to vector<64x128xf32>
    %min3A_2160 = arith.minimumf %mul3A_2157, %min3A_2159 : vector<64x128xf32>
    %exp3A_2161 = math.exp %min3A_2160 : vector<64x128xf32>
    %add3A_2162 = arith.constant 1.000000e+00 : f32
    %add3A_2163 = vector.broadcast %add3A_2162 : f32 to vector<64x128xf32>
    %add3A_2164 = arith.addf %add3A_2163, %exp3A_2161 : vector<64x128xf32>
    %div3A_2165 = arith.divf %exp3A_2161, %add3A_2164 : vector<64x128xf32>
    %log3A_2166 = math.log %add3A_2164 : vector<64x128xf32>
    %mul3A_2167 = vector.broadcast %sub3A : f32 to vector<64x128xf32>
    %mul3A_2168 = arith.mulf %convert_element_type3A_2150, %mul3A_2167 : vector<64x128xf32>
    %add3A_2169 = vector.broadcast %squeeze3A : f32 to vector<64x128xf32>
    %add3A_2170 = arith.addf %add3A_2169, %mul3A_2168 : vector<64x128xf32>
    %mul3A_2171 = arith.mulf %div3A_2165, %div3A_2165 : vector<64x128xf32>
    %mul3A_2172 = arith.mulf %mul3A_2171, %log3A_2166 : vector<64x128xf32>
    %mul3A_2173 = arith.mulf %add3A_2170, %mul3A_2172 : vector<64x128xf32>
    %get3A_2174 = arith.constant 896 : index
    %get3A_2175 = arith.constant 0 : index
    %get3A_2176 = vector.load %arg4[%get3A_2174, %get3A_2175] : memref<7168x128xf32, #tpu.memory_space<vmem>>, vector<128x128xf32>
    %get3A_2177 = arith.constant 448 : index
    %get3A_2178 = arith.constant 0 : index
    %get3A_2179 = vector.load %arg5[%get3A_2177, %get3A_2178] : memref<3584x128xi32, #tpu.memory_space<vmem>>, vector<64x128xi32>
    %convert_element_type3A_2180 = arith.truncf %get3A_2176 : vector<128x128xf32> to vector<128x128xbf16>
    %dot_general3A_2181 = arith.constant dense<0.000000e+00> : vector<64x128xf32>
    %dot_general3A_2182 = tpu.matmul %convert_element_type3A_1942, %convert_element_type3A_2180, %dot_general3A_2181 {dimension_numbers = #tpu.dot_dimension_numbers<[1], [0], [0], [1], [0, 0, 1, 1], [], []>, transpose_lhs_hint = false} : vector<64x128xbf16>, vector<128x128xbf16>, vector<64x128xf32> -> vector<64x128xf32>
    %convert_element_type3A_2183 = arith.sitofp %get3A_2179 : vector<64x128xi32> to vector<64x128xf32>
    %mul3A_2184 = arith.constant 2.000000e+00 : f32
    %mul3A_2185 = vector.broadcast %mul3A_2184 : f32 to vector<64x128xf32>
    %mul3A_2186 = arith.mulf %mul3A_2185, %convert_element_type3A_2183 : vector<64x128xf32>
    %sub3A_2187 = arith.constant 1.000000e+00 : f32
    %sub3A_2188 = vector.broadcast %sub3A_2187 : f32 to vector<64x128xf32>
    %sub3A_2189 = arith.subf %sub3A_2188, %mul3A_2186 : vector<64x128xf32>
    %mul3A_2190 = arith.mulf %dot_general3A_2182, %sub3A_2189 : vector<64x128xf32>
    %min3A_2191 = arith.constant 8.000000e+01 : f32
    %min3A_2192 = vector.broadcast %min3A_2191 : f32 to vector<64x128xf32>
    %min3A_2193 = arith.minimumf %mul3A_2190, %min3A_2192 : vector<64x128xf32>
    %exp3A_2194 = math.exp %min3A_2193 : vector<64x128xf32>
    %add3A_2195 = arith.constant 1.000000e+00 : f32
    %add3A_2196 = vector.broadcast %add3A_2195 : f32 to vector<64x128xf32>
    %add3A_2197 = arith.addf %add3A_2196, %exp3A_2194 : vector<64x128xf32>
    %div3A_2198 = arith.divf %exp3A_2194, %add3A_2197 : vector<64x128xf32>
    %log3A_2199 = math.log %add3A_2197 : vector<64x128xf32>
    %mul3A_2200 = vector.broadcast %sub3A : f32 to vector<64x128xf32>
    %mul3A_2201 = arith.mulf %convert_element_type3A_2183, %mul3A_2200 : vector<64x128xf32>
    %add3A_2202 = vector.broadcast %squeeze3A : f32 to vector<64x128xf32>
    %add3A_2203 = arith.addf %add3A_2202, %mul3A_2201 : vector<64x128xf32>
    %mul3A_2204 = arith.mulf %div3A_2198, %div3A_2198 : vector<64x128xf32>
    %mul3A_2205 = arith.mulf %mul3A_2204, %log3A_2199 : vector<64x128xf32>
    %mul3A_2206 = arith.mulf %add3A_2203, %mul3A_2205 : vector<64x128xf32>
    %get3A_2207 = arith.constant 1024 : index
    %get3A_2208 = arith.constant 0 : index
    %get3A_2209 = vector.load %arg4[%get3A_2207, %get3A_2208] : memref<7168x128xf32, #tpu.memory_space<vmem>>, vector<128x128xf32>
    %get3A_2210 = arith.constant 512 : index
    %get3A_2211 = arith.constant 0 : index
    %get3A_2212 = vector.load %arg5[%get3A_2210, %get3A_2211] : memref<3584x128xi32, #tpu.memory_space<vmem>>, vector<64x128xi32>
    %convert_element_type3A_2213 = arith.truncf %get3A_2209 : vector<128x128xf32> to vector<128x128xbf16>
    %dot_general3A_2214 = arith.constant dense<0.000000e+00> : vector<64x128xf32>
    %dot_general3A_2215 = tpu.matmul %convert_element_type3A_1942, %convert_element_type3A_2213, %dot_general3A_2214 {dimension_numbers = #tpu.dot_dimension_numbers<[1], [0], [0], [1], [0, 0, 1, 1], [], []>, transpose_lhs_hint = false} : vector<64x128xbf16>, vector<128x128xbf16>, vector<64x128xf32> -> vector<64x128xf32>
    %convert_element_type3A_2216 = arith.sitofp %get3A_2212 : vector<64x128xi32> to vector<64x128xf32>
    %mul3A_2217 = arith.constant 2.000000e+00 : f32
    %mul3A_2218 = vector.broadcast %mul3A_2217 : f32 to vector<64x128xf32>
    %mul3A_2219 = arith.mulf %mul3A_2218, %convert_element_type3A_2216 : vector<64x128xf32>
    %sub3A_2220 = arith.constant 1.000000e+00 : f32
    %sub3A_2221 = vector.broadcast %sub3A_2220 : f32 to vector<64x128xf32>
    %sub3A_2222 = arith.subf %sub3A_2221, %mul3A_2219 : vector<64x128xf32>
    %mul3A_2223 = arith.mulf %dot_general3A_2215, %sub3A_2222 : vector<64x128xf32>
    %min3A_2224 = arith.constant 8.000000e+01 : f32
    %min3A_2225 = vector.broadcast %min3A_2224 : f32 to vector<64x128xf32>
    %min3A_2226 = arith.minimumf %mul3A_2223, %min3A_2225 : vector<64x128xf32>
    %exp3A_2227 = math.exp %min3A_2226 : vector<64x128xf32>
    %add3A_2228 = arith.constant 1.000000e+00 : f32
    %add3A_2229 = vector.broadcast %add3A_2228 : f32 to vector<64x128xf32>
    %add3A_2230 = arith.addf %add3A_2229, %exp3A_2227 : vector<64x128xf32>
    %div3A_2231 = arith.divf %exp3A_2227, %add3A_2230 : vector<64x128xf32>
    %log3A_2232 = math.log %add3A_2230 : vector<64x128xf32>
    %mul3A_2233 = vector.broadcast %sub3A : f32 to vector<64x128xf32>
    %mul3A_2234 = arith.mulf %convert_element_type3A_2216, %mul3A_2233 : vector<64x128xf32>
    %add3A_2235 = vector.broadcast %squeeze3A : f32 to vector<64x128xf32>
    %add3A_2236 = arith.addf %add3A_2235, %mul3A_2234 : vector<64x128xf32>
    %mul3A_2237 = arith.mulf %div3A_2231, %div3A_2231 : vector<64x128xf32>
    %mul3A_2238 = arith.mulf %mul3A_2237, %log3A_2232 : vector<64x128xf32>
    %mul3A_2239 = arith.mulf %add3A_2236, %mul3A_2238 : vector<64x128xf32>
    %get3A_2240 = arith.constant 1152 : index
    %get3A_2241 = arith.constant 0 : index
    %get3A_2242 = vector.load %arg4[%get3A_2240, %get3A_2241] : memref<7168x128xf32, #tpu.memory_space<vmem>>, vector<128x128xf32>
    %get3A_2243 = arith.constant 576 : index
    %get3A_2244 = arith.constant 0 : index
    %get3A_2245 = vector.load %arg5[%get3A_2243, %get3A_2244] : memref<3584x128xi32, #tpu.memory_space<vmem>>, vector<64x128xi32>
    %convert_element_type3A_2246 = arith.truncf %get3A_2242 : vector<128x128xf32> to vector<128x128xbf16>
    %dot_general3A_2247 = arith.constant dense<0.000000e+00> : vector<64x128xf32>
    %dot_general3A_2248 = tpu.matmul %convert_element_type3A_1942, %convert_element_type3A_2246, %dot_general3A_2247 {dimension_numbers = #tpu.dot_dimension_numbers<[1], [0], [0], [1], [0, 0, 1, 1], [], []>, transpose_lhs_hint = false} : vector<64x128xbf16>, vector<128x128xbf16>, vector<64x128xf32> -> vector<64x128xf32>
    %convert_element_type3A_2249 = arith.sitofp %get3A_2245 : vector<64x128xi32> to vector<64x128xf32>
    %mul3A_2250 = arith.constant 2.000000e+00 : f32
    %mul3A_2251 = vector.broadcast %mul3A_2250 : f32 to vector<64x128xf32>
    %mul3A_2252 = arith.mulf %mul3A_2251, %convert_element_type3A_2249 : vector<64x128xf32>
    %sub3A_2253 = arith.constant 1.000000e+00 : f32
    %sub3A_2254 = vector.broadcast %sub3A_2253 : f32 to vector<64x128xf32>
    %sub3A_2255 = arith.subf %sub3A_2254, %mul3A_2252 : vector<64x128xf32>
    %mul3A_2256 = arith.mulf %dot_general3A_2248, %sub3A_2255 : vector<64x128xf32>
    %min3A_2257 = arith.constant 8.000000e+01 : f32
    %min3A_2258 = vector.broadcast %min3A_2257 : f32 to vector<64x128xf32>
    %min3A_2259 = arith.minimumf %mul3A_2256, %min3A_2258 : vector<64x128xf32>
    %exp3A_2260 = math.exp %min3A_2259 : vector<64x128xf32>
    %add3A_2261 = arith.constant 1.000000e+00 : f32
    %add3A_2262 = vector.broadcast %add3A_2261 : f32 to vector<64x128xf32>
    %add3A_2263 = arith.addf %add3A_2262, %exp3A_2260 : vector<64x128xf32>
    %div3A_2264 = arith.divf %exp3A_2260, %add3A_2263 : vector<64x128xf32>
    %log3A_2265 = math.log %add3A_2263 : vector<64x128xf32>
    %mul3A_2266 = vector.broadcast %sub3A : f32 to vector<64x128xf32>
    %mul3A_2267 = arith.mulf %convert_element_type3A_2249, %mul3A_2266 : vector<64x128xf32>
    %add3A_2268 = vector.broadcast %squeeze3A : f32 to vector<64x128xf32>
    %add3A_2269 = arith.addf %add3A_2268, %mul3A_2267 : vector<64x128xf32>
    %mul3A_2270 = arith.mulf %div3A_2264, %div3A_2264 : vector<64x128xf32>
    %mul3A_2271 = arith.mulf %mul3A_2270, %log3A_2265 : vector<64x128xf32>
    %mul3A_2272 = arith.mulf %add3A_2269, %mul3A_2271 : vector<64x128xf32>
    %get3A_2273 = arith.constant 1280 : index
    %get3A_2274 = arith.constant 0 : index
    %get3A_2275 = vector.load %arg4[%get3A_2273, %get3A_2274] : memref<7168x128xf32, #tpu.memory_space<vmem>>, vector<128x128xf32>
    %get3A_2276 = arith.constant 640 : index
    %get3A_2277 = arith.constant 0 : index
    %get3A_2278 = vector.load %arg5[%get3A_2276, %get3A_2277] : memref<3584x128xi32, #tpu.memory_space<vmem>>, vector<64x128xi32>
    %convert_element_type3A_2279 = arith.truncf %get3A_2275 : vector<128x128xf32> to vector<128x128xbf16>
    %dot_general3A_2280 = arith.constant dense<0.000000e+00> : vector<64x128xf32>
    %dot_general3A_2281 = tpu.matmul %convert_element_type3A_1942, %convert_element_type3A_2279, %dot_general3A_2280 {dimension_numbers = #tpu.dot_dimension_numbers<[1], [0], [0], [1], [0, 0, 1, 1], [], []>, transpose_lhs_hint = false} : vector<64x128xbf16>, vector<128x128xbf16>, vector<64x128xf32> -> vector<64x128xf32>
    %convert_element_type3A_2282 = arith.sitofp %get3A_2278 : vector<64x128xi32> to vector<64x128xf32>
    %mul3A_2283 = arith.constant 2.000000e+00 : f32
    %mul3A_2284 = vector.broadcast %mul3A_2283 : f32 to vector<64x128xf32>
    %mul3A_2285 = arith.mulf %mul3A_2284, %convert_element_type3A_2282 : vector<64x128xf32>
    %sub3A_2286 = arith.constant 1.000000e+00 : f32
    %sub3A_2287 = vector.broadcast %sub3A_2286 : f32 to vector<64x128xf32>
    %sub3A_2288 = arith.subf %sub3A_2287, %mul3A_2285 : vector<64x128xf32>
    %mul3A_2289 = arith.mulf %dot_general3A_2281, %sub3A_2288 : vector<64x128xf32>
    %min3A_2290 = arith.constant 8.000000e+01 : f32
    %min3A_2291 = vector.broadcast %min3A_2290 : f32 to vector<64x128xf32>
    %min3A_2292 = arith.minimumf %mul3A_2289, %min3A_2291 : vector<64x128xf32>
    %exp3A_2293 = math.exp %min3A_2292 : vector<64x128xf32>
    %add3A_2294 = arith.constant 1.000000e+00 : f32
    %add3A_2295 = vector.broadcast %add3A_2294 : f32 to vector<64x128xf32>
    %add3A_2296 = arith.addf %add3A_2295, %exp3A_2293 : vector<64x128xf32>
    %div3A_2297 = arith.divf %exp3A_2293, %add3A_2296 : vector<64x128xf32>
    %log3A_2298 = math.log %add3A_2296 : vector<64x128xf32>
    %mul3A_2299 = vector.broadcast %sub3A : f32 to vector<64x128xf32>
    %mul3A_2300 = arith.mulf %convert_element_type3A_2282, %mul3A_2299 : vector<64x128xf32>
    %add3A_2301 = vector.broadcast %squeeze3A : f32 to vector<64x128xf32>
    %add3A_2302 = arith.addf %add3A_2301, %mul3A_2300 : vector<64x128xf32>
    %mul3A_2303 = arith.mulf %div3A_2297, %div3A_2297 : vector<64x128xf32>
    %mul3A_2304 = arith.mulf %mul3A_2303, %log3A_2298 : vector<64x128xf32>
    %mul3A_2305 = arith.mulf %add3A_2302, %mul3A_2304 : vector<64x128xf32>
    %get3A_2306 = arith.constant 1408 : index
    %get3A_2307 = arith.constant 0 : index
    %get3A_2308 = vector.load %arg4[%get3A_2306, %get3A_2307] : memref<7168x128xf32, #tpu.memory_space<vmem>>, vector<128x128xf32>
    %get3A_2309 = arith.constant 704 : index
    %get3A_2310 = arith.constant 0 : index
    %get3A_2311 = vector.load %arg5[%get3A_2309, %get3A_2310] : memref<3584x128xi32, #tpu.memory_space<vmem>>, vector<64x128xi32>
    %convert_element_type3A_2312 = arith.truncf %get3A_2308 : vector<128x128xf32> to vector<128x128xbf16>
    %dot_general3A_2313 = arith.constant dense<0.000000e+00> : vector<64x128xf32>
    %dot_general3A_2314 = tpu.matmul %convert_element_type3A_1942, %convert_element_type3A_2312, %dot_general3A_2313 {dimension_numbers = #tpu.dot_dimension_numbers<[1], [0], [0], [1], [0, 0, 1, 1], [], []>, transpose_lhs_hint = false} : vector<64x128xbf16>, vector<128x128xbf16>, vector<64x128xf32> -> vector<64x128xf32>
    %convert_element_type3A_2315 = arith.sitofp %get3A_2311 : vector<64x128xi32> to vector<64x128xf32>
    %mul3A_2316 = arith.constant 2.000000e+00 : f32
    %mul3A_2317 = vector.broadcast %mul3A_2316 : f32 to vector<64x128xf32>
    %mul3A_2318 = arith.mulf %mul3A_2317, %convert_element_type3A_2315 : vector<64x128xf32>
    %sub3A_2319 = arith.constant 1.000000e+00 : f32
    %sub3A_2320 = vector.broadcast %sub3A_2319 : f32 to vector<64x128xf32>
    %sub3A_2321 = arith.subf %sub3A_2320, %mul3A_2318 : vector<64x128xf32>
    %mul3A_2322 = arith.mulf %dot_general3A_2314, %sub3A_2321 : vector<64x128xf32>
    %min3A_2323 = arith.constant 8.000000e+01 : f32
    %min3A_2324 = vector.broadcast %min3A_2323 : f32 to vector<64x128xf32>
    %min3A_2325 = arith.minimumf %mul3A_2322, %min3A_2324 : vector<64x128xf32>
    %exp3A_2326 = math.exp %min3A_2325 : vector<64x128xf32>
    %add3A_2327 = arith.constant 1.000000e+00 : f32
    %add3A_2328 = vector.broadcast %add3A_2327 : f32 to vector<64x128xf32>
    %add3A_2329 = arith.addf %add3A_2328, %exp3A_2326 : vector<64x128xf32>
    %div3A_2330 = arith.divf %exp3A_2326, %add3A_2329 : vector<64x128xf32>
    %log3A_2331 = math.log %add3A_2329 : vector<64x128xf32>
    %mul3A_2332 = vector.broadcast %sub3A : f32 to vector<64x128xf32>
    %mul3A_2333 = arith.mulf %convert_element_type3A_2315, %mul3A_2332 : vector<64x128xf32>
    %add3A_2334 = vector.broadcast %squeeze3A : f32 to vector<64x128xf32>
    %add3A_2335 = arith.addf %add3A_2334, %mul3A_2333 : vector<64x128xf32>
    %mul3A_2336 = arith.mulf %div3A_2330, %div3A_2330 : vector<64x128xf32>
    %mul3A_2337 = arith.mulf %mul3A_2336, %log3A_2331 : vector<64x128xf32>
    %mul3A_2338 = arith.mulf %add3A_2335, %mul3A_2337 : vector<64x128xf32>
    %get3A_2339 = arith.constant 1536 : index
    %get3A_2340 = arith.constant 0 : index
    %get3A_2341 = vector.load %arg4[%get3A_2339, %get3A_2340] : memref<7168x128xf32, #tpu.memory_space<vmem>>, vector<128x128xf32>
    %get3A_2342 = arith.constant 768 : index
    %get3A_2343 = arith.constant 0 : index
    %get3A_2344 = vector.load %arg5[%get3A_2342, %get3A_2343] : memref<3584x128xi32, #tpu.memory_space<vmem>>, vector<64x128xi32>
    %convert_element_type3A_2345 = arith.truncf %get3A_2341 : vector<128x128xf32> to vector<128x128xbf16>
    %dot_general3A_2346 = arith.constant dense<0.000000e+00> : vector<64x128xf32>
    %dot_general3A_2347 = tpu.matmul %convert_element_type3A_1942, %convert_element_type3A_2345, %dot_general3A_2346 {dimension_numbers = #tpu.dot_dimension_numbers<[1], [0], [0], [1], [0, 0, 1, 1], [], []>, transpose_lhs_hint = false} : vector<64x128xbf16>, vector<128x128xbf16>, vector<64x128xf32> -> vector<64x128xf32>
    %convert_element_type3A_2348 = arith.sitofp %get3A_2344 : vector<64x128xi32> to vector<64x128xf32>
    %mul3A_2349 = arith.constant 2.000000e+00 : f32
    %mul3A_2350 = vector.broadcast %mul3A_2349 : f32 to vector<64x128xf32>
    %mul3A_2351 = arith.mulf %mul3A_2350, %convert_element_type3A_2348 : vector<64x128xf32>
    %sub3A_2352 = arith.constant 1.000000e+00 : f32
    %sub3A_2353 = vector.broadcast %sub3A_2352 : f32 to vector<64x128xf32>
    %sub3A_2354 = arith.subf %sub3A_2353, %mul3A_2351 : vector<64x128xf32>
    %mul3A_2355 = arith.mulf %dot_general3A_2347, %sub3A_2354 : vector<64x128xf32>
    %min3A_2356 = arith.constant 8.000000e+01 : f32
    %min3A_2357 = vector.broadcast %min3A_2356 : f32 to vector<64x128xf32>
    %min3A_2358 = arith.minimumf %mul3A_2355, %min3A_2357 : vector<64x128xf32>
    %exp3A_2359 = math.exp %min3A_2358 : vector<64x128xf32>
    %add3A_2360 = arith.constant 1.000000e+00 : f32
    %add3A_2361 = vector.broadcast %add3A_2360 : f32 to vector<64x128xf32>
    %add3A_2362 = arith.addf %add3A_2361, %exp3A_2359 : vector<64x128xf32>
    %div3A_2363 = arith.divf %exp3A_2359, %add3A_2362 : vector<64x128xf32>
    %log3A_2364 = math.log %add3A_2362 : vector<64x128xf32>
    %mul3A_2365 = vector.broadcast %sub3A : f32 to vector<64x128xf32>
    %mul3A_2366 = arith.mulf %convert_element_type3A_2348, %mul3A_2365 : vector<64x128xf32>
    %add3A_2367 = vector.broadcast %squeeze3A : f32 to vector<64x128xf32>
    %add3A_2368 = arith.addf %add3A_2367, %mul3A_2366 : vector<64x128xf32>
    %mul3A_2369 = arith.mulf %div3A_2363, %div3A_2363 : vector<64x128xf32>
    %mul3A_2370 = arith.mulf %mul3A_2369, %log3A_2364 : vector<64x128xf32>
    %mul3A_2371 = arith.mulf %add3A_2368, %mul3A_2370 : vector<64x128xf32>
    %get3A_2372 = arith.constant 1664 : index
    %get3A_2373 = arith.constant 0 : index
    %get3A_2374 = vector.load %arg4[%get3A_2372, %get3A_2373] : memref<7168x128xf32, #tpu.memory_space<vmem>>, vector<128x128xf32>
    %get3A_2375 = arith.constant 832 : index
    %get3A_2376 = arith.constant 0 : index
    %get3A_2377 = vector.load %arg5[%get3A_2375, %get3A_2376] : memref<3584x128xi32, #tpu.memory_space<vmem>>, vector<64x128xi32>
    %convert_element_type3A_2378 = arith.truncf %get3A_2374 : vector<128x128xf32> to vector<128x128xbf16>
    %dot_general3A_2379 = arith.constant dense<0.000000e+00> : vector<64x128xf32>
    %dot_general3A_2380 = tpu.matmul %convert_element_type3A_1942, %convert_element_type3A_2378, %dot_general3A_2379 {dimension_numbers = #tpu.dot_dimension_numbers<[1], [0], [0], [1], [0, 0, 1, 1], [], []>, transpose_lhs_hint = false} : vector<64x128xbf16>, vector<128x128xbf16>, vector<64x128xf32> -> vector<64x128xf32>
    %convert_element_type3A_2381 = arith.sitofp %get3A_2377 : vector<64x128xi32> to vector<64x128xf32>
    %mul3A_2382 = arith.constant 2.000000e+00 : f32
    %mul3A_2383 = vector.broadcast %mul3A_2382 : f32 to vector<64x128xf32>
    %mul3A_2384 = arith.mulf %mul3A_2383, %convert_element_type3A_2381 : vector<64x128xf32>
    %sub3A_2385 = arith.constant 1.000000e+00 : f32
    %sub3A_2386 = vector.broadcast %sub3A_2385 : f32 to vector<64x128xf32>
    %sub3A_2387 = arith.subf %sub3A_2386, %mul3A_2384 : vector<64x128xf32>
    %mul3A_2388 = arith.mulf %dot_general3A_2380, %sub3A_2387 : vector<64x128xf32>
    %min3A_2389 = arith.constant 8.000000e+01 : f32
    %min3A_2390 = vector.broadcast %min3A_2389 : f32 to vector<64x128xf32>
    %min3A_2391 = arith.minimumf %mul3A_2388, %min3A_2390 : vector<64x128xf32>
    %exp3A_2392 = math.exp %min3A_2391 : vector<64x128xf32>
    %add3A_2393 = arith.constant 1.000000e+00 : f32
    %add3A_2394 = vector.broadcast %add3A_2393 : f32 to vector<64x128xf32>
    %add3A_2395 = arith.addf %add3A_2394, %exp3A_2392 : vector<64x128xf32>
    %div3A_2396 = arith.divf %exp3A_2392, %add3A_2395 : vector<64x128xf32>
    %log3A_2397 = math.log %add3A_2395 : vector<64x128xf32>
    %mul3A_2398 = vector.broadcast %sub3A : f32 to vector<64x128xf32>
    %mul3A_2399 = arith.mulf %convert_element_type3A_2381, %mul3A_2398 : vector<64x128xf32>
    %add3A_2400 = vector.broadcast %squeeze3A : f32 to vector<64x128xf32>
    %add3A_2401 = arith.addf %add3A_2400, %mul3A_2399 : vector<64x128xf32>
    %mul3A_2402 = arith.mulf %div3A_2396, %div3A_2396 : vector<64x128xf32>
    %mul3A_2403 = arith.mulf %mul3A_2402, %log3A_2397 : vector<64x128xf32>
    %mul3A_2404 = arith.mulf %add3A_2401, %mul3A_2403 : vector<64x128xf32>
    %get3A_2405 = arith.constant 1792 : index
    %get3A_2406 = arith.constant 0 : index
    %get3A_2407 = vector.load %arg4[%get3A_2405, %get3A_2406] : memref<7168x128xf32, #tpu.memory_space<vmem>>, vector<128x128xf32>
    %get3A_2408 = arith.constant 896 : index
    %get3A_2409 = arith.constant 0 : index
    %get3A_2410 = vector.load %arg5[%get3A_2408, %get3A_2409] : memref<3584x128xi32, #tpu.memory_space<vmem>>, vector<64x128xi32>
    %convert_element_type3A_2411 = arith.truncf %get3A_2407 : vector<128x128xf32> to vector<128x128xbf16>
    %dot_general3A_2412 = arith.constant dense<0.000000e+00> : vector<64x128xf32>
    %dot_general3A_2413 = tpu.matmul %convert_element_type3A_1942, %convert_element_type3A_2411, %dot_general3A_2412 {dimension_numbers = #tpu.dot_dimension_numbers<[1], [0], [0], [1], [0, 0, 1, 1], [], []>, transpose_lhs_hint = false} : vector<64x128xbf16>, vector<128x128xbf16>, vector<64x128xf32> -> vector<64x128xf32>
    %convert_element_type3A_2414 = arith.sitofp %get3A_2410 : vector<64x128xi32> to vector<64x128xf32>
    %mul3A_2415 = arith.constant 2.000000e+00 : f32
    %mul3A_2416 = vector.broadcast %mul3A_2415 : f32 to vector<64x128xf32>
    %mul3A_2417 = arith.mulf %mul3A_2416, %convert_element_type3A_2414 : vector<64x128xf32>
    %sub3A_2418 = arith.constant 1.000000e+00 : f32
    %sub3A_2419 = vector.broadcast %sub3A_2418 : f32 to vector<64x128xf32>
    %sub3A_2420 = arith.subf %sub3A_2419, %mul3A_2417 : vector<64x128xf32>
    %mul3A_2421 = arith.mulf %dot_general3A_2413, %sub3A_2420 : vector<64x128xf32>
    %min3A_2422 = arith.constant 8.000000e+01 : f32
    %min3A_2423 = vector.broadcast %min3A_2422 : f32 to vector<64x128xf32>
    %min3A_2424 = arith.minimumf %mul3A_2421, %min3A_2423 : vector<64x128xf32>
    %exp3A_2425 = math.exp %min3A_2424 : vector<64x128xf32>
    %add3A_2426 = arith.constant 1.000000e+00 : f32
    %add3A_2427 = vector.broadcast %add3A_2426 : f32 to vector<64x128xf32>
    %add3A_2428 = arith.addf %add3A_2427, %exp3A_2425 : vector<64x128xf32>
    %div3A_2429 = arith.divf %exp3A_2425, %add3A_2428 : vector<64x128xf32>
    %log3A_2430 = math.log %add3A_2428 : vector<64x128xf32>
    %mul3A_2431 = vector.broadcast %sub3A : f32 to vector<64x128xf32>
    %mul3A_2432 = arith.mulf %convert_element_type3A_2414, %mul3A_2431 : vector<64x128xf32>
    %add3A_2433 = vector.broadcast %squeeze3A : f32 to vector<64x128xf32>
    %add3A_2434 = arith.addf %add3A_2433, %mul3A_2432 : vector<64x128xf32>
    %mul3A_2435 = arith.mulf %div3A_2429, %div3A_2429 : vector<64x128xf32>
    %mul3A_2436 = arith.mulf %mul3A_2435, %log3A_2430 : vector<64x128xf32>
    %mul3A_2437 = arith.mulf %add3A_2434, %mul3A_2436 : vector<64x128xf32>
    %get3A_2438 = arith.constant 1920 : index
    %get3A_2439 = arith.constant 0 : index
    %get3A_2440 = vector.load %arg4[%get3A_2438, %get3A_2439] : memref<7168x128xf32, #tpu.memory_space<vmem>>, vector<128x128xf32>
    %get3A_2441 = arith.constant 960 : index
    %get3A_2442 = arith.constant 0 : index
    %get3A_2443 = vector.load %arg5[%get3A_2441, %get3A_2442] : memref<3584x128xi32, #tpu.memory_space<vmem>>, vector<64x128xi32>
    %convert_element_type3A_2444 = arith.truncf %get3A_2440 : vector<128x128xf32> to vector<128x128xbf16>
    %dot_general3A_2445 = arith.constant dense<0.000000e+00> : vector<64x128xf32>
    %dot_general3A_2446 = tpu.matmul %convert_element_type3A_1942, %convert_element_type3A_2444, %dot_general3A_2445 {dimension_numbers = #tpu.dot_dimension_numbers<[1], [0], [0], [1], [0, 0, 1, 1], [], []>, transpose_lhs_hint = false} : vector<64x128xbf16>, vector<128x128xbf16>, vector<64x128xf32> -> vector<64x128xf32>
    %convert_element_type3A_2447 = arith.sitofp %get3A_2443 : vector<64x128xi32> to vector<64x128xf32>
    %mul3A_2448 = arith.constant 2.000000e+00 : f32
    %mul3A_2449 = vector.broadcast %mul3A_2448 : f32 to vector<64x128xf32>
    %mul3A_2450 = arith.mulf %mul3A_2449, %convert_element_type3A_2447 : vector<64x128xf32>
    %sub3A_2451 = arith.constant 1.000000e+00 : f32
    %sub3A_2452 = vector.broadcast %sub3A_2451 : f32 to vector<64x128xf32>
    %sub3A_2453 = arith.subf %sub3A_2452, %mul3A_2450 : vector<64x128xf32>
    %mul3A_2454 = arith.mulf %dot_general3A_2446, %sub3A_2453 : vector<64x128xf32>
    %min3A_2455 = arith.constant 8.000000e+01 : f32
    %min3A_2456 = vector.broadcast %min3A_2455 : f32 to vector<64x128xf32>
    %min3A_2457 = arith.minimumf %mul3A_2454, %min3A_2456 : vector<64x128xf32>
    %exp3A_2458 = math.exp %min3A_2457 : vector<64x128xf32>
    %add3A_2459 = arith.constant 1.000000e+00 : f32
    %add3A_2460 = vector.broadcast %add3A_2459 : f32 to vector<64x128xf32>
    %add3A_2461 = arith.addf %add3A_2460, %exp3A_2458 : vector<64x128xf32>
    %div3A_2462 = arith.divf %exp3A_2458, %add3A_2461 : vector<64x128xf32>
    %log3A_2463 = math.log %add3A_2461 : vector<64x128xf32>
    %mul3A_2464 = vector.broadcast %sub3A : f32 to vector<64x128xf32>
    %mul3A_2465 = arith.mulf %convert_element_type3A_2447, %mul3A_2464 : vector<64x128xf32>
    %add3A_2466 = vector.broadcast %squeeze3A : f32 to vector<64x128xf32>
    %add3A_2467 = arith.addf %add3A_2466, %mul3A_2465 : vector<64x128xf32>
    %mul3A_2468 = arith.mulf %div3A_2462, %div3A_2462 : vector<64x128xf32>
    %mul3A_2469 = arith.mulf %mul3A_2468, %log3A_2463 : vector<64x128xf32>
    %mul3A_2470 = arith.mulf %add3A_2467, %mul3A_2469 : vector<64x128xf32>
    %get3A_2471 = arith.constant 2048 : index
    %get3A_2472 = arith.constant 0 : index
    %get3A_2473 = vector.load %arg4[%get3A_2471, %get3A_2472] : memref<7168x128xf32, #tpu.memory_space<vmem>>, vector<128x128xf32>
    %get3A_2474 = arith.constant 1024 : index
    %get3A_2475 = arith.constant 0 : index
    %get3A_2476 = vector.load %arg5[%get3A_2474, %get3A_2475] : memref<3584x128xi32, #tpu.memory_space<vmem>>, vector<64x128xi32>
    %convert_element_type3A_2477 = arith.truncf %get3A_2473 : vector<128x128xf32> to vector<128x128xbf16>
    %dot_general3A_2478 = arith.constant dense<0.000000e+00> : vector<64x128xf32>
    %dot_general3A_2479 = tpu.matmul %convert_element_type3A_1942, %convert_element_type3A_2477, %dot_general3A_2478 {dimension_numbers = #tpu.dot_dimension_numbers<[1], [0], [0], [1], [0, 0, 1, 1], [], []>, transpose_lhs_hint = false} : vector<64x128xbf16>, vector<128x128xbf16>, vector<64x128xf32> -> vector<64x128xf32>
    %convert_element_type3A_2480 = arith.sitofp %get3A_2476 : vector<64x128xi32> to vector<64x128xf32>
    %mul3A_2481 = arith.constant 2.000000e+00 : f32
    %mul3A_2482 = vector.broadcast %mul3A_2481 : f32 to vector<64x128xf32>
    %mul3A_2483 = arith.mulf %mul3A_2482, %convert_element_type3A_2480 : vector<64x128xf32>
    %sub3A_2484 = arith.constant 1.000000e+00 : f32
    %sub3A_2485 = vector.broadcast %sub3A_2484 : f32 to vector<64x128xf32>
    %sub3A_2486 = arith.subf %sub3A_2485, %mul3A_2483 : vector<64x128xf32>
    %mul3A_2487 = arith.mulf %dot_general3A_2479, %sub3A_2486 : vector<64x128xf32>
    %min3A_2488 = arith.constant 8.000000e+01 : f32
    %min3A_2489 = vector.broadcast %min3A_2488 : f32 to vector<64x128xf32>
    %min3A_2490 = arith.minimumf %mul3A_2487, %min3A_2489 : vector<64x128xf32>
    %exp3A_2491 = math.exp %min3A_2490 : vector<64x128xf32>
    %add3A_2492 = arith.constant 1.000000e+00 : f32
    %add3A_2493 = vector.broadcast %add3A_2492 : f32 to vector<64x128xf32>
    %add3A_2494 = arith.addf %add3A_2493, %exp3A_2491 : vector<64x128xf32>
    %div3A_2495 = arith.divf %exp3A_2491, %add3A_2494 : vector<64x128xf32>
    %log3A_2496 = math.log %add3A_2494 : vector<64x128xf32>
    %mul3A_2497 = vector.broadcast %sub3A : f32 to vector<64x128xf32>
    %mul3A_2498 = arith.mulf %convert_element_type3A_2480, %mul3A_2497 : vector<64x128xf32>
    %add3A_2499 = vector.broadcast %squeeze3A : f32 to vector<64x128xf32>
    %add3A_2500 = arith.addf %add3A_2499, %mul3A_2498 : vector<64x128xf32>
    %mul3A_2501 = arith.mulf %div3A_2495, %div3A_2495 : vector<64x128xf32>
    %mul3A_2502 = arith.mulf %mul3A_2501, %log3A_2496 : vector<64x128xf32>
    %mul3A_2503 = arith.mulf %add3A_2500, %mul3A_2502 : vector<64x128xf32>
    %get3A_2504 = arith.constant 2176 : index
    %get3A_2505 = arith.constant 0 : index
    %get3A_2506 = vector.load %arg4[%get3A_2504, %get3A_2505] : memref<7168x128xf32, #tpu.memory_space<vmem>>, vector<128x128xf32>
    %get3A_2507 = arith.constant 1088 : index
    %get3A_2508 = arith.constant 0 : index
    %get3A_2509 = vector.load %arg5[%get3A_2507, %get3A_2508] : memref<3584x128xi32, #tpu.memory_space<vmem>>, vector<64x128xi32>
    %convert_element_type3A_2510 = arith.truncf %get3A_2506 : vector<128x128xf32> to vector<128x128xbf16>
    %dot_general3A_2511 = arith.constant dense<0.000000e+00> : vector<64x128xf32>
    %dot_general3A_2512 = tpu.matmul %convert_element_type3A_1942, %convert_element_type3A_2510, %dot_general3A_2511 {dimension_numbers = #tpu.dot_dimension_numbers<[1], [0], [0], [1], [0, 0, 1, 1], [], []>, transpose_lhs_hint = false} : vector<64x128xbf16>, vector<128x128xbf16>, vector<64x128xf32> -> vector<64x128xf32>
    %convert_element_type3A_2513 = arith.sitofp %get3A_2509 : vector<64x128xi32> to vector<64x128xf32>
    %mul3A_2514 = arith.constant 2.000000e+00 : f32
    %mul3A_2515 = vector.broadcast %mul3A_2514 : f32 to vector<64x128xf32>
    %mul3A_2516 = arith.mulf %mul3A_2515, %convert_element_type3A_2513 : vector<64x128xf32>
    %sub3A_2517 = arith.constant 1.000000e+00 : f32
    %sub3A_2518 = vector.broadcast %sub3A_2517 : f32 to vector<64x128xf32>
    %sub3A_2519 = arith.subf %sub3A_2518, %mul3A_2516 : vector<64x128xf32>
    %mul3A_2520 = arith.mulf %dot_general3A_2512, %sub3A_2519 : vector<64x128xf32>
    %min3A_2521 = arith.constant 8.000000e+01 : f32
    %min3A_2522 = vector.broadcast %min3A_2521 : f32 to vector<64x128xf32>
    %min3A_2523 = arith.minimumf %mul3A_2520, %min3A_2522 : vector<64x128xf32>
    %exp3A_2524 = math.exp %min3A_2523 : vector<64x128xf32>
    %add3A_2525 = arith.constant 1.000000e+00 : f32
    %add3A_2526 = vector.broadcast %add3A_2525 : f32 to vector<64x128xf32>
    %add3A_2527 = arith.addf %add3A_2526, %exp3A_2524 : vector<64x128xf32>
    %div3A_2528 = arith.divf %exp3A_2524, %add3A_2527 : vector<64x128xf32>
    %log3A_2529 = math.log %add3A_2527 : vector<64x128xf32>
    %mul3A_2530 = vector.broadcast %sub3A : f32 to vector<64x128xf32>
    %mul3A_2531 = arith.mulf %convert_element_type3A_2513, %mul3A_2530 : vector<64x128xf32>
    %add3A_2532 = vector.broadcast %squeeze3A : f32 to vector<64x128xf32>
    %add3A_2533 = arith.addf %add3A_2532, %mul3A_2531 : vector<64x128xf32>
    %mul3A_2534 = arith.mulf %div3A_2528, %div3A_2528 : vector<64x128xf32>
    %mul3A_2535 = arith.mulf %mul3A_2534, %log3A_2529 : vector<64x128xf32>
    %mul3A_2536 = arith.mulf %add3A_2533, %mul3A_2535 : vector<64x128xf32>
    %get3A_2537 = arith.constant 2304 : index
    %get3A_2538 = arith.constant 0 : index
    %get3A_2539 = vector.load %arg4[%get3A_2537, %get3A_2538] : memref<7168x128xf32, #tpu.memory_space<vmem>>, vector<128x128xf32>
    %get3A_2540 = arith.constant 1152 : index
    %get3A_2541 = arith.constant 0 : index
    %get3A_2542 = vector.load %arg5[%get3A_2540, %get3A_2541] : memref<3584x128xi32, #tpu.memory_space<vmem>>, vector<64x128xi32>
    %convert_element_type3A_2543 = arith.truncf %get3A_2539 : vector<128x128xf32> to vector<128x128xbf16>
    %dot_general3A_2544 = arith.constant dense<0.000000e+00> : vector<64x128xf32>
    %dot_general3A_2545 = tpu.matmul %convert_element_type3A_1942, %convert_element_type3A_2543, %dot_general3A_2544 {dimension_numbers = #tpu.dot_dimension_numbers<[1], [0], [0], [1], [0, 0, 1, 1], [], []>, transpose_lhs_hint = false} : vector<64x128xbf16>, vector<128x128xbf16>, vector<64x128xf32> -> vector<64x128xf32>
    %convert_element_type3A_2546 = arith.sitofp %get3A_2542 : vector<64x128xi32> to vector<64x128xf32>
    %mul3A_2547 = arith.constant 2.000000e+00 : f32
    %mul3A_2548 = vector.broadcast %mul3A_2547 : f32 to vector<64x128xf32>
    %mul3A_2549 = arith.mulf %mul3A_2548, %convert_element_type3A_2546 : vector<64x128xf32>
    %sub3A_2550 = arith.constant 1.000000e+00 : f32
    %sub3A_2551 = vector.broadcast %sub3A_2550 : f32 to vector<64x128xf32>
    %sub3A_2552 = arith.subf %sub3A_2551, %mul3A_2549 : vector<64x128xf32>
    %mul3A_2553 = arith.mulf %dot_general3A_2545, %sub3A_2552 : vector<64x128xf32>
    %min3A_2554 = arith.constant 8.000000e+01 : f32
    %min3A_2555 = vector.broadcast %min3A_2554 : f32 to vector<64x128xf32>
    %min3A_2556 = arith.minimumf %mul3A_2553, %min3A_2555 : vector<64x128xf32>
    %exp3A_2557 = math.exp %min3A_2556 : vector<64x128xf32>
    %add3A_2558 = arith.constant 1.000000e+00 : f32
    %add3A_2559 = vector.broadcast %add3A_2558 : f32 to vector<64x128xf32>
    %add3A_2560 = arith.addf %add3A_2559, %exp3A_2557 : vector<64x128xf32>
    %div3A_2561 = arith.divf %exp3A_2557, %add3A_2560 : vector<64x128xf32>
    %log3A_2562 = math.log %add3A_2560 : vector<64x128xf32>
    %mul3A_2563 = vector.broadcast %sub3A : f32 to vector<64x128xf32>
    %mul3A_2564 = arith.mulf %convert_element_type3A_2546, %mul3A_2563 : vector<64x128xf32>
    %add3A_2565 = vector.broadcast %squeeze3A : f32 to vector<64x128xf32>
    %add3A_2566 = arith.addf %add3A_2565, %mul3A_2564 : vector<64x128xf32>
    %mul3A_2567 = arith.mulf %div3A_2561, %div3A_2561 : vector<64x128xf32>
    %mul3A_2568 = arith.mulf %mul3A_2567, %log3A_2562 : vector<64x128xf32>
    %mul3A_2569 = arith.mulf %add3A_2566, %mul3A_2568 : vector<64x128xf32>
    %get3A_2570 = arith.constant 2432 : index
    %get3A_2571 = arith.constant 0 : index
    %get3A_2572 = vector.load %arg4[%get3A_2570, %get3A_2571] : memref<7168x128xf32, #tpu.memory_space<vmem>>, vector<128x128xf32>
    %get3A_2573 = arith.constant 1216 : index
    %get3A_2574 = arith.constant 0 : index
    %get3A_2575 = vector.load %arg5[%get3A_2573, %get3A_2574] : memref<3584x128xi32, #tpu.memory_space<vmem>>, vector<64x128xi32>
    %convert_element_type3A_2576 = arith.truncf %get3A_2572 : vector<128x128xf32> to vector<128x128xbf16>
    %dot_general3A_2577 = arith.constant dense<0.000000e+00> : vector<64x128xf32>
    %dot_general3A_2578 = tpu.matmul %convert_element_type3A_1942, %convert_element_type3A_2576, %dot_general3A_2577 {dimension_numbers = #tpu.dot_dimension_numbers<[1], [0], [0], [1], [0, 0, 1, 1], [], []>, transpose_lhs_hint = false} : vector<64x128xbf16>, vector<128x128xbf16>, vector<64x128xf32> -> vector<64x128xf32>
    %convert_element_type3A_2579 = arith.sitofp %get3A_2575 : vector<64x128xi32> to vector<64x128xf32>
    %mul3A_2580 = arith.constant 2.000000e+00 : f32
    %mul3A_2581 = vector.broadcast %mul3A_2580 : f32 to vector<64x128xf32>
    %mul3A_2582 = arith.mulf %mul3A_2581, %convert_element_type3A_2579 : vector<64x128xf32>
    %sub3A_2583 = arith.constant 1.000000e+00 : f32
    %sub3A_2584 = vector.broadcast %sub3A_2583 : f32 to vector<64x128xf32>
    %sub3A_2585 = arith.subf %sub3A_2584, %mul3A_2582 : vector<64x128xf32>
    %mul3A_2586 = arith.mulf %dot_general3A_2578, %sub3A_2585 : vector<64x128xf32>
    %min3A_2587 = arith.constant 8.000000e+01 : f32
    %min3A_2588 = vector.broadcast %min3A_2587 : f32 to vector<64x128xf32>
    %min3A_2589 = arith.minimumf %mul3A_2586, %min3A_2588 : vector<64x128xf32>
    %exp3A_2590 = math.exp %min3A_2589 : vector<64x128xf32>
    %add3A_2591 = arith.constant 1.000000e+00 : f32
    %add3A_2592 = vector.broadcast %add3A_2591 : f32 to vector<64x128xf32>
    %add3A_2593 = arith.addf %add3A_2592, %exp3A_2590 : vector<64x128xf32>
    %div3A_2594 = arith.divf %exp3A_2590, %add3A_2593 : vector<64x128xf32>
    %log3A_2595 = math.log %add3A_2593 : vector<64x128xf32>
    %mul3A_2596 = vector.broadcast %sub3A : f32 to vector<64x128xf32>
    %mul3A_2597 = arith.mulf %convert_element_type3A_2579, %mul3A_2596 : vector<64x128xf32>
    %add3A_2598 = vector.broadcast %squeeze3A : f32 to vector<64x128xf32>
    %add3A_2599 = arith.addf %add3A_2598, %mul3A_2597 : vector<64x128xf32>
    %mul3A_2600 = arith.mulf %div3A_2594, %div3A_2594 : vector<64x128xf32>
    %mul3A_2601 = arith.mulf %mul3A_2600, %log3A_2595 : vector<64x128xf32>
    %mul3A_2602 = arith.mulf %add3A_2599, %mul3A_2601 : vector<64x128xf32>
    %get3A_2603 = arith.constant 2560 : index
    %get3A_2604 = arith.constant 0 : index
    %get3A_2605 = vector.load %arg4[%get3A_2603, %get3A_2604] : memref<7168x128xf32, #tpu.memory_space<vmem>>, vector<128x128xf32>
    %get3A_2606 = arith.constant 1280 : index
    %get3A_2607 = arith.constant 0 : index
    %get3A_2608 = vector.load %arg5[%get3A_2606, %get3A_2607] : memref<3584x128xi32, #tpu.memory_space<vmem>>, vector<64x128xi32>
    %convert_element_type3A_2609 = arith.truncf %get3A_2605 : vector<128x128xf32> to vector<128x128xbf16>
    %dot_general3A_2610 = arith.constant dense<0.000000e+00> : vector<64x128xf32>
    %dot_general3A_2611 = tpu.matmul %convert_element_type3A_1942, %convert_element_type3A_2609, %dot_general3A_2610 {dimension_numbers = #tpu.dot_dimension_numbers<[1], [0], [0], [1], [0, 0, 1, 1], [], []>, transpose_lhs_hint = false} : vector<64x128xbf16>, vector<128x128xbf16>, vector<64x128xf32> -> vector<64x128xf32>
    %convert_element_type3A_2612 = arith.sitofp %get3A_2608 : vector<64x128xi32> to vector<64x128xf32>
    %mul3A_2613 = arith.constant 2.000000e+00 : f32
    %mul3A_2614 = vector.broadcast %mul3A_2613 : f32 to vector<64x128xf32>
    %mul3A_2615 = arith.mulf %mul3A_2614, %convert_element_type3A_2612 : vector<64x128xf32>
    %sub3A_2616 = arith.constant 1.000000e+00 : f32
    %sub3A_2617 = vector.broadcast %sub3A_2616 : f32 to vector<64x128xf32>
    %sub3A_2618 = arith.subf %sub3A_2617, %mul3A_2615 : vector<64x128xf32>
    %mul3A_2619 = arith.mulf %dot_general3A_2611, %sub3A_2618 : vector<64x128xf32>
    %min3A_2620 = arith.constant 8.000000e+01 : f32
    %min3A_2621 = vector.broadcast %min3A_2620 : f32 to vector<64x128xf32>
    %min3A_2622 = arith.minimumf %mul3A_2619, %min3A_2621 : vector<64x128xf32>
    %exp3A_2623 = math.exp %min3A_2622 : vector<64x128xf32>
    %add3A_2624 = arith.constant 1.000000e+00 : f32
    %add3A_2625 = vector.broadcast %add3A_2624 : f32 to vector<64x128xf32>
    %add3A_2626 = arith.addf %add3A_2625, %exp3A_2623 : vector<64x128xf32>
    %div3A_2627 = arith.divf %exp3A_2623, %add3A_2626 : vector<64x128xf32>
    %log3A_2628 = math.log %add3A_2626 : vector<64x128xf32>
    %mul3A_2629 = vector.broadcast %sub3A : f32 to vector<64x128xf32>
    %mul3A_2630 = arith.mulf %convert_element_type3A_2612, %mul3A_2629 : vector<64x128xf32>
    %add3A_2631 = vector.broadcast %squeeze3A : f32 to vector<64x128xf32>
    %add3A_2632 = arith.addf %add3A_2631, %mul3A_2630 : vector<64x128xf32>
    %mul3A_2633 = arith.mulf %div3A_2627, %div3A_2627 : vector<64x128xf32>
    %mul3A_2634 = arith.mulf %mul3A_2633, %log3A_2628 : vector<64x128xf32>
    %mul3A_2635 = arith.mulf %add3A_2632, %mul3A_2634 : vector<64x128xf32>
    %get3A_2636 = arith.constant 2688 : index
    %get3A_2637 = arith.constant 0 : index
    %get3A_2638 = vector.load %arg4[%get3A_2636, %get3A_2637] : memref<7168x128xf32, #tpu.memory_space<vmem>>, vector<128x128xf32>
    %get3A_2639 = arith.constant 1344 : index
    %get3A_2640 = arith.constant 0 : index
    %get3A_2641 = vector.load %arg5[%get3A_2639, %get3A_2640] : memref<3584x128xi32, #tpu.memory_space<vmem>>, vector<64x128xi32>
    %convert_element_type3A_2642 = arith.truncf %get3A_2638 : vector<128x128xf32> to vector<128x128xbf16>
    %dot_general3A_2643 = arith.constant dense<0.000000e+00> : vector<64x128xf32>
    %dot_general3A_2644 = tpu.matmul %convert_element_type3A_1942, %convert_element_type3A_2642, %dot_general3A_2643 {dimension_numbers = #tpu.dot_dimension_numbers<[1], [0], [0], [1], [0, 0, 1, 1], [], []>, transpose_lhs_hint = false} : vector<64x128xbf16>, vector<128x128xbf16>, vector<64x128xf32> -> vector<64x128xf32>
    %convert_element_type3A_2645 = arith.sitofp %get3A_2641 : vector<64x128xi32> to vector<64x128xf32>
    %mul3A_2646 = arith.constant 2.000000e+00 : f32
    %mul3A_2647 = vector.broadcast %mul3A_2646 : f32 to vector<64x128xf32>
    %mul3A_2648 = arith.mulf %mul3A_2647, %convert_element_type3A_2645 : vector<64x128xf32>
    %sub3A_2649 = arith.constant 1.000000e+00 : f32
    %sub3A_2650 = vector.broadcast %sub3A_2649 : f32 to vector<64x128xf32>
    %sub3A_2651 = arith.subf %sub3A_2650, %mul3A_2648 : vector<64x128xf32>
    %mul3A_2652 = arith.mulf %dot_general3A_2644, %sub3A_2651 : vector<64x128xf32>
    %min3A_2653 = arith.constant 8.000000e+01 : f32
    %min3A_2654 = vector.broadcast %min3A_2653 : f32 to vector<64x128xf32>
    %min3A_2655 = arith.minimumf %mul3A_2652, %min3A_2654 : vector<64x128xf32>
    %exp3A_2656 = math.exp %min3A_2655 : vector<64x128xf32>
    %add3A_2657 = arith.constant 1.000000e+00 : f32
    %add3A_2658 = vector.broadcast %add3A_2657 : f32 to vector<64x128xf32>
    %add3A_2659 = arith.addf %add3A_2658, %exp3A_2656 : vector<64x128xf32>
    %div3A_2660 = arith.divf %exp3A_2656, %add3A_2659 : vector<64x128xf32>
    %log3A_2661 = math.log %add3A_2659 : vector<64x128xf32>
    %mul3A_2662 = vector.broadcast %sub3A : f32 to vector<64x128xf32>
    %mul3A_2663 = arith.mulf %convert_element_type3A_2645, %mul3A_2662 : vector<64x128xf32>
    %add3A_2664 = vector.broadcast %squeeze3A : f32 to vector<64x128xf32>
    %add3A_2665 = arith.addf %add3A_2664, %mul3A_2663 : vector<64x128xf32>
    %mul3A_2666 = arith.mulf %div3A_2660, %div3A_2660 : vector<64x128xf32>
    %mul3A_2667 = arith.mulf %mul3A_2666, %log3A_2661 : vector<64x128xf32>
    %mul3A_2668 = arith.mulf %add3A_2665, %mul3A_2667 : vector<64x128xf32>
    %get3A_2669 = arith.constant 2816 : index
    %get3A_2670 = arith.constant 0 : index
    %get3A_2671 = vector.load %arg4[%get3A_2669, %get3A_2670] : memref<7168x128xf32, #tpu.memory_space<vmem>>, vector<128x128xf32>
    %get3A_2672 = arith.constant 1408 : index
    %get3A_2673 = arith.constant 0 : index
    %get3A_2674 = vector.load %arg5[%get3A_2672, %get3A_2673] : memref<3584x128xi32, #tpu.memory_space<vmem>>, vector<64x128xi32>
    %convert_element_type3A_2675 = arith.truncf %get3A_2671 : vector<128x128xf32> to vector<128x128xbf16>
    %dot_general3A_2676 = arith.constant dense<0.000000e+00> : vector<64x128xf32>
    %dot_general3A_2677 = tpu.matmul %convert_element_type3A_1942, %convert_element_type3A_2675, %dot_general3A_2676 {dimension_numbers = #tpu.dot_dimension_numbers<[1], [0], [0], [1], [0, 0, 1, 1], [], []>, transpose_lhs_hint = false} : vector<64x128xbf16>, vector<128x128xbf16>, vector<64x128xf32> -> vector<64x128xf32>
    %convert_element_type3A_2678 = arith.sitofp %get3A_2674 : vector<64x128xi32> to vector<64x128xf32>
    %mul3A_2679 = arith.constant 2.000000e+00 : f32
    %mul3A_2680 = vector.broadcast %mul3A_2679 : f32 to vector<64x128xf32>
    %mul3A_2681 = arith.mulf %mul3A_2680, %convert_element_type3A_2678 : vector<64x128xf32>
    %sub3A_2682 = arith.constant 1.000000e+00 : f32
    %sub3A_2683 = vector.broadcast %sub3A_2682 : f32 to vector<64x128xf32>
    %sub3A_2684 = arith.subf %sub3A_2683, %mul3A_2681 : vector<64x128xf32>
    %mul3A_2685 = arith.mulf %dot_general3A_2677, %sub3A_2684 : vector<64x128xf32>
    %min3A_2686 = arith.constant 8.000000e+01 : f32
    %min3A_2687 = vector.broadcast %min3A_2686 : f32 to vector<64x128xf32>
    %min3A_2688 = arith.minimumf %mul3A_2685, %min3A_2687 : vector<64x128xf32>
    %exp3A_2689 = math.exp %min3A_2688 : vector<64x128xf32>
    %add3A_2690 = arith.constant 1.000000e+00 : f32
    %add3A_2691 = vector.broadcast %add3A_2690 : f32 to vector<64x128xf32>
    %add3A_2692 = arith.addf %add3A_2691, %exp3A_2689 : vector<64x128xf32>
    %div3A_2693 = arith.divf %exp3A_2689, %add3A_2692 : vector<64x128xf32>
    %log3A_2694 = math.log %add3A_2692 : vector<64x128xf32>
    %mul3A_2695 = vector.broadcast %sub3A : f32 to vector<64x128xf32>
    %mul3A_2696 = arith.mulf %convert_element_type3A_2678, %mul3A_2695 : vector<64x128xf32>
    %add3A_2697 = vector.broadcast %squeeze3A : f32 to vector<64x128xf32>
    %add3A_2698 = arith.addf %add3A_2697, %mul3A_2696 : vector<64x128xf32>
    %mul3A_2699 = arith.mulf %div3A_2693, %div3A_2693 : vector<64x128xf32>
    %mul3A_2700 = arith.mulf %mul3A_2699, %log3A_2694 : vector<64x128xf32>
    %mul3A_2701 = arith.mulf %add3A_2698, %mul3A_2700 : vector<64x128xf32>
    %get3A_2702 = arith.constant 2944 : index
    %get3A_2703 = arith.constant 0 : index
    %get3A_2704 = vector.load %arg4[%get3A_2702, %get3A_2703] : memref<7168x128xf32, #tpu.memory_space<vmem>>, vector<128x128xf32>
    %get3A_2705 = arith.constant 1472 : index
    %get3A_2706 = arith.constant 0 : index
    %get3A_2707 = vector.load %arg5[%get3A_2705, %get3A_2706] : memref<3584x128xi32, #tpu.memory_space<vmem>>, vector<64x128xi32>
    %convert_element_type3A_2708 = arith.truncf %get3A_2704 : vector<128x128xf32> to vector<128x128xbf16>
    %dot_general3A_2709 = arith.constant dense<0.000000e+00> : vector<64x128xf32>
    %dot_general3A_2710 = tpu.matmul %convert_element_type3A_1942, %convert_element_type3A_2708, %dot_general3A_2709 {dimension_numbers = #tpu.dot_dimension_numbers<[1], [0], [0], [1], [0, 0, 1, 1], [], []>, transpose_lhs_hint = false} : vector<64x128xbf16>, vector<128x128xbf16>, vector<64x128xf32> -> vector<64x128xf32>
    %convert_element_type3A_2711 = arith.sitofp %get3A_2707 : vector<64x128xi32> to vector<64x128xf32>
    %mul3A_2712 = arith.constant 2.000000e+00 : f32
    %mul3A_2713 = vector.broadcast %mul3A_2712 : f32 to vector<64x128xf32>
    %mul3A_2714 = arith.mulf %mul3A_2713, %convert_element_type3A_2711 : vector<64x128xf32>
    %sub3A_2715 = arith.constant 1.000000e+00 : f32
    %sub3A_2716 = vector.broadcast %sub3A_2715 : f32 to vector<64x128xf32>
    %sub3A_2717 = arith.subf %sub3A_2716, %mul3A_2714 : vector<64x128xf32>
    %mul3A_2718 = arith.mulf %dot_general3A_2710, %sub3A_2717 : vector<64x128xf32>
    %min3A_2719 = arith.constant 8.000000e+01 : f32
    %min3A_2720 = vector.broadcast %min3A_2719 : f32 to vector<64x128xf32>
    %min3A_2721 = arith.minimumf %mul3A_2718, %min3A_2720 : vector<64x128xf32>
    %exp3A_2722 = math.exp %min3A_2721 : vector<64x128xf32>
    %add3A_2723 = arith.constant 1.000000e+00 : f32
    %add3A_2724 = vector.broadcast %add3A_2723 : f32 to vector<64x128xf32>
    %add3A_2725 = arith.addf %add3A_2724, %exp3A_2722 : vector<64x128xf32>
    %div3A_2726 = arith.divf %exp3A_2722, %add3A_2725 : vector<64x128xf32>
    %log3A_2727 = math.log %add3A_2725 : vector<64x128xf32>
    %mul3A_2728 = vector.broadcast %sub3A : f32 to vector<64x128xf32>
    %mul3A_2729 = arith.mulf %convert_element_type3A_2711, %mul3A_2728 : vector<64x128xf32>
    %add3A_2730 = vector.broadcast %squeeze3A : f32 to vector<64x128xf32>
    %add3A_2731 = arith.addf %add3A_2730, %mul3A_2729 : vector<64x128xf32>
    %mul3A_2732 = arith.mulf %div3A_2726, %div3A_2726 : vector<64x128xf32>
    %mul3A_2733 = arith.mulf %mul3A_2732, %log3A_2727 : vector<64x128xf32>
    %mul3A_2734 = arith.mulf %add3A_2731, %mul3A_2733 : vector<64x128xf32>
    %get3A_2735 = arith.constant 3072 : index
    %get3A_2736 = arith.constant 0 : index
    %get3A_2737 = vector.load %arg4[%get3A_2735, %get3A_2736] : memref<7168x128xf32, #tpu.memory_space<vmem>>, vector<128x128xf32>
    %get3A_2738 = arith.constant 1536 : index
    %get3A_2739 = arith.constant 0 : index
    %get3A_2740 = vector.load %arg5[%get3A_2738, %get3A_2739] : memref<3584x128xi32, #tpu.memory_space<vmem>>, vector<64x128xi32>
    %convert_element_type3A_2741 = arith.truncf %get3A_2737 : vector<128x128xf32> to vector<128x128xbf16>
    %dot_general3A_2742 = arith.constant dense<0.000000e+00> : vector<64x128xf32>
    %dot_general3A_2743 = tpu.matmul %convert_element_type3A_1942, %convert_element_type3A_2741, %dot_general3A_2742 {dimension_numbers = #tpu.dot_dimension_numbers<[1], [0], [0], [1], [0, 0, 1, 1], [], []>, transpose_lhs_hint = false} : vector<64x128xbf16>, vector<128x128xbf16>, vector<64x128xf32> -> vector<64x128xf32>
    %convert_element_type3A_2744 = arith.sitofp %get3A_2740 : vector<64x128xi32> to vector<64x128xf32>
    %mul3A_2745 = arith.constant 2.000000e+00 : f32
    %mul3A_2746 = vector.broadcast %mul3A_2745 : f32 to vector<64x128xf32>
    %mul3A_2747 = arith.mulf %mul3A_2746, %convert_element_type3A_2744 : vector<64x128xf32>
    %sub3A_2748 = arith.constant 1.000000e+00 : f32
    %sub3A_2749 = vector.broadcast %sub3A_2748 : f32 to vector<64x128xf32>
    %sub3A_2750 = arith.subf %sub3A_2749, %mul3A_2747 : vector<64x128xf32>
    %mul3A_2751 = arith.mulf %dot_general3A_2743, %sub3A_2750 : vector<64x128xf32>
    %min3A_2752 = arith.constant 8.000000e+01 : f32
    %min3A_2753 = vector.broadcast %min3A_2752 : f32 to vector<64x128xf32>
    %min3A_2754 = arith.minimumf %mul3A_2751, %min3A_2753 : vector<64x128xf32>
    %exp3A_2755 = math.exp %min3A_2754 : vector<64x128xf32>
    %add3A_2756 = arith.constant 1.000000e+00 : f32
    %add3A_2757 = vector.broadcast %add3A_2756 : f32 to vector<64x128xf32>
    %add3A_2758 = arith.addf %add3A_2757, %exp3A_2755 : vector<64x128xf32>
    %div3A_2759 = arith.divf %exp3A_2755, %add3A_2758 : vector<64x128xf32>
    %log3A_2760 = math.log %add3A_2758 : vector<64x128xf32>
    %mul3A_2761 = vector.broadcast %sub3A : f32 to vector<64x128xf32>
    %mul3A_2762 = arith.mulf %convert_element_type3A_2744, %mul3A_2761 : vector<64x128xf32>
    %add3A_2763 = vector.broadcast %squeeze3A : f32 to vector<64x128xf32>
    %add3A_2764 = arith.addf %add3A_2763, %mul3A_2762 : vector<64x128xf32>
    %mul3A_2765 = arith.mulf %div3A_2759, %div3A_2759 : vector<64x128xf32>
    %mul3A_2766 = arith.mulf %mul3A_2765, %log3A_2760 : vector<64x128xf32>
    %mul3A_2767 = arith.mulf %add3A_2764, %mul3A_2766 : vector<64x128xf32>
    %get3A_2768 = arith.constant 3200 : index
    %get3A_2769 = arith.constant 0 : index
    %get3A_2770 = vector.load %arg4[%get3A_2768, %get3A_2769] : memref<7168x128xf32, #tpu.memory_space<vmem>>, vector<128x128xf32>
    %get3A_2771 = arith.constant 1600 : index
    %get3A_2772 = arith.constant 0 : index
    %get3A_2773 = vector.load %arg5[%get3A_2771, %get3A_2772] : memref<3584x128xi32, #tpu.memory_space<vmem>>, vector<64x128xi32>
    %convert_element_type3A_2774 = arith.truncf %get3A_2770 : vector<128x128xf32> to vector<128x128xbf16>
    %dot_general3A_2775 = arith.constant dense<0.000000e+00> : vector<64x128xf32>
    %dot_general3A_2776 = tpu.matmul %convert_element_type3A_1942, %convert_element_type3A_2774, %dot_general3A_2775 {dimension_numbers = #tpu.dot_dimension_numbers<[1], [0], [0], [1], [0, 0, 1, 1], [], []>, transpose_lhs_hint = false} : vector<64x128xbf16>, vector<128x128xbf16>, vector<64x128xf32> -> vector<64x128xf32>
    %convert_element_type3A_2777 = arith.sitofp %get3A_2773 : vector<64x128xi32> to vector<64x128xf32>
    %mul3A_2778 = arith.constant 2.000000e+00 : f32
    %mul3A_2779 = vector.broadcast %mul3A_2778 : f32 to vector<64x128xf32>
    %mul3A_2780 = arith.mulf %mul3A_2779, %convert_element_type3A_2777 : vector<64x128xf32>
    %sub3A_2781 = arith.constant 1.000000e+00 : f32
    %sub3A_2782 = vector.broadcast %sub3A_2781 : f32 to vector<64x128xf32>
    %sub3A_2783 = arith.subf %sub3A_2782, %mul3A_2780 : vector<64x128xf32>
    %mul3A_2784 = arith.mulf %dot_general3A_2776, %sub3A_2783 : vector<64x128xf32>
    %min3A_2785 = arith.constant 8.000000e+01 : f32
    %min3A_2786 = vector.broadcast %min3A_2785 : f32 to vector<64x128xf32>
    %min3A_2787 = arith.minimumf %mul3A_2784, %min3A_2786 : vector<64x128xf32>
    %exp3A_2788 = math.exp %min3A_2787 : vector<64x128xf32>
    %add3A_2789 = arith.constant 1.000000e+00 : f32
    %add3A_2790 = vector.broadcast %add3A_2789 : f32 to vector<64x128xf32>
    %add3A_2791 = arith.addf %add3A_2790, %exp3A_2788 : vector<64x128xf32>
    %div3A_2792 = arith.divf %exp3A_2788, %add3A_2791 : vector<64x128xf32>
    %log3A_2793 = math.log %add3A_2791 : vector<64x128xf32>
    %mul3A_2794 = vector.broadcast %sub3A : f32 to vector<64x128xf32>
    %mul3A_2795 = arith.mulf %convert_element_type3A_2777, %mul3A_2794 : vector<64x128xf32>
    %add3A_2796 = vector.broadcast %squeeze3A : f32 to vector<64x128xf32>
    %add3A_2797 = arith.addf %add3A_2796, %mul3A_2795 : vector<64x128xf32>
    %mul3A_2798 = arith.mulf %div3A_2792, %div3A_2792 : vector<64x128xf32>
    %mul3A_2799 = arith.mulf %mul3A_2798, %log3A_2793 : vector<64x128xf32>
    %mul3A_2800 = arith.mulf %add3A_2797, %mul3A_2799 : vector<64x128xf32>
    %get3A_2801 = arith.constant 3328 : index
    %get3A_2802 = arith.constant 0 : index
    %get3A_2803 = vector.load %arg4[%get3A_2801, %get3A_2802] : memref<7168x128xf32, #tpu.memory_space<vmem>>, vector<128x128xf32>
    %get3A_2804 = arith.constant 1664 : index
    %get3A_2805 = arith.constant 0 : index
    %get3A_2806 = vector.load %arg5[%get3A_2804, %get3A_2805] : memref<3584x128xi32, #tpu.memory_space<vmem>>, vector<64x128xi32>
    %convert_element_type3A_2807 = arith.truncf %get3A_2803 : vector<128x128xf32> to vector<128x128xbf16>
    %dot_general3A_2808 = arith.constant dense<0.000000e+00> : vector<64x128xf32>
    %dot_general3A_2809 = tpu.matmul %convert_element_type3A_1942, %convert_element_type3A_2807, %dot_general3A_2808 {dimension_numbers = #tpu.dot_dimension_numbers<[1], [0], [0], [1], [0, 0, 1, 1], [], []>, transpose_lhs_hint = false} : vector<64x128xbf16>, vector<128x128xbf16>, vector<64x128xf32> -> vector<64x128xf32>
    %convert_element_type3A_2810 = arith.sitofp %get3A_2806 : vector<64x128xi32> to vector<64x128xf32>
    %mul3A_2811 = arith.constant 2.000000e+00 : f32
    %mul3A_2812 = vector.broadcast %mul3A_2811 : f32 to vector<64x128xf32>
    %mul3A_2813 = arith.mulf %mul3A_2812, %convert_element_type3A_2810 : vector<64x128xf32>
    %sub3A_2814 = arith.constant 1.000000e+00 : f32
    %sub3A_2815 = vector.broadcast %sub3A_2814 : f32 to vector<64x128xf32>
    %sub3A_2816 = arith.subf %sub3A_2815, %mul3A_2813 : vector<64x128xf32>
    %mul3A_2817 = arith.mulf %dot_general3A_2809, %sub3A_2816 : vector<64x128xf32>
    %min3A_2818 = arith.constant 8.000000e+01 : f32
    %min3A_2819 = vector.broadcast %min3A_2818 : f32 to vector<64x128xf32>
    %min3A_2820 = arith.minimumf %mul3A_2817, %min3A_2819 : vector<64x128xf32>
    %exp3A_2821 = math.exp %min3A_2820 : vector<64x128xf32>
    %add3A_2822 = arith.constant 1.000000e+00 : f32
    %add3A_2823 = vector.broadcast %add3A_2822 : f32 to vector<64x128xf32>
    %add3A_2824 = arith.addf %add3A_2823, %exp3A_2821 : vector<64x128xf32>
    %div3A_2825 = arith.divf %exp3A_2821, %add3A_2824 : vector<64x128xf32>
    %log3A_2826 = math.log %add3A_2824 : vector<64x128xf32>
    %mul3A_2827 = vector.broadcast %sub3A : f32 to vector<64x128xf32>
    %mul3A_2828 = arith.mulf %convert_element_type3A_2810, %mul3A_2827 : vector<64x128xf32>
    %add3A_2829 = vector.broadcast %squeeze3A : f32 to vector<64x128xf32>
    %add3A_2830 = arith.addf %add3A_2829, %mul3A_2828 : vector<64x128xf32>
    %mul3A_2831 = arith.mulf %div3A_2825, %div3A_2825 : vector<64x128xf32>
    %mul3A_2832 = arith.mulf %mul3A_2831, %log3A_2826 : vector<64x128xf32>
    %mul3A_2833 = arith.mulf %add3A_2830, %mul3A_2832 : vector<64x128xf32>
    %get3A_2834 = arith.constant 3456 : index
    %get3A_2835 = arith.constant 0 : index
    %get3A_2836 = vector.load %arg4[%get3A_2834, %get3A_2835] : memref<7168x128xf32, #tpu.memory_space<vmem>>, vector<128x128xf32>
    %get3A_2837 = arith.constant 1728 : index
    %get3A_2838 = arith.constant 0 : index
    %get3A_2839 = vector.load %arg5[%get3A_2837, %get3A_2838] : memref<3584x128xi32, #tpu.memory_space<vmem>>, vector<64x128xi32>
    %convert_element_type3A_2840 = arith.truncf %get3A_2836 : vector<128x128xf32> to vector<128x128xbf16>
    %dot_general3A_2841 = arith.constant dense<0.000000e+00> : vector<64x128xf32>
    %dot_general3A_2842 = tpu.matmul %convert_element_type3A_1942, %convert_element_type3A_2840, %dot_general3A_2841 {dimension_numbers = #tpu.dot_dimension_numbers<[1], [0], [0], [1], [0, 0, 1, 1], [], []>, transpose_lhs_hint = false} : vector<64x128xbf16>, vector<128x128xbf16>, vector<64x128xf32> -> vector<64x128xf32>
    %convert_element_type3A_2843 = arith.sitofp %get3A_2839 : vector<64x128xi32> to vector<64x128xf32>
    %mul3A_2844 = arith.constant 2.000000e+00 : f32
    %mul3A_2845 = vector.broadcast %mul3A_2844 : f32 to vector<64x128xf32>
    %mul3A_2846 = arith.mulf %mul3A_2845, %convert_element_type3A_2843 : vector<64x128xf32>
    %sub3A_2847 = arith.constant 1.000000e+00 : f32
    %sub3A_2848 = vector.broadcast %sub3A_2847 : f32 to vector<64x128xf32>
    %sub3A_2849 = arith.subf %sub3A_2848, %mul3A_2846 : vector<64x128xf32>
    %mul3A_2850 = arith.mulf %dot_general3A_2842, %sub3A_2849 : vector<64x128xf32>
    %min3A_2851 = arith.constant 8.000000e+01 : f32
    %min3A_2852 = vector.broadcast %min3A_2851 : f32 to vector<64x128xf32>
    %min3A_2853 = arith.minimumf %mul3A_2850, %min3A_2852 : vector<64x128xf32>
    %exp3A_2854 = math.exp %min3A_2853 : vector<64x128xf32>
    %add3A_2855 = arith.constant 1.000000e+00 : f32
    %add3A_2856 = vector.broadcast %add3A_2855 : f32 to vector<64x128xf32>
    %add3A_2857 = arith.addf %add3A_2856, %exp3A_2854 : vector<64x128xf32>
    %div3A_2858 = arith.divf %exp3A_2854, %add3A_2857 : vector<64x128xf32>
    %log3A_2859 = math.log %add3A_2857 : vector<64x128xf32>
    %mul3A_2860 = vector.broadcast %sub3A : f32 to vector<64x128xf32>
    %mul3A_2861 = arith.mulf %convert_element_type3A_2843, %mul3A_2860 : vector<64x128xf32>
    %add3A_2862 = vector.broadcast %squeeze3A : f32 to vector<64x128xf32>
    %add3A_2863 = arith.addf %add3A_2862, %mul3A_2861 : vector<64x128xf32>
    %mul3A_2864 = arith.mulf %div3A_2858, %div3A_2858 : vector<64x128xf32>
    %mul3A_2865 = arith.mulf %mul3A_2864, %log3A_2859 : vector<64x128xf32>
    %mul3A_2866 = arith.mulf %add3A_2863, %mul3A_2865 : vector<64x128xf32>
    %get3A_2867 = arith.constant 3584 : index
    %get3A_2868 = arith.constant 0 : index
    %get3A_2869 = vector.load %arg4[%get3A_2867, %get3A_2868] : memref<7168x128xf32, #tpu.memory_space<vmem>>, vector<128x128xf32>
    %get3A_2870 = arith.constant 1792 : index
    %get3A_2871 = arith.constant 0 : index
    %get3A_2872 = vector.load %arg5[%get3A_2870, %get3A_2871] : memref<3584x128xi32, #tpu.memory_space<vmem>>, vector<64x128xi32>
    %convert_element_type3A_2873 = arith.truncf %get3A_2869 : vector<128x128xf32> to vector<128x128xbf16>
    %dot_general3A_2874 = arith.constant dense<0.000000e+00> : vector<64x128xf32>
    %dot_general3A_2875 = tpu.matmul %convert_element_type3A_1942, %convert_element_type3A_2873, %dot_general3A_2874 {dimension_numbers = #tpu.dot_dimension_numbers<[1], [0], [0], [1], [0, 0, 1, 1], [], []>, transpose_lhs_hint = false} : vector<64x128xbf16>, vector<128x128xbf16>, vector<64x128xf32> -> vector<64x128xf32>
    %convert_element_type3A_2876 = arith.sitofp %get3A_2872 : vector<64x128xi32> to vector<64x128xf32>
    %mul3A_2877 = arith.constant 2.000000e+00 : f32
    %mul3A_2878 = vector.broadcast %mul3A_2877 : f32 to vector<64x128xf32>
    %mul3A_2879 = arith.mulf %mul3A_2878, %convert_element_type3A_2876 : vector<64x128xf32>
    %sub3A_2880 = arith.constant 1.000000e+00 : f32
    %sub3A_2881 = vector.broadcast %sub3A_2880 : f32 to vector<64x128xf32>
    %sub3A_2882 = arith.subf %sub3A_2881, %mul3A_2879 : vector<64x128xf32>
    %mul3A_2883 = arith.mulf %dot_general3A_2875, %sub3A_2882 : vector<64x128xf32>
    %min3A_2884 = arith.constant 8.000000e+01 : f32
    %min3A_2885 = vector.broadcast %min3A_2884 : f32 to vector<64x128xf32>
    %min3A_2886 = arith.minimumf %mul3A_2883, %min3A_2885 : vector<64x128xf32>
    %exp3A_2887 = math.exp %min3A_2886 : vector<64x128xf32>
    %add3A_2888 = arith.constant 1.000000e+00 : f32
    %add3A_2889 = vector.broadcast %add3A_2888 : f32 to vector<64x128xf32>
    %add3A_2890 = arith.addf %add3A_2889, %exp3A_2887 : vector<64x128xf32>
    %div3A_2891 = arith.divf %exp3A_2887, %add3A_2890 : vector<64x128xf32>
    %log3A_2892 = math.log %add3A_2890 : vector<64x128xf32>
    %mul3A_2893 = vector.broadcast %sub3A : f32 to vector<64x128xf32>
    %mul3A_2894 = arith.mulf %convert_element_type3A_2876, %mul3A_2893 : vector<64x128xf32>
    %add3A_2895 = vector.broadcast %squeeze3A : f32 to vector<64x128xf32>
    %add3A_2896 = arith.addf %add3A_2895, %mul3A_2894 : vector<64x128xf32>
    %mul3A_2897 = arith.mulf %div3A_2891, %div3A_2891 : vector<64x128xf32>
    %mul3A_2898 = arith.mulf %mul3A_2897, %log3A_2892 : vector<64x128xf32>
    %mul3A_2899 = arith.mulf %add3A_2896, %mul3A_2898 : vector<64x128xf32>
    %get3A_2900 = arith.constant 3712 : index
    %get3A_2901 = arith.constant 0 : index
    %get3A_2902 = vector.load %arg4[%get3A_2900, %get3A_2901] : memref<7168x128xf32, #tpu.memory_space<vmem>>, vector<128x128xf32>
    %get3A_2903 = arith.constant 1856 : index
    %get3A_2904 = arith.constant 0 : index
    %get3A_2905 = vector.load %arg5[%get3A_2903, %get3A_2904] : memref<3584x128xi32, #tpu.memory_space<vmem>>, vector<64x128xi32>
    %convert_element_type3A_2906 = arith.truncf %get3A_2902 : vector<128x128xf32> to vector<128x128xbf16>
    %dot_general3A_2907 = arith.constant dense<0.000000e+00> : vector<64x128xf32>
    %dot_general3A_2908 = tpu.matmul %convert_element_type3A_1942, %convert_element_type3A_2906, %dot_general3A_2907 {dimension_numbers = #tpu.dot_dimension_numbers<[1], [0], [0], [1], [0, 0, 1, 1], [], []>, transpose_lhs_hint = false} : vector<64x128xbf16>, vector<128x128xbf16>, vector<64x128xf32> -> vector<64x128xf32>
    %convert_element_type3A_2909 = arith.sitofp %get3A_2905 : vector<64x128xi32> to vector<64x128xf32>
    %mul3A_2910 = arith.constant 2.000000e+00 : f32
    %mul3A_2911 = vector.broadcast %mul3A_2910 : f32 to vector<64x128xf32>
    %mul3A_2912 = arith.mulf %mul3A_2911, %convert_element_type3A_2909 : vector<64x128xf32>
    %sub3A_2913 = arith.constant 1.000000e+00 : f32
    %sub3A_2914 = vector.broadcast %sub3A_2913 : f32 to vector<64x128xf32>
    %sub3A_2915 = arith.subf %sub3A_2914, %mul3A_2912 : vector<64x128xf32>
    %mul3A_2916 = arith.mulf %dot_general3A_2908, %sub3A_2915 : vector<64x128xf32>
    %min3A_2917 = arith.constant 8.000000e+01 : f32
    %min3A_2918 = vector.broadcast %min3A_2917 : f32 to vector<64x128xf32>
    %min3A_2919 = arith.minimumf %mul3A_2916, %min3A_2918 : vector<64x128xf32>
    %exp3A_2920 = math.exp %min3A_2919 : vector<64x128xf32>
    %add3A_2921 = arith.constant 1.000000e+00 : f32
    %add3A_2922 = vector.broadcast %add3A_2921 : f32 to vector<64x128xf32>
    %add3A_2923 = arith.addf %add3A_2922, %exp3A_2920 : vector<64x128xf32>
    %div3A_2924 = arith.divf %exp3A_2920, %add3A_2923 : vector<64x128xf32>
    %log3A_2925 = math.log %add3A_2923 : vector<64x128xf32>
    %mul3A_2926 = vector.broadcast %sub3A : f32 to vector<64x128xf32>
    %mul3A_2927 = arith.mulf %convert_element_type3A_2909, %mul3A_2926 : vector<64x128xf32>
    %add3A_2928 = vector.broadcast %squeeze3A : f32 to vector<64x128xf32>
    %add3A_2929 = arith.addf %add3A_2928, %mul3A_2927 : vector<64x128xf32>
    %mul3A_2930 = arith.mulf %div3A_2924, %div3A_2924 : vector<64x128xf32>
    %mul3A_2931 = arith.mulf %mul3A_2930, %log3A_2925 : vector<64x128xf32>
    %mul3A_2932 = arith.mulf %add3A_2929, %mul3A_2931 : vector<64x128xf32>
    %get3A_2933 = arith.constant 3840 : index
    %get3A_2934 = arith.constant 0 : index
    %get3A_2935 = vector.load %arg4[%get3A_2933, %get3A_2934] : memref<7168x128xf32, #tpu.memory_space<vmem>>, vector<128x128xf32>
    %get3A_2936 = arith.constant 1920 : index
    %get3A_2937 = arith.constant 0 : index
    %get3A_2938 = vector.load %arg5[%get3A_2936, %get3A_2937] : memref<3584x128xi32, #tpu.memory_space<vmem>>, vector<64x128xi32>
    %convert_element_type3A_2939 = arith.truncf %get3A_2935 : vector<128x128xf32> to vector<128x128xbf16>
    %dot_general3A_2940 = arith.constant dense<0.000000e+00> : vector<64x128xf32>
    %dot_general3A_2941 = tpu.matmul %convert_element_type3A_1942, %convert_element_type3A_2939, %dot_general3A_2940 {dimension_numbers = #tpu.dot_dimension_numbers<[1], [0], [0], [1], [0, 0, 1, 1], [], []>, transpose_lhs_hint = false} : vector<64x128xbf16>, vector<128x128xbf16>, vector<64x128xf32> -> vector<64x128xf32>
    %convert_element_type3A_2942 = arith.sitofp %get3A_2938 : vector<64x128xi32> to vector<64x128xf32>
    %mul3A_2943 = arith.constant 2.000000e+00 : f32
    %mul3A_2944 = vector.broadcast %mul3A_2943 : f32 to vector<64x128xf32>
    %mul3A_2945 = arith.mulf %mul3A_2944, %convert_element_type3A_2942 : vector<64x128xf32>
    %sub3A_2946 = arith.constant 1.000000e+00 : f32
    %sub3A_2947 = vector.broadcast %sub3A_2946 : f32 to vector<64x128xf32>
    %sub3A_2948 = arith.subf %sub3A_2947, %mul3A_2945 : vector<64x128xf32>
    %mul3A_2949 = arith.mulf %dot_general3A_2941, %sub3A_2948 : vector<64x128xf32>
    %min3A_2950 = arith.constant 8.000000e+01 : f32
    %min3A_2951 = vector.broadcast %min3A_2950 : f32 to vector<64x128xf32>
    %min3A_2952 = arith.minimumf %mul3A_2949, %min3A_2951 : vector<64x128xf32>
    %exp3A_2953 = math.exp %min3A_2952 : vector<64x128xf32>
    %add3A_2954 = arith.constant 1.000000e+00 : f32
    %add3A_2955 = vector.broadcast %add3A_2954 : f32 to vector<64x128xf32>
    %add3A_2956 = arith.addf %add3A_2955, %exp3A_2953 : vector<64x128xf32>
    %div3A_2957 = arith.divf %exp3A_2953, %add3A_2956 : vector<64x128xf32>
    %log3A_2958 = math.log %add3A_2956 : vector<64x128xf32>
    %mul3A_2959 = vector.broadcast %sub3A : f32 to vector<64x128xf32>
    %mul3A_2960 = arith.mulf %convert_element_type3A_2942, %mul3A_2959 : vector<64x128xf32>
    %add3A_2961 = vector.broadcast %squeeze3A : f32 to vector<64x128xf32>
    %add3A_2962 = arith.addf %add3A_2961, %mul3A_2960 : vector<64x128xf32>
    %mul3A_2963 = arith.mulf %div3A_2957, %div3A_2957 : vector<64x128xf32>
    %mul3A_2964 = arith.mulf %mul3A_2963, %log3A_2958 : vector<64x128xf32>
    %mul3A_2965 = arith.mulf %add3A_2962, %mul3A_2964 : vector<64x128xf32>
    %get3A_2966 = arith.constant 3968 : index
    %get3A_2967 = arith.constant 0 : index
    %get3A_2968 = vector.load %arg4[%get3A_2966, %get3A_2967] : memref<7168x128xf32, #tpu.memory_space<vmem>>, vector<128x128xf32>
    %get3A_2969 = arith.constant 1984 : index
    %get3A_2970 = arith.constant 0 : index
    %get3A_2971 = vector.load %arg5[%get3A_2969, %get3A_2970] : memref<3584x128xi32, #tpu.memory_space<vmem>>, vector<64x128xi32>
    %convert_element_type3A_2972 = arith.truncf %get3A_2968 : vector<128x128xf32> to vector<128x128xbf16>
    %dot_general3A_2973 = arith.constant dense<0.000000e+00> : vector<64x128xf32>
    %dot_general3A_2974 = tpu.matmul %convert_element_type3A_1942, %convert_element_type3A_2972, %dot_general3A_2973 {dimension_numbers = #tpu.dot_dimension_numbers<[1], [0], [0], [1], [0, 0, 1, 1], [], []>, transpose_lhs_hint = false} : vector<64x128xbf16>, vector<128x128xbf16>, vector<64x128xf32> -> vector<64x128xf32>
    %convert_element_type3A_2975 = arith.sitofp %get3A_2971 : vector<64x128xi32> to vector<64x128xf32>
    %mul3A_2976 = arith.constant 2.000000e+00 : f32
    %mul3A_2977 = vector.broadcast %mul3A_2976 : f32 to vector<64x128xf32>
    %mul3A_2978 = arith.mulf %mul3A_2977, %convert_element_type3A_2975 : vector<64x128xf32>
    %sub3A_2979 = arith.constant 1.000000e+00 : f32
    %sub3A_2980 = vector.broadcast %sub3A_2979 : f32 to vector<64x128xf32>
    %sub3A_2981 = arith.subf %sub3A_2980, %mul3A_2978 : vector<64x128xf32>
    %mul3A_2982 = arith.mulf %dot_general3A_2974, %sub3A_2981 : vector<64x128xf32>
    %min3A_2983 = arith.constant 8.000000e+01 : f32
    %min3A_2984 = vector.broadcast %min3A_2983 : f32 to vector<64x128xf32>
    %min3A_2985 = arith.minimumf %mul3A_2982, %min3A_2984 : vector<64x128xf32>
    %exp3A_2986 = math.exp %min3A_2985 : vector<64x128xf32>
    %add3A_2987 = arith.constant 1.000000e+00 : f32
    %add3A_2988 = vector.broadcast %add3A_2987 : f32 to vector<64x128xf32>
    %add3A_2989 = arith.addf %add3A_2988, %exp3A_2986 : vector<64x128xf32>
    %div3A_2990 = arith.divf %exp3A_2986, %add3A_2989 : vector<64x128xf32>
    %log3A_2991 = math.log %add3A_2989 : vector<64x128xf32>
    %mul3A_2992 = vector.broadcast %sub3A : f32 to vector<64x128xf32>
    %mul3A_2993 = arith.mulf %convert_element_type3A_2975, %mul3A_2992 : vector<64x128xf32>
    %add3A_2994 = vector.broadcast %squeeze3A : f32 to vector<64x128xf32>
    %add3A_2995 = arith.addf %add3A_2994, %mul3A_2993 : vector<64x128xf32>
    %mul3A_2996 = arith.mulf %div3A_2990, %div3A_2990 : vector<64x128xf32>
    %mul3A_2997 = arith.mulf %mul3A_2996, %log3A_2991 : vector<64x128xf32>
    %mul3A_2998 = arith.mulf %add3A_2995, %mul3A_2997 : vector<64x128xf32>
    %get3A_2999 = arith.constant 4096 : index
    %get3A_3000 = arith.constant 0 : index
    %get3A_3001 = vector.load %arg4[%get3A_2999, %get3A_3000] : memref<7168x128xf32, #tpu.memory_space<vmem>>, vector<128x128xf32>
    %get3A_3002 = arith.constant 2048 : index
    %get3A_3003 = arith.constant 0 : index
    %get3A_3004 = vector.load %arg5[%get3A_3002, %get3A_3003] : memref<3584x128xi32, #tpu.memory_space<vmem>>, vector<64x128xi32>
    %convert_element_type3A_3005 = arith.truncf %get3A_3001 : vector<128x128xf32> to vector<128x128xbf16>
    %dot_general3A_3006 = arith.constant dense<0.000000e+00> : vector<64x128xf32>
    %dot_general3A_3007 = tpu.matmul %convert_element_type3A_1942, %convert_element_type3A_3005, %dot_general3A_3006 {dimension_numbers = #tpu.dot_dimension_numbers<[1], [0], [0], [1], [0, 0, 1, 1], [], []>, transpose_lhs_hint = false} : vector<64x128xbf16>, vector<128x128xbf16>, vector<64x128xf32> -> vector<64x128xf32>
    %convert_element_type3A_3008 = arith.sitofp %get3A_3004 : vector<64x128xi32> to vector<64x128xf32>
    %mul3A_3009 = arith.constant 2.000000e+00 : f32
    %mul3A_3010 = vector.broadcast %mul3A_3009 : f32 to vector<64x128xf32>
    %mul3A_3011 = arith.mulf %mul3A_3010, %convert_element_type3A_3008 : vector<64x128xf32>
    %sub3A_3012 = arith.constant 1.000000e+00 : f32
    %sub3A_3013 = vector.broadcast %sub3A_3012 : f32 to vector<64x128xf32>
    %sub3A_3014 = arith.subf %sub3A_3013, %mul3A_3011 : vector<64x128xf32>
    %mul3A_3015 = arith.mulf %dot_general3A_3007, %sub3A_3014 : vector<64x128xf32>
    %min3A_3016 = arith.constant 8.000000e+01 : f32
    %min3A_3017 = vector.broadcast %min3A_3016 : f32 to vector<64x128xf32>
    %min3A_3018 = arith.minimumf %mul3A_3015, %min3A_3017 : vector<64x128xf32>
    %exp3A_3019 = math.exp %min3A_3018 : vector<64x128xf32>
    %add3A_3020 = arith.constant 1.000000e+00 : f32
    %add3A_3021 = vector.broadcast %add3A_3020 : f32 to vector<64x128xf32>
    %add3A_3022 = arith.addf %add3A_3021, %exp3A_3019 : vector<64x128xf32>
    %div3A_3023 = arith.divf %exp3A_3019, %add3A_3022 : vector<64x128xf32>
    %log3A_3024 = math.log %add3A_3022 : vector<64x128xf32>
    %mul3A_3025 = vector.broadcast %sub3A : f32 to vector<64x128xf32>
    %mul3A_3026 = arith.mulf %convert_element_type3A_3008, %mul3A_3025 : vector<64x128xf32>
    %add3A_3027 = vector.broadcast %squeeze3A : f32 to vector<64x128xf32>
    %add3A_3028 = arith.addf %add3A_3027, %mul3A_3026 : vector<64x128xf32>
    %mul3A_3029 = arith.mulf %div3A_3023, %div3A_3023 : vector<64x128xf32>
    %mul3A_3030 = arith.mulf %mul3A_3029, %log3A_3024 : vector<64x128xf32>
    %mul3A_3031 = arith.mulf %add3A_3028, %mul3A_3030 : vector<64x128xf32>
    %get3A_3032 = arith.constant 4224 : index
    %get3A_3033 = arith.constant 0 : index
    %get3A_3034 = vector.load %arg4[%get3A_3032, %get3A_3033] : memref<7168x128xf32, #tpu.memory_space<vmem>>, vector<128x128xf32>
    %get3A_3035 = arith.constant 2112 : index
    %get3A_3036 = arith.constant 0 : index
    %get3A_3037 = vector.load %arg5[%get3A_3035, %get3A_3036] : memref<3584x128xi32, #tpu.memory_space<vmem>>, vector<64x128xi32>
    %convert_element_type3A_3038 = arith.truncf %get3A_3034 : vector<128x128xf32> to vector<128x128xbf16>
    %dot_general3A_3039 = arith.constant dense<0.000000e+00> : vector<64x128xf32>
    %dot_general3A_3040 = tpu.matmul %convert_element_type3A_1942, %convert_element_type3A_3038, %dot_general3A_3039 {dimension_numbers = #tpu.dot_dimension_numbers<[1], [0], [0], [1], [0, 0, 1, 1], [], []>, transpose_lhs_hint = false} : vector<64x128xbf16>, vector<128x128xbf16>, vector<64x128xf32> -> vector<64x128xf32>
    %convert_element_type3A_3041 = arith.sitofp %get3A_3037 : vector<64x128xi32> to vector<64x128xf32>
    %mul3A_3042 = arith.constant 2.000000e+00 : f32
    %mul3A_3043 = vector.broadcast %mul3A_3042 : f32 to vector<64x128xf32>
    %mul3A_3044 = arith.mulf %mul3A_3043, %convert_element_type3A_3041 : vector<64x128xf32>
    %sub3A_3045 = arith.constant 1.000000e+00 : f32
    %sub3A_3046 = vector.broadcast %sub3A_3045 : f32 to vector<64x128xf32>
    %sub3A_3047 = arith.subf %sub3A_3046, %mul3A_3044 : vector<64x128xf32>
    %mul3A_3048 = arith.mulf %dot_general3A_3040, %sub3A_3047 : vector<64x128xf32>
    %min3A_3049 = arith.constant 8.000000e+01 : f32
    %min3A_3050 = vector.broadcast %min3A_3049 : f32 to vector<64x128xf32>
    %min3A_3051 = arith.minimumf %mul3A_3048, %min3A_3050 : vector<64x128xf32>
    %exp3A_3052 = math.exp %min3A_3051 : vector<64x128xf32>
    %add3A_3053 = arith.constant 1.000000e+00 : f32
    %add3A_3054 = vector.broadcast %add3A_3053 : f32 to vector<64x128xf32>
    %add3A_3055 = arith.addf %add3A_3054, %exp3A_3052 : vector<64x128xf32>
    %div3A_3056 = arith.divf %exp3A_3052, %add3A_3055 : vector<64x128xf32>
    %log3A_3057 = math.log %add3A_3055 : vector<64x128xf32>
    %mul3A_3058 = vector.broadcast %sub3A : f32 to vector<64x128xf32>
    %mul3A_3059 = arith.mulf %convert_element_type3A_3041, %mul3A_3058 : vector<64x128xf32>
    %add3A_3060 = vector.broadcast %squeeze3A : f32 to vector<64x128xf32>
    %add3A_3061 = arith.addf %add3A_3060, %mul3A_3059 : vector<64x128xf32>
    %mul3A_3062 = arith.mulf %div3A_3056, %div3A_3056 : vector<64x128xf32>
    %mul3A_3063 = arith.mulf %mul3A_3062, %log3A_3057 : vector<64x128xf32>
    %mul3A_3064 = arith.mulf %add3A_3061, %mul3A_3063 : vector<64x128xf32>
    %get3A_3065 = arith.constant 4352 : index
    %get3A_3066 = arith.constant 0 : index
    %get3A_3067 = vector.load %arg4[%get3A_3065, %get3A_3066] : memref<7168x128xf32, #tpu.memory_space<vmem>>, vector<128x128xf32>
    %get3A_3068 = arith.constant 2176 : index
    %get3A_3069 = arith.constant 0 : index
    %get3A_3070 = vector.load %arg5[%get3A_3068, %get3A_3069] : memref<3584x128xi32, #tpu.memory_space<vmem>>, vector<64x128xi32>
    %convert_element_type3A_3071 = arith.truncf %get3A_3067 : vector<128x128xf32> to vector<128x128xbf16>
    %dot_general3A_3072 = arith.constant dense<0.000000e+00> : vector<64x128xf32>
    %dot_general3A_3073 = tpu.matmul %convert_element_type3A_1942, %convert_element_type3A_3071, %dot_general3A_3072 {dimension_numbers = #tpu.dot_dimension_numbers<[1], [0], [0], [1], [0, 0, 1, 1], [], []>, transpose_lhs_hint = false} : vector<64x128xbf16>, vector<128x128xbf16>, vector<64x128xf32> -> vector<64x128xf32>
    %convert_element_type3A_3074 = arith.sitofp %get3A_3070 : vector<64x128xi32> to vector<64x128xf32>
    %mul3A_3075 = arith.constant 2.000000e+00 : f32
    %mul3A_3076 = vector.broadcast %mul3A_3075 : f32 to vector<64x128xf32>
    %mul3A_3077 = arith.mulf %mul3A_3076, %convert_element_type3A_3074 : vector<64x128xf32>
    %sub3A_3078 = arith.constant 1.000000e+00 : f32
    %sub3A_3079 = vector.broadcast %sub3A_3078 : f32 to vector<64x128xf32>
    %sub3A_3080 = arith.subf %sub3A_3079, %mul3A_3077 : vector<64x128xf32>
    %mul3A_3081 = arith.mulf %dot_general3A_3073, %sub3A_3080 : vector<64x128xf32>
    %min3A_3082 = arith.constant 8.000000e+01 : f32
    %min3A_3083 = vector.broadcast %min3A_3082 : f32 to vector<64x128xf32>
    %min3A_3084 = arith.minimumf %mul3A_3081, %min3A_3083 : vector<64x128xf32>
    %exp3A_3085 = math.exp %min3A_3084 : vector<64x128xf32>
    %add3A_3086 = arith.constant 1.000000e+00 : f32
    %add3A_3087 = vector.broadcast %add3A_3086 : f32 to vector<64x128xf32>
    %add3A_3088 = arith.addf %add3A_3087, %exp3A_3085 : vector<64x128xf32>
    %div3A_3089 = arith.divf %exp3A_3085, %add3A_3088 : vector<64x128xf32>
    %log3A_3090 = math.log %add3A_3088 : vector<64x128xf32>
    %mul3A_3091 = vector.broadcast %sub3A : f32 to vector<64x128xf32>
    %mul3A_3092 = arith.mulf %convert_element_type3A_3074, %mul3A_3091 : vector<64x128xf32>
    %add3A_3093 = vector.broadcast %squeeze3A : f32 to vector<64x128xf32>
    %add3A_3094 = arith.addf %add3A_3093, %mul3A_3092 : vector<64x128xf32>
    %mul3A_3095 = arith.mulf %div3A_3089, %div3A_3089 : vector<64x128xf32>
    %mul3A_3096 = arith.mulf %mul3A_3095, %log3A_3090 : vector<64x128xf32>
    %mul3A_3097 = arith.mulf %add3A_3094, %mul3A_3096 : vector<64x128xf32>
    %get3A_3098 = arith.constant 4480 : index
    %get3A_3099 = arith.constant 0 : index
    %get3A_3100 = vector.load %arg4[%get3A_3098, %get3A_3099] : memref<7168x128xf32, #tpu.memory_space<vmem>>, vector<128x128xf32>
    %get3A_3101 = arith.constant 2240 : index
    %get3A_3102 = arith.constant 0 : index
    %get3A_3103 = vector.load %arg5[%get3A_3101, %get3A_3102] : memref<3584x128xi32, #tpu.memory_space<vmem>>, vector<64x128xi32>
    %convert_element_type3A_3104 = arith.truncf %get3A_3100 : vector<128x128xf32> to vector<128x128xbf16>
    %dot_general3A_3105 = arith.constant dense<0.000000e+00> : vector<64x128xf32>
    %dot_general3A_3106 = tpu.matmul %convert_element_type3A_1942, %convert_element_type3A_3104, %dot_general3A_3105 {dimension_numbers = #tpu.dot_dimension_numbers<[1], [0], [0], [1], [0, 0, 1, 1], [], []>, transpose_lhs_hint = false} : vector<64x128xbf16>, vector<128x128xbf16>, vector<64x128xf32> -> vector<64x128xf32>
    %convert_element_type3A_3107 = arith.sitofp %get3A_3103 : vector<64x128xi32> to vector<64x128xf32>
    %mul3A_3108 = arith.constant 2.000000e+00 : f32
    %mul3A_3109 = vector.broadcast %mul3A_3108 : f32 to vector<64x128xf32>
    %mul3A_3110 = arith.mulf %mul3A_3109, %convert_element_type3A_3107 : vector<64x128xf32>
    %sub3A_3111 = arith.constant 1.000000e+00 : f32
    %sub3A_3112 = vector.broadcast %sub3A_3111 : f32 to vector<64x128xf32>
    %sub3A_3113 = arith.subf %sub3A_3112, %mul3A_3110 : vector<64x128xf32>
    %mul3A_3114 = arith.mulf %dot_general3A_3106, %sub3A_3113 : vector<64x128xf32>
    %min3A_3115 = arith.constant 8.000000e+01 : f32
    %min3A_3116 = vector.broadcast %min3A_3115 : f32 to vector<64x128xf32>
    %min3A_3117 = arith.minimumf %mul3A_3114, %min3A_3116 : vector<64x128xf32>
    %exp3A_3118 = math.exp %min3A_3117 : vector<64x128xf32>
    %add3A_3119 = arith.constant 1.000000e+00 : f32
    %add3A_3120 = vector.broadcast %add3A_3119 : f32 to vector<64x128xf32>
    %add3A_3121 = arith.addf %add3A_3120, %exp3A_3118 : vector<64x128xf32>
    %div3A_3122 = arith.divf %exp3A_3118, %add3A_3121 : vector<64x128xf32>
    %log3A_3123 = math.log %add3A_3121 : vector<64x128xf32>
    %mul3A_3124 = vector.broadcast %sub3A : f32 to vector<64x128xf32>
    %mul3A_3125 = arith.mulf %convert_element_type3A_3107, %mul3A_3124 : vector<64x128xf32>
    %add3A_3126 = vector.broadcast %squeeze3A : f32 to vector<64x128xf32>
    %add3A_3127 = arith.addf %add3A_3126, %mul3A_3125 : vector<64x128xf32>
    %mul3A_3128 = arith.mulf %div3A_3122, %div3A_3122 : vector<64x128xf32>
    %mul3A_3129 = arith.mulf %mul3A_3128, %log3A_3123 : vector<64x128xf32>
    %mul3A_3130 = arith.mulf %add3A_3127, %mul3A_3129 : vector<64x128xf32>
    %get3A_3131 = arith.constant 4608 : index
    %get3A_3132 = arith.constant 0 : index
    %get3A_3133 = vector.load %arg4[%get3A_3131, %get3A_3132] : memref<7168x128xf32, #tpu.memory_space<vmem>>, vector<128x128xf32>
    %get3A_3134 = arith.constant 2304 : index
    %get3A_3135 = arith.constant 0 : index
    %get3A_3136 = vector.load %arg5[%get3A_3134, %get3A_3135] : memref<3584x128xi32, #tpu.memory_space<vmem>>, vector<64x128xi32>
    %convert_element_type3A_3137 = arith.truncf %get3A_3133 : vector<128x128xf32> to vector<128x128xbf16>
    %dot_general3A_3138 = arith.constant dense<0.000000e+00> : vector<64x128xf32>
    %dot_general3A_3139 = tpu.matmul %convert_element_type3A_1942, %convert_element_type3A_3137, %dot_general3A_3138 {dimension_numbers = #tpu.dot_dimension_numbers<[1], [0], [0], [1], [0, 0, 1, 1], [], []>, transpose_lhs_hint = false} : vector<64x128xbf16>, vector<128x128xbf16>, vector<64x128xf32> -> vector<64x128xf32>
    %convert_element_type3A_3140 = arith.sitofp %get3A_3136 : vector<64x128xi32> to vector<64x128xf32>
    %mul3A_3141 = arith.constant 2.000000e+00 : f32
    %mul3A_3142 = vector.broadcast %mul3A_3141 : f32 to vector<64x128xf32>
    %mul3A_3143 = arith.mulf %mul3A_3142, %convert_element_type3A_3140 : vector<64x128xf32>
    %sub3A_3144 = arith.constant 1.000000e+00 : f32
    %sub3A_3145 = vector.broadcast %sub3A_3144 : f32 to vector<64x128xf32>
    %sub3A_3146 = arith.subf %sub3A_3145, %mul3A_3143 : vector<64x128xf32>
    %mul3A_3147 = arith.mulf %dot_general3A_3139, %sub3A_3146 : vector<64x128xf32>
    %min3A_3148 = arith.constant 8.000000e+01 : f32
    %min3A_3149 = vector.broadcast %min3A_3148 : f32 to vector<64x128xf32>
    %min3A_3150 = arith.minimumf %mul3A_3147, %min3A_3149 : vector<64x128xf32>
    %exp3A_3151 = math.exp %min3A_3150 : vector<64x128xf32>
    %add3A_3152 = arith.constant 1.000000e+00 : f32
    %add3A_3153 = vector.broadcast %add3A_3152 : f32 to vector<64x128xf32>
    %add3A_3154 = arith.addf %add3A_3153, %exp3A_3151 : vector<64x128xf32>
    %div3A_3155 = arith.divf %exp3A_3151, %add3A_3154 : vector<64x128xf32>
    %log3A_3156 = math.log %add3A_3154 : vector<64x128xf32>
    %mul3A_3157 = vector.broadcast %sub3A : f32 to vector<64x128xf32>
    %mul3A_3158 = arith.mulf %convert_element_type3A_3140, %mul3A_3157 : vector<64x128xf32>
    %add3A_3159 = vector.broadcast %squeeze3A : f32 to vector<64x128xf32>
    %add3A_3160 = arith.addf %add3A_3159, %mul3A_3158 : vector<64x128xf32>
    %mul3A_3161 = arith.mulf %div3A_3155, %div3A_3155 : vector<64x128xf32>
    %mul3A_3162 = arith.mulf %mul3A_3161, %log3A_3156 : vector<64x128xf32>
    %mul3A_3163 = arith.mulf %add3A_3160, %mul3A_3162 : vector<64x128xf32>
    %get3A_3164 = arith.constant 4736 : index
    %get3A_3165 = arith.constant 0 : index
    %get3A_3166 = vector.load %arg4[%get3A_3164, %get3A_3165] : memref<7168x128xf32, #tpu.memory_space<vmem>>, vector<128x128xf32>
    %get3A_3167 = arith.constant 2368 : index
    %get3A_3168 = arith.constant 0 : index
    %get3A_3169 = vector.load %arg5[%get3A_3167, %get3A_3168] : memref<3584x128xi32, #tpu.memory_space<vmem>>, vector<64x128xi32>
    %convert_element_type3A_3170 = arith.truncf %get3A_3166 : vector<128x128xf32> to vector<128x128xbf16>
    %dot_general3A_3171 = arith.constant dense<0.000000e+00> : vector<64x128xf32>
    %dot_general3A_3172 = tpu.matmul %convert_element_type3A_1942, %convert_element_type3A_3170, %dot_general3A_3171 {dimension_numbers = #tpu.dot_dimension_numbers<[1], [0], [0], [1], [0, 0, 1, 1], [], []>, transpose_lhs_hint = false} : vector<64x128xbf16>, vector<128x128xbf16>, vector<64x128xf32> -> vector<64x128xf32>
    %convert_element_type3A_3173 = arith.sitofp %get3A_3169 : vector<64x128xi32> to vector<64x128xf32>
    %mul3A_3174 = arith.constant 2.000000e+00 : f32
    %mul3A_3175 = vector.broadcast %mul3A_3174 : f32 to vector<64x128xf32>
    %mul3A_3176 = arith.mulf %mul3A_3175, %convert_element_type3A_3173 : vector<64x128xf32>
    %sub3A_3177 = arith.constant 1.000000e+00 : f32
    %sub3A_3178 = vector.broadcast %sub3A_3177 : f32 to vector<64x128xf32>
    %sub3A_3179 = arith.subf %sub3A_3178, %mul3A_3176 : vector<64x128xf32>
    %mul3A_3180 = arith.mulf %dot_general3A_3172, %sub3A_3179 : vector<64x128xf32>
    %min3A_3181 = arith.constant 8.000000e+01 : f32
    %min3A_3182 = vector.broadcast %min3A_3181 : f32 to vector<64x128xf32>
    %min3A_3183 = arith.minimumf %mul3A_3180, %min3A_3182 : vector<64x128xf32>
    %exp3A_3184 = math.exp %min3A_3183 : vector<64x128xf32>
    %add3A_3185 = arith.constant 1.000000e+00 : f32
    %add3A_3186 = vector.broadcast %add3A_3185 : f32 to vector<64x128xf32>
    %add3A_3187 = arith.addf %add3A_3186, %exp3A_3184 : vector<64x128xf32>
    %div3A_3188 = arith.divf %exp3A_3184, %add3A_3187 : vector<64x128xf32>
    %log3A_3189 = math.log %add3A_3187 : vector<64x128xf32>
    %mul3A_3190 = vector.broadcast %sub3A : f32 to vector<64x128xf32>
    %mul3A_3191 = arith.mulf %convert_element_type3A_3173, %mul3A_3190 : vector<64x128xf32>
    %add3A_3192 = vector.broadcast %squeeze3A : f32 to vector<64x128xf32>
    %add3A_3193 = arith.addf %add3A_3192, %mul3A_3191 : vector<64x128xf32>
    %mul3A_3194 = arith.mulf %div3A_3188, %div3A_3188 : vector<64x128xf32>
    %mul3A_3195 = arith.mulf %mul3A_3194, %log3A_3189 : vector<64x128xf32>
    %mul3A_3196 = arith.mulf %add3A_3193, %mul3A_3195 : vector<64x128xf32>
    %get3A_3197 = arith.constant 4864 : index
    %get3A_3198 = arith.constant 0 : index
    %get3A_3199 = vector.load %arg4[%get3A_3197, %get3A_3198] : memref<7168x128xf32, #tpu.memory_space<vmem>>, vector<128x128xf32>
    %get3A_3200 = arith.constant 2432 : index
    %get3A_3201 = arith.constant 0 : index
    %get3A_3202 = vector.load %arg5[%get3A_3200, %get3A_3201] : memref<3584x128xi32, #tpu.memory_space<vmem>>, vector<64x128xi32>
    %convert_element_type3A_3203 = arith.truncf %get3A_3199 : vector<128x128xf32> to vector<128x128xbf16>
    %dot_general3A_3204 = arith.constant dense<0.000000e+00> : vector<64x128xf32>
    %dot_general3A_3205 = tpu.matmul %convert_element_type3A_1942, %convert_element_type3A_3203, %dot_general3A_3204 {dimension_numbers = #tpu.dot_dimension_numbers<[1], [0], [0], [1], [0, 0, 1, 1], [], []>, transpose_lhs_hint = false} : vector<64x128xbf16>, vector<128x128xbf16>, vector<64x128xf32> -> vector<64x128xf32>
    %convert_element_type3A_3206 = arith.sitofp %get3A_3202 : vector<64x128xi32> to vector<64x128xf32>
    %mul3A_3207 = arith.constant 2.000000e+00 : f32
    %mul3A_3208 = vector.broadcast %mul3A_3207 : f32 to vector<64x128xf32>
    %mul3A_3209 = arith.mulf %mul3A_3208, %convert_element_type3A_3206 : vector<64x128xf32>
    %sub3A_3210 = arith.constant 1.000000e+00 : f32
    %sub3A_3211 = vector.broadcast %sub3A_3210 : f32 to vector<64x128xf32>
    %sub3A_3212 = arith.subf %sub3A_3211, %mul3A_3209 : vector<64x128xf32>
    %mul3A_3213 = arith.mulf %dot_general3A_3205, %sub3A_3212 : vector<64x128xf32>
    %min3A_3214 = arith.constant 8.000000e+01 : f32
    %min3A_3215 = vector.broadcast %min3A_3214 : f32 to vector<64x128xf32>
    %min3A_3216 = arith.minimumf %mul3A_3213, %min3A_3215 : vector<64x128xf32>
    %exp3A_3217 = math.exp %min3A_3216 : vector<64x128xf32>
    %add3A_3218 = arith.constant 1.000000e+00 : f32
    %add3A_3219 = vector.broadcast %add3A_3218 : f32 to vector<64x128xf32>
    %add3A_3220 = arith.addf %add3A_3219, %exp3A_3217 : vector<64x128xf32>
    %div3A_3221 = arith.divf %exp3A_3217, %add3A_3220 : vector<64x128xf32>
    %log3A_3222 = math.log %add3A_3220 : vector<64x128xf32>
    %mul3A_3223 = vector.broadcast %sub3A : f32 to vector<64x128xf32>
    %mul3A_3224 = arith.mulf %convert_element_type3A_3206, %mul3A_3223 : vector<64x128xf32>
    %add3A_3225 = vector.broadcast %squeeze3A : f32 to vector<64x128xf32>
    %add3A_3226 = arith.addf %add3A_3225, %mul3A_3224 : vector<64x128xf32>
    %mul3A_3227 = arith.mulf %div3A_3221, %div3A_3221 : vector<64x128xf32>
    %mul3A_3228 = arith.mulf %mul3A_3227, %log3A_3222 : vector<64x128xf32>
    %mul3A_3229 = arith.mulf %add3A_3226, %mul3A_3228 : vector<64x128xf32>
    %get3A_3230 = arith.constant 4992 : index
    %get3A_3231 = arith.constant 0 : index
    %get3A_3232 = vector.load %arg4[%get3A_3230, %get3A_3231] : memref<7168x128xf32, #tpu.memory_space<vmem>>, vector<128x128xf32>
    %get3A_3233 = arith.constant 2496 : index
    %get3A_3234 = arith.constant 0 : index
    %get3A_3235 = vector.load %arg5[%get3A_3233, %get3A_3234] : memref<3584x128xi32, #tpu.memory_space<vmem>>, vector<64x128xi32>
    %convert_element_type3A_3236 = arith.truncf %get3A_3232 : vector<128x128xf32> to vector<128x128xbf16>
    %dot_general3A_3237 = arith.constant dense<0.000000e+00> : vector<64x128xf32>
    %dot_general3A_3238 = tpu.matmul %convert_element_type3A_1942, %convert_element_type3A_3236, %dot_general3A_3237 {dimension_numbers = #tpu.dot_dimension_numbers<[1], [0], [0], [1], [0, 0, 1, 1], [], []>, transpose_lhs_hint = false} : vector<64x128xbf16>, vector<128x128xbf16>, vector<64x128xf32> -> vector<64x128xf32>
    %convert_element_type3A_3239 = arith.sitofp %get3A_3235 : vector<64x128xi32> to vector<64x128xf32>
    %mul3A_3240 = arith.constant 2.000000e+00 : f32
    %mul3A_3241 = vector.broadcast %mul3A_3240 : f32 to vector<64x128xf32>
    %mul3A_3242 = arith.mulf %mul3A_3241, %convert_element_type3A_3239 : vector<64x128xf32>
    %sub3A_3243 = arith.constant 1.000000e+00 : f32
    %sub3A_3244 = vector.broadcast %sub3A_3243 : f32 to vector<64x128xf32>
    %sub3A_3245 = arith.subf %sub3A_3244, %mul3A_3242 : vector<64x128xf32>
    %mul3A_3246 = arith.mulf %dot_general3A_3238, %sub3A_3245 : vector<64x128xf32>
    %min3A_3247 = arith.constant 8.000000e+01 : f32
    %min3A_3248 = vector.broadcast %min3A_3247 : f32 to vector<64x128xf32>
    %min3A_3249 = arith.minimumf %mul3A_3246, %min3A_3248 : vector<64x128xf32>
    %exp3A_3250 = math.exp %min3A_3249 : vector<64x128xf32>
    %add3A_3251 = arith.constant 1.000000e+00 : f32
    %add3A_3252 = vector.broadcast %add3A_3251 : f32 to vector<64x128xf32>
    %add3A_3253 = arith.addf %add3A_3252, %exp3A_3250 : vector<64x128xf32>
    %div3A_3254 = arith.divf %exp3A_3250, %add3A_3253 : vector<64x128xf32>
    %log3A_3255 = math.log %add3A_3253 : vector<64x128xf32>
    %mul3A_3256 = vector.broadcast %sub3A : f32 to vector<64x128xf32>
    %mul3A_3257 = arith.mulf %convert_element_type3A_3239, %mul3A_3256 : vector<64x128xf32>
    %add3A_3258 = vector.broadcast %squeeze3A : f32 to vector<64x128xf32>
    %add3A_3259 = arith.addf %add3A_3258, %mul3A_3257 : vector<64x128xf32>
    %mul3A_3260 = arith.mulf %div3A_3254, %div3A_3254 : vector<64x128xf32>
    %mul3A_3261 = arith.mulf %mul3A_3260, %log3A_3255 : vector<64x128xf32>
    %mul3A_3262 = arith.mulf %add3A_3259, %mul3A_3261 : vector<64x128xf32>
    %get3A_3263 = arith.constant 5120 : index
    %get3A_3264 = arith.constant 0 : index
    %get3A_3265 = vector.load %arg4[%get3A_3263, %get3A_3264] : memref<7168x128xf32, #tpu.memory_space<vmem>>, vector<128x128xf32>
    %get3A_3266 = arith.constant 2560 : index
    %get3A_3267 = arith.constant 0 : index
    %get3A_3268 = vector.load %arg5[%get3A_3266, %get3A_3267] : memref<3584x128xi32, #tpu.memory_space<vmem>>, vector<64x128xi32>
    %convert_element_type3A_3269 = arith.truncf %get3A_3265 : vector<128x128xf32> to vector<128x128xbf16>
    %dot_general3A_3270 = arith.constant dense<0.000000e+00> : vector<64x128xf32>
    %dot_general3A_3271 = tpu.matmul %convert_element_type3A_1942, %convert_element_type3A_3269, %dot_general3A_3270 {dimension_numbers = #tpu.dot_dimension_numbers<[1], [0], [0], [1], [0, 0, 1, 1], [], []>, transpose_lhs_hint = false} : vector<64x128xbf16>, vector<128x128xbf16>, vector<64x128xf32> -> vector<64x128xf32>
    %convert_element_type3A_3272 = arith.sitofp %get3A_3268 : vector<64x128xi32> to vector<64x128xf32>
    %mul3A_3273 = arith.constant 2.000000e+00 : f32
    %mul3A_3274 = vector.broadcast %mul3A_3273 : f32 to vector<64x128xf32>
    %mul3A_3275 = arith.mulf %mul3A_3274, %convert_element_type3A_3272 : vector<64x128xf32>
    %sub3A_3276 = arith.constant 1.000000e+00 : f32
    %sub3A_3277 = vector.broadcast %sub3A_3276 : f32 to vector<64x128xf32>
    %sub3A_3278 = arith.subf %sub3A_3277, %mul3A_3275 : vector<64x128xf32>
    %mul3A_3279 = arith.mulf %dot_general3A_3271, %sub3A_3278 : vector<64x128xf32>
    %min3A_3280 = arith.constant 8.000000e+01 : f32
    %min3A_3281 = vector.broadcast %min3A_3280 : f32 to vector<64x128xf32>
    %min3A_3282 = arith.minimumf %mul3A_3279, %min3A_3281 : vector<64x128xf32>
    %exp3A_3283 = math.exp %min3A_3282 : vector<64x128xf32>
    %add3A_3284 = arith.constant 1.000000e+00 : f32
    %add3A_3285 = vector.broadcast %add3A_3284 : f32 to vector<64x128xf32>
    %add3A_3286 = arith.addf %add3A_3285, %exp3A_3283 : vector<64x128xf32>
    %div3A_3287 = arith.divf %exp3A_3283, %add3A_3286 : vector<64x128xf32>
    %log3A_3288 = math.log %add3A_3286 : vector<64x128xf32>
    %mul3A_3289 = vector.broadcast %sub3A : f32 to vector<64x128xf32>
    %mul3A_3290 = arith.mulf %convert_element_type3A_3272, %mul3A_3289 : vector<64x128xf32>
    %add3A_3291 = vector.broadcast %squeeze3A : f32 to vector<64x128xf32>
    %add3A_3292 = arith.addf %add3A_3291, %mul3A_3290 : vector<64x128xf32>
    %mul3A_3293 = arith.mulf %div3A_3287, %div3A_3287 : vector<64x128xf32>
    %mul3A_3294 = arith.mulf %mul3A_3293, %log3A_3288 : vector<64x128xf32>
    %mul3A_3295 = arith.mulf %add3A_3292, %mul3A_3294 : vector<64x128xf32>
    %get3A_3296 = arith.constant 5248 : index
    %get3A_3297 = arith.constant 0 : index
    %get3A_3298 = vector.load %arg4[%get3A_3296, %get3A_3297] : memref<7168x128xf32, #tpu.memory_space<vmem>>, vector<128x128xf32>
    %get3A_3299 = arith.constant 2624 : index
    %get3A_3300 = arith.constant 0 : index
    %get3A_3301 = vector.load %arg5[%get3A_3299, %get3A_3300] : memref<3584x128xi32, #tpu.memory_space<vmem>>, vector<64x128xi32>
    %convert_element_type3A_3302 = arith.truncf %get3A_3298 : vector<128x128xf32> to vector<128x128xbf16>
    %dot_general3A_3303 = arith.constant dense<0.000000e+00> : vector<64x128xf32>
    %dot_general3A_3304 = tpu.matmul %convert_element_type3A_1942, %convert_element_type3A_3302, %dot_general3A_3303 {dimension_numbers = #tpu.dot_dimension_numbers<[1], [0], [0], [1], [0, 0, 1, 1], [], []>, transpose_lhs_hint = false} : vector<64x128xbf16>, vector<128x128xbf16>, vector<64x128xf32> -> vector<64x128xf32>
    %convert_element_type3A_3305 = arith.sitofp %get3A_3301 : vector<64x128xi32> to vector<64x128xf32>
    %mul3A_3306 = arith.constant 2.000000e+00 : f32
    %mul3A_3307 = vector.broadcast %mul3A_3306 : f32 to vector<64x128xf32>
    %mul3A_3308 = arith.mulf %mul3A_3307, %convert_element_type3A_3305 : vector<64x128xf32>
    %sub3A_3309 = arith.constant 1.000000e+00 : f32
    %sub3A_3310 = vector.broadcast %sub3A_3309 : f32 to vector<64x128xf32>
    %sub3A_3311 = arith.subf %sub3A_3310, %mul3A_3308 : vector<64x128xf32>
    %mul3A_3312 = arith.mulf %dot_general3A_3304, %sub3A_3311 : vector<64x128xf32>
    %min3A_3313 = arith.constant 8.000000e+01 : f32
    %min3A_3314 = vector.broadcast %min3A_3313 : f32 to vector<64x128xf32>
    %min3A_3315 = arith.minimumf %mul3A_3312, %min3A_3314 : vector<64x128xf32>
    %exp3A_3316 = math.exp %min3A_3315 : vector<64x128xf32>
    %add3A_3317 = arith.constant 1.000000e+00 : f32
    %add3A_3318 = vector.broadcast %add3A_3317 : f32 to vector<64x128xf32>
    %add3A_3319 = arith.addf %add3A_3318, %exp3A_3316 : vector<64x128xf32>
    %div3A_3320 = arith.divf %exp3A_3316, %add3A_3319 : vector<64x128xf32>
    %log3A_3321 = math.log %add3A_3319 : vector<64x128xf32>
    %mul3A_3322 = vector.broadcast %sub3A : f32 to vector<64x128xf32>
    %mul3A_3323 = arith.mulf %convert_element_type3A_3305, %mul3A_3322 : vector<64x128xf32>
    %add3A_3324 = vector.broadcast %squeeze3A : f32 to vector<64x128xf32>
    %add3A_3325 = arith.addf %add3A_3324, %mul3A_3323 : vector<64x128xf32>
    %mul3A_3326 = arith.mulf %div3A_3320, %div3A_3320 : vector<64x128xf32>
    %mul3A_3327 = arith.mulf %mul3A_3326, %log3A_3321 : vector<64x128xf32>
    %mul3A_3328 = arith.mulf %add3A_3325, %mul3A_3327 : vector<64x128xf32>
    %get3A_3329 = arith.constant 5376 : index
    %get3A_3330 = arith.constant 0 : index
    %get3A_3331 = vector.load %arg4[%get3A_3329, %get3A_3330] : memref<7168x128xf32, #tpu.memory_space<vmem>>, vector<128x128xf32>
    %get3A_3332 = arith.constant 2688 : index
    %get3A_3333 = arith.constant 0 : index
    %get3A_3334 = vector.load %arg5[%get3A_3332, %get3A_3333] : memref<3584x128xi32, #tpu.memory_space<vmem>>, vector<64x128xi32>
    %convert_element_type3A_3335 = arith.truncf %get3A_3331 : vector<128x128xf32> to vector<128x128xbf16>
    %dot_general3A_3336 = arith.constant dense<0.000000e+00> : vector<64x128xf32>
    %dot_general3A_3337 = tpu.matmul %convert_element_type3A_1942, %convert_element_type3A_3335, %dot_general3A_3336 {dimension_numbers = #tpu.dot_dimension_numbers<[1], [0], [0], [1], [0, 0, 1, 1], [], []>, transpose_lhs_hint = false} : vector<64x128xbf16>, vector<128x128xbf16>, vector<64x128xf32> -> vector<64x128xf32>
    %convert_element_type3A_3338 = arith.sitofp %get3A_3334 : vector<64x128xi32> to vector<64x128xf32>
    %mul3A_3339 = arith.constant 2.000000e+00 : f32
    %mul3A_3340 = vector.broadcast %mul3A_3339 : f32 to vector<64x128xf32>
    %mul3A_3341 = arith.mulf %mul3A_3340, %convert_element_type3A_3338 : vector<64x128xf32>
    %sub3A_3342 = arith.constant 1.000000e+00 : f32
    %sub3A_3343 = vector.broadcast %sub3A_3342 : f32 to vector<64x128xf32>
    %sub3A_3344 = arith.subf %sub3A_3343, %mul3A_3341 : vector<64x128xf32>
    %mul3A_3345 = arith.mulf %dot_general3A_3337, %sub3A_3344 : vector<64x128xf32>
    %min3A_3346 = arith.constant 8.000000e+01 : f32
    %min3A_3347 = vector.broadcast %min3A_3346 : f32 to vector<64x128xf32>
    %min3A_3348 = arith.minimumf %mul3A_3345, %min3A_3347 : vector<64x128xf32>
    %exp3A_3349 = math.exp %min3A_3348 : vector<64x128xf32>
    %add3A_3350 = arith.constant 1.000000e+00 : f32
    %add3A_3351 = vector.broadcast %add3A_3350 : f32 to vector<64x128xf32>
    %add3A_3352 = arith.addf %add3A_3351, %exp3A_3349 : vector<64x128xf32>
    %div3A_3353 = arith.divf %exp3A_3349, %add3A_3352 : vector<64x128xf32>
    %log3A_3354 = math.log %add3A_3352 : vector<64x128xf32>
    %mul3A_3355 = vector.broadcast %sub3A : f32 to vector<64x128xf32>
    %mul3A_3356 = arith.mulf %convert_element_type3A_3338, %mul3A_3355 : vector<64x128xf32>
    %add3A_3357 = vector.broadcast %squeeze3A : f32 to vector<64x128xf32>
    %add3A_3358 = arith.addf %add3A_3357, %mul3A_3356 : vector<64x128xf32>
    %mul3A_3359 = arith.mulf %div3A_3353, %div3A_3353 : vector<64x128xf32>
    %mul3A_3360 = arith.mulf %mul3A_3359, %log3A_3354 : vector<64x128xf32>
    %mul3A_3361 = arith.mulf %add3A_3358, %mul3A_3360 : vector<64x128xf32>
    %get3A_3362 = arith.constant 5504 : index
    %get3A_3363 = arith.constant 0 : index
    %get3A_3364 = vector.load %arg4[%get3A_3362, %get3A_3363] : memref<7168x128xf32, #tpu.memory_space<vmem>>, vector<128x128xf32>
    %get3A_3365 = arith.constant 2752 : index
    %get3A_3366 = arith.constant 0 : index
    %get3A_3367 = vector.load %arg5[%get3A_3365, %get3A_3366] : memref<3584x128xi32, #tpu.memory_space<vmem>>, vector<64x128xi32>
    %convert_element_type3A_3368 = arith.truncf %get3A_3364 : vector<128x128xf32> to vector<128x128xbf16>
    %dot_general3A_3369 = arith.constant dense<0.000000e+00> : vector<64x128xf32>
    %dot_general3A_3370 = tpu.matmul %convert_element_type3A_1942, %convert_element_type3A_3368, %dot_general3A_3369 {dimension_numbers = #tpu.dot_dimension_numbers<[1], [0], [0], [1], [0, 0, 1, 1], [], []>, transpose_lhs_hint = false} : vector<64x128xbf16>, vector<128x128xbf16>, vector<64x128xf32> -> vector<64x128xf32>
    %convert_element_type3A_3371 = arith.sitofp %get3A_3367 : vector<64x128xi32> to vector<64x128xf32>
    %mul3A_3372 = arith.constant 2.000000e+00 : f32
    %mul3A_3373 = vector.broadcast %mul3A_3372 : f32 to vector<64x128xf32>
    %mul3A_3374 = arith.mulf %mul3A_3373, %convert_element_type3A_3371 : vector<64x128xf32>
    %sub3A_3375 = arith.constant 1.000000e+00 : f32
    %sub3A_3376 = vector.broadcast %sub3A_3375 : f32 to vector<64x128xf32>
    %sub3A_3377 = arith.subf %sub3A_3376, %mul3A_3374 : vector<64x128xf32>
    %mul3A_3378 = arith.mulf %dot_general3A_3370, %sub3A_3377 : vector<64x128xf32>
    %min3A_3379 = arith.constant 8.000000e+01 : f32
    %min3A_3380 = vector.broadcast %min3A_3379 : f32 to vector<64x128xf32>
    %min3A_3381 = arith.minimumf %mul3A_3378, %min3A_3380 : vector<64x128xf32>
    %exp3A_3382 = math.exp %min3A_3381 : vector<64x128xf32>
    %add3A_3383 = arith.constant 1.000000e+00 : f32
    %add3A_3384 = vector.broadcast %add3A_3383 : f32 to vector<64x128xf32>
    %add3A_3385 = arith.addf %add3A_3384, %exp3A_3382 : vector<64x128xf32>
    %div3A_3386 = arith.divf %exp3A_3382, %add3A_3385 : vector<64x128xf32>
    %log3A_3387 = math.log %add3A_3385 : vector<64x128xf32>
    %mul3A_3388 = vector.broadcast %sub3A : f32 to vector<64x128xf32>
    %mul3A_3389 = arith.mulf %convert_element_type3A_3371, %mul3A_3388 : vector<64x128xf32>
    %add3A_3390 = vector.broadcast %squeeze3A : f32 to vector<64x128xf32>
    %add3A_3391 = arith.addf %add3A_3390, %mul3A_3389 : vector<64x128xf32>
    %mul3A_3392 = arith.mulf %div3A_3386, %div3A_3386 : vector<64x128xf32>
    %mul3A_3393 = arith.mulf %mul3A_3392, %log3A_3387 : vector<64x128xf32>
    %mul3A_3394 = arith.mulf %add3A_3391, %mul3A_3393 : vector<64x128xf32>
    %get3A_3395 = arith.constant 5632 : index
    %get3A_3396 = arith.constant 0 : index
    %get3A_3397 = vector.load %arg4[%get3A_3395, %get3A_3396] : memref<7168x128xf32, #tpu.memory_space<vmem>>, vector<128x128xf32>
    %get3A_3398 = arith.constant 2816 : index
    %get3A_3399 = arith.constant 0 : index
    %get3A_3400 = vector.load %arg5[%get3A_3398, %get3A_3399] : memref<3584x128xi32, #tpu.memory_space<vmem>>, vector<64x128xi32>
    %convert_element_type3A_3401 = arith.truncf %get3A_3397 : vector<128x128xf32> to vector<128x128xbf16>
    %dot_general3A_3402 = arith.constant dense<0.000000e+00> : vector<64x128xf32>
    %dot_general3A_3403 = tpu.matmul %convert_element_type3A_1942, %convert_element_type3A_3401, %dot_general3A_3402 {dimension_numbers = #tpu.dot_dimension_numbers<[1], [0], [0], [1], [0, 0, 1, 1], [], []>, transpose_lhs_hint = false} : vector<64x128xbf16>, vector<128x128xbf16>, vector<64x128xf32> -> vector<64x128xf32>
    %convert_element_type3A_3404 = arith.sitofp %get3A_3400 : vector<64x128xi32> to vector<64x128xf32>
    %mul3A_3405 = arith.constant 2.000000e+00 : f32
    %mul3A_3406 = vector.broadcast %mul3A_3405 : f32 to vector<64x128xf32>
    %mul3A_3407 = arith.mulf %mul3A_3406, %convert_element_type3A_3404 : vector<64x128xf32>
    %sub3A_3408 = arith.constant 1.000000e+00 : f32
    %sub3A_3409 = vector.broadcast %sub3A_3408 : f32 to vector<64x128xf32>
    %sub3A_3410 = arith.subf %sub3A_3409, %mul3A_3407 : vector<64x128xf32>
    %mul3A_3411 = arith.mulf %dot_general3A_3403, %sub3A_3410 : vector<64x128xf32>
    %min3A_3412 = arith.constant 8.000000e+01 : f32
    %min3A_3413 = vector.broadcast %min3A_3412 : f32 to vector<64x128xf32>
    %min3A_3414 = arith.minimumf %mul3A_3411, %min3A_3413 : vector<64x128xf32>
    %exp3A_3415 = math.exp %min3A_3414 : vector<64x128xf32>
    %add3A_3416 = arith.constant 1.000000e+00 : f32
    %add3A_3417 = vector.broadcast %add3A_3416 : f32 to vector<64x128xf32>
    %add3A_3418 = arith.addf %add3A_3417, %exp3A_3415 : vector<64x128xf32>
    %div3A_3419 = arith.divf %exp3A_3415, %add3A_3418 : vector<64x128xf32>
    %log3A_3420 = math.log %add3A_3418 : vector<64x128xf32>
    %mul3A_3421 = vector.broadcast %sub3A : f32 to vector<64x128xf32>
    %mul3A_3422 = arith.mulf %convert_element_type3A_3404, %mul3A_3421 : vector<64x128xf32>
    %add3A_3423 = vector.broadcast %squeeze3A : f32 to vector<64x128xf32>
    %add3A_3424 = arith.addf %add3A_3423, %mul3A_3422 : vector<64x128xf32>
    %mul3A_3425 = arith.mulf %div3A_3419, %div3A_3419 : vector<64x128xf32>
    %mul3A_3426 = arith.mulf %mul3A_3425, %log3A_3420 : vector<64x128xf32>
    %mul3A_3427 = arith.mulf %add3A_3424, %mul3A_3426 : vector<64x128xf32>
    %get3A_3428 = arith.constant 5760 : index
    %get3A_3429 = arith.constant 0 : index
    %get3A_3430 = vector.load %arg4[%get3A_3428, %get3A_3429] : memref<7168x128xf32, #tpu.memory_space<vmem>>, vector<128x128xf32>
    %get3A_3431 = arith.constant 2880 : index
    %get3A_3432 = arith.constant 0 : index
    %get3A_3433 = vector.load %arg5[%get3A_3431, %get3A_3432] : memref<3584x128xi32, #tpu.memory_space<vmem>>, vector<64x128xi32>
    %convert_element_type3A_3434 = arith.truncf %get3A_3430 : vector<128x128xf32> to vector<128x128xbf16>
    %dot_general3A_3435 = arith.constant dense<0.000000e+00> : vector<64x128xf32>
    %dot_general3A_3436 = tpu.matmul %convert_element_type3A_1942, %convert_element_type3A_3434, %dot_general3A_3435 {dimension_numbers = #tpu.dot_dimension_numbers<[1], [0], [0], [1], [0, 0, 1, 1], [], []>, transpose_lhs_hint = false} : vector<64x128xbf16>, vector<128x128xbf16>, vector<64x128xf32> -> vector<64x128xf32>
    %convert_element_type3A_3437 = arith.sitofp %get3A_3433 : vector<64x128xi32> to vector<64x128xf32>
    %mul3A_3438 = arith.constant 2.000000e+00 : f32
    %mul3A_3439 = vector.broadcast %mul3A_3438 : f32 to vector<64x128xf32>
    %mul3A_3440 = arith.mulf %mul3A_3439, %convert_element_type3A_3437 : vector<64x128xf32>
    %sub3A_3441 = arith.constant 1.000000e+00 : f32
    %sub3A_3442 = vector.broadcast %sub3A_3441 : f32 to vector<64x128xf32>
    %sub3A_3443 = arith.subf %sub3A_3442, %mul3A_3440 : vector<64x128xf32>
    %mul3A_3444 = arith.mulf %dot_general3A_3436, %sub3A_3443 : vector<64x128xf32>
    %min3A_3445 = arith.constant 8.000000e+01 : f32
    %min3A_3446 = vector.broadcast %min3A_3445 : f32 to vector<64x128xf32>
    %min3A_3447 = arith.minimumf %mul3A_3444, %min3A_3446 : vector<64x128xf32>
    %exp3A_3448 = math.exp %min3A_3447 : vector<64x128xf32>
    %add3A_3449 = arith.constant 1.000000e+00 : f32
    %add3A_3450 = vector.broadcast %add3A_3449 : f32 to vector<64x128xf32>
    %add3A_3451 = arith.addf %add3A_3450, %exp3A_3448 : vector<64x128xf32>
    %div3A_3452 = arith.divf %exp3A_3448, %add3A_3451 : vector<64x128xf32>
    %log3A_3453 = math.log %add3A_3451 : vector<64x128xf32>
    %mul3A_3454 = vector.broadcast %sub3A : f32 to vector<64x128xf32>
    %mul3A_3455 = arith.mulf %convert_element_type3A_3437, %mul3A_3454 : vector<64x128xf32>
    %add3A_3456 = vector.broadcast %squeeze3A : f32 to vector<64x128xf32>
    %add3A_3457 = arith.addf %add3A_3456, %mul3A_3455 : vector<64x128xf32>
    %mul3A_3458 = arith.mulf %div3A_3452, %div3A_3452 : vector<64x128xf32>
    %mul3A_3459 = arith.mulf %mul3A_3458, %log3A_3453 : vector<64x128xf32>
    %mul3A_3460 = arith.mulf %add3A_3457, %mul3A_3459 : vector<64x128xf32>
    %get3A_3461 = arith.constant 5888 : index
    %get3A_3462 = arith.constant 0 : index
    %get3A_3463 = vector.load %arg4[%get3A_3461, %get3A_3462] : memref<7168x128xf32, #tpu.memory_space<vmem>>, vector<128x128xf32>
    %get3A_3464 = arith.constant 2944 : index
    %get3A_3465 = arith.constant 0 : index
    %get3A_3466 = vector.load %arg5[%get3A_3464, %get3A_3465] : memref<3584x128xi32, #tpu.memory_space<vmem>>, vector<64x128xi32>
    %convert_element_type3A_3467 = arith.truncf %get3A_3463 : vector<128x128xf32> to vector<128x128xbf16>
    %dot_general3A_3468 = arith.constant dense<0.000000e+00> : vector<64x128xf32>
    %dot_general3A_3469 = tpu.matmul %convert_element_type3A_1942, %convert_element_type3A_3467, %dot_general3A_3468 {dimension_numbers = #tpu.dot_dimension_numbers<[1], [0], [0], [1], [0, 0, 1, 1], [], []>, transpose_lhs_hint = false} : vector<64x128xbf16>, vector<128x128xbf16>, vector<64x128xf32> -> vector<64x128xf32>
    %convert_element_type3A_3470 = arith.sitofp %get3A_3466 : vector<64x128xi32> to vector<64x128xf32>
    %mul3A_3471 = arith.constant 2.000000e+00 : f32
    %mul3A_3472 = vector.broadcast %mul3A_3471 : f32 to vector<64x128xf32>
    %mul3A_3473 = arith.mulf %mul3A_3472, %convert_element_type3A_3470 : vector<64x128xf32>
    %sub3A_3474 = arith.constant 1.000000e+00 : f32
    %sub3A_3475 = vector.broadcast %sub3A_3474 : f32 to vector<64x128xf32>
    %sub3A_3476 = arith.subf %sub3A_3475, %mul3A_3473 : vector<64x128xf32>
    %mul3A_3477 = arith.mulf %dot_general3A_3469, %sub3A_3476 : vector<64x128xf32>
    %min3A_3478 = arith.constant 8.000000e+01 : f32
    %min3A_3479 = vector.broadcast %min3A_3478 : f32 to vector<64x128xf32>
    %min3A_3480 = arith.minimumf %mul3A_3477, %min3A_3479 : vector<64x128xf32>
    %exp3A_3481 = math.exp %min3A_3480 : vector<64x128xf32>
    %add3A_3482 = arith.constant 1.000000e+00 : f32
    %add3A_3483 = vector.broadcast %add3A_3482 : f32 to vector<64x128xf32>
    %add3A_3484 = arith.addf %add3A_3483, %exp3A_3481 : vector<64x128xf32>
    %div3A_3485 = arith.divf %exp3A_3481, %add3A_3484 : vector<64x128xf32>
    %log3A_3486 = math.log %add3A_3484 : vector<64x128xf32>
    %mul3A_3487 = vector.broadcast %sub3A : f32 to vector<64x128xf32>
    %mul3A_3488 = arith.mulf %convert_element_type3A_3470, %mul3A_3487 : vector<64x128xf32>
    %add3A_3489 = vector.broadcast %squeeze3A : f32 to vector<64x128xf32>
    %add3A_3490 = arith.addf %add3A_3489, %mul3A_3488 : vector<64x128xf32>
    %mul3A_3491 = arith.mulf %div3A_3485, %div3A_3485 : vector<64x128xf32>
    %mul3A_3492 = arith.mulf %mul3A_3491, %log3A_3486 : vector<64x128xf32>
    %mul3A_3493 = arith.mulf %add3A_3490, %mul3A_3492 : vector<64x128xf32>
    %get3A_3494 = arith.constant 6016 : index
    %get3A_3495 = arith.constant 0 : index
    %get3A_3496 = vector.load %arg4[%get3A_3494, %get3A_3495] : memref<7168x128xf32, #tpu.memory_space<vmem>>, vector<128x128xf32>
    %get3A_3497 = arith.constant 3008 : index
    %get3A_3498 = arith.constant 0 : index
    %get3A_3499 = vector.load %arg5[%get3A_3497, %get3A_3498] : memref<3584x128xi32, #tpu.memory_space<vmem>>, vector<64x128xi32>
    %convert_element_type3A_3500 = arith.truncf %get3A_3496 : vector<128x128xf32> to vector<128x128xbf16>
    %dot_general3A_3501 = arith.constant dense<0.000000e+00> : vector<64x128xf32>
    %dot_general3A_3502 = tpu.matmul %convert_element_type3A_1942, %convert_element_type3A_3500, %dot_general3A_3501 {dimension_numbers = #tpu.dot_dimension_numbers<[1], [0], [0], [1], [0, 0, 1, 1], [], []>, transpose_lhs_hint = false} : vector<64x128xbf16>, vector<128x128xbf16>, vector<64x128xf32> -> vector<64x128xf32>
    %convert_element_type3A_3503 = arith.sitofp %get3A_3499 : vector<64x128xi32> to vector<64x128xf32>
    %mul3A_3504 = arith.constant 2.000000e+00 : f32
    %mul3A_3505 = vector.broadcast %mul3A_3504 : f32 to vector<64x128xf32>
    %mul3A_3506 = arith.mulf %mul3A_3505, %convert_element_type3A_3503 : vector<64x128xf32>
    %sub3A_3507 = arith.constant 1.000000e+00 : f32
    %sub3A_3508 = vector.broadcast %sub3A_3507 : f32 to vector<64x128xf32>
    %sub3A_3509 = arith.subf %sub3A_3508, %mul3A_3506 : vector<64x128xf32>
    %mul3A_3510 = arith.mulf %dot_general3A_3502, %sub3A_3509 : vector<64x128xf32>
    %min3A_3511 = arith.constant 8.000000e+01 : f32
    %min3A_3512 = vector.broadcast %min3A_3511 : f32 to vector<64x128xf32>
    %min3A_3513 = arith.minimumf %mul3A_3510, %min3A_3512 : vector<64x128xf32>
    %exp3A_3514 = math.exp %min3A_3513 : vector<64x128xf32>
    %add3A_3515 = arith.constant 1.000000e+00 : f32
    %add3A_3516 = vector.broadcast %add3A_3515 : f32 to vector<64x128xf32>
    %add3A_3517 = arith.addf %add3A_3516, %exp3A_3514 : vector<64x128xf32>
    %div3A_3518 = arith.divf %exp3A_3514, %add3A_3517 : vector<64x128xf32>
    %log3A_3519 = math.log %add3A_3517 : vector<64x128xf32>
    %mul3A_3520 = vector.broadcast %sub3A : f32 to vector<64x128xf32>
    %mul3A_3521 = arith.mulf %convert_element_type3A_3503, %mul3A_3520 : vector<64x128xf32>
    %add3A_3522 = vector.broadcast %squeeze3A : f32 to vector<64x128xf32>
    %add3A_3523 = arith.addf %add3A_3522, %mul3A_3521 : vector<64x128xf32>
    %mul3A_3524 = arith.mulf %div3A_3518, %div3A_3518 : vector<64x128xf32>
    %mul3A_3525 = arith.mulf %mul3A_3524, %log3A_3519 : vector<64x128xf32>
    %mul3A_3526 = arith.mulf %add3A_3523, %mul3A_3525 : vector<64x128xf32>
    %get3A_3527 = arith.constant 6144 : index
    %get3A_3528 = arith.constant 0 : index
    %get3A_3529 = vector.load %arg4[%get3A_3527, %get3A_3528] : memref<7168x128xf32, #tpu.memory_space<vmem>>, vector<128x128xf32>
    %get3A_3530 = arith.constant 3072 : index
    %get3A_3531 = arith.constant 0 : index
    %get3A_3532 = vector.load %arg5[%get3A_3530, %get3A_3531] : memref<3584x128xi32, #tpu.memory_space<vmem>>, vector<64x128xi32>
    %convert_element_type3A_3533 = arith.truncf %get3A_3529 : vector<128x128xf32> to vector<128x128xbf16>
    %dot_general3A_3534 = arith.constant dense<0.000000e+00> : vector<64x128xf32>
    %dot_general3A_3535 = tpu.matmul %convert_element_type3A_1942, %convert_element_type3A_3533, %dot_general3A_3534 {dimension_numbers = #tpu.dot_dimension_numbers<[1], [0], [0], [1], [0, 0, 1, 1], [], []>, transpose_lhs_hint = false} : vector<64x128xbf16>, vector<128x128xbf16>, vector<64x128xf32> -> vector<64x128xf32>
    %convert_element_type3A_3536 = arith.sitofp %get3A_3532 : vector<64x128xi32> to vector<64x128xf32>
    %mul3A_3537 = arith.constant 2.000000e+00 : f32
    %mul3A_3538 = vector.broadcast %mul3A_3537 : f32 to vector<64x128xf32>
    %mul3A_3539 = arith.mulf %mul3A_3538, %convert_element_type3A_3536 : vector<64x128xf32>
    %sub3A_3540 = arith.constant 1.000000e+00 : f32
    %sub3A_3541 = vector.broadcast %sub3A_3540 : f32 to vector<64x128xf32>
    %sub3A_3542 = arith.subf %sub3A_3541, %mul3A_3539 : vector<64x128xf32>
    %mul3A_3543 = arith.mulf %dot_general3A_3535, %sub3A_3542 : vector<64x128xf32>
    %min3A_3544 = arith.constant 8.000000e+01 : f32
    %min3A_3545 = vector.broadcast %min3A_3544 : f32 to vector<64x128xf32>
    %min3A_3546 = arith.minimumf %mul3A_3543, %min3A_3545 : vector<64x128xf32>
    %exp3A_3547 = math.exp %min3A_3546 : vector<64x128xf32>
    %add3A_3548 = arith.constant 1.000000e+00 : f32
    %add3A_3549 = vector.broadcast %add3A_3548 : f32 to vector<64x128xf32>
    %add3A_3550 = arith.addf %add3A_3549, %exp3A_3547 : vector<64x128xf32>
    %div3A_3551 = arith.divf %exp3A_3547, %add3A_3550 : vector<64x128xf32>
    %log3A_3552 = math.log %add3A_3550 : vector<64x128xf32>
    %mul3A_3553 = vector.broadcast %sub3A : f32 to vector<64x128xf32>
    %mul3A_3554 = arith.mulf %convert_element_type3A_3536, %mul3A_3553 : vector<64x128xf32>
    %add3A_3555 = vector.broadcast %squeeze3A : f32 to vector<64x128xf32>
    %add3A_3556 = arith.addf %add3A_3555, %mul3A_3554 : vector<64x128xf32>
    %mul3A_3557 = arith.mulf %div3A_3551, %div3A_3551 : vector<64x128xf32>
    %mul3A_3558 = arith.mulf %mul3A_3557, %log3A_3552 : vector<64x128xf32>
    %mul3A_3559 = arith.mulf %add3A_3556, %mul3A_3558 : vector<64x128xf32>
    %get3A_3560 = arith.constant 6272 : index
    %get3A_3561 = arith.constant 0 : index
    %get3A_3562 = vector.load %arg4[%get3A_3560, %get3A_3561] : memref<7168x128xf32, #tpu.memory_space<vmem>>, vector<128x128xf32>
    %get3A_3563 = arith.constant 3136 : index
    %get3A_3564 = arith.constant 0 : index
    %get3A_3565 = vector.load %arg5[%get3A_3563, %get3A_3564] : memref<3584x128xi32, #tpu.memory_space<vmem>>, vector<64x128xi32>
    %convert_element_type3A_3566 = arith.truncf %get3A_3562 : vector<128x128xf32> to vector<128x128xbf16>
    %dot_general3A_3567 = arith.constant dense<0.000000e+00> : vector<64x128xf32>
    %dot_general3A_3568 = tpu.matmul %convert_element_type3A_1942, %convert_element_type3A_3566, %dot_general3A_3567 {dimension_numbers = #tpu.dot_dimension_numbers<[1], [0], [0], [1], [0, 0, 1, 1], [], []>, transpose_lhs_hint = false} : vector<64x128xbf16>, vector<128x128xbf16>, vector<64x128xf32> -> vector<64x128xf32>
    %convert_element_type3A_3569 = arith.sitofp %get3A_3565 : vector<64x128xi32> to vector<64x128xf32>
    %mul3A_3570 = arith.constant 2.000000e+00 : f32
    %mul3A_3571 = vector.broadcast %mul3A_3570 : f32 to vector<64x128xf32>
    %mul3A_3572 = arith.mulf %mul3A_3571, %convert_element_type3A_3569 : vector<64x128xf32>
    %sub3A_3573 = arith.constant 1.000000e+00 : f32
    %sub3A_3574 = vector.broadcast %sub3A_3573 : f32 to vector<64x128xf32>
    %sub3A_3575 = arith.subf %sub3A_3574, %mul3A_3572 : vector<64x128xf32>
    %mul3A_3576 = arith.mulf %dot_general3A_3568, %sub3A_3575 : vector<64x128xf32>
    %min3A_3577 = arith.constant 8.000000e+01 : f32
    %min3A_3578 = vector.broadcast %min3A_3577 : f32 to vector<64x128xf32>
    %min3A_3579 = arith.minimumf %mul3A_3576, %min3A_3578 : vector<64x128xf32>
    %exp3A_3580 = math.exp %min3A_3579 : vector<64x128xf32>
    %add3A_3581 = arith.constant 1.000000e+00 : f32
    %add3A_3582 = vector.broadcast %add3A_3581 : f32 to vector<64x128xf32>
    %add3A_3583 = arith.addf %add3A_3582, %exp3A_3580 : vector<64x128xf32>
    %div3A_3584 = arith.divf %exp3A_3580, %add3A_3583 : vector<64x128xf32>
    %log3A_3585 = math.log %add3A_3583 : vector<64x128xf32>
    %mul3A_3586 = vector.broadcast %sub3A : f32 to vector<64x128xf32>
    %mul3A_3587 = arith.mulf %convert_element_type3A_3569, %mul3A_3586 : vector<64x128xf32>
    %add3A_3588 = vector.broadcast %squeeze3A : f32 to vector<64x128xf32>
    %add3A_3589 = arith.addf %add3A_3588, %mul3A_3587 : vector<64x128xf32>
    %mul3A_3590 = arith.mulf %div3A_3584, %div3A_3584 : vector<64x128xf32>
    %mul3A_3591 = arith.mulf %mul3A_3590, %log3A_3585 : vector<64x128xf32>
    %mul3A_3592 = arith.mulf %add3A_3589, %mul3A_3591 : vector<64x128xf32>
    %get3A_3593 = arith.constant 6400 : index
    %get3A_3594 = arith.constant 0 : index
    %get3A_3595 = vector.load %arg4[%get3A_3593, %get3A_3594] : memref<7168x128xf32, #tpu.memory_space<vmem>>, vector<128x128xf32>
    %get3A_3596 = arith.constant 3200 : index
    %get3A_3597 = arith.constant 0 : index
    %get3A_3598 = vector.load %arg5[%get3A_3596, %get3A_3597] : memref<3584x128xi32, #tpu.memory_space<vmem>>, vector<64x128xi32>
    %convert_element_type3A_3599 = arith.truncf %get3A_3595 : vector<128x128xf32> to vector<128x128xbf16>
    %dot_general3A_3600 = arith.constant dense<0.000000e+00> : vector<64x128xf32>
    %dot_general3A_3601 = tpu.matmul %convert_element_type3A_1942, %convert_element_type3A_3599, %dot_general3A_3600 {dimension_numbers = #tpu.dot_dimension_numbers<[1], [0], [0], [1], [0, 0, 1, 1], [], []>, transpose_lhs_hint = false} : vector<64x128xbf16>, vector<128x128xbf16>, vector<64x128xf32> -> vector<64x128xf32>
    %convert_element_type3A_3602 = arith.sitofp %get3A_3598 : vector<64x128xi32> to vector<64x128xf32>
    %mul3A_3603 = arith.constant 2.000000e+00 : f32
    %mul3A_3604 = vector.broadcast %mul3A_3603 : f32 to vector<64x128xf32>
    %mul3A_3605 = arith.mulf %mul3A_3604, %convert_element_type3A_3602 : vector<64x128xf32>
    %sub3A_3606 = arith.constant 1.000000e+00 : f32
    %sub3A_3607 = vector.broadcast %sub3A_3606 : f32 to vector<64x128xf32>
    %sub3A_3608 = arith.subf %sub3A_3607, %mul3A_3605 : vector<64x128xf32>
    %mul3A_3609 = arith.mulf %dot_general3A_3601, %sub3A_3608 : vector<64x128xf32>
    %min3A_3610 = arith.constant 8.000000e+01 : f32
    %min3A_3611 = vector.broadcast %min3A_3610 : f32 to vector<64x128xf32>
    %min3A_3612 = arith.minimumf %mul3A_3609, %min3A_3611 : vector<64x128xf32>
    %exp3A_3613 = math.exp %min3A_3612 : vector<64x128xf32>
    %add3A_3614 = arith.constant 1.000000e+00 : f32
    %add3A_3615 = vector.broadcast %add3A_3614 : f32 to vector<64x128xf32>
    %add3A_3616 = arith.addf %add3A_3615, %exp3A_3613 : vector<64x128xf32>
    %div3A_3617 = arith.divf %exp3A_3613, %add3A_3616 : vector<64x128xf32>
    %log3A_3618 = math.log %add3A_3616 : vector<64x128xf32>
    %mul3A_3619 = vector.broadcast %sub3A : f32 to vector<64x128xf32>
    %mul3A_3620 = arith.mulf %convert_element_type3A_3602, %mul3A_3619 : vector<64x128xf32>
    %add3A_3621 = vector.broadcast %squeeze3A : f32 to vector<64x128xf32>
    %add3A_3622 = arith.addf %add3A_3621, %mul3A_3620 : vector<64x128xf32>
    %mul3A_3623 = arith.mulf %div3A_3617, %div3A_3617 : vector<64x128xf32>
    %mul3A_3624 = arith.mulf %mul3A_3623, %log3A_3618 : vector<64x128xf32>
    %mul3A_3625 = arith.mulf %add3A_3622, %mul3A_3624 : vector<64x128xf32>
    %get3A_3626 = arith.constant 6528 : index
    %get3A_3627 = arith.constant 0 : index
    %get3A_3628 = vector.load %arg4[%get3A_3626, %get3A_3627] : memref<7168x128xf32, #tpu.memory_space<vmem>>, vector<128x128xf32>
    %get3A_3629 = arith.constant 3264 : index
    %get3A_3630 = arith.constant 0 : index
    %get3A_3631 = vector.load %arg5[%get3A_3629, %get3A_3630] : memref<3584x128xi32, #tpu.memory_space<vmem>>, vector<64x128xi32>
    %convert_element_type3A_3632 = arith.truncf %get3A_3628 : vector<128x128xf32> to vector<128x128xbf16>
    %dot_general3A_3633 = arith.constant dense<0.000000e+00> : vector<64x128xf32>
    %dot_general3A_3634 = tpu.matmul %convert_element_type3A_1942, %convert_element_type3A_3632, %dot_general3A_3633 {dimension_numbers = #tpu.dot_dimension_numbers<[1], [0], [0], [1], [0, 0, 1, 1], [], []>, transpose_lhs_hint = false} : vector<64x128xbf16>, vector<128x128xbf16>, vector<64x128xf32> -> vector<64x128xf32>
    %convert_element_type3A_3635 = arith.sitofp %get3A_3631 : vector<64x128xi32> to vector<64x128xf32>
    %mul3A_3636 = arith.constant 2.000000e+00 : f32
    %mul3A_3637 = vector.broadcast %mul3A_3636 : f32 to vector<64x128xf32>
    %mul3A_3638 = arith.mulf %mul3A_3637, %convert_element_type3A_3635 : vector<64x128xf32>
    %sub3A_3639 = arith.constant 1.000000e+00 : f32
    %sub3A_3640 = vector.broadcast %sub3A_3639 : f32 to vector<64x128xf32>
    %sub3A_3641 = arith.subf %sub3A_3640, %mul3A_3638 : vector<64x128xf32>
    %mul3A_3642 = arith.mulf %dot_general3A_3634, %sub3A_3641 : vector<64x128xf32>
    %min3A_3643 = arith.constant 8.000000e+01 : f32
    %min3A_3644 = vector.broadcast %min3A_3643 : f32 to vector<64x128xf32>
    %min3A_3645 = arith.minimumf %mul3A_3642, %min3A_3644 : vector<64x128xf32>
    %exp3A_3646 = math.exp %min3A_3645 : vector<64x128xf32>
    %add3A_3647 = arith.constant 1.000000e+00 : f32
    %add3A_3648 = vector.broadcast %add3A_3647 : f32 to vector<64x128xf32>
    %add3A_3649 = arith.addf %add3A_3648, %exp3A_3646 : vector<64x128xf32>
    %div3A_3650 = arith.divf %exp3A_3646, %add3A_3649 : vector<64x128xf32>
    %log3A_3651 = math.log %add3A_3649 : vector<64x128xf32>
    %mul3A_3652 = vector.broadcast %sub3A : f32 to vector<64x128xf32>
    %mul3A_3653 = arith.mulf %convert_element_type3A_3635, %mul3A_3652 : vector<64x128xf32>
    %add3A_3654 = vector.broadcast %squeeze3A : f32 to vector<64x128xf32>
    %add3A_3655 = arith.addf %add3A_3654, %mul3A_3653 : vector<64x128xf32>
    %mul3A_3656 = arith.mulf %div3A_3650, %div3A_3650 : vector<64x128xf32>
    %mul3A_3657 = arith.mulf %mul3A_3656, %log3A_3651 : vector<64x128xf32>
    %mul3A_3658 = arith.mulf %add3A_3655, %mul3A_3657 : vector<64x128xf32>
    %get3A_3659 = arith.constant 6656 : index
    %get3A_3660 = arith.constant 0 : index
    %get3A_3661 = vector.load %arg4[%get3A_3659, %get3A_3660] : memref<7168x128xf32, #tpu.memory_space<vmem>>, vector<128x128xf32>
    %get3A_3662 = arith.constant 3328 : index
    %get3A_3663 = arith.constant 0 : index
    %get3A_3664 = vector.load %arg5[%get3A_3662, %get3A_3663] : memref<3584x128xi32, #tpu.memory_space<vmem>>, vector<64x128xi32>
    %convert_element_type3A_3665 = arith.truncf %get3A_3661 : vector<128x128xf32> to vector<128x128xbf16>
    %dot_general3A_3666 = arith.constant dense<0.000000e+00> : vector<64x128xf32>
    %dot_general3A_3667 = tpu.matmul %convert_element_type3A_1942, %convert_element_type3A_3665, %dot_general3A_3666 {dimension_numbers = #tpu.dot_dimension_numbers<[1], [0], [0], [1], [0, 0, 1, 1], [], []>, transpose_lhs_hint = false} : vector<64x128xbf16>, vector<128x128xbf16>, vector<64x128xf32> -> vector<64x128xf32>
    %convert_element_type3A_3668 = arith.sitofp %get3A_3664 : vector<64x128xi32> to vector<64x128xf32>
    %mul3A_3669 = arith.constant 2.000000e+00 : f32
    %mul3A_3670 = vector.broadcast %mul3A_3669 : f32 to vector<64x128xf32>
    %mul3A_3671 = arith.mulf %mul3A_3670, %convert_element_type3A_3668 : vector<64x128xf32>
    %sub3A_3672 = arith.constant 1.000000e+00 : f32
    %sub3A_3673 = vector.broadcast %sub3A_3672 : f32 to vector<64x128xf32>
    %sub3A_3674 = arith.subf %sub3A_3673, %mul3A_3671 : vector<64x128xf32>
    %mul3A_3675 = arith.mulf %dot_general3A_3667, %sub3A_3674 : vector<64x128xf32>
    %min3A_3676 = arith.constant 8.000000e+01 : f32
    %min3A_3677 = vector.broadcast %min3A_3676 : f32 to vector<64x128xf32>
    %min3A_3678 = arith.minimumf %mul3A_3675, %min3A_3677 : vector<64x128xf32>
    %exp3A_3679 = math.exp %min3A_3678 : vector<64x128xf32>
    %add3A_3680 = arith.constant 1.000000e+00 : f32
    %add3A_3681 = vector.broadcast %add3A_3680 : f32 to vector<64x128xf32>
    %add3A_3682 = arith.addf %add3A_3681, %exp3A_3679 : vector<64x128xf32>
    %div3A_3683 = arith.divf %exp3A_3679, %add3A_3682 : vector<64x128xf32>
    %log3A_3684 = math.log %add3A_3682 : vector<64x128xf32>
    %mul3A_3685 = vector.broadcast %sub3A : f32 to vector<64x128xf32>
    %mul3A_3686 = arith.mulf %convert_element_type3A_3668, %mul3A_3685 : vector<64x128xf32>
    %add3A_3687 = vector.broadcast %squeeze3A : f32 to vector<64x128xf32>
    %add3A_3688 = arith.addf %add3A_3687, %mul3A_3686 : vector<64x128xf32>
    %mul3A_3689 = arith.mulf %div3A_3683, %div3A_3683 : vector<64x128xf32>
    %mul3A_3690 = arith.mulf %mul3A_3689, %log3A_3684 : vector<64x128xf32>
    %mul3A_3691 = arith.mulf %add3A_3688, %mul3A_3690 : vector<64x128xf32>
    %get3A_3692 = arith.constant 6784 : index
    %get3A_3693 = arith.constant 0 : index
    %get3A_3694 = vector.load %arg4[%get3A_3692, %get3A_3693] : memref<7168x128xf32, #tpu.memory_space<vmem>>, vector<128x128xf32>
    %get3A_3695 = arith.constant 3392 : index
    %get3A_3696 = arith.constant 0 : index
    %get3A_3697 = vector.load %arg5[%get3A_3695, %get3A_3696] : memref<3584x128xi32, #tpu.memory_space<vmem>>, vector<64x128xi32>
    %convert_element_type3A_3698 = arith.truncf %get3A_3694 : vector<128x128xf32> to vector<128x128xbf16>
    %dot_general3A_3699 = arith.constant dense<0.000000e+00> : vector<64x128xf32>
    %dot_general3A_3700 = tpu.matmul %convert_element_type3A_1942, %convert_element_type3A_3698, %dot_general3A_3699 {dimension_numbers = #tpu.dot_dimension_numbers<[1], [0], [0], [1], [0, 0, 1, 1], [], []>, transpose_lhs_hint = false} : vector<64x128xbf16>, vector<128x128xbf16>, vector<64x128xf32> -> vector<64x128xf32>
    %convert_element_type3A_3701 = arith.sitofp %get3A_3697 : vector<64x128xi32> to vector<64x128xf32>
    %mul3A_3702 = arith.constant 2.000000e+00 : f32
    %mul3A_3703 = vector.broadcast %mul3A_3702 : f32 to vector<64x128xf32>
    %mul3A_3704 = arith.mulf %mul3A_3703, %convert_element_type3A_3701 : vector<64x128xf32>
    %sub3A_3705 = arith.constant 1.000000e+00 : f32
    %sub3A_3706 = vector.broadcast %sub3A_3705 : f32 to vector<64x128xf32>
    %sub3A_3707 = arith.subf %sub3A_3706, %mul3A_3704 : vector<64x128xf32>
    %mul3A_3708 = arith.mulf %dot_general3A_3700, %sub3A_3707 : vector<64x128xf32>
    %min3A_3709 = arith.constant 8.000000e+01 : f32
    %min3A_3710 = vector.broadcast %min3A_3709 : f32 to vector<64x128xf32>
    %min3A_3711 = arith.minimumf %mul3A_3708, %min3A_3710 : vector<64x128xf32>
    %exp3A_3712 = math.exp %min3A_3711 : vector<64x128xf32>
    %add3A_3713 = arith.constant 1.000000e+00 : f32
    %add3A_3714 = vector.broadcast %add3A_3713 : f32 to vector<64x128xf32>
    %add3A_3715 = arith.addf %add3A_3714, %exp3A_3712 : vector<64x128xf32>
    %div3A_3716 = arith.divf %exp3A_3712, %add3A_3715 : vector<64x128xf32>
    %log3A_3717 = math.log %add3A_3715 : vector<64x128xf32>
    %mul3A_3718 = vector.broadcast %sub3A : f32 to vector<64x128xf32>
    %mul3A_3719 = arith.mulf %convert_element_type3A_3701, %mul3A_3718 : vector<64x128xf32>
    %add3A_3720 = vector.broadcast %squeeze3A : f32 to vector<64x128xf32>
    %add3A_3721 = arith.addf %add3A_3720, %mul3A_3719 : vector<64x128xf32>
    %mul3A_3722 = arith.mulf %div3A_3716, %div3A_3716 : vector<64x128xf32>
    %mul3A_3723 = arith.mulf %mul3A_3722, %log3A_3717 : vector<64x128xf32>
    %mul3A_3724 = arith.mulf %add3A_3721, %mul3A_3723 : vector<64x128xf32>
    %get3A_3725 = arith.constant 6912 : index
    %get3A_3726 = arith.constant 0 : index
    %get3A_3727 = vector.load %arg4[%get3A_3725, %get3A_3726] : memref<7168x128xf32, #tpu.memory_space<vmem>>, vector<128x128xf32>
    %get3A_3728 = arith.constant 3456 : index
    %get3A_3729 = arith.constant 0 : index
    %get3A_3730 = vector.load %arg5[%get3A_3728, %get3A_3729] : memref<3584x128xi32, #tpu.memory_space<vmem>>, vector<64x128xi32>
    %convert_element_type3A_3731 = arith.truncf %get3A_3727 : vector<128x128xf32> to vector<128x128xbf16>
    %dot_general3A_3732 = arith.constant dense<0.000000e+00> : vector<64x128xf32>
    %dot_general3A_3733 = tpu.matmul %convert_element_type3A_1942, %convert_element_type3A_3731, %dot_general3A_3732 {dimension_numbers = #tpu.dot_dimension_numbers<[1], [0], [0], [1], [0, 0, 1, 1], [], []>, transpose_lhs_hint = false} : vector<64x128xbf16>, vector<128x128xbf16>, vector<64x128xf32> -> vector<64x128xf32>
    %convert_element_type3A_3734 = arith.sitofp %get3A_3730 : vector<64x128xi32> to vector<64x128xf32>
    %mul3A_3735 = arith.constant 2.000000e+00 : f32
    %mul3A_3736 = vector.broadcast %mul3A_3735 : f32 to vector<64x128xf32>
    %mul3A_3737 = arith.mulf %mul3A_3736, %convert_element_type3A_3734 : vector<64x128xf32>
    %sub3A_3738 = arith.constant 1.000000e+00 : f32
    %sub3A_3739 = vector.broadcast %sub3A_3738 : f32 to vector<64x128xf32>
    %sub3A_3740 = arith.subf %sub3A_3739, %mul3A_3737 : vector<64x128xf32>
    %mul3A_3741 = arith.mulf %dot_general3A_3733, %sub3A_3740 : vector<64x128xf32>
    %min3A_3742 = arith.constant 8.000000e+01 : f32
    %min3A_3743 = vector.broadcast %min3A_3742 : f32 to vector<64x128xf32>
    %min3A_3744 = arith.minimumf %mul3A_3741, %min3A_3743 : vector<64x128xf32>
    %exp3A_3745 = math.exp %min3A_3744 : vector<64x128xf32>
    %add3A_3746 = arith.constant 1.000000e+00 : f32
    %add3A_3747 = vector.broadcast %add3A_3746 : f32 to vector<64x128xf32>
    %add3A_3748 = arith.addf %add3A_3747, %exp3A_3745 : vector<64x128xf32>
    %div3A_3749 = arith.divf %exp3A_3745, %add3A_3748 : vector<64x128xf32>
    %log3A_3750 = math.log %add3A_3748 : vector<64x128xf32>
    %mul3A_3751 = vector.broadcast %sub3A : f32 to vector<64x128xf32>
    %mul3A_3752 = arith.mulf %convert_element_type3A_3734, %mul3A_3751 : vector<64x128xf32>
    %add3A_3753 = vector.broadcast %squeeze3A : f32 to vector<64x128xf32>
    %add3A_3754 = arith.addf %add3A_3753, %mul3A_3752 : vector<64x128xf32>
    %mul3A_3755 = arith.mulf %div3A_3749, %div3A_3749 : vector<64x128xf32>
    %mul3A_3756 = arith.mulf %mul3A_3755, %log3A_3750 : vector<64x128xf32>
    %mul3A_3757 = arith.mulf %add3A_3754, %mul3A_3756 : vector<64x128xf32>
    %get3A_3758 = arith.constant 7040 : index
    %get3A_3759 = arith.constant 0 : index
    %get3A_3760 = vector.load %arg4[%get3A_3758, %get3A_3759] : memref<7168x128xf32, #tpu.memory_space<vmem>>, vector<128x128xf32>
    %get3A_3761 = arith.constant 3520 : index
    %get3A_3762 = arith.constant 0 : index
    %get3A_3763 = vector.load %arg5[%get3A_3761, %get3A_3762] : memref<3584x128xi32, #tpu.memory_space<vmem>>, vector<64x128xi32>
    %convert_element_type3A_3764 = arith.truncf %get3A_3760 : vector<128x128xf32> to vector<128x128xbf16>
    %dot_general3A_3765 = arith.constant dense<0.000000e+00> : vector<64x128xf32>
    %dot_general3A_3766 = tpu.matmul %convert_element_type3A_1942, %convert_element_type3A_3764, %dot_general3A_3765 {dimension_numbers = #tpu.dot_dimension_numbers<[1], [0], [0], [1], [0, 0, 1, 1], [], []>, transpose_lhs_hint = false} : vector<64x128xbf16>, vector<128x128xbf16>, vector<64x128xf32> -> vector<64x128xf32>
    %convert_element_type3A_3767 = arith.sitofp %get3A_3763 : vector<64x128xi32> to vector<64x128xf32>
    %mul3A_3768 = arith.constant 2.000000e+00 : f32
    %mul3A_3769 = vector.broadcast %mul3A_3768 : f32 to vector<64x128xf32>
    %mul3A_3770 = arith.mulf %mul3A_3769, %convert_element_type3A_3767 : vector<64x128xf32>
    %sub3A_3771 = arith.constant 1.000000e+00 : f32
    %sub3A_3772 = vector.broadcast %sub3A_3771 : f32 to vector<64x128xf32>
    %sub3A_3773 = arith.subf %sub3A_3772, %mul3A_3770 : vector<64x128xf32>
    %mul3A_3774 = arith.mulf %dot_general3A_3766, %sub3A_3773 : vector<64x128xf32>
    %min3A_3775 = arith.constant 8.000000e+01 : f32
    %min3A_3776 = vector.broadcast %min3A_3775 : f32 to vector<64x128xf32>
    %min3A_3777 = arith.minimumf %mul3A_3774, %min3A_3776 : vector<64x128xf32>
    %exp3A_3778 = math.exp %min3A_3777 : vector<64x128xf32>
    %add3A_3779 = arith.constant 1.000000e+00 : f32
    %add3A_3780 = vector.broadcast %add3A_3779 : f32 to vector<64x128xf32>
    %add3A_3781 = arith.addf %add3A_3780, %exp3A_3778 : vector<64x128xf32>
    %div3A_3782 = arith.divf %exp3A_3778, %add3A_3781 : vector<64x128xf32>
    %log3A_3783 = math.log %add3A_3781 : vector<64x128xf32>
    %mul3A_3784 = vector.broadcast %sub3A : f32 to vector<64x128xf32>
    %mul3A_3785 = arith.mulf %convert_element_type3A_3767, %mul3A_3784 : vector<64x128xf32>
    %add3A_3786 = vector.broadcast %squeeze3A : f32 to vector<64x128xf32>
    %add3A_3787 = arith.addf %add3A_3786, %mul3A_3785 : vector<64x128xf32>
    %mul3A_3788 = arith.mulf %div3A_3782, %div3A_3782 : vector<64x128xf32>
    %mul3A_3789 = arith.mulf %mul3A_3788, %log3A_3783 : vector<64x128xf32>
    %mul3A_3790 = arith.mulf %add3A_3787, %mul3A_3789 : vector<64x128xf32>
    %add3A_3791 = arith.addf %mul3A_1975, %mul3A_2008 : vector<64x128xf32>
    %add3A_3792 = arith.addf %add3A_3791, %mul3A_2041 : vector<64x128xf32>
    %add3A_3793 = arith.addf %add3A_3792, %mul3A_2074 : vector<64x128xf32>
    %add3A_3794 = arith.addf %add3A_3793, %mul3A_2107 : vector<64x128xf32>
    %add3A_3795 = arith.addf %add3A_3794, %mul3A_2140 : vector<64x128xf32>
    %add3A_3796 = arith.addf %add3A_3795, %mul3A_2173 : vector<64x128xf32>
    %add3A_3797 = arith.addf %add3A_3796, %mul3A_2206 : vector<64x128xf32>
    %add3A_3798 = arith.addf %add3A_3797, %mul3A_2239 : vector<64x128xf32>
    %add3A_3799 = arith.addf %add3A_3798, %mul3A_2272 : vector<64x128xf32>
    %add3A_3800 = arith.addf %add3A_3799, %mul3A_2305 : vector<64x128xf32>
    %add3A_3801 = arith.addf %add3A_3800, %mul3A_2338 : vector<64x128xf32>
    %add3A_3802 = arith.addf %add3A_3801, %mul3A_2371 : vector<64x128xf32>
    %add3A_3803 = arith.addf %add3A_3802, %mul3A_2404 : vector<64x128xf32>
    %add3A_3804 = arith.addf %add3A_3803, %mul3A_2437 : vector<64x128xf32>
    %add3A_3805 = arith.addf %add3A_3804, %mul3A_2470 : vector<64x128xf32>
    %add3A_3806 = arith.addf %add3A_3805, %mul3A_2503 : vector<64x128xf32>
    %add3A_3807 = arith.addf %add3A_3806, %mul3A_2536 : vector<64x128xf32>
    %add3A_3808 = arith.addf %add3A_3807, %mul3A_2569 : vector<64x128xf32>
    %add3A_3809 = arith.addf %add3A_3808, %mul3A_2602 : vector<64x128xf32>
    %add3A_3810 = arith.addf %add3A_3809, %mul3A_2635 : vector<64x128xf32>
    %add3A_3811 = arith.addf %add3A_3810, %mul3A_2668 : vector<64x128xf32>
    %add3A_3812 = arith.addf %add3A_3811, %mul3A_2701 : vector<64x128xf32>
    %add3A_3813 = arith.addf %add3A_3812, %mul3A_2734 : vector<64x128xf32>
    %add3A_3814 = arith.addf %add3A_3813, %mul3A_2767 : vector<64x128xf32>
    %add3A_3815 = arith.addf %add3A_3814, %mul3A_2800 : vector<64x128xf32>
    %add3A_3816 = arith.addf %add3A_3815, %mul3A_2833 : vector<64x128xf32>
    %add3A_3817 = arith.addf %add3A_3816, %mul3A_2866 : vector<64x128xf32>
    %add3A_3818 = arith.addf %add3A_3817, %mul3A_2899 : vector<64x128xf32>
    %add3A_3819 = arith.addf %add3A_3818, %mul3A_2932 : vector<64x128xf32>
    %add3A_3820 = arith.addf %add3A_3819, %mul3A_2965 : vector<64x128xf32>
    %add3A_3821 = arith.addf %add3A_3820, %mul3A_2998 : vector<64x128xf32>
    %add3A_3822 = arith.addf %add3A_3821, %mul3A_3031 : vector<64x128xf32>
    %add3A_3823 = arith.addf %add3A_3822, %mul3A_3064 : vector<64x128xf32>
    %add3A_3824 = arith.addf %add3A_3823, %mul3A_3097 : vector<64x128xf32>
    %add3A_3825 = arith.addf %add3A_3824, %mul3A_3130 : vector<64x128xf32>
    %add3A_3826 = arith.addf %add3A_3825, %mul3A_3163 : vector<64x128xf32>
    %add3A_3827 = arith.addf %add3A_3826, %mul3A_3196 : vector<64x128xf32>
    %add3A_3828 = arith.addf %add3A_3827, %mul3A_3229 : vector<64x128xf32>
    %add3A_3829 = arith.addf %add3A_3828, %mul3A_3262 : vector<64x128xf32>
    %add3A_3830 = arith.addf %add3A_3829, %mul3A_3295 : vector<64x128xf32>
    %add3A_3831 = arith.addf %add3A_3830, %mul3A_3328 : vector<64x128xf32>
    %add3A_3832 = arith.addf %add3A_3831, %mul3A_3361 : vector<64x128xf32>
    %add3A_3833 = arith.addf %add3A_3832, %mul3A_3394 : vector<64x128xf32>
    %add3A_3834 = arith.addf %add3A_3833, %mul3A_3427 : vector<64x128xf32>
    %add3A_3835 = arith.addf %add3A_3834, %mul3A_3460 : vector<64x128xf32>
    %add3A_3836 = arith.addf %add3A_3835, %mul3A_3493 : vector<64x128xf32>
    %add3A_3837 = arith.addf %add3A_3836, %mul3A_3526 : vector<64x128xf32>
    %add3A_3838 = arith.addf %add3A_3837, %mul3A_3559 : vector<64x128xf32>
    %add3A_3839 = arith.addf %add3A_3838, %mul3A_3592 : vector<64x128xf32>
    %add3A_3840 = arith.addf %add3A_3839, %mul3A_3625 : vector<64x128xf32>
    %add3A_3841 = arith.addf %add3A_3840, %mul3A_3658 : vector<64x128xf32>
    %add3A_3842 = arith.addf %add3A_3841, %mul3A_3691 : vector<64x128xf32>
    %add3A_3843 = arith.addf %add3A_3842, %mul3A_3724 : vector<64x128xf32>
    %add3A_3844 = arith.addf %add3A_3843, %mul3A_3757 : vector<64x128xf32>
    %add3A_3845 = arith.addf %add3A_3844, %mul3A_3790 : vector<64x128xf32>
    %add3A_3846 = arith.addf %add3A_1917, %add3A_3845 : vector<64x128xf32>
    %eq3A_3847 = arith.constant 0 : i32
    %eq3A_3848 = arith.cmpi eq, %arg0, %eq3A_3847 : i32
    %convert_element_type3A_3849 = arith.extui %eq3A_3848 : i1 to i32
    %cond3A = arith.constant 0 : i32
    %cond3A_3850 = arith.cmpi ne, %convert_element_type3A_3849, %cond3A : i32
    scf.if %cond3A_3850 {
      %broadcast_in_dim3A_3862 = arith.constant 0.000000e+00 : f32
      %broadcast_in_dim3A_3863 = vector.broadcast %broadcast_in_dim3A_3862 : f32 to vector<1x1xf32>
      %swap3A_3864 = arith.constant 0 : index
      %swap3A_3865 = arith.constant 0 : index
      %swap3A_3866 = vector.load %arg6[%swap3A_3864, %swap3A_3865] : memref<1x1xf32, #tpu.memory_space<vmem>>, vector<1x1xf32>
      tpu.vector_store %arg6[%swap3A_3864, %swap3A_3865], %broadcast_in_dim3A_3863 {strides = array<i32>} : memref<1x1xf32, #tpu.memory_space<vmem>>, vector<1x1xf32>,
    } else {
    }
    %get3A_3851 = arith.constant 0 : index
    %get3A_3852 = arith.constant 0 : index
    %get3A_3853 = vector.load %arg6[%get3A_3851, %get3A_3852] : memref<1x1xf32, #tpu.memory_space<vmem>>, vector<1x1xf32>
    %reduce_sum3A = vector.shape_cast %add3A_3846 : vector<64x128xf32> to vector<1x64x128xf32>
    %reduce_sum3A_3854 = arith.constant dense<0.000000e+00> : vector<1xf32>
    %reduce_sum3A_3855 = vector.multi_reduction <add>, %reduce_sum3A, %reduce_sum3A_3854 [1, 2] : vector<1x64x128xf32> to vector<1xf32>
    %reduce_sum3A_3856 = vector.shape_cast %reduce_sum3A_3855 : vector<1xf32> to vector<1x1x1xf32>
    %reduce_sum3A_3857 = vector.extract %reduce_sum3A_3856[0, 0, 0] : f32 from vector<1x1x1xf32>
    %broadcast_in_dim3A_3858 = vector.broadcast %reduce_sum3A_3857 : f32 to vector<1x1xf32>
    %add3A_3859 = arith.addf %get3A_3853, %broadcast_in_dim3A_3858 : vector<1x1xf32>
    %swap3A = arith.constant 0 : index
    %swap3A_3860 = arith.constant 0 : index
    %swap3A_3861 = vector.load %arg6[%swap3A, %swap3A_3860] : memref<1x1xf32, #tpu.memory_space<vmem>>, vector<1x1xf32>
    tpu.vector_store %arg6[%swap3A, %swap3A_3860], %add3A_3859 {strides = array<i32>} : memref<1x1xf32, #tpu.memory_space<vmem>>, vector<1x1xf32>,
    return
  }
  func.func @transform_0(%arg0: i32) -> i32 {
    %c0_i32 = arith.constant 0 : i32
    %c0_i32_0 = arith.constant 0 : i32
    return %c0_i32 : i32
  }
  func.func @transform_1(%arg0: i32) -> (i32, i32) {
    %c0_i32 = arith.constant 0 : i32
    %c0_i32_0 = arith.constant 0 : i32
    return %arg0, %c0_i32 : i32, i32
  }
  func.func @transform_2(%arg0: i32) -> (i32, i32) {
    %c0_i32 = arith.constant 0 : i32
    %c0_i32_0 = arith.constant 0 : i32
    return %arg0, %c0_i32 : i32, i32
  }
  func.func @transform_3(%arg0: i32) -> (i32, i32) {
    %add3A = arith.constant 4 : i32
    %add3A_0 = arith.addi %arg0, %add3A : i32
    %c0_i32 = arith.constant 0 : i32
    %c0_i32_1 = arith.constant 0 : i32
    return %add3A_0, %c0_i32 : i32, i32
  }
  func.func @transform_4(%arg0: i32) -> (i32, i32) {
    %add3A = arith.constant 4 : i32
    %add3A_0 = arith.addi %arg0, %add3A : i32
    %c0_i32 = arith.constant 0 : i32
    %c0_i32_1 = arith.constant 0 : i32
    return %add3A_0, %c0_i32 : i32, i32
  }
  func.func @transform_5(%arg0: i32) -> (i32, i32) {
    %c0_i32 = arith.constant 0 : i32
    %c0_i32_0 = arith.constant 0 : i32
    %c0_i32_1 = arith.constant 0 : i32
    return %c0_i32, %c0_i32_0 : i32, i32
  }
}

</mosaic_0001>

<sc_bundles>
// kernel: kernel.4.cloned.1.call-start
scs
__scs_entry_jumppad:
0x0: {  	(pc) =	sbr.rel $0x88, $3  }
0x1: {  	(tag) =	ssettag $0x0;
	lr =	simm.s32 $0x1  }
0x2: {  	[smem:$0x3F9E] =	sst lr;
	_ =	strace $0xD0000000  }
0x3: {  	_ = 	snop  }
0x4: {  	_ = 	snop  }
0x5: {  	_ = 	snop  }
0x6: {  	_ = 	snop  }
0x7: {  	_ = 	snop  }
__scs_overlays_trampoline_lowered:
0x8: {  	[smem:$0x3FAD] =	sst s0  }
0x9: {  	[smem:$0x3FAE] =	sst s1  }
0xa: {  	[smem:$0x3FAF] =	sst s2  }
0xb: {  	[smem:$0x3FB0] =	sst s3  }
0xc: {  	[smem:$0x3FB1] =	sst s4  }
0xd: {  	[smem:$0x3FB2] =	sst s5  }
0xe: {  	[smem:$0x3FB3] =	sst s6  }
0xf: {  	[smem:$0x3FB4] =	sst s7  }
0x10: {  	[smem:$0x3FB5] =	sst s8  }
0x11: {  	[smem:$0x3FB6] =	sst s9;
	s0 =	simm.s32 @!p0 $0x0  }
0x12: {  	s1 =	sld [smem:$0x3F9C];
	s0 =	simm.s32 @p0 $0x1  }
0x13: {  	[smem:$0x3FB7] =	sst s0;
	s0 =	simm.s32 @!p1 $0x0  }
0x14: {  	s2 =	sld [smem:$0x3F9B];
	s0 =	simm.s32 @p1 $0x1  }
0x15: {  	[smem:$0x3FB8] =	sst s0;
	s0 =	simm.s32 @!p2 $0x0  }
0x16: {  	s3 =	sld [smem:$0x3FDB];
	s0 =	simm.s32 @p2 $0x1  }
0x17: {  	s4 =	simm.s32 $0x1BF5;
	[smem:$0x3FBA] =	sst s0  }
0x18: {  	s0 =	sld [smem:$0x3F9D];
	_ =	swait.ge [sflag:s4], $0x0  }
0x19: {  	s7 =	sld [smem:$0x3F9E]  }
0x1a: {  	s8 =	sadd.s32 $0xFFFFE003, lr  }
0x1b: {  	s9 =	sadd.s32 $0xFFFFFEF7, lr;
	s5 =	simm.s32 $0xFFFFFFFF;
	p2 =	slt.u32 s8, $0xFFFFF086  }
0x1c: {  	p1 =	slt.u32 s9, $0xF7A;
	s5 =	simm.s32 @!p2 $0x0  }
0x1d: {  	s5 =	simm.s32 @p1 $0x1;
	p0 =	seq.s32 s7, s2  }
0x1e: {  	s7 =	smul.u32 @!p0 $0xF7A, s2;
	p2 =	seq.s32 @!p0 s5, $0x0  }
0x1f: {  	s9 =	smul.u32 $0xF7A, s1;
	s8 =	simm.s32 @!p0 $0x1BF5;
	p2 =	por !p2, p0  }
0x20: {  	[sflag:s8] =	ssyncset.s32 @!p0 $0xFFFFF086;
	s6 =	sadd.s32 @!p0 s3, s7;
	s7 =	simm.s32 @!p0 $0x108  }
0x21: {  	s3 =	sadd.s32 s3, s9;
	s6 =	sadd.s32 @!p0 $0x88, s6;
	s7 =	simm.s32 @p2 $0x1082  }
0x22: {  	[simem:s7], [sflag:s8] =	dma.local @!p0 [hbm:s6], $0xF7A  }
0x23: {  	s9 =	sor.u32 $0xD0000000, s2;
	s6 =	simm.s32 $0x108;
	_ =	swait.ge @!p0 [sflag:s8], $0x0  }
0x24: {  	s3 =	sadd.s32 $0x88, s3;
	s6 =	simm.s32 @!p1 $0x1082;
	[sflag:s4] =	ssyncset.s32 $0xFFFFF086  }
0x25: {  	[simem:s6], [sflag:s4] =	dma.local [hbm:s3], $0xF7A  }
0x26: {  	[smem:$0x3F9E] =	sst s1;
	(tag) =	ssettag s2;
	_ =	strace s9  }
0x27: {  	s1 =	sld [smem:$0x3FAE]  }
0x28: {  	s2 =	sld [smem:$0x3FAF]  }
0x29: {  	s4 =	sld [smem:$0x3FB1]  }
0x2a: {  	p0 =	seq.s32 s5, $0x0;
	s5 =	sld [smem:$0x3FB2]  }
0x2b: {  	s6 =	sld [smem:$0x3FB3]  }
0x2c: {  	s7 =	sld [smem:$0x3FB4]  }
0x2d: {  	s3 =	simm.s32 $0x108;
	s8 =	sld [smem:$0x3FB5]  }
0x2e: {  	s3 =	simm.s32 @!p0 $0x1082;
	s9 =	sld [smem:$0x3FB6]  }
0x2f: {  	lr =	sadd.s32 s0, s3;
	s0 =	sld [smem:$0x3FAD]  }
0x30: {  	s3 =	sld [smem:$0x3FB0]  }
0x31: {  	[smem:$0x3FB9] =	sst s10  }
0x32: {  	s10 =	sld [smem:$0x3FB7];
	_ =	sdelay $0x3  }
0x33: {  	p0 =	seq.s32 s10, $0x1;
	s10 =	sld [smem:$0x3FB9];
	_ =	sdelay $0x3  }
0x34: {  	[smem:$0x3FB9] =	sst s10  }
0x35: {  	s10 =	sld [smem:$0x3FB8];
	_ =	sdelay $0x3  }
0x36: {  	p1 =	seq.s32 s10, $0x1;
	s10 =	sld [smem:$0x3FB9];
	_ =	sdelay $0x3  }
0x37: {  	[smem:$0x3FB9] =	sst s10  }
0x38: {  	s10 =	sld [smem:$0x3FBA]  }
0x39: {  	_ = 	snop;
	(pc) =	sbr.ind lr, $3  }
0x3a: {  	_ = 	snop  }
0x3b: {  	_ = 	snop  }
0x3c: {  	p2 =	seq.s32 s10, $0x1;
	s10 =	sld [smem:$0x3FB9]  }
0x3d: {  	_ =	shalt  }
0x3e: {  	_ =	shalt  }
0x3f: {  	_ =	shalt  }
0x40: {  	_ =	shalt  }
0x41: {  	_ =	shalt  }
0x42: {  	_ =	shalt  }
0x43: {  	_ =	shalt  }
0x44: {  	_ =	shalt  }
0x45: {  	_ =	shalt  }
0x46: {  	_ =	shalt  }
0x47: {  	_ =	shalt  }
0x48: {  	_ =	shalt  }
0x49: {  	_ =	shalt  }
0x4a: {  	_ =	shalt  }
0x4b: {  	_ =	shalt  }
0x4c: {  	_ =	shalt  }
0x4d: {  	_ =	shalt  }
0x4e: {  	_ =	shalt  }
0x4f: {  	_ =	shalt  }
0x50: {  	_ =	shalt  }
0x51: {  	_ =	shalt  }
0x52: {  	_ =	shalt  }
0x53: {  	_ =	shalt  }
0x54: {  	_ =	shalt  }
0x55: {  	_ =	shalt  }
0x56: {  	_ =	shalt  }
0x57: {  	_ =	shalt  }
0x58: {  	_ =	shalt  }
0x59: {  	_ =	shalt  }
0x5a: {  	_ =	shalt  }
0x5b: {  	_ =	shalt  }
0x5c: {  	_ =	shalt  }
0x5d: {  	_ =	shalt  }
0x5e: {  	_ =	shalt  }
0x5f: {  	_ =	shalt  }
0x60: {  	_ =	shalt  }
0x61: {  	_ =	shalt  }
0x62: {  	_ =	shalt  }
0x63: {  	_ =	shalt  }
0x64: {  	_ =	shalt  }
0x65: {  	_ =	shalt  }
0x66: {  	_ =	shalt  }
0x67: {  	_ =	shalt  }
0x68: {  	_ =	shalt  }
0x69: {  	_ =	shalt  }
0x6a: {  	_ =	shalt  }
0x6b: {  	_ =	shalt  }
0x6c: {  	_ =	shalt  }
0x6d: {  	_ =	shalt  }
0x6e: {  	_ =	shalt  }
0x6f: {  	_ =	shalt  }
0x70: {  	_ =	shalt  }
0x71: {  	_ =	shalt  }
0x72: {  	_ =	shalt  }
0x73: {  	_ =	shalt  }
0x74: {  	_ =	shalt  }
0x75: {  	_ =	shalt  }
0x76: {  	_ =	shalt  }
0x77: {  	_ =	shalt  }
0x78: {  	_ =	shalt  }
0x79: {  	_ =	shalt  }
0x7a: {  	_ =	shalt  }
0x7b: {  	_ =	shalt  }
0x7c: {  	_ =	shalt  }
0x7d: {  	_ =	shalt  }
0x7e: {  	_ =	shalt  }
0x7f: {  	_ =	shalt  }
0x80: {  	_ =	shalt  }
0x81: {  	_ =	shalt  }
0x82: {  	_ =	shalt  }
0x83: {  	_ =	shalt  }
0x84: {  	_ =	shalt  }
0x85: {  	_ =	shalt  }
0x86: {  	_ =	shalt  }
0x87: {  	_ =	shalt  }
.Lfunc_end0:
.L_simem_size_0:
called_computation_lowered:
.L_overlay_start_0:
0x88: {  	s2 =	sld [smem:$0x3FD9]  }
0x89: {  	s3 =	sld [smem:$0x3FFE];
	_ =	sdelay $0x1  }
0x8a: {  	s1 =	srdreg.scid  }
0x8b: {  	s0 =	sand.u32 $0x1, s1  }
0x8c: {  	s17 =	sshll.u32 s0, $0xA;
	s2 =	sadd.s32 s3, s2  }
0x8d: {  	s2 =	sadd.s32 s2, s17  }
0x8e: {  	[smem:$0x3FC5] =	sst s2  }
0x8f: {  	_ = 	snop  }
0x90: {  	s2 =	sld [smem:$0x3FC9]  }
0x91: {  	s18 =	sld [smem:$0x3FC8]  }
0x92: {  	s4 =	sld [smem:$0x3FD0];
	(tm) =	ssettm $0x1  }
0x93: {  	s5 =	sld [smem:$0x3FFB];
	_ =	sdelay $0x3  }
0x94: {  	_ =	strace s5  }
0x95: {  	s5 =	sld [smem:$0x3FFC];
	_ =	sdelay $0x3  }
0x96: {  	_ =	strace s5  }
0x97: {  	s5 =	sld [smem:$0x3FFD];
	_ =	sdelay $0x3  }
0x98: {  	_ =	strace s5  }
0x99: {  	_ =	strace $0x8FFFFFFF  }
0x9a: {  	s19 =	sld [smem:$0x3FDB];
	_ =	sdelay $0x1  }
0x9b: {  	s6 =	simm.s32 $_scs_section_size  }
0x9c: {  	s7 =	simm.s32 $_size__tile_overlayer_lowered;
	s8 =	simm.s32 $_tile_overlayer_lowered  }
0x9d: {  	s22 =	simm.s32 $0x1BFF;
	s21 =	sshll.u32 s8, $0x1;
	s5 =	sadd.s32 s6, s19  }
0x9e: {  	s9 =	simm.s32 $0x0;
	s20 =	sshll.u32 s7, $0x1;
	s7 =	sadd.s32 s21, s5  }
0x9f: {  	[timem:s9], [sflag:s22] =	dma.local [hbm:s7], s20  }
0xa0: {  	_ =	swait.ge [sflag:s22], s20  }
0xa1: {  	s6 =	ssub.s32 $0x0, s20;
	[sflag:s22] =	ssyncset.done $0x0  }
0xa2: {  	[sflag:s22] =	ssyncadd.s32 s6;
	_ =	sdelay $0x1  }
0xa3: {  	s23 =	simm.s32 $0x1B8B  }
0xa4: {  	_ =	swait.ge [sflag:s23], $0x1  }
0xa5: {  	[sflag:s23] =	ssyncset.done $0x0  }
0xa6: {  	s25 =	simm.s32 $0x1B8E;
	s24 =	sld [smem:$0x3FFE];
	[sflag:s23] =	ssyncadd.s32 $0xFFFFFFFF  }
0xa7: {  	s26 =	simm.s32 $execute0_lowered;
	[smem:$0x3FD2] =	sst s25  }
0xa8: {  	s7 =	sshll.u32 s26, $0x1;
	_ =	strace $0x80000046;
	[dreg:$0x1] =	wrdreg $0xFFFFFFFF  }
0xa9: {  	s28 =	simm.s32 $_size_execute0_lowered;
	s5 =	sadd.s32 s5, s7;
	[dreg:$0x0] =	wrdreg $0x0  }
0xaa: {  	s7 =	sshll.u32 s28, $0x1;
	[dreg:$0x2] =	wrdreg s5  }
0xab: {  	[dreg:$0x3] =	wrdreg s7  }
0xac: {  	[dreg:$0x4] =	wrdreg $0xC0  }
0xad: {  	_ =	task [dreg:s9], $0x5FFFF  }
0xae: {  	[dreg:$0x1] =	wrdreg $0xFFFFFFFF  }
0xaf: {  	[dreg:$0x0] =	wrdreg $0x60  }
0xb0: {  	[dreg:$0x2] =	wrdreg s2  }
0xb1: {  	[dreg:$0x3] =	wrdreg s18  }
0xb2: {  	[dreg:$0x4] =	wrdreg s4  }
0xb3: {  	[dreg:$0x5] =	wrdreg s24  }
0xb4: {  	[dreg:$0x6] =	wrdreg $0x9  }
0xb5: {  	_ =	task.clear_ibuf [dreg:s9], $0x7FFFF;
	_ =	strace $0x90000046  }
0xb6: {  	s29 =	simm.s32 $0x9;
	_ =	strace $0x80000048  }
0xb7: {  	_ =	swait.ge [sflag:s29], $0x1  }
0xb8: {  	[sflag:s29] =	ssyncadd.s32 $0xFFFFFFFF  }
0xb9: {  	_ =	strace $0x90000048  }
0xba: {  	_ =	sfence  }
0xbb: {  	s30 =	sld [smem:$0x0];
	_ =	sdelay $0x2  }
0xbc: {  	s31 =	sshll.u32 s1, $0xD;
	s1 =	sshrl.u32 s1, $0x2  }
0xbd: {  	s3 =	sand.u32 $0x4000, s31;
	s1 =	sadd.s32 s1, s30  }
0xbe: {  	s0 =	sor.u32 s3, s0;
	s1 =	sshll.u32 s1, $0x11  }
0xbf: {  	s0 =	sor.u32 s1, s0  }
0xc0: {  	s0 =	sadd.s32 $0x8F2B, s0  }
0xc1: {  	[sflag:s0] =	ssyncadd.remote.s32 $0x1  }
0xc2: {  	_ =	sfence.sel $0xFFFF  }
0xc3: {  	[dreg:$0x0] =	wrdreg $0xFFFFFFFF;
	(pc) =	sbr.abs _section_cstart, $3  }
0xc4: {  	[dreg:$0x1] =	wrdreg $0xFFFFFFFF  }
0xc5: {  	_ =	task.clear_ibuf [dreg:s9], $0x2FFFF;
	_ =	strace $0x9FFFFFFF  }
0xc6: {  	(tm) =	ssettm $0x7FFFFFFF  }
0xc7: {  	_ =	shalt  }
tec
execute0_lowered:
.L_overlay_start_1:
0x0: {  	(tag) =	ssettag $0x1  }
0x1: {  	s4 =	rddreg [dreg:$0x0]  }
0x2: {  	s5 =	rddreg [dreg:$0x1]  }
0x3: {  	s2 =	rddreg [dreg:$0x2];
	s1 =	srdreg.scid  }
0x4: {  	s0 =	stileid.u32;
	s6 =	rddreg [dreg:$0x3]  }
0x5: {  	s3 =	simm.s32 $0x0;
	s11 =	simm.s32 $0x1;
	s12 =	simm.s32 $0x2  }
0x6: {  	s13 =	simm.s32 $0xC080;
	s7 =	sand.u32 $0x1, s1;
	s1 =	rddreg [dreg:$0x4]  }
0x7: {  	s14 =	simm.s32 $0x0;
	s8 =	sshll.u32 s0, $0x1;
	[smem:$0x7FF] =	sst s3  }
0x8: {  	s8 =	sor.u32 s7, s8;
	_ =	strace $0x80000047;
	s7 =	ssub.s32 $0x2, s7  }
0x9: {  	s9 =	sshll.u32 s8, $0x1;
	s31 =	sshll.u32 s8, $0xB;
	s8 =	sshll.u32 s8, $0xC  }
0xa: {  	s10 =	sshrl.u32 s7, $0x1;
	s6 =	sadd.s32 s9, s6;
	s4 =	sadd.s32 s8, s4  }
0xb: {  	s5 =	sadd.s32 s31, s5;
	s7 =	ssub.s32 s7, s10;
	s8 =	simm.s32 $0xC000  }
0xc: {  	s9 =	simm.s32 $0x3;
	s10 =	simm.s32 $0x8000;
	s4 =	sadd.s32 $0xE0000, s4  }
0xd: {  	s5 =	sadd.s32 $0x70000, s5;
	s6 =	sadd.s32 $0x400, s6;
	s7 =	smax.u32 s7, $0x1  }
.LBB2_1:
0xe: {  	[tilespmem:s8], [sflag:$0x3] =	stream.linear.gather [hbm4b:s2+s3], $0x80, $0x38;
	[tilespmem:$0xC100] =	vst v63  }
0xf: {  	_ =	swait.ge [sflag:s9], $0x80  }
0x10: {  	[sflag:s9] =	ssyncset.done $0x0  }
0x11: {  	[sflag:s9] =	ssyncadd.s32 $0xFFFFFF80  }
0x12: {  	v0 =	vld [tilespmem:$0xC000]  }
0x13: {  	v1 =	vld [tilespmem:$0xC010];
	[tilespmem:s3], [sflag:$0x1] =	stream.linear.gather [hbm4b:s4+s3], $0x8000, $0x38  }
0x14: {  	_ = 	snop  }
0x15: {  	[tilespmem:s10], [sflag:$0x2] =	stream.linear.gather [hbm4b:s5+s3], $0x4000, $0x38;
	[tilespmem:$0xC100] =	vst v63  }
0x16: {  	_ =	swait.ge [sflag:s11], $0x8000  }
0x17: {  	[sflag:s11] =	ssyncset.done $0x0  }
0x18: {  	[sflag:s11] =	ssyncadd.s32 $0xFFFF8000  }
0x19: {  	_ =	swait.ge [sflag:s12], $0x4000  }
0x1a: {  	[sflag:s12] =	ssyncset.done $0x0  }
0x1b: {  	s15 =	simm.s32 $0x80;
	[sflag:s12] =	ssyncadd.s32 $0xFFFFC000  }
0x1c: {  	v2 =	vld [tilespmem:s15+$0x70]  }
0x1d: {  	v3 =	vld [tilespmem:s15+$0x60]  }
0x1e: {  	s16 =	simm.s32 $0x8040;
	v4 =	vld [tilespmem:s15+$0xFFFFFFF0]  }
0x1f: {  	v5 =	vld [tilespmem:s16+$0x30]  }
0x20: {  	v7 =	vld [tilespmem:s15+$0x50]  }
0x21: {  	v9 =	vld [tilespmem:s15+$0xFFFFFFE0]  }
0x22: {  	v10 =	vld [tilespmem:s15+$0xFFFFFFD0]  }
0x23: {  	v11 =	vld [tilespmem:s16+$0x10]  }
0x24: {  	v13 =	vld [tilespmem:s16+$0xFFFFFFF0]  }
0x25: {  	v8 =	vld [tilespmem:s16+$0x20]  }
0x26: {  	v6 =	vld [tilespmem:s15+$0xFFFFFF90]  }
0x27: {  	v1 =	vsub.f32 v1, v0;
	v15 =	vld [tilespmem:s15+$0xFFFFFFB0];
	v2 =	vsub.f32 v2, v4  }
0x28: {  	v4 =	vld [tilespmem:s15+$0x30];
	v12 =	vshll.u32 v5, $0x1F;
	v3 =	vsub.f32 v3, v9;
	v7 =	vsub.f32 v7, v10  }
0x29: {  	v10 =	vld [tilespmem:s16+$0xFFFFFFE0];
	v14 =	vshll.u32 v11, $0x1F;
	v17 =	vcvt.s32.f32 v13;
	v11 =	vcvt.s32.f32 v11  }
0x2a: {  	v16 =	vld [tilespmem:s15+$0xFFFFFFC0];
	v2 =	vxor.u32 v2, v12;
	v12 =	vcvt.s32.f32 v5;
	v5 =	vshll.u32 v8, $0x1F  }
0x2b: {  	v7 =	vxor.u32 v7, v14;
	v14 =	vld [tilespmem:s16+$0xFFFFFFD0];
	v2 =	vmin.f32 v2, $8.000000000e+01;
	v3 =	vxor.u32 v3, v5  }
0x2c: {  	v18 =	vld [tilespmem:s16+$0xFFFFFFC0];
	v5 =	vmul.f32 $1.442695020e+00, v2;
	v3 =	vmin.f32 v3, $8.000000000e+01;
	v2 =	vcvt.s32.f32 v8  }
0x2d: {  	v9 =	vld [tilespmem:s15+$0x40];
	v7 =	vmin.f32 v7, $8.000000000e+01;
	v22 =	vmul.f32 v12, v1;
	v8 =	vmul.f32 $1.442695020e+00, v3  }
0x2e: {  	v23 =	vld [tilespmem:s15+$0xFFFFFF80];
	v19 =	vcvt.s32.f32 v10;
	v15 =	vsub.f32 v4, v15;
	v4 =	vmul.f32 v17, v1  }
0x2f: {  	(erf) = vpow2.f32 v5;
	v5 =	vmul.f32 $1.442695020e+00, v7;
	v7 =	vld [tilespmem:s16+$0x0]  }
0x30: {  	(erf) = vpow2.f32 v8;
	v8 =	vld [tilespmem:s15+$0x10];
	v21 =	vcvt.s32.f32 v14  }
0x31: {  	v13 =	vshll.u32 v13, $0x1F;
	(erf) = vpow2.f32 v5;
	v5 =	vmul.f32 v19, v1;
	v19 =	vld [tilespmem:s15+$0x0]  }
0x32: {  	v20 =	vld [tilespmem:s15+$0x20];
	v9 =	vsub.f32 v9, v16;
	v17 =	vshll.u32 v14, $0x1F;
	v13 =	vxor.u32 v15, v13  }
0x33: {  	v14 =	vcvt.s32.f32 v18;
	v13 =	vmin.f32 v13, $8.000000000e+01;
	v12 =	vmul.f32 v21, v1;
	v21 =	vld [tilespmem:s15+$0xFFFFFFA0]  }
0x34: {  	v10 =	vshll.u32 v10, $0x1F;
	v13 =	vmul.f32 $1.442695020e+00, v13;
	v15 =	vshll.u32 v7, $0x1F  }
0x35: {  	v14 =	vmul.f32 v14, v1;
	v8 =	vsub.f32 v8, v6;
	v6 =	vxor.u32 v9, v15  }
0x36: {  	v9 =	vmin.f32 v6, $8.000000000e+01;
	v6 =	vcvt.s32.f32 v7;
	v15 =	vsub.f32 v19, v23  }
0x37: {  	v7 =	vshll.u32 v18, $0x1F;
	v8 =	vxor.u32 v8, v17;
	v9 =	vmul.f32 $1.442695020e+00, v9  }
0x38: {  	v17 =	vsub.f32 v20, v21;
	v16 =	vpop (erf);
	v8 =	vmin.f32 v8, $8.000000000e+01;
	v7 =	vxor.u32 v15, v7  }
0x39: {  	v18 =	vadd.f32 $1.000000000e+00, v16;
	v19 =	vpop (erf);
	(erf) = vpow2.f32 v9;
	v8 =	vmul.f32 $1.442695020e+00, v8  }
0x3a: {  	v9 =	vxor.u32 v17, v10;
	v10 =	vmin.f32 v7, $8.000000000e+01;
	v7 =	vmul.f32 v11, v1  }
0x3b: {  	v20 =	vpop (erf);
	(erf) = vpow2.f32 v13;
	v9 =	vmin.f32 v9, $8.000000000e+01;
	v11 =	vadd.f32 $1.000000000e+00, v19  }
0x3c: {  	v13 =	vadd.f32 $1.000000000e+00, v20;
	(erf) = vpow2.f32 v8;
	v8 =	vand.u32 $0x7FFFFF, v18  }
0x3d: {  	v10 =	vmul.f32 $1.442695020e+00, v10;
	v17 =	vmul.f32 $1.442695020e+00, v9;
	v8 =	vor.u32 $0x3F800000, v8  }
0x3e: {  	v9 =	vand.u32 $0x7FFFFF, v11;
	v15 =	vand.u32 $0x7FFFFF, v13;
	v21 =	vmul.f32 $5.486285310e-02, v8  }
0x3f: {  	(erf) = vrcp.f32 v13;
	v13 =	vshrl.u32 v13, $0x17;
	v23 =	vor.u32 $0x3F800000, v15  }
0x40: {  	v15 =	vor.u32 $0x3F800000, v9;
	(erf) = vrcp.f32 v11;
	v13 =	vcvt.s32.f32 v13  }
0x41: {  	v9 =	vshrl.u32 v18, $0x17;
	v24 =	vmul.f32 $5.486285310e-02, v23;
	v25 =	vmul.f32 $5.486285310e-02, v15  }
0x42: {  	v11 =	vshrl.u32 v11, $0x17;
	v9 =	vcvt.s32.f32 v9;
	(erf) = vrcp.f32 v18  }
0x43: {  	v29 =	vcvt.s32.f32 v11;
	v21 =	vsub.f32 $4.358618560e-01, v21;
	(erf) = vpow2.f32 v10  }
0x44: {  	v27 =	vmul.f32 $6.931471820e-01, v13;
	v24 =	vsub.f32 $4.358618560e-01, v24;
	v13 =	vsub.f32 $4.358618560e-01, v25;
	v18 =	vpop (erf)  }
0x45: {  	v9 =	vmul.f32 $6.931471820e-01, v9;
	v63 =	vmul.f32 $6.931471820e-01, v29;
	v10 =	vadd.f32 $1.000000000e+00, v18  }
0x46: {  	v26 =	vpop (erf);
	v24 =	vmul.f32 v23, v24;
	v38 =	vmul.f32 v15, v13  }
0x47: {  	v13 =	vmul.f32 v8, v21;
	v25 =	vadd.f32 $1.000000000e+00, v26;
	v30 =	vpop (erf);
	v11 =	vshrl.u32 v10, $0x17  }
0x48: {  	v28 =	vand.u32 $0x7FFFFF, v10;
	(erf) = vrcp.f32 v10;
	v32 =	vadd.f32 $1.000000000e+00, v30  }
0x49: {  	v24 =	vadd.f32 $-1.442481040e+00, v24;
	v10 =	vand.u32 $0x7FFFFF, v25;
	v28 =	vor.u32 $0x3F800000, v28  }
0x4a: {  	(erf) = vrcp.f32 v25;
	v25 =	vshrl.u32 v25, $0x17;
	v11 =	vcvt.s32.f32 v11  }
0x4b: {  	v13 =	vadd.f32 $-1.442481040e+00, v13;
	v31 =	vmul.f32 $5.486285310e-02, v28;
	v25 =	vcvt.s32.f32 v25  }
0x4c: {  	v33 =	vor.u32 $0x3F800000, v10;
	(erf) = vpow2.f32 v17;
	v24 =	vmul.f32 v23, v24  }
0x4d: {  	v34 =	vpop (erf);
	v35 =	vand.u32 $0x7FFFFF, v32;
	v39 =	vmul.f32 v8, v13;
	v10 =	vmul.f32 $5.486285310e-02, v33  }
0x4e: {  	v20 =	vmul.f32 v34, v20;
	(erf) = vrcp.f32 v32;
	v31 =	vsub.f32 $4.358618560e-01, v31  }
0x4f: {  	v17 =	vpop (erf);
	v35 =	vor.u32 $0x3F800000, v35;
	v32 =	vshrl.u32 v32, $0x17;
	v36 =	vsub.f32 $4.358618560e-01, v10  }
0x50: {  	v37 =	vpop (erf);
	v19 =	vmul.f32 v17, v19;
	v24 =	vadd.f32 $2.792255160e+00, v24;
	v31 =	vmul.f32 v28, v31  }
0x51: {  	v54 =	vmul.f32 v37, v16;
	v10 =	vadd.f32 v22, v0;
	v22 =	vpop (erf);
	v21 =	vmul.f32 v33, v36  }
0x52: {  	v55 =	vmul.f32 $5.486285310e-02, v35;
	v32 =	vcvt.s32.f32 v32;
	v31 =	vadd.f32 $-1.442481040e+00, v31;
	v16 =	vpop (erf)  }
0x53: {  	v19 =	vmul.f32 v19, v19;
	v21 =	vadd.f32 $-1.442481040e+00, v21;
	v18 =	vmul.f32 v16, v18  }
0x54: {  	v16 =	vmul.f32 v23, v24;
	v23 =	vpop (erf);
	v24 =	vadd.f32 $1.000000000e+00, v22;
	v31 =	vmul.f32 v28, v31  }
0x55: {  	v23 =	vmul.f32 v23, v26;
	v21 =	vmul.f32 v33, v21  }
0x56: {  	v57 =	vpop (erf);
	v26 =	vadd.f32 $-8.976032260e+01, v16;
	v13 =	vand.u32 $0x7FFFFF, v24;
	v16 =	vsub.f32 $4.358618560e-01, v55  }
0x57: {  	(erf) = vrcp.f32 v24;
	v40 =	vpop (erf);
	v17 =	vmul.f32 v18, v18;
	v56 =	vor.u32 $0x3F800000, v13  }
0x58: {  	v13 =	vshrl.u32 v24, $0x17;
	v30 =	vmul.f32 v40, v30;
	v24 =	vmul.f32 $5.486285310e-02, v56  }
0x59: {  	v58 =	vadd.f32 $1.000000000e+00, v57;
	v16 =	vmul.f32 v35, v16;
	v41 =	vcvt.s32.f32 v13  }
0x5a: {  	v3 =	vimm.f32 $0.0e+00;
	v13 =	vmul.f32 $6.931471820e-01, v11;
	v11 =	vmul.f32 v20, v20  }
0x5b: {  	v16 =	vadd.f32 $-1.442481040e+00, v16;
	v20 =	vsub.f32 $4.358618560e-01, v24;
	v24 =	vand.u32 $0x7FFFFF, v58  }
0x5c: {  	(erf) = vrcp.f32 v58;
	v30 =	vmul.f32 v30, v30;
	v43 =	vor.u32 $0x3F800000, v24  }
0x5d: {  	v24 =	vadd.f32 $2.792255160e+00, v21;
	v42 =	vmul.f32 v35, v16;
	v20 =	vmul.f32 v56, v20  }
0x5e: {  	v38 =	vadd.f32 $-1.442481040e+00, v38;
	v16 =	vmul.f32 v23, v23;
	v21 =	vmul.f32 $5.486285310e-02, v43  }
0x5f: {  	v33 =	vmul.f32 v33, v24;
	v23 =	vadd.f32 $2.792255160e+00, v42;
	v59 =	vadd.f32 $-1.442481040e+00, v20  }
0x60: {  	v60 =	vsub.f32 $4.358618560e-01, v21;
	v21 =	vadd.f32 v12, v0;
	v20 =	vmul.f32 $6.931471820e-01, v25  }
0x61: {  	v12 =	vadd.f32 v26, v27;
	v26 =	vmul.f32 v15, v38;
	v18 =	vmul.f32 v35, v23  }
0x62: {  	v14 =	vadd.f32 v14, v0;
	v23 =	vmul.f32 v43, v60;
	v25 =	vmul.f32 v56, v59  }
0x63: {  	v27 =	vmul.f32 $6.931471820e-01, v32;
	v61 =	vpop (erf);
	v26 =	vadd.f32 $2.792255160e+00, v26;
	v18 =	vadd.f32 $-8.976032260e+01, v18  }
0x64: {  	v24 =	vmul.f32 v61, v22;
	v23 =	vadd.f32 $-1.442481040e+00, v23;
	v22 =	vadd.f32 $2.792255160e+00, v25  }
0x65: {  	v41 =	vmul.f32 $6.931471820e-01, v41;
	v15 =	vmul.f32 v15, v26;
	v18 =	vadd.f32 v18, v27  }
0x66: {  	v44 =	vshrl.u32 v58, $0x17;
	v25 =	vmul.f32 v43, v23;
	v62 =	vmul.f32 v56, v22  }
0x67: {  	v27 =	vcvt.s32.f32 v44;
	v22 =	vmul.f32 v18, v30;
	v18 =	vadd.f32 $2.792255160e+00, v31  }
0x68: {  	v24 =	vmul.f32 v24, v24;
	v23 =	vpop (erf);
	v31 =	vadd.f32 $2.792255160e+00, v25;
	v26 =	vadd.f32 $-8.976032260e+01, v62  }
0x69: {  	v15 =	vadd.f32 $-8.976032260e+01, v15;
	v25 =	vmul.f32 $6.931471820e-01, v27;
	v30 =	vmul.f32 v23, v57  }
0x6a: {  	v23 =	vadd.f32 $-8.976032260e+01, v33;
	v31 =	vmul.f32 v43, v31;
	v29 =	vadd.f32 v26, v41  }
0x6b: {  	v28 =	vmul.f32 v28, v18;
	v18 =	vadd.f32 $2.792255160e+00, v39;
	v26 =	vadd.f32 v15, v63  }
0x6c: {  	s17 =	simm.s32 $0x80C0;
	s16 =	simm.s32 $0x180;
	s15 =	simm.s32 $0x0;
	v15 =	vmul.f32 v54, v54;
	v27 =	vmul.f32 v30, v30;
	v30 =	vadd.f32 $-8.976032260e+01, v31  }
.LBB2_2:
0x6d: {  	v31 =	vld [tilespmem:s16+$0xFFFFFF90];
	s15 =	sadd.s32 $0x8, s15;
	v24 =	vmul.f32 v29, v24;
	v5 =	vadd.f32 v5, v0;
	v28 =	vadd.f32 $-8.976032260e+01, v28  }
0x6e: {  	v21 =	vmul.f32 v22, v21;
	v29 =	vld [tilespmem:s16+$0x70];
	p0 =	slt.u32 s15, $0x3F8;
	v22 =	vadd.f32 v30, v25;
	v19 =	vmul.f32 v26, v19  }
0x6f: {  	v20 =	vadd.f32 v23, v20;
	v6 =	vmul.f32 v6, v1;
	v25 =	vld [tilespmem:s16+$0x60];
	v14 =	vmul.f32 v24, v14  }
0x70: {  	v4 =	vadd.f32 v4, v0;
	v13 =	vadd.f32 v28, v13;
	v23 =	vld [tilespmem:s16+$0xFFFFFFF0];
	v22 =	vmul.f32 v22, v27  }
0x71: {  	v2 =	vmul.f32 v2, v1;
	v24 =	vld [tilespmem:s17+$0x30];
	v3 =	vadd.f32 v14, v3;
	v14 =	vmul.f32 v20, v16  }
0x72: {  	v6 =	vadd.f32 v6, v0;
	v13 =	vmul.f32 v13, v17;
	v16 =	vld [tilespmem:s16+$0x50];
	v5 =	vmul.f32 v22, v5  }
0x73: {  	v7 =	vadd.f32 v7, v0;
	v2 =	vadd.f32 v2, v0;
	v17 =	vld [tilespmem:s17+$0x20];
	v4 =	vmul.f32 v14, v4  }
0x74: {  	v11 =	vmul.f32 v12, v11;
	v3 =	vadd.f32 v21, v3;
	v6 =	vmul.f32 v13, v6;
	v14 =	vld [tilespmem:s16+$0xFFFFFFE0]  }
0x75: {  	v19 =	vmul.f32 v19, v2;
	v2 =	vmul.f32 v8, v18;
	v12 =	vld [tilespmem:s16+$0xFFFFFFD0];
	v13 =	vsub.f32 v29, v23  }
0x76: {  	v3 =	vadd.f32 v5, v3;
	v5 =	vmul.f32 v11, v7;
	v8 =	vld [tilespmem:s17+$0x10];
	v18 =	vshll.u32 v24, $0x1F  }
0x77: {  	v7 =	vld [tilespmem:s16+$0x30];
	v11 =	vxor.u32 v13, v18;
	v13 =	vcvt.s32.f32 v24;
	v18 =	vadd.f32 $-8.976032260e+01, v2  }
0x78: {  	v3 =	vadd.f32 v4, v3;
	v20 =	vld [tilespmem:s16+$0x20];
	v2 =	vcvt.s32.f32 v17;
	v11 =	vmin.f32 v11, $8.000000000e+01  }
0x79: {  	v17 =	vshll.u32 v17, $0x1F;
	v4 =	vld [tilespmem:s17+$0xFFFFFFF0];
	v14 =	vsub.f32 v25, v14;
	v9 =	vadd.f32 v18, v9  }
0x7a: {  	v11 =	vmul.f32 $1.442695020e+00, v11;
	v3 =	vadd.f32 v6, v3;
	v18 =	vld [tilespmem:s16+$0x40];
	v12 =	vsub.f32 v16, v12  }
0x7b: {  	v6 =	vld [tilespmem:s17+$0xFFFFFFE0];
	v16 =	vshll.u32 v8, $0x1F;
	v14 =	vxor.u32 v14, v17;
	v9 =	vmul.f32 v9, v15  }
0x7c: {  	v3 =	vadd.f32 v5, v3;
	v15 =	vld [tilespmem:s16+$0xFFFFFFB0];
	v12 =	vxor.u32 v12, v16;
	v14 =	vmin.f32 v14, $8.000000000e+01  }
0x7d: {  	v16 =	vld [tilespmem:s17+$0xFFFFFFD0];
	v5 =	vmin.f32 v12, $8.000000000e+01;
	v12 =	vmul.f32 $1.442695020e+00, v14;
	(erf) = vpow2.f32 v11  }
0x7e: {  	v3 =	vadd.f32 v19, v3;
	v9 =	vmul.f32 v9, v10;
	v11 =	vld [tilespmem:s16+$0xFFFFFFC0];
	v5 =	vmul.f32 $1.442695020e+00, v5  }
0x7f: {  	v8 =	vcvt.s32.f32 v8;
	v10 =	vcvt.s32.f32 v4;
	v17 =	vld [tilespmem:s17+$0x0]  }
0x80: {  	v3 =	vadd.f32 v9, v3;
	v19 =	vld [tilespmem:s17+$0xFFFFFFC0];
	v14 =	vcvt.s32.f32 v6;
	(erf) = vpow2.f32 v12  }
0x81: {  	v21 =	vshll.u32 v6, $0x1F;
	v6 =	vshll.u32 v4, $0x1F;
	v9 =	vld [tilespmem:s16+$0x10];
	(erf) = vpow2.f32 v5  }
0x82: {  	v7 =	vsub.f32 v7, v15;
	v12 =	vcvt.s32.f32 v16;
	v22 =	vld [tilespmem:s16+$0xFFFFFFA0];
	v5 =	vmul.f32 v14, v1  }
0x83: {  	v4 =	vmul.f32 v10, v1;
	v10 =	vmul.f32 v13, v1;
	v16 =	vshll.u32 v16, $0x1F;
	v15 =	vld [tilespmem:s16+$0x0]  }
0x84: {  	v6 =	vxor.u32 v7, v6;
	v7 =	vsub.f32 v18, v11;
	v13 =	vld [tilespmem:s16+$0xFFFFFF80];
	v12 =	vmul.f32 v12, v1  }
0x85: {  	v6 =	vmin.f32 v6, $8.000000000e+01;
	v14 =	vshll.u32 v17, $0x1F;
	v11 =	vcvt.s32.f32 v19  }
0x86: {  	v18 =	vmul.f32 $1.442695020e+00, v6;
	v6 =	vxor.u32 v7, v14;
	v9 =	vsub.f32 v9, v31;
	v23 =	vpop (erf)  }
0x87: {  	v7 =	vmin.f32 v6, $8.000000000e+01;
	v6 =	vcvt.s32.f32 v17;
	v14 =	vmul.f32 v11, v1  }
0x88: {  	v11 =	vshll.u32 v19, $0x1F;
	v7 =	vmul.f32 $1.442695020e+00, v7;
	v9 =	vxor.u32 v9, v16  }
0x89: {  	v13 =	vsub.f32 v15, v13;
	v9 =	vmin.f32 v9, $8.000000000e+01;
	v15 =	vsub.f32 v20, v22;
	v17 =	vpop (erf)  }
0x8a: {  	v16 =	vadd.f32 $1.000000000e+00, v23;
	(erf) = vpow2.f32 v7;
	v20 =	vpop (erf)  }
0x8b: {  	v9 =	vmul.f32 $1.442695020e+00, v9;
	v7 =	vxor.u32 v13, v11;
	v11 =	vxor.u32 v15, v21  }
0x8c: {  	v19 =	vadd.f32 $1.000000000e+00, v20;
	v13 =	vmin.f32 v7, $8.000000000e+01;
	(erf) = vpow2.f32 v18  }
0x8d: {  	v7 =	vmul.f32 v8, v1;
	v18 =	vshrl.u32 v16, $0x17;
	(erf) = vpow2.f32 v9  }
0x8e: {  	v8 =	vand.u32 $0x7FFFFF, v16;
	v9 =	vmin.f32 v11, $8.000000000e+01;
	v11 =	vadd.f32 $1.000000000e+00, v17  }
0x8f: {  	v13 =	vmul.f32 $1.442695020e+00, v13;
	v15 =	vand.u32 $0x7FFFFF, v19;
	v8 =	vor.u32 $0x3F800000, v8  }
0x90: {  	v21 =	vmul.f32 $1.442695020e+00, v9;
	v22 =	vmul.f32 $5.486285310e-02, v8;
	v9 =	vand.u32 $0x7FFFFF, v11  }
0x91: {  	v24 =	vor.u32 $0x3F800000, v15;
	v15 =	vor.u32 $0x3F800000, v9;
	(erf) = vrcp.f32 v19  }
0x92: {  	v25 =	vshrl.u32 v11, $0x17;
	v9 =	vmul.f32 $5.486285310e-02, v24;
	v26 =	vmul.f32 $5.486285310e-02, v15  }
0x93: {  	v18 =	vcvt.s32.f32 v18;
	v19 =	vshrl.u32 v19, $0x17;
	v27 =	vpop (erf);
	(erf) = vrcp.f32 v11  }
0x94: {  	v19 =	vcvt.s32.f32 v19;
	v11 =	vsub.f32 $4.358618560e-01, v9;
	(erf) = vrcp.f32 v16  }
0x95: {  	v9 =	vmul.f32 $6.931471820e-01, v18;
	(erf) = vpow2.f32 v13;
	v13 =	vpop (erf)  }
0x96: {  	v26 =	vsub.f32 $4.358618560e-01, v26;
	v16 =	vadd.f32 $1.000000000e+00, v27;
	v28 =	vmul.f32 $6.931471820e-01, v19;
	v29 =	vpop (erf)  }
0x97: {  	v18 =	vcvt.s32.f32 v25;
	v11 =	vmul.f32 v24, v11;
	v30 =	vadd.f32 $1.000000000e+00, v13  }
0x98: {  	v25 =	vshrl.u32 v16, $0x17;
	v19 =	vand.u32 $0x7FFFFF, v16;
	(erf) = vrcp.f32 v16  }
0x99: {  	v19 =	vor.u32 $0x3F800000, v19;
	v16 =	vand.u32 $0x7FFFFF, v30;
	(erf) = vrcp.f32 v30  }
0x9a: {  	v25 =	vcvt.s32.f32 v25;
	v31 =	vmul.f32 $5.486285310e-02, v19;
	v30 =	vshrl.u32 v30, $0x17;
	v32 =	vpop (erf)  }
0x9b: {  	v33 =	vadd.f32 $1.000000000e+00, v29;
	v34 =	vor.u32 $0x3F800000, v16;
	v30 =	vcvt.s32.f32 v30  }
0x9c: {  	v11 =	vadd.f32 $-1.442481040e+00, v11;
	v16 =	vmul.f32 $5.486285310e-02, v34;
	v31 =	vsub.f32 $4.358618560e-01, v31;
	v35 =	vpop (erf)  }
0x9d: {  	v22 =	vsub.f32 $4.358618560e-01, v22;
	v36 =	vand.u32 $0x7FFFFF, v33;
	(erf) = vpow2.f32 v21;
	v21 =	vpop (erf)  }
0x9e: {  	v11 =	vmul.f32 v24, v11;
	v16 =	vsub.f32 $4.358618560e-01, v16;
	v37 =	vpop (erf);
	(erf) = vrcp.f32 v33  }
0x9f: {  	v10 =	vadd.f32 v10, v0;
	v39 =	vmul.f32 v8, v22;
	v26 =	vmul.f32 v15, v26  }
0xa0: {  	v36 =	vor.u32 $0x3F800000, v36;
	v11 =	vadd.f32 $2.792255160e+00, v11;
	v16 =	vmul.f32 v34, v16  }
0xa1: {  	v33 =	vshrl.u32 v33, $0x17;
	v38 =	vmul.f32 v21, v23;
	v21 =	vadd.f32 $-1.442481040e+00, v39;
	v22 =	vpop (erf)  }
0xa2: {  	v11 =	vmul.f32 v24, v11;
	v16 =	vadd.f32 $-1.442481040e+00, v16;
	v22 =	vmul.f32 v22, v27;
	v23 =	vpop (erf)  }
0xa3: {  	v24 =	vadd.f32 $1.000000000e+00, v37;
	v27 =	vmul.f32 $5.486285310e-02, v36;
	v23 =	vmul.f32 v23, v13  }
0xa4: {  	v39 =	vadd.f32 $-8.976032260e+01, v11;
	v40 =	vmul.f32 v8, v21;
	v16 =	vmul.f32 v34, v16  }
0xa5: {  	v20 =	vmul.f32 v32, v20;
	v11 =	vand.u32 $0x7FFFFF, v24;
	v13 =	vsub.f32 $4.358618560e-01, v27  }
0xa6: {  	v32 =	vcvt.s32.f32 v33;
	v27 =	vor.u32 $0x3F800000, v11;
	(erf) = vrcp.f32 v24;
	v33 =	vpop (erf)  }
0xa7: {  	v11 =	vshrl.u32 v24, $0x17;
	v21 =	vmul.f32 $5.486285310e-02, v27;
	v13 =	vmul.f32 v36, v13;
	v24 =	vpop (erf)  }
0xa8: {  	v41 =	vcvt.s32.f32 v11;
	v24 =	vmul.f32 v24, v29;
	v29 =	vadd.f32 $1.000000000e+00, v33  }
0xa9: {  	v11 =	vmul.f32 v20, v20;
	v42 =	vadd.f32 $-1.442481040e+00, v13;
	v13 =	vmul.f32 $6.931471820e-01, v25  }
0xaa: {  	v20 =	vsub.f32 $4.358618560e-01, v21;
	v25 =	vmul.f32 v19, v31;
	v21 =	vand.u32 $0x7FFFFF, v29  }
0xab: {  	v43 =	vadd.f32 $2.792255160e+00, v16;
	v31 =	vmul.f32 v36, v42;
	v42 =	vor.u32 $0x3F800000, v21  }
0xac: {  	v16 =	vmul.f32 v23, v23;
	v20 =	vmul.f32 v27, v20;
	v44 =	vshrl.u32 v29, $0x17  }
0xad: {  	v25 =	vadd.f32 $-1.442481040e+00, v25;
	v23 =	vadd.f32 $2.792255160e+00, v31;
	v21 =	vmul.f32 $5.486285310e-02, v42  }
0xae: {  	v26 =	vadd.f32 $-1.442481040e+00, v26;
	v31 =	vmul.f32 v35, v17;
	(erf) = vrcp.f32 v29  }
0xaf: {  	v35 =	vmul.f32 $6.931471820e-01, v41;
	v29 =	vadd.f32 $-1.442481040e+00, v20;
	v41 =	vsub.f32 $4.358618560e-01, v21;
	v45 =	vpop (erf)  }
0xb0: {  	v17 =	vmul.f32 v22, v22;
	v21 =	vadd.f32 v12, v0;
	v20 =	vmul.f32 $6.931471820e-01, v30  }
0xb1: {  	v14 =	vadd.f32 v14, v0;
	v22 =	vmul.f32 v36, v23;
	v23 =	vmul.f32 v42, v41  }
0xb2: {  	v26 =	vmul.f32 v15, v26;
	v12 =	vadd.f32 v39, v28;
	v29 =	vmul.f32 v27, v29  }
0xb3: {  	v25 =	vmul.f32 v19, v25;
	v28 =	vmul.f32 $6.931471820e-01, v32;
	v22 =	vadd.f32 $-8.976032260e+01, v22  }
0xb4: {  	v24 =	vmul.f32 v24, v24;
	v30 =	vmul.f32 v34, v43;
	v36 =	vadd.f32 $-1.442481040e+00, v23  }
0xb5: {  	v32 =	vmul.f32 v45, v37;
	v29 =	vadd.f32 $2.792255160e+00, v29;
	v22 =	vadd.f32 v22, v28  }
0xb6: {  	v26 =	vadd.f32 $2.792255160e+00, v26;
	v34 =	vcvt.s32.f32 v44;
	v28 =	vmul.f32 v42, v36  }
0xb7: {  	v27 =	vmul.f32 v27, v29;
	v22 =	vmul.f32 v22, v24;
	v29 =	vadd.f32 $2.792255160e+00, v25;
	v23 =	vpop (erf)  }
0xb8: {  	v24 =	vmul.f32 v32, v32;
	v32 =	vmul.f32 v23, v33;
	v23 =	vadd.f32 $-8.976032260e+01, v30  }
.Ltmp0:
0xb9: {  	v15 =	vmul.f32 v15, v26;
	v25 =	vmul.f32 $6.931471820e-01, v34;
	v30 =	vadd.f32 $2.792255160e+00, v28;
	(pc) =	sbr.rel @p0 .LBB2_2-.Ltmp0, $4  }
0xba: {  	v26 =	vadd.f32 $-8.976032260e+01, v27;
	v28 =	vmul.f32 v19, v29;
	v19 =	vmul.f32 v31, v31  }
0xbb: {  	v15 =	vadd.f32 $-8.976032260e+01, v15;
	v31 =	vmul.f32 $6.931471820e-01, v18;
	v30 =	vmul.f32 v42, v30  }
0xbc: {  	v29 =	vadd.f32 v26, v35;
	v18 =	vadd.f32 $2.792255160e+00, v40;
	v27 =	vmul.f32 v32, v32  }
0xbd: {  	s17 =	sadd.s32 $0x80, s17;
	s16 =	sadd.s32 $0x100, s16;
	v26 =	vadd.f32 v15, v31;
	v15 =	vmul.f32 v38, v38;
	v30 =	vadd.f32 $-8.976032260e+01, v30  }
0xbe: {  	v24 =	vmul.f32 v29, v24;
	_ =	sdelay $0x1  }
0xbf: {  	v25 =	vadd.f32 v30, v25;
	v14 =	vmul.f32 v24, v14  }
0xc0: {  	v5 =	vadd.f32 v5, v0;
	v51 =	vadd.f32 $-8.976032260e+01, v28;
	v21 =	vmul.f32 v22, v21  }
0xc1: {  	v20 =	vadd.f32 v23, v20;
	v52 =	vmul.f32 v25, v27;
	v3 =	vadd.f32 v14, v3  }
0xc2: {  	v6 =	vmul.f32 v6, v1;
	v4 =	vadd.f32 v4, v0;
	v13 =	vadd.f32 v51, v13  }
0xc3: {  	v53 =	vmul.f32 v20, v16;
	v5 =	vmul.f32 v52, v5;
	v3 =	vadd.f32 v21, v3  }
0xc4: {  	v8 =	vmul.f32 v8, v18;
	v6 =	vadd.f32 v6, v0  }
0xc5: {  	v13 =	vmul.f32 v13, v17;
	v4 =	vmul.f32 v53, v4;
	v3 =	vadd.f32 v5, v3  }
0xc6: {  	v54 =	vmul.f32 v2, v1;
	v55 =	vadd.f32 v7, v0;
	v57 =	vmul.f32 v12, v11  }
0xc7: {  	v58 =	vadd.f32 $-8.976032260e+01, v8;
	v56 =	vmul.f32 v13, v6;
	v3 =	vadd.f32 v4, v3  }
0xc8: {  	v59 =	vmul.f32 v26, v19;
	v60 =	vadd.f32 v54, v0  }
0xc9: {  	v61 =	vmul.f32 v57, v55;
	v62 =	vadd.f32 v58, v9;
	v3 =	vadd.f32 v56, v3;
	_ =	sdelay $0x1  }
0xca: {  	v0 =	vmul.f32 v59, v60;
	v2 =	vmul.f32 v62, v15;
	v1 =	vadd.f32 v61, v3;
	_ =	sdelay $0x1  }
0xcb: {  	v63 =	vmul.f32 v2, v10;
	v0 =	vadd.f32 v0, v1;
	_ =	sdelay $0x1  }
0xcc: {  	s14 =	sadd.s32 $0x1, s14;
	v0 =	vadd.f32 v63, v0  }
0xcd: {  	p0 =	sne.s32 s14, s7  }
.Ltmp1:
0xce: {  	[tilespmem:$0xC080] =	vst v0;
	(pc) =	sbr.rel @p0 .LBB2_1-.Ltmp1, $4  }
0xcf: {  	[hbm4b:s6+s3] =	stream.linear.scatter [tilespmem:s13], [sflag:$0x3], $0x10, $0x38;
	[tilespmem:$0xC100] =	vst v63  }
0xd0: {  	_ =	swait.ge [sflag:s9], $0x10  }
0xd1: {  	[sflag:s9] =	ssyncset.done $0x0  }
0xd2: {  	[sflag:s9] =	ssyncadd.s32 $0xFFFFFFF0  }
0xd3: {  	_ =	sfence.sel $0x180000  }
0xd4: {  	[bflag:$0x0] =	sbarrier.arrive $0xFFFF  }
0xd5: {  	p0 =	sne.s32 s0, $0x0;
	_ =	strace $0x90000047  }
0xd6: {  	s0 =	sadd.s32 @!p0 $0x100000, s1;
	[bflag:$0x2] =	sbarrier.arrive $0xFFFF  }
0xd7: {  	[sflag:s0] =	ssyncadd.tile.s32 @!p0 $0x1;
	_ =	shalt  }
.Lfunc_end2:
_tile_overlayer_lowered:
.L_overlay_start_2:
0xd8: {  	(tag) =	ssettag $0x2  }
0xd9: {  	s0 =	rddreg [dreg:$0x0];
	s2 =	stileid.u32  }
0xda: {  	s1 =	rddreg [dreg:$0x1];
	p0 =	sne.s32 s2, $0x0  }
0xdb: {  	s3 =	rddreg [dreg:$0x2];
	[bflag:$0x3] =	sbarrier.arrive $0xFFFF;
	s2 =	simm.s32 @!p0 $0x1C03  }
0xdc: {  	[timem:s3], [sflag:s2] =	dma.local @!p0 [hbm:s0], s1  }
0xdd: {  	s0 =	simm.s32 @!p0 $0x3  }
0xde: {  	_ =	swait.ge @!p0 [sflag:s0], s1  }
0xdf: {  	s1 =	ssub.s32 @!p0 $0x0, s1;
	[sflag:s0] =	ssyncset.done @!p0 $0x0  }
0xe0: {  	[sflag:s0] =	ssyncadd.s32 @!p0 s1  }
0xe1: {  	[bflag:$0x3] =	sbarrier.arrive $0xFFFF  }
0xe2: {  	_ =	shalt  }

</sc_bundles>
